<compile_context>
chip_gen: v7x
topology: tpu7x:2x2x1
jax: 0.10.2.dev20260603
libtpu: 0.0.44.dev20260713+nightly
codegen_flags: <defaults>
</compile_context>

<pallas_src>
import jax
import jax.numpy as jnp
from jax import lax
from jax.experimental import pallas as pl
from jax.experimental.pallas import tpu as pltpu
from jax.experimental.pallas import tpu_sc as plsc

B, N, C = 8, 2048, 32
K = 16
G = 32
BN = 512

NC, NS = 2, 16
NW = NC * NS
CH = 2048


def _knn_body(x_blk_ref, x_all_ref, w1b_ref, idx_ref, idxg_ref, p_ref):
    b = pl.program_id(0)
    nb = pl.program_id(1)
    x_blk = x_blk_ref[0]
    x_all = x_all_ref[0]
    dots2 = lax.dot_general(-2.0 * x_blk, x_all, (((1,), (1,)), ((), ())),
                            preferred_element_type=jnp.float32)
    a_sq = jnp.sum(x_blk * x_blk, axis=1, keepdims=True)
    b_sq = jnp.sum(x_all * x_all, axis=1)[None, :]
    d = (dots2 + a_sq) + b_sq
    colf = lax.broadcasted_iota(jnp.int32, (BN, N), 1).astype(jnp.float32)
    rowf = (lax.broadcasted_iota(jnp.int32, (BN, N), 0)
            + nb * BN).astype(jnp.float32)
    d = jnp.where(colf == rowf, jnp.inf, d)
    big = jnp.float32(2 * N)
    idx_cols = []
    for t in range(K):
        m = jnp.min(d, axis=1, keepdims=True)
        sel = jnp.min(jnp.where(d == m, colf, big), axis=1, keepdims=True)
        idx_cols.append(sel)
        if t < K - 1:
            d = jnp.where(colf == sel, jnp.inf, d)
    idx = jnp.concatenate(idx_cols, axis=1).astype(jnp.int32)
    idx_ref[0] = idx
    idxg_ref[0] = idx + b * N
    p_ref[0] = jnp.dot(x_blk, w1b_ref[...], preferred_element_type=jnp.float32)


def _knn_call(x, w1b, nb_):
    return pl.pallas_call(
        _knn_body,
        grid=(nb_, N // BN),
        in_specs=[
            pl.BlockSpec((1, BN, C), lambda b, n: (b, n, 0)),
            pl.BlockSpec((1, N, C), lambda b, n: (b, 0, 0)),
            pl.BlockSpec((C, G), lambda b, n: (0, 0)),
        ],
        out_specs=[
            pl.BlockSpec((1, BN, K), lambda b, n: (b, n, 0)),
            pl.BlockSpec((1, BN, K), lambda b, n: (b, n, 0)),
            pl.BlockSpec((1, BN, G), lambda b, n: (b, n, 0)),
        ],
        out_shape=[
            jax.ShapeDtypeStruct((nb_, N, K), jnp.int32),
            jax.ShapeDtypeStruct((nb_, N, K), jnp.int32),
            jax.ShapeDtypeStruct((nb_, N, G), jnp.float32),
        ],
    )(x, x, w1b)


def _make_gather_body(rows):
    per_w = rows // NW
    nch = max(per_w // CH, 1)
    ch_rows = per_w // nch

    def body(table_hbm, idx_hbm, out_hbm, idx_v, rows_v, sem):
        wid = lax.axis_index("s") * NC + lax.axis_index("c")
        idx_rows = per_w // 128
        pltpu.sync_copy(idx_hbm.at[pl.ds(wid * idx_rows, idx_rows)], idx_v)

        @pl.loop(0, nch)
        def _chunk(ch):
            copies = []
            for j in range(ch_rows // 128):
                copies.append(pltpu.async_copy(
                    table_hbm.at[idx_v.at[ch * (ch_rows // 128) + j]],
                    rows_v.at[pl.ds(j * 128, 128)], sem))
            for cp in copies:
                cp.wait()
            pltpu.sync_copy(
                rows_v, out_hbm.at[pl.ds(wid * per_w + ch * ch_rows, ch_rows)])

    return body, per_w, ch_rows


def _gather_call(table, idx2d, rows):
    mesh = plsc.VectorSubcoreMesh(core_axis_name="c", subcore_axis_name="s")
    body, per_w, ch_rows = _make_gather_body(rows)
    fn = pl.kernel(
        body,
        out_type=jax.ShapeDtypeStruct((rows, G), jnp.float32),
        mesh=mesh,
        compiler_params=pltpu.CompilerParams(use_tc_tiling_on_sc=False),
        scratch_types=[
            pltpu.VMEM((per_w // 128, 128), jnp.int32),
            pltpu.VMEM((ch_rows, G), jnp.float32),
            pltpu.SemaphoreType.DMA,
        ],
    )
    return fn(table, idx2d)


S = 4


def _conv_body(x_ref, g_ref, w1d_ref, b1_ref, w3a_ref, w3b_ref, b3_ref,
               w2a_ref, w2b_ref, w2c_ref, b2_ref, out_ref):
    x = x_ref[0]
    c1t = jnp.dot(x, w1d_ref[...], preferred_element_type=jnp.float32) + b1_ref[...]
    c3t = jnp.dot(x, w3b_ref[...], preferred_element_type=jnp.float32) + b3_ref[...]
    c2t = jnp.dot(x, w2c_ref[...], preferred_element_type=jnp.float32) + b2_ref[...]

    def smax(a):
        m = jnp.maximum(a[:, :2 * G], a[:, 2 * G:])
        return jnp.maximum(m[:, :G], m[:, G:])

    RT = 64
    for r in range(BN // RT):
        lo, hi = r * RT, (r + 1) * RT
        rs = pl.ds(lo, RT)
        c1r, c3r, c2r = c1t[lo:hi], c3t[lo:hi], c2t[lo:hi]
        neg = jnp.float32(-jnp.inf)
        acc1 = jnp.full((RT, S * G), neg, jnp.float32)
        acc3 = jnp.full((RT, S * G), neg, jnp.float32)
        acc2 = jnp.full((RT, S * G), neg, jnp.float32)
        for j in range(K // S):
            gj = g_ref[0, j, rs, :]
            y1 = jnp.maximum(gj + c1r, 0.0)
            y3 = jnp.maximum(
                jnp.dot(y1, w3a_ref[...], preferred_element_type=jnp.float32) + c3r,
                0.0)
            y2 = (jnp.dot(y3, w2a_ref[...], preferred_element_type=jnp.float32)
                  + jnp.dot(y1, w2b_ref[...], preferred_element_type=jnp.float32)
                  + c2r)
            acc1 = jnp.maximum(acc1, y1)
            acc3 = jnp.maximum(acc3, y3)
            acc2 = jnp.maximum(acc2, y2)
        out_ref[0, rs, :] = jnp.concatenate(
            [smax(acc2), smax(acc3), smax(acc1), x[lo:hi]], axis=1)


def _conv_call(x, g3, w1d, b1, w3a, w3b, b3, w2a, w2b, w2c, b2, nb_):
    tspec = pl.BlockSpec((C, S * G), lambda b, n: (0, 0))
    dspec = pl.BlockSpec((S * G, S * G), lambda b, n: (0, 0))
    bspec = pl.BlockSpec((1, S * G), lambda b, n: (0, 0))
    return pl.pallas_call(
        _conv_body,
        grid=(nb_, N // BN),
        in_specs=[
            pl.BlockSpec((1, BN, C), lambda b, n: (b, n, 0)),
            pl.BlockSpec((1, K // S, BN, S * G), lambda b, n: (b, 0, n, 0)),
            tspec, bspec, dspec, tspec, bspec, dspec, dspec, tspec, bspec,
        ],
        out_specs=pl.BlockSpec((1, BN, 4 * G), lambda b, n: (b, n, 0)),
        out_shape=jax.ShapeDtypeStruct((nb_, N, 4 * G), jnp.float32),
    )(x, g3, w1d, b1, w3a, w3b, b3, w2a, w2b, w2c, b2)


def kernel(inputs, W1, b1, W2, b2, W3, b3):
    x = inputs
    w1b = W1[C:]
    w1d = W1[:C] - w1b
    w3a, w3b = W3[:G], W3[G:]
    w2a, w2b, w2c = W2[:G], W2[G:2 * G], W2[2 * G:]

    eye = jnp.eye(S, dtype=jnp.float32)
    w3a_d = jnp.kron(eye, w3a)
    w2a_d = jnp.kron(eye, w2a)
    w2b_d = jnp.kron(eye, w2b)
    w1d_t = jnp.tile(w1d, (1, S))
    w3b_t = jnp.tile(w3b, (1, S))
    w2c_t = jnp.tile(w2c, (1, S))
    b1_t = jnp.tile(b1.reshape(1, G), (1, S))
    b3_t = jnp.tile(b3.reshape(1, G), (1, S))
    b2_t = jnp.tile(b2.reshape(1, G), (1, S))

    HB = B // 2
    rows = HB * N * K
    xs, idxs, gs = [], [], []
    for h in range(2):
        xh = lax.slice_in_dim(x, h * HB, (h + 1) * HB, axis=0)
        xs.append(xh)
        idx, idxg, p = _knn_call(xh, w1b, HB)
        idxs.append(idx)
        idxp = idxg.reshape(HB, N, K // S, S).transpose(0, 2, 1, 3)
        gathered = _gather_call(p.reshape(HB * N, G),
                                idxp.reshape(rows // 128, 128), rows)
        gs.append(gathered.reshape(HB, K // S, N, S * G))
    ys = [_conv_call(xs[h], gs[h], w1d_t, b1_t, w3a_d, w3b_t, b3_t,
                     w2a_d, w2b_d, w2c_t, b2_t, HB) for h in range(2)]
    return jnp.concatenate(ys, axis=0), jnp.concatenate(idxs, axis=0)

# --- scband reference (transcript-rebuilt; emitter-appended) ---
"""Pipeline reference for scband-dense-conv-55791625175545 (READ-ONLY COPY).

The authoritative reference and input builder live on the scoring server;
editing this copy changes nothing except your own understanding.
"""

import jax, jax.numpy as jnp
import numpy as np

N_LAYERS = 3
GROWTH = 32
K = 16


def square_distance(a, b):
    # a: (B, N, C), b: (B, M, C) -> (B, N, M)
    dist = -2.0 * jnp.matmul(a, jnp.swapaxes(b, 1, 2))
    a_sq = jnp.sum(a ** 2, axis=-1, keepdims=True)          # (B, N, 1)
    dist = dist + a_sq
    b_sq = jnp.sum(b ** 2, axis=-1, keepdims=True)          # (B, M, 1)
    dist = dist + jnp.swapaxes(b_sq, 1, 2)                  # (B, 1, M)
    return dist


def knn_point_2(k, points, queries):
    # NOTE: the original prepare_for_unique_top_k rebinds a local tensor and never
    # mutates the caller's D (tf tensors are immutable), so top_k runs on raw D.
    D = square_distance(queries, points)
    neg_dist, point_indices = jax.lax.top_k(-D, k)          # sorted=True semantics
    return -neg_dist, point_indices


def get_edge_feature(point_cloud, k):
    # point_cloud: (B, N, C)
    _, idx = knn_point_2(k + 1, point_cloud, point_cloud)
    idx = idx[:, :, 1:]                                     # drop self -> (B, N, k)
    neighbors = jax.vmap(lambda p, i: p[i])(point_cloud, idx)   # (B, N, k, C) gather
    central = jnp.broadcast_to(point_cloud[:, :, None, :], neighbors.shape)
    edge_feature = jnp.concatenate([central, neighbors - central], axis=-1)  # (B,N,k,2C)
    return edge_feature, idx


def conv1x1(x, W, b, act):
    y = jnp.einsum('bnkc,cd->bnkd', x, W) + b
    if act:
        y = jax.nn.relu(y)
    return y


def setup_inputs(seed: int = 0) -> dict:
    key = jax.random.key(seed)
    ks = jax.random.split(key, 8)
    B, N, C = 8, 2048, 32
    g = GROWTH
    inputs = jax.random.normal(ks[0], (B, N, C), dtype=jnp.float32)
    # conv2d_1: edge feature (2C) -> g, relu
    W1 = jax.random.normal(ks[1], (2 * C, g), dtype=jnp.float32) * 0.1
    b1 = jnp.zeros((g,), dtype=jnp.float32)
    # conv2d_3 (middle layers): (g + C) -> g, relu
    W3 = jax.random.normal(ks[2], (g + C, g), dtype=jnp.float32) * 0.1
    b3 = jnp.zeros((g,), dtype=jnp.float32)
    # conv2d_2 (last layer): (2g + C) -> g, no activation
    W2 = jax.random.normal(ks[3], (2 * g + C, g), dtype=jnp.float32) * 0.1
    b2 = jnp.zeros((g,), dtype=jnp.float32)
    return {"inputs": inputs, "W1": W1, "b1": b1, "W2": W2, "b2": b2, "W3": W3, "b3": b3}


def reference(inputs, W1, b1, W2, b2, W3, b3):
    k = K
    y, idx = get_edge_feature(inputs, k)
    for i in range(N_LAYERS):
        if i == 0:
            y_1 = conv1x1(y, W1, b1, True)
            y_2 = jnp.broadcast_to(
                inputs[:, :, None, :],
                (inputs.shape[0], inputs.shape[1], k, inputs.shape[2]),
            )
            y = jnp.concatenate([y_1, y_2], axis=-1)
        elif i == N_LAYERS - 1:
            y_1 = conv1x1(y, W2, b2, False)
            y = jnp.concatenate([y_1, y], axis=-1)
        else:
            y_1 = conv1x1(y, W3, b3, True)
            y = jnp.concatenate([y_1, y], axis=-1)
    y = jnp.max(y, axis=-2)
    return y, idx

if __name__ == "__main__":
    import jax
    _d = setup_inputs()
    print(jax.jit(kernel)(*tuple(_d.values())))

</pallas_src>

<mosaic_0001>
#map = affine_map<(d0, d1) -> (0, 0)>
module attributes {stable_mosaic.version = 14 : i64} {
  func.func @body(%arg0: i32, %arg1: i32, %arg2: memref<8192x32xf32, #tpu.memory_space<hbm>>, %arg3: memref<1024x128xi32, #tpu.memory_space<hbm>>, %arg4: memref<131072x32xf32, #tpu.memory_space<hbm>>, %arg5: memref<32x128xi32, #tpu.memory_space<vmem>>, %arg6: memref<2048x32xf32, #tpu.memory_space<vmem>>, %arg7: memref<!tpu.dma_semaphore, #tpu.memory_space<semaphore_mem>>) attributes {dimension_semantics = [#tpu.dimension_semantics<core_parallel>, #tpu.dimension_semantics<subcore_parallel>], iteration_bounds = array<i64: 2, 16>, scalar_prefetch = 0 : i64, scratch_operands = 3 : i64, tpu.core_type = #tpu.core_type<sc_vector_subcore>, window_params = [{transform_indices = #map}, {transform_indices = #map}, {transform_indices = #map}]} {
    %mul3A = arith.constant 2 : i32
    %mul3A_0 = arith.muli %arg1, %mul3A : i32
    %add3A = arith.addi %mul3A_0, %arg0 : i32
    %mul3A_1 = arith.constant 32 : i32
    %mul3A_2 = arith.muli %add3A, %mul3A_1 : i32
    "tpu.region"() ({
      %run_scoped3A = tpu.sem_alloc : memref<!tpu.dma_semaphore, #tpu.memory_space<semaphore_mem>>
      %dma_start3A = arith.constant 0 : i32
      %dma_start3A_7 = tpu.memref_slice %arg3[%mul3A_2, %dma_start3A] : memref<1024x128xi32, #tpu.memory_space<hbm>> -> memref<32x128xi32, #tpu.memory_space<hbm>>
      %dma_start3A_8 = arith.constant 0 : i32
      %dma_start3A_9 = tpu.memref_slice %arg3[%mul3A_2, %dma_start3A_8] : memref<1024x128xi32, #tpu.memory_space<hbm>> -> memref<32x128xi32, #tpu.memory_space<hbm>>
      tpu.enqueue_dma source(%dma_start3A_9 : memref<32x128xi32, #tpu.memory_space<hbm>>) target(%arg5 : memref<32x128xi32, #tpu.memory_space<vmem>>) target_semaphore(%run_scoped3A : memref<!tpu.dma_semaphore, #tpu.memory_space<semaphore_mem>>)
      %dma_wait3A = arith.constant 0 : i32
      %dma_wait3A_10 = tpu.memref_slice %arg3[%mul3A_2, %dma_wait3A] : memref<1024x128xi32, #tpu.memory_space<hbm>> -> memref<32x128xi32, #tpu.memory_space<hbm>>
      %dma_wait3A_11 = arith.constant 0 : i32
      %dma_wait3A_12 = tpu.memref_slice %arg3[%mul3A_2, %dma_wait3A_11] : memref<1024x128xi32, #tpu.memory_space<hbm>> -> memref<32x128xi32, #tpu.memory_space<hbm>>
      tpu.wait_dma2 semaphore(%run_scoped3A : memref<!tpu.dma_semaphore, #tpu.memory_space<semaphore_mem>>) src(%dma_wait3A_12 : memref<32x128xi32, #tpu.memory_space<hbm>>) dst(%arg5 : memref<32x128xi32, #tpu.memory_space<vmem>>)
      tpu.yield
    }) : () -> ()
    %scan3A = arith.constant 0 : i32
    %scan3A_3 = arith.constant 2 : i32
    %scan3A_4 = arith.addi %scan3A, %scan3A_3 : i32
    %scan3A_5 = arith.constant 1 : i32
    scf.for %scan3A_7 = %scan3A to %scan3A_4 step %scan3A_5  : i32 {
      %mul3A_8 = arith.constant 1 : i32
      %mul3A_9 = arith.muli %scan3A_7, %mul3A_8 : i32
      %add3A_10 = arith.constant 0 : i32
      %add3A_11 = arith.addi %add3A_10, %mul3A_9 : i32
      %mul3A_12 = arith.constant 16 : i32
      %mul3A_13 = arith.muli %add3A_11, %mul3A_12 : i32
      %add3A_14 = arith.constant 0 : i32
      %add3A_15 = arith.addi %mul3A_13, %add3A_14 : i32
      %dma_start3A = arith.constant 0 : i32
      %dma_start3A_16 = arith.constant 0 : i32
      %dma_start3A_17 = tpu.memref_slice %arg6[%dma_start3A, %dma_start3A_16] : memref<2048x32xf32, #tpu.memory_space<vmem>> -> memref<128x32xf32, #tpu.memory_space<vmem>>
      %dma_start3A_18 = arith.constant 0 : i32
      %dma_start3A_19 = tpu.memref_slice %arg5[%add3A_15, %dma_start3A_18] : memref<32x128xi32, #tpu.memory_space<vmem>> -> memref<1x128xi32, #tpu.memory_space<vmem>>
      %dma_start3A_20 = tpu.memref_squeeze %dma_start3A_19 : memref<1x128xi32, #tpu.memory_space<vmem>> -> memref<128xi32, #tpu.memory_space<vmem>>
      %dma_start3A_21 = arith.constant 0 : i32
      %dma_start3A_22 = arith.constant 0 : i32
      %dma_start3A_23 = tpu.memref_slice %arg2[%dma_start3A_21, %dma_start3A_22] : memref<8192x32xf32, #tpu.memory_space<hbm>> -> memref<8192x32xf32, #tpu.memory_space<hbm>>
      tpu.enqueue_indirect_dma source(%dma_start3A_23 : memref<8192x32xf32, #tpu.memory_space<hbm>>) target(%dma_start3A_17 : memref<128x32xf32, #tpu.memory_space<vmem>>) offsets(%dma_start3A_20 : memref<128xi32, #tpu.memory_space<vmem>>) semaphore(%arg7 : memref<!tpu.dma_semaphore, #tpu.memory_space<semaphore_mem>>)
      %mul3A_24 = arith.constant 16 : i32
      %mul3A_25 = arith.muli %add3A_11, %mul3A_24 : i32
      %add3A_26 = arith.constant 1 : i32
      %add3A_27 = arith.addi %mul3A_25, %add3A_26 : i32
      %dma_start3A_28 = arith.constant 128 : i32
      %dma_start3A_29 = arith.constant 0 : i32
      %dma_start3A_30 = tpu.memref_slice %arg6[%dma_start3A_28, %dma_start3A_29] : memref<2048x32xf32, #tpu.memory_space<vmem>> -> memref<128x32xf32, #tpu.memory_space<vmem>>
      %dma_start3A_31 = arith.constant 0 : i32
      %dma_start3A_32 = tpu.memref_slice %arg5[%add3A_27, %dma_start3A_31] : memref<32x128xi32, #tpu.memory_space<vmem>> -> memref<1x128xi32, #tpu.memory_space<vmem>>
      %dma_start3A_33 = tpu.memref_squeeze %dma_start3A_32 : memref<1x128xi32, #tpu.memory_space<vmem>> -> memref<128xi32, #tpu.memory_space<vmem>>
      %dma_start3A_34 = arith.constant 0 : i32
      %dma_start3A_35 = arith.constant 0 : i32
      %dma_start3A_36 = tpu.memref_slice %arg2[%dma_start3A_34, %dma_start3A_35] : memref<8192x32xf32, #tpu.memory_space<hbm>> -> memref<8192x32xf32, #tpu.memory_space<hbm>>
      tpu.enqueue_indirect_dma source(%dma_start3A_36 : memref<8192x32xf32, #tpu.memory_space<hbm>>) target(%dma_start3A_30 : memref<128x32xf32, #tpu.memory_space<vmem>>) offsets(%dma_start3A_33 : memref<128xi32, #tpu.memory_space<vmem>>) semaphore(%arg7 : memref<!tpu.dma_semaphore, #tpu.memory_space<semaphore_mem>>)
      %mul3A_37 = arith.constant 16 : i32
      %mul3A_38 = arith.muli %add3A_11, %mul3A_37 : i32
      %add3A_39 = arith.constant 2 : i32
      %add3A_40 = arith.addi %mul3A_38, %add3A_39 : i32
      %dma_start3A_41 = arith.constant 256 : i32
      %dma_start3A_42 = arith.constant 0 : i32
      %dma_start3A_43 = tpu.memref_slice %arg6[%dma_start3A_41, %dma_start3A_42] : memref<2048x32xf32, #tpu.memory_space<vmem>> -> memref<128x32xf32, #tpu.memory_space<vmem>>
      %dma_start3A_44 = arith.constant 0 : i32
      %dma_start3A_45 = tpu.memref_slice %arg5[%add3A_40, %dma_start3A_44] : memref<32x128xi32, #tpu.memory_space<vmem>> -> memref<1x128xi32, #tpu.memory_space<vmem>>
      %dma_start3A_46 = tpu.memref_squeeze %dma_start3A_45 : memref<1x128xi32, #tpu.memory_space<vmem>> -> memref<128xi32, #tpu.memory_space<vmem>>
      %dma_start3A_47 = arith.constant 0 : i32
      %dma_start3A_48 = arith.constant 0 : i32
      %dma_start3A_49 = tpu.memref_slice %arg2[%dma_start3A_47, %dma_start3A_48] : memref<8192x32xf32, #tpu.memory_space<hbm>> -> memref<8192x32xf32, #tpu.memory_space<hbm>>
      tpu.enqueue_indirect_dma source(%dma_start3A_49 : memref<8192x32xf32, #tpu.memory_space<hbm>>) target(%dma_start3A_43 : memref<128x32xf32, #tpu.memory_space<vmem>>) offsets(%dma_start3A_46 : memref<128xi32, #tpu.memory_space<vmem>>) semaphore(%arg7 : memref<!tpu.dma_semaphore, #tpu.memory_space<semaphore_mem>>)
      %mul3A_50 = arith.constant 16 : i32
      %mul3A_51 = arith.muli %add3A_11, %mul3A_50 : i32
      %add3A_52 = arith.constant 3 : i32
      %add3A_53 = arith.addi %mul3A_51, %add3A_52 : i32
      %dma_start3A_54 = arith.constant 384 : i32
      %dma_start3A_55 = arith.constant 0 : i32
      %dma_start3A_56 = tpu.memref_slice %arg6[%dma_start3A_54, %dma_start3A_55] : memref<2048x32xf32, #tpu.memory_space<vmem>> -> memref<128x32xf32, #tpu.memory_space<vmem>>
      %dma_start3A_57 = arith.constant 0 : i32
      %dma_start3A_58 = tpu.memref_slice %arg5[%add3A_53, %dma_start3A_57] : memref<32x128xi32, #tpu.memory_space<vmem>> -> memref<1x128xi32, #tpu.memory_space<vmem>>
      %dma_start3A_59 = tpu.memref_squeeze %dma_start3A_58 : memref<1x128xi32, #tpu.memory_space<vmem>> -> memref<128xi32, #tpu.memory_space<vmem>>
      %dma_start3A_60 = arith.constant 0 : i32
      %dma_start3A_61 = arith.constant 0 : i32
      %dma_start3A_62 = tpu.memref_slice %arg2[%dma_start3A_60, %dma_start3A_61] : memref<8192x32xf32, #tpu.memory_space<hbm>> -> memref<8192x32xf32, #tpu.memory_space<hbm>>
      tpu.enqueue_indirect_dma source(%dma_start3A_62 : memref<8192x32xf32, #tpu.memory_space<hbm>>) target(%dma_start3A_56 : memref<128x32xf32, #tpu.memory_space<vmem>>) offsets(%dma_start3A_59 : memref<128xi32, #tpu.memory_space<vmem>>) semaphore(%arg7 : memref<!tpu.dma_semaphore, #tpu.memory_space<semaphore_mem>>)
      %mul3A_63 = arith.constant 16 : i32
      %mul3A_64 = arith.muli %add3A_11, %mul3A_63 : i32
      %add3A_65 = arith.constant 4 : i32
      %add3A_66 = arith.addi %mul3A_64, %add3A_65 : i32
      %dma_start3A_67 = arith.constant 512 : i32
      %dma_start3A_68 = arith.constant 0 : i32
      %dma_start3A_69 = tpu.memref_slice %arg6[%dma_start3A_67, %dma_start3A_68] : memref<2048x32xf32, #tpu.memory_space<vmem>> -> memref<128x32xf32, #tpu.memory_space<vmem>>
      %dma_start3A_70 = arith.constant 0 : i32
      %dma_start3A_71 = tpu.memref_slice %arg5[%add3A_66, %dma_start3A_70] : memref<32x128xi32, #tpu.memory_space<vmem>> -> memref<1x128xi32, #tpu.memory_space<vmem>>
      %dma_start3A_72 = tpu.memref_squeeze %dma_start3A_71 : memref<1x128xi32, #tpu.memory_space<vmem>> -> memref<128xi32, #tpu.memory_space<vmem>>
      %dma_start3A_73 = arith.constant 0 : i32
      %dma_start3A_74 = arith.constant 0 : i32
      %dma_start3A_75 = tpu.memref_slice %arg2[%dma_start3A_73, %dma_start3A_74] : memref<8192x32xf32, #tpu.memory_space<hbm>> -> memref<8192x32xf32, #tpu.memory_space<hbm>>
      tpu.enqueue_indirect_dma source(%dma_start3A_75 : memref<8192x32xf32, #tpu.memory_space<hbm>>) target(%dma_start3A_69 : memref<128x32xf32, #tpu.memory_space<vmem>>) offsets(%dma_start3A_72 : memref<128xi32, #tpu.memory_space<vmem>>) semaphore(%arg7 : memref<!tpu.dma_semaphore, #tpu.memory_space<semaphore_mem>>)
      %mul3A_76 = arith.constant 16 : i32
      %mul3A_77 = arith.muli %add3A_11, %mul3A_76 : i32
      %add3A_78 = arith.constant 5 : i32
      %add3A_79 = arith.addi %mul3A_77, %add3A_78 : i32
      %dma_start3A_80 = arith.constant 640 : i32
      %dma_start3A_81 = arith.constant 0 : i32
      %dma_start3A_82 = tpu.memref_slice %arg6[%dma_start3A_80, %dma_start3A_81] : memref<2048x32xf32, #tpu.memory_space<vmem>> -> memref<128x32xf32, #tpu.memory_space<vmem>>
      %dma_start3A_83 = arith.constant 0 : i32
      %dma_start3A_84 = tpu.memref_slice %arg5[%add3A_79, %dma_start3A_83] : memref<32x128xi32, #tpu.memory_space<vmem>> -> memref<1x128xi32, #tpu.memory_space<vmem>>
      %dma_start3A_85 = tpu.memref_squeeze %dma_start3A_84 : memref<1x128xi32, #tpu.memory_space<vmem>> -> memref<128xi32, #tpu.memory_space<vmem>>
      %dma_start3A_86 = arith.constant 0 : i32
      %dma_start3A_87 = arith.constant 0 : i32
      %dma_start3A_88 = tpu.memref_slice %arg2[%dma_start3A_86, %dma_start3A_87] : memref<8192x32xf32, #tpu.memory_space<hbm>> -> memref<8192x32xf32, #tpu.memory_space<hbm>>
      tpu.enqueue_indirect_dma source(%dma_start3A_88 : memref<8192x32xf32, #tpu.memory_space<hbm>>) target(%dma_start3A_82 : memref<128x32xf32, #tpu.memory_space<vmem>>) offsets(%dma_start3A_85 : memref<128xi32, #tpu.memory_space<vmem>>) semaphore(%arg7 : memref<!tpu.dma_semaphore, #tpu.memory_space<semaphore_mem>>)
      %mul3A_89 = arith.constant 16 : i32
      %mul3A_90 = arith.muli %add3A_11, %mul3A_89 : i32
      %add3A_91 = arith.constant 6 : i32
      %add3A_92 = arith.addi %mul3A_90, %add3A_91 : i32
      %dma_start3A_93 = arith.constant 768 : i32
      %dma_start3A_94 = arith.constant 0 : i32
      %dma_start3A_95 = tpu.memref_slice %arg6[%dma_start3A_93, %dma_start3A_94] : memref<2048x32xf32, #tpu.memory_space<vmem>> -> memref<128x32xf32, #tpu.memory_space<vmem>>
      %dma_start3A_96 = arith.constant 0 : i32
      %dma_start3A_97 = tpu.memref_slice %arg5[%add3A_92, %dma_start3A_96] : memref<32x128xi32, #tpu.memory_space<vmem>> -> memref<1x128xi32, #tpu.memory_space<vmem>>
      %dma_start3A_98 = tpu.memref_squeeze %dma_start3A_97 : memref<1x128xi32, #tpu.memory_space<vmem>> -> memref<128xi32, #tpu.memory_space<vmem>>
      %dma_start3A_99 = arith.constant 0 : i32
      %dma_start3A_100 = arith.constant 0 : i32
      %dma_start3A_101 = tpu.memref_slice %arg2[%dma_start3A_99, %dma_start3A_100] : memref<8192x32xf32, #tpu.memory_space<hbm>> -> memref<8192x32xf32, #tpu.memory_space<hbm>>
      tpu.enqueue_indirect_dma source(%dma_start3A_101 : memref<8192x32xf32, #tpu.memory_space<hbm>>) target(%dma_start3A_95 : memref<128x32xf32, #tpu.memory_space<vmem>>) offsets(%dma_start3A_98 : memref<128xi32, #tpu.memory_space<vmem>>) semaphore(%arg7 : memref<!tpu.dma_semaphore, #tpu.memory_space<semaphore_mem>>)
      %mul3A_102 = arith.constant 16 : i32
      %mul3A_103 = arith.muli %add3A_11, %mul3A_102 : i32
      %add3A_104 = arith.constant 7 : i32
      %add3A_105 = arith.addi %mul3A_103, %add3A_104 : i32
      %dma_start3A_106 = arith.constant 896 : i32
      %dma_start3A_107 = arith.constant 0 : i32
      %dma_start3A_108 = tpu.memref_slice %arg6[%dma_start3A_106, %dma_start3A_107] : memref<2048x32xf32, #tpu.memory_space<vmem>> -> memref<128x32xf32, #tpu.memory_space<vmem>>
      %dma_start3A_109 = arith.constant 0 : i32
      %dma_start3A_110 = tpu.memref_slice %arg5[%add3A_105, %dma_start3A_109] : memref<32x128xi32, #tpu.memory_space<vmem>> -> memref<1x128xi32, #tpu.memory_space<vmem>>
      %dma_start3A_111 = tpu.memref_squeeze %dma_start3A_110 : memref<1x128xi32, #tpu.memory_space<vmem>> -> memref<128xi32, #tpu.memory_space<vmem>>
      %dma_start3A_112 = arith.constant 0 : i32
      %dma_start3A_113 = arith.constant 0 : i32
      %dma_start3A_114 = tpu.memref_slice %arg2[%dma_start3A_112, %dma_start3A_113] : memref<8192x32xf32, #tpu.memory_space<hbm>> -> memref<8192x32xf32, #tpu.memory_space<hbm>>
      tpu.enqueue_indirect_dma source(%dma_start3A_114 : memref<8192x32xf32, #tpu.memory_space<hbm>>) target(%dma_start3A_108 : memref<128x32xf32, #tpu.memory_space<vmem>>) offsets(%dma_start3A_111 : memref<128xi32, #tpu.memory_space<vmem>>) semaphore(%arg7 : memref<!tpu.dma_semaphore, #tpu.memory_space<semaphore_mem>>)
      %mul3A_115 = arith.constant 16 : i32
      %mul3A_116 = arith.muli %add3A_11, %mul3A_115 : i32
      %add3A_117 = arith.constant 8 : i32
      %add3A_118 = arith.addi %mul3A_116, %add3A_117 : i32
      %dma_start3A_119 = arith.constant 1024 : i32
      %dma_start3A_120 = arith.constant 0 : i32
      %dma_start3A_121 = tpu.memref_slice %arg6[%dma_start3A_119, %dma_start3A_120] : memref<2048x32xf32, #tpu.memory_space<vmem>> -> memref<128x32xf32, #tpu.memory_space<vmem>>
      %dma_start3A_122 = arith.constant 0 : i32
      %dma_start3A_123 = tpu.memref_slice %arg5[%add3A_118, %dma_start3A_122] : memref<32x128xi32, #tpu.memory_space<vmem>> -> memref<1x128xi32, #tpu.memory_space<vmem>>
      %dma_start3A_124 = tpu.memref_squeeze %dma_start3A_123 : memref<1x128xi32, #tpu.memory_space<vmem>> -> memref<128xi32, #tpu.memory_space<vmem>>
      %dma_start3A_125 = arith.constant 0 : i32
      %dma_start3A_126 = arith.constant 0 : i32
      %dma_start3A_127 = tpu.memref_slice %arg2[%dma_start3A_125, %dma_start3A_126] : memref<8192x32xf32, #tpu.memory_space<hbm>> -> memref<8192x32xf32, #tpu.memory_space<hbm>>
      tpu.enqueue_indirect_dma source(%dma_start3A_127 : memref<8192x32xf32, #tpu.memory_space<hbm>>) target(%dma_start3A_121 : memref<128x32xf32, #tpu.memory_space<vmem>>) offsets(%dma_start3A_124 : memref<128xi32, #tpu.memory_space<vmem>>) semaphore(%arg7 : memref<!tpu.dma_semaphore, #tpu.memory_space<semaphore_mem>>)
      %mul3A_128 = arith.constant 16 : i32
      %mul3A_129 = arith.muli %add3A_11, %mul3A_128 : i32
      %add3A_130 = arith.constant 9 : i32
      %add3A_131 = arith.addi %mul3A_129, %add3A_130 : i32
      %dma_start3A_132 = arith.constant 1152 : i32
      %dma_start3A_133 = arith.constant 0 : i32
      %dma_start3A_134 = tpu.memref_slice %arg6[%dma_start3A_132, %dma_start3A_133] : memref<2048x32xf32, #tpu.memory_space<vmem>> -> memref<128x32xf32, #tpu.memory_space<vmem>>
      %dma_start3A_135 = arith.constant 0 : i32
      %dma_start3A_136 = tpu.memref_slice %arg5[%add3A_131, %dma_start3A_135] : memref<32x128xi32, #tpu.memory_space<vmem>> -> memref<1x128xi32, #tpu.memory_space<vmem>>
      %dma_start3A_137 = tpu.memref_squeeze %dma_start3A_136 : memref<1x128xi32, #tpu.memory_space<vmem>> -> memref<128xi32, #tpu.memory_space<vmem>>
      %dma_start3A_138 = arith.constant 0 : i32
      %dma_start3A_139 = arith.constant 0 : i32
      %dma_start3A_140 = tpu.memref_slice %arg2[%dma_start3A_138, %dma_start3A_139] : memref<8192x32xf32, #tpu.memory_space<hbm>> -> memref<8192x32xf32, #tpu.memory_space<hbm>>
      tpu.enqueue_indirect_dma source(%dma_start3A_140 : memref<8192x32xf32, #tpu.memory_space<hbm>>) target(%dma_start3A_134 : memref<128x32xf32, #tpu.memory_space<vmem>>) offsets(%dma_start3A_137 : memref<128xi32, #tpu.memory_space<vmem>>) semaphore(%arg7 : memref<!tpu.dma_semaphore, #tpu.memory_space<semaphore_mem>>)
      %mul3A_141 = arith.constant 16 : i32
      %mul3A_142 = arith.muli %add3A_11, %mul3A_141 : i32
      %add3A_143 = arith.constant 10 : i32
      %add3A_144 = arith.addi %mul3A_142, %add3A_143 : i32
      %dma_start3A_145 = arith.constant 1280 : i32
      %dma_start3A_146 = arith.constant 0 : i32
      %dma_start3A_147 = tpu.memref_slice %arg6[%dma_start3A_145, %dma_start3A_146] : memref<2048x32xf32, #tpu.memory_space<vmem>> -> memref<128x32xf32, #tpu.memory_space<vmem>>
      %dma_start3A_148 = arith.constant 0 : i32
      %dma_start3A_149 = tpu.memref_slice %arg5[%add3A_144, %dma_start3A_148] : memref<32x128xi32, #tpu.memory_space<vmem>> -> memref<1x128xi32, #tpu.memory_space<vmem>>
      %dma_start3A_150 = tpu.memref_squeeze %dma_start3A_149 : memref<1x128xi32, #tpu.memory_space<vmem>> -> memref<128xi32, #tpu.memory_space<vmem>>
      %dma_start3A_151 = arith.constant 0 : i32
      %dma_start3A_152 = arith.constant 0 : i32
      %dma_start3A_153 = tpu.memref_slice %arg2[%dma_start3A_151, %dma_start3A_152] : memref<8192x32xf32, #tpu.memory_space<hbm>> -> memref<8192x32xf32, #tpu.memory_space<hbm>>
      tpu.enqueue_indirect_dma source(%dma_start3A_153 : memref<8192x32xf32, #tpu.memory_space<hbm>>) target(%dma_start3A_147 : memref<128x32xf32, #tpu.memory_space<vmem>>) offsets(%dma_start3A_150 : memref<128xi32, #tpu.memory_space<vmem>>) semaphore(%arg7 : memref<!tpu.dma_semaphore, #tpu.memory_space<semaphore_mem>>)
      %mul3A_154 = arith.constant 16 : i32
      %mul3A_155 = arith.muli %add3A_11, %mul3A_154 : i32
      %add3A_156 = arith.constant 11 : i32
      %add3A_157 = arith.addi %mul3A_155, %add3A_156 : i32
      %dma_start3A_158 = arith.constant 1408 : i32
      %dma_start3A_159 = arith.constant 0 : i32
      %dma_start3A_160 = tpu.memref_slice %arg6[%dma_start3A_158, %dma_start3A_159] : memref<2048x32xf32, #tpu.memory_space<vmem>> -> memref<128x32xf32, #tpu.memory_space<vmem>>
      %dma_start3A_161 = arith.constant 0 : i32
      %dma_start3A_162 = tpu.memref_slice %arg5[%add3A_157, %dma_start3A_161] : memref<32x128xi32, #tpu.memory_space<vmem>> -> memref<1x128xi32, #tpu.memory_space<vmem>>
      %dma_start3A_163 = tpu.memref_squeeze %dma_start3A_162 : memref<1x128xi32, #tpu.memory_space<vmem>> -> memref<128xi32, #tpu.memory_space<vmem>>
      %dma_start3A_164 = arith.constant 0 : i32
      %dma_start3A_165 = arith.constant 0 : i32
      %dma_start3A_166 = tpu.memref_slice %arg2[%dma_start3A_164, %dma_start3A_165] : memref<8192x32xf32, #tpu.memory_space<hbm>> -> memref<8192x32xf32, #tpu.memory_space<hbm>>
      tpu.enqueue_indirect_dma source(%dma_start3A_166 : memref<8192x32xf32, #tpu.memory_space<hbm>>) target(%dma_start3A_160 : memref<128x32xf32, #tpu.memory_space<vmem>>) offsets(%dma_start3A_163 : memref<128xi32, #tpu.memory_space<vmem>>) semaphore(%arg7 : memref<!tpu.dma_semaphore, #tpu.memory_space<semaphore_mem>>)
      %mul3A_167 = arith.constant 16 : i32
      %mul3A_168 = arith.muli %add3A_11, %mul3A_167 : i32
      %add3A_169 = arith.constant 12 : i32
      %add3A_170 = arith.addi %mul3A_168, %add3A_169 : i32
      %dma_start3A_171 = arith.constant 1536 : i32
      %dma_start3A_172 = arith.constant 0 : i32
      %dma_start3A_173 = tpu.memref_slice %arg6[%dma_start3A_171, %dma_start3A_172] : memref<2048x32xf32, #tpu.memory_space<vmem>> -> memref<128x32xf32, #tpu.memory_space<vmem>>
      %dma_start3A_174 = arith.constant 0 : i32
      %dma_start3A_175 = tpu.memref_slice %arg5[%add3A_170, %dma_start3A_174] : memref<32x128xi32, #tpu.memory_space<vmem>> -> memref<1x128xi32, #tpu.memory_space<vmem>>
      %dma_start3A_176 = tpu.memref_squeeze %dma_start3A_175 : memref<1x128xi32, #tpu.memory_space<vmem>> -> memref<128xi32, #tpu.memory_space<vmem>>
      %dma_start3A_177 = arith.constant 0 : i32
      %dma_start3A_178 = arith.constant 0 : i32
      %dma_start3A_179 = tpu.memref_slice %arg2[%dma_start3A_177, %dma_start3A_178] : memref<8192x32xf32, #tpu.memory_space<hbm>> -> memref<8192x32xf32, #tpu.memory_space<hbm>>
      tpu.enqueue_indirect_dma source(%dma_start3A_179 : memref<8192x32xf32, #tpu.memory_space<hbm>>) target(%dma_start3A_173 : memref<128x32xf32, #tpu.memory_space<vmem>>) offsets(%dma_start3A_176 : memref<128xi32, #tpu.memory_space<vmem>>) semaphore(%arg7 : memref<!tpu.dma_semaphore, #tpu.memory_space<semaphore_mem>>)
      %mul3A_180 = arith.constant 16 : i32
      %mul3A_181 = arith.muli %add3A_11, %mul3A_180 : i32
      %add3A_182 = arith.constant 13 : i32
      %add3A_183 = arith.addi %mul3A_181, %add3A_182 : i32
      %dma_start3A_184 = arith.constant 1664 : i32
      %dma_start3A_185 = arith.constant 0 : i32
      %dma_start3A_186 = tpu.memref_slice %arg6[%dma_start3A_184, %dma_start3A_185] : memref<2048x32xf32, #tpu.memory_space<vmem>> -> memref<128x32xf32, #tpu.memory_space<vmem>>
      %dma_start3A_187 = arith.constant 0 : i32
      %dma_start3A_188 = tpu.memref_slice %arg5[%add3A_183, %dma_start3A_187] : memref<32x128xi32, #tpu.memory_space<vmem>> -> memref<1x128xi32, #tpu.memory_space<vmem>>
      %dma_start3A_189 = tpu.memref_squeeze %dma_start3A_188 : memref<1x128xi32, #tpu.memory_space<vmem>> -> memref<128xi32, #tpu.memory_space<vmem>>
      %dma_start3A_190 = arith.constant 0 : i32
      %dma_start3A_191 = arith.constant 0 : i32
      %dma_start3A_192 = tpu.memref_slice %arg2[%dma_start3A_190, %dma_start3A_191] : memref<8192x32xf32, #tpu.memory_space<hbm>> -> memref<8192x32xf32, #tpu.memory_space<hbm>>
      tpu.enqueue_indirect_dma source(%dma_start3A_192 : memref<8192x32xf32, #tpu.memory_space<hbm>>) target(%dma_start3A_186 : memref<128x32xf32, #tpu.memory_space<vmem>>) offsets(%dma_start3A_189 : memref<128xi32, #tpu.memory_space<vmem>>) semaphore(%arg7 : memref<!tpu.dma_semaphore, #tpu.memory_space<semaphore_mem>>)
      %mul3A_193 = arith.constant 16 : i32
      %mul3A_194 = arith.muli %add3A_11, %mul3A_193 : i32
      %add3A_195 = arith.constant 14 : i32
      %add3A_196 = arith.addi %mul3A_194, %add3A_195 : i32
      %dma_start3A_197 = arith.constant 1792 : i32
      %dma_start3A_198 = arith.constant 0 : i32
      %dma_start3A_199 = tpu.memref_slice %arg6[%dma_start3A_197, %dma_start3A_198] : memref<2048x32xf32, #tpu.memory_space<vmem>> -> memref<128x32xf32, #tpu.memory_space<vmem>>
      %dma_start3A_200 = arith.constant 0 : i32
      %dma_start3A_201 = tpu.memref_slice %arg5[%add3A_196, %dma_start3A_200] : memref<32x128xi32, #tpu.memory_space<vmem>> -> memref<1x128xi32, #tpu.memory_space<vmem>>
      %dma_start3A_202 = tpu.memref_squeeze %dma_start3A_201 : memref<1x128xi32, #tpu.memory_space<vmem>> -> memref<128xi32, #tpu.memory_space<vmem>>
      %dma_start3A_203 = arith.constant 0 : i32
      %dma_start3A_204 = arith.constant 0 : i32
      %dma_start3A_205 = tpu.memref_slice %arg2[%dma_start3A_203, %dma_start3A_204] : memref<8192x32xf32, #tpu.memory_space<hbm>> -> memref<8192x32xf32, #tpu.memory_space<hbm>>
      tpu.enqueue_indirect_dma source(%dma_start3A_205 : memref<8192x32xf32, #tpu.memory_space<hbm>>) target(%dma_start3A_199 : memref<128x32xf32, #tpu.memory_space<vmem>>) offsets(%dma_start3A_202 : memref<128xi32, #tpu.memory_space<vmem>>) semaphore(%arg7 : memref<!tpu.dma_semaphore, #tpu.memory_space<semaphore_mem>>)
      %mul3A_206 = arith.constant 16 : i32
      %mul3A_207 = arith.muli %add3A_11, %mul3A_206 : i32
      %add3A_208 = arith.constant 15 : i32
      %add3A_209 = arith.addi %mul3A_207, %add3A_208 : i32
      %dma_start3A_210 = arith.constant 1920 : i32
      %dma_start3A_211 = arith.constant 0 : i32
      %dma_start3A_212 = tpu.memref_slice %arg6[%dma_start3A_210, %dma_start3A_211] : memref<2048x32xf32, #tpu.memory_space<vmem>> -> memref<128x32xf32, #tpu.memory_space<vmem>>
      %dma_start3A_213 = arith.constant 0 : i32
      %dma_start3A_214 = tpu.memref_slice %arg5[%add3A_209, %dma_start3A_213] : memref<32x128xi32, #tpu.memory_space<vmem>> -> memref<1x128xi32, #tpu.memory_space<vmem>>
      %dma_start3A_215 = tpu.memref_squeeze %dma_start3A_214 : memref<1x128xi32, #tpu.memory_space<vmem>> -> memref<128xi32, #tpu.memory_space<vmem>>
      %dma_start3A_216 = arith.constant 0 : i32
      %dma_start3A_217 = arith.constant 0 : i32
      %dma_start3A_218 = tpu.memref_slice %arg2[%dma_start3A_216, %dma_start3A_217] : memref<8192x32xf32, #tpu.memory_space<hbm>> -> memref<8192x32xf32, #tpu.memory_space<hbm>>
      tpu.enqueue_indirect_dma source(%dma_start3A_218 : memref<8192x32xf32, #tpu.memory_space<hbm>>) target(%dma_start3A_212 : memref<128x32xf32, #tpu.memory_space<vmem>>) offsets(%dma_start3A_215 : memref<128xi32, #tpu.memory_space<vmem>>) semaphore(%arg7 : memref<!tpu.dma_semaphore, #tpu.memory_space<semaphore_mem>>)
      %dma_wait3A = arith.constant 0 : i32
      %dma_wait3A_219 = arith.constant 0 : i32
      %dma_wait3A_220 = tpu.memref_slice %arg6[%dma_wait3A, %dma_wait3A_219] : memref<2048x32xf32, #tpu.memory_space<vmem>> -> memref<128x32xf32, #tpu.memory_space<vmem>>
      %dma_wait3A_221 = arith.constant 0 : i32
      %dma_wait3A_222 = tpu.memref_slice %arg5[%add3A_15, %dma_wait3A_221] : memref<32x128xi32, #tpu.memory_space<vmem>> -> memref<1x128xi32, #tpu.memory_space<vmem>>
      %dma_wait3A_223 = tpu.memref_squeeze %dma_wait3A_222 : memref<1x128xi32, #tpu.memory_space<vmem>> -> memref<128xi32, #tpu.memory_space<vmem>>
      %dma_wait3A_224 = arith.constant 0 : i32
      %dma_wait3A_225 = arith.constant 0 : i32
      %dma_wait3A_226 = tpu.memref_slice %arg2[%dma_wait3A_224, %dma_wait3A_225] : memref<8192x32xf32, #tpu.memory_space<hbm>> -> memref<8192x32xf32, #tpu.memory_space<hbm>>
      tpu.wait_indirect_dma semaphore(%arg7 : memref<!tpu.dma_semaphore, #tpu.memory_space<semaphore_mem>>) src(%dma_wait3A_226 : memref<8192x32xf32, #tpu.memory_space<hbm>>) dst(%dma_wait3A_220 : memref<128x32xf32, #tpu.memory_space<vmem>>)
      %dma_wait3A_227 = arith.constant 128 : i32
      %dma_wait3A_228 = arith.constant 0 : i32
      %dma_wait3A_229 = tpu.memref_slice %arg6[%dma_wait3A_227, %dma_wait3A_228] : memref<2048x32xf32, #tpu.memory_space<vmem>> -> memref<128x32xf32, #tpu.memory_space<vmem>>
      %dma_wait3A_230 = arith.constant 0 : i32
      %dma_wait3A_231 = tpu.memref_slice %arg5[%add3A_27, %dma_wait3A_230] : memref<32x128xi32, #tpu.memory_space<vmem>> -> memref<1x128xi32, #tpu.memory_space<vmem>>
      %dma_wait3A_232 = tpu.memref_squeeze %dma_wait3A_231 : memref<1x128xi32, #tpu.memory_space<vmem>> -> memref<128xi32, #tpu.memory_space<vmem>>
      %dma_wait3A_233 = arith.constant 0 : i32
      %dma_wait3A_234 = arith.constant 0 : i32
      %dma_wait3A_235 = tpu.memref_slice %arg2[%dma_wait3A_233, %dma_wait3A_234] : memref<8192x32xf32, #tpu.memory_space<hbm>> -> memref<8192x32xf32, #tpu.memory_space<hbm>>
      tpu.wait_indirect_dma semaphore(%arg7 : memref<!tpu.dma_semaphore, #tpu.memory_space<semaphore_mem>>) src(%dma_wait3A_235 : memref<8192x32xf32, #tpu.memory_space<hbm>>) dst(%dma_wait3A_229 : memref<128x32xf32, #tpu.memory_space<vmem>>)
      %dma_wait3A_236 = arith.constant 256 : i32
      %dma_wait3A_237 = arith.constant 0 : i32
      %dma_wait3A_238 = tpu.memref_slice %arg6[%dma_wait3A_236, %dma_wait3A_237] : memref<2048x32xf32, #tpu.memory_space<vmem>> -> memref<128x32xf32, #tpu.memory_space<vmem>>
      %dma_wait3A_239 = arith.constant 0 : i32
      %dma_wait3A_240 = tpu.memref_slice %arg5[%add3A_40, %dma_wait3A_239] : memref<32x128xi32, #tpu.memory_space<vmem>> -> memref<1x128xi32, #tpu.memory_space<vmem>>
      %dma_wait3A_241 = tpu.memref_squeeze %dma_wait3A_240 : memref<1x128xi32, #tpu.memory_space<vmem>> -> memref<128xi32, #tpu.memory_space<vmem>>
      %dma_wait3A_242 = arith.constant 0 : i32
      %dma_wait3A_243 = arith.constant 0 : i32
      %dma_wait3A_244 = tpu.memref_slice %arg2[%dma_wait3A_242, %dma_wait3A_243] : memref<8192x32xf32, #tpu.memory_space<hbm>> -> memref<8192x32xf32, #tpu.memory_space<hbm>>
      tpu.wait_indirect_dma semaphore(%arg7 : memref<!tpu.dma_semaphore, #tpu.memory_space<semaphore_mem>>) src(%dma_wait3A_244 : memref<8192x32xf32, #tpu.memory_space<hbm>>) dst(%dma_wait3A_238 : memref<128x32xf32, #tpu.memory_space<vmem>>)
      %dma_wait3A_245 = arith.constant 384 : i32
      %dma_wait3A_246 = arith.constant 0 : i32
      %dma_wait3A_247 = tpu.memref_slice %arg6[%dma_wait3A_245, %dma_wait3A_246] : memref<2048x32xf32, #tpu.memory_space<vmem>> -> memref<128x32xf32, #tpu.memory_space<vmem>>
      %dma_wait3A_248 = arith.constant 0 : i32
      %dma_wait3A_249 = tpu.memref_slice %arg5[%add3A_53, %dma_wait3A_248] : memref<32x128xi32, #tpu.memory_space<vmem>> -> memref<1x128xi32, #tpu.memory_space<vmem>>
      %dma_wait3A_250 = tpu.memref_squeeze %dma_wait3A_249 : memref<1x128xi32, #tpu.memory_space<vmem>> -> memref<128xi32, #tpu.memory_space<vmem>>
      %dma_wait3A_251 = arith.constant 0 : i32
      %dma_wait3A_252 = arith.constant 0 : i32
      %dma_wait3A_253 = tpu.memref_slice %arg2[%dma_wait3A_251, %dma_wait3A_252] : memref<8192x32xf32, #tpu.memory_space<hbm>> -> memref<8192x32xf32, #tpu.memory_space<hbm>>
      tpu.wait_indirect_dma semaphore(%arg7 : memref<!tpu.dma_semaphore, #tpu.memory_space<semaphore_mem>>) src(%dma_wait3A_253 : memref<8192x32xf32, #tpu.memory_space<hbm>>) dst(%dma_wait3A_247 : memref<128x32xf32, #tpu.memory_space<vmem>>)
      %dma_wait3A_254 = arith.constant 512 : i32
      %dma_wait3A_255 = arith.constant 0 : i32
      %dma_wait3A_256 = tpu.memref_slice %arg6[%dma_wait3A_254, %dma_wait3A_255] : memref<2048x32xf32, #tpu.memory_space<vmem>> -> memref<128x32xf32, #tpu.memory_space<vmem>>
      %dma_wait3A_257 = arith.constant 0 : i32
      %dma_wait3A_258 = tpu.memref_slice %arg5[%add3A_66, %dma_wait3A_257] : memref<32x128xi32, #tpu.memory_space<vmem>> -> memref<1x128xi32, #tpu.memory_space<vmem>>
      %dma_wait3A_259 = tpu.memref_squeeze %dma_wait3A_258 : memref<1x128xi32, #tpu.memory_space<vmem>> -> memref<128xi32, #tpu.memory_space<vmem>>
      %dma_wait3A_260 = arith.constant 0 : i32
      %dma_wait3A_261 = arith.constant 0 : i32
      %dma_wait3A_262 = tpu.memref_slice %arg2[%dma_wait3A_260, %dma_wait3A_261] : memref<8192x32xf32, #tpu.memory_space<hbm>> -> memref<8192x32xf32, #tpu.memory_space<hbm>>
      tpu.wait_indirect_dma semaphore(%arg7 : memref<!tpu.dma_semaphore, #tpu.memory_space<semaphore_mem>>) src(%dma_wait3A_262 : memref<8192x32xf32, #tpu.memory_space<hbm>>) dst(%dma_wait3A_256 : memref<128x32xf32, #tpu.memory_space<vmem>>)
      %dma_wait3A_263 = arith.constant 640 : i32
      %dma_wait3A_264 = arith.constant 0 : i32
      %dma_wait3A_265 = tpu.memref_slice %arg6[%dma_wait3A_263, %dma_wait3A_264] : memref<2048x32xf32, #tpu.memory_space<vmem>> -> memref<128x32xf32, #tpu.memory_space<vmem>>
      %dma_wait3A_266 = arith.constant 0 : i32
      %dma_wait3A_267 = tpu.memref_slice %arg5[%add3A_79, %dma_wait3A_266] : memref<32x128xi32, #tpu.memory_space<vmem>> -> memref<1x128xi32, #tpu.memory_space<vmem>>
      %dma_wait3A_268 = tpu.memref_squeeze %dma_wait3A_267 : memref<1x128xi32, #tpu.memory_space<vmem>> -> memref<128xi32, #tpu.memory_space<vmem>>
      %dma_wait3A_269 = arith.constant 0 : i32
      %dma_wait3A_270 = arith.constant 0 : i32
      %dma_wait3A_271 = tpu.memref_slice %arg2[%dma_wait3A_269, %dma_wait3A_270] : memref<8192x32xf32, #tpu.memory_space<hbm>> -> memref<8192x32xf32, #tpu.memory_space<hbm>>
      tpu.wait_indirect_dma semaphore(%arg7 : memref<!tpu.dma_semaphore, #tpu.memory_space<semaphore_mem>>) src(%dma_wait3A_271 : memref<8192x32xf32, #tpu.memory_space<hbm>>) dst(%dma_wait3A_265 : memref<128x32xf32, #tpu.memory_space<vmem>>)
      %dma_wait3A_272 = arith.constant 768 : i32
      %dma_wait3A_273 = arith.constant 0 : i32
      %dma_wait3A_274 = tpu.memref_slice %arg6[%dma_wait3A_272, %dma_wait3A_273] : memref<2048x32xf32, #tpu.memory_space<vmem>> -> memref<128x32xf32, #tpu.memory_space<vmem>>
      %dma_wait3A_275 = arith.constant 0 : i32
      %dma_wait3A_276 = tpu.memref_slice %arg5[%add3A_92, %dma_wait3A_275] : memref<32x128xi32, #tpu.memory_space<vmem>> -> memref<1x128xi32, #tpu.memory_space<vmem>>
      %dma_wait3A_277 = tpu.memref_squeeze %dma_wait3A_276 : memref<1x128xi32, #tpu.memory_space<vmem>> -> memref<128xi32, #tpu.memory_space<vmem>>
      %dma_wait3A_278 = arith.constant 0 : i32
      %dma_wait3A_279 = arith.constant 0 : i32
      %dma_wait3A_280 = tpu.memref_slice %arg2[%dma_wait3A_278, %dma_wait3A_279] : memref<8192x32xf32, #tpu.memory_space<hbm>> -> memref<8192x32xf32, #tpu.memory_space<hbm>>
      tpu.wait_indirect_dma semaphore(%arg7 : memref<!tpu.dma_semaphore, #tpu.memory_space<semaphore_mem>>) src(%dma_wait3A_280 : memref<8192x32xf32, #tpu.memory_space<hbm>>) dst(%dma_wait3A_274 : memref<128x32xf32, #tpu.memory_space<vmem>>)
      %dma_wait3A_281 = arith.constant 896 : i32
      %dma_wait3A_282 = arith.constant 0 : i32
      %dma_wait3A_283 = tpu.memref_slice %arg6[%dma_wait3A_281, %dma_wait3A_282] : memref<2048x32xf32, #tpu.memory_space<vmem>> -> memref<128x32xf32, #tpu.memory_space<vmem>>
      %dma_wait3A_284 = arith.constant 0 : i32
      %dma_wait3A_285 = tpu.memref_slice %arg5[%add3A_105, %dma_wait3A_284] : memref<32x128xi32, #tpu.memory_space<vmem>> -> memref<1x128xi32, #tpu.memory_space<vmem>>
      %dma_wait3A_286 = tpu.memref_squeeze %dma_wait3A_285 : memref<1x128xi32, #tpu.memory_space<vmem>> -> memref<128xi32, #tpu.memory_space<vmem>>
      %dma_wait3A_287 = arith.constant 0 : i32
      %dma_wait3A_288 = arith.constant 0 : i32
      %dma_wait3A_289 = tpu.memref_slice %arg2[%dma_wait3A_287, %dma_wait3A_288] : memref<8192x32xf32, #tpu.memory_space<hbm>> -> memref<8192x32xf32, #tpu.memory_space<hbm>>
      tpu.wait_indirect_dma semaphore(%arg7 : memref<!tpu.dma_semaphore, #tpu.memory_space<semaphore_mem>>) src(%dma_wait3A_289 : memref<8192x32xf32, #tpu.memory_space<hbm>>) dst(%dma_wait3A_283 : memref<128x32xf32, #tpu.memory_space<vmem>>)
      %dma_wait3A_290 = arith.constant 1024 : i32
      %dma_wait3A_291 = arith.constant 0 : i32
      %dma_wait3A_292 = tpu.memref_slice %arg6[%dma_wait3A_290, %dma_wait3A_291] : memref<2048x32xf32, #tpu.memory_space<vmem>> -> memref<128x32xf32, #tpu.memory_space<vmem>>
      %dma_wait3A_293 = arith.constant 0 : i32
      %dma_wait3A_294 = tpu.memref_slice %arg5[%add3A_118, %dma_wait3A_293] : memref<32x128xi32, #tpu.memory_space<vmem>> -> memref<1x128xi32, #tpu.memory_space<vmem>>
      %dma_wait3A_295 = tpu.memref_squeeze %dma_wait3A_294 : memref<1x128xi32, #tpu.memory_space<vmem>> -> memref<128xi32, #tpu.memory_space<vmem>>
      %dma_wait3A_296 = arith.constant 0 : i32
      %dma_wait3A_297 = arith.constant 0 : i32
      %dma_wait3A_298 = tpu.memref_slice %arg2[%dma_wait3A_296, %dma_wait3A_297] : memref<8192x32xf32, #tpu.memory_space<hbm>> -> memref<8192x32xf32, #tpu.memory_space<hbm>>
      tpu.wait_indirect_dma semaphore(%arg7 : memref<!tpu.dma_semaphore, #tpu.memory_space<semaphore_mem>>) src(%dma_wait3A_298 : memref<8192x32xf32, #tpu.memory_space<hbm>>) dst(%dma_wait3A_292 : memref<128x32xf32, #tpu.memory_space<vmem>>)
      %dma_wait3A_299 = arith.constant 1152 : i32
      %dma_wait3A_300 = arith.constant 0 : i32
      %dma_wait3A_301 = tpu.memref_slice %arg6[%dma_wait3A_299, %dma_wait3A_300] : memref<2048x32xf32, #tpu.memory_space<vmem>> -> memref<128x32xf32, #tpu.memory_space<vmem>>
      %dma_wait3A_302 = arith.constant 0 : i32
      %dma_wait3A_303 = tpu.memref_slice %arg5[%add3A_131, %dma_wait3A_302] : memref<32x128xi32, #tpu.memory_space<vmem>> -> memref<1x128xi32, #tpu.memory_space<vmem>>
      %dma_wait3A_304 = tpu.memref_squeeze %dma_wait3A_303 : memref<1x128xi32, #tpu.memory_space<vmem>> -> memref<128xi32, #tpu.memory_space<vmem>>
      %dma_wait3A_305 = arith.constant 0 : i32
      %dma_wait3A_306 = arith.constant 0 : i32
      %dma_wait3A_307 = tpu.memref_slice %arg2[%dma_wait3A_305, %dma_wait3A_306] : memref<8192x32xf32, #tpu.memory_space<hbm>> -> memref<8192x32xf32, #tpu.memory_space<hbm>>
      tpu.wait_indirect_dma semaphore(%arg7 : memref<!tpu.dma_semaphore, #tpu.memory_space<semaphore_mem>>) src(%dma_wait3A_307 : memref<8192x32xf32, #tpu.memory_space<hbm>>) dst(%dma_wait3A_301 : memref<128x32xf32, #tpu.memory_space<vmem>>)
      %dma_wait3A_308 = arith.constant 1280 : i32
      %dma_wait3A_309 = arith.constant 0 : i32
      %dma_wait3A_310 = tpu.memref_slice %arg6[%dma_wait3A_308, %dma_wait3A_309] : memref<2048x32xf32, #tpu.memory_space<vmem>> -> memref<128x32xf32, #tpu.memory_space<vmem>>
      %dma_wait3A_311 = arith.constant 0 : i32
      %dma_wait3A_312 = tpu.memref_slice %arg5[%add3A_144, %dma_wait3A_311] : memref<32x128xi32, #tpu.memory_space<vmem>> -> memref<1x128xi32, #tpu.memory_space<vmem>>
      %dma_wait3A_313 = tpu.memref_squeeze %dma_wait3A_312 : memref<1x128xi32, #tpu.memory_space<vmem>> -> memref<128xi32, #tpu.memory_space<vmem>>
      %dma_wait3A_314 = arith.constant 0 : i32
      %dma_wait3A_315 = arith.constant 0 : i32
      %dma_wait3A_316 = tpu.memref_slice %arg2[%dma_wait3A_314, %dma_wait3A_315] : memref<8192x32xf32, #tpu.memory_space<hbm>> -> memref<8192x32xf32, #tpu.memory_space<hbm>>
      tpu.wait_indirect_dma semaphore(%arg7 : memref<!tpu.dma_semaphore, #tpu.memory_space<semaphore_mem>>) src(%dma_wait3A_316 : memref<8192x32xf32, #tpu.memory_space<hbm>>) dst(%dma_wait3A_310 : memref<128x32xf32, #tpu.memory_space<vmem>>)
      %dma_wait3A_317 = arith.constant 1408 : i32
      %dma_wait3A_318 = arith.constant 0 : i32
      %dma_wait3A_319 = tpu.memref_slice %arg6[%dma_wait3A_317, %dma_wait3A_318] : memref<2048x32xf32, #tpu.memory_space<vmem>> -> memref<128x32xf32, #tpu.memory_space<vmem>>
      %dma_wait3A_320 = arith.constant 0 : i32
      %dma_wait3A_321 = tpu.memref_slice %arg5[%add3A_157, %dma_wait3A_320] : memref<32x128xi32, #tpu.memory_space<vmem>> -> memref<1x128xi32, #tpu.memory_space<vmem>>
      %dma_wait3A_322 = tpu.memref_squeeze %dma_wait3A_321 : memref<1x128xi32, #tpu.memory_space<vmem>> -> memref<128xi32, #tpu.memory_space<vmem>>
      %dma_wait3A_323 = arith.constant 0 : i32
      %dma_wait3A_324 = arith.constant 0 : i32
      %dma_wait3A_325 = tpu.memref_slice %arg2[%dma_wait3A_323, %dma_wait3A_324] : memref<8192x32xf32, #tpu.memory_space<hbm>> -> memref<8192x32xf32, #tpu.memory_space<hbm>>
      tpu.wait_indirect_dma semaphore(%arg7 : memref<!tpu.dma_semaphore, #tpu.memory_space<semaphore_mem>>) src(%dma_wait3A_325 : memref<8192x32xf32, #tpu.memory_space<hbm>>) dst(%dma_wait3A_319 : memref<128x32xf32, #tpu.memory_space<vmem>>)
      %dma_wait3A_326 = arith.constant 1536 : i32
      %dma_wait3A_327 = arith.constant 0 : i32
      %dma_wait3A_328 = tpu.memref_slice %arg6[%dma_wait3A_326, %dma_wait3A_327] : memref<2048x32xf32, #tpu.memory_space<vmem>> -> memref<128x32xf32, #tpu.memory_space<vmem>>
      %dma_wait3A_329 = arith.constant 0 : i32
      %dma_wait3A_330 = tpu.memref_slice %arg5[%add3A_170, %dma_wait3A_329] : memref<32x128xi32, #tpu.memory_space<vmem>> -> memref<1x128xi32, #tpu.memory_space<vmem>>
      %dma_wait3A_331 = tpu.memref_squeeze %dma_wait3A_330 : memref<1x128xi32, #tpu.memory_space<vmem>> -> memref<128xi32, #tpu.memory_space<vmem>>
      %dma_wait3A_332 = arith.constant 0 : i32
      %dma_wait3A_333 = arith.constant 0 : i32
      %dma_wait3A_334 = tpu.memref_slice %arg2[%dma_wait3A_332, %dma_wait3A_333] : memref<8192x32xf32, #tpu.memory_space<hbm>> -> memref<8192x32xf32, #tpu.memory_space<hbm>>
      tpu.wait_indirect_dma semaphore(%arg7 : memref<!tpu.dma_semaphore, #tpu.memory_space<semaphore_mem>>) src(%dma_wait3A_334 : memref<8192x32xf32, #tpu.memory_space<hbm>>) dst(%dma_wait3A_328 : memref<128x32xf32, #tpu.memory_space<vmem>>)
      %dma_wait3A_335 = arith.constant 1664 : i32
      %dma_wait3A_336 = arith.constant 0 : i32
      %dma_wait3A_337 = tpu.memref_slice %arg6[%dma_wait3A_335, %dma_wait3A_336] : memref<2048x32xf32, #tpu.memory_space<vmem>> -> memref<128x32xf32, #tpu.memory_space<vmem>>
      %dma_wait3A_338 = arith.constant 0 : i32
      %dma_wait3A_339 = tpu.memref_slice %arg5[%add3A_183, %dma_wait3A_338] : memref<32x128xi32, #tpu.memory_space<vmem>> -> memref<1x128xi32, #tpu.memory_space<vmem>>
      %dma_wait3A_340 = tpu.memref_squeeze %dma_wait3A_339 : memref<1x128xi32, #tpu.memory_space<vmem>> -> memref<128xi32, #tpu.memory_space<vmem>>
      %dma_wait3A_341 = arith.constant 0 : i32
      %dma_wait3A_342 = arith.constant 0 : i32
      %dma_wait3A_343 = tpu.memref_slice %arg2[%dma_wait3A_341, %dma_wait3A_342] : memref<8192x32xf32, #tpu.memory_space<hbm>> -> memref<8192x32xf32, #tpu.memory_space<hbm>>
      tpu.wait_indirect_dma semaphore(%arg7 : memref<!tpu.dma_semaphore, #tpu.memory_space<semaphore_mem>>) src(%dma_wait3A_343 : memref<8192x32xf32, #tpu.memory_space<hbm>>) dst(%dma_wait3A_337 : memref<128x32xf32, #tpu.memory_space<vmem>>)
      %dma_wait3A_344 = arith.constant 1792 : i32
      %dma_wait3A_345 = arith.constant 0 : i32
      %dma_wait3A_346 = tpu.memref_slice %arg6[%dma_wait3A_344, %dma_wait3A_345] : memref<2048x32xf32, #tpu.memory_space<vmem>> -> memref<128x32xf32, #tpu.memory_space<vmem>>
      %dma_wait3A_347 = arith.constant 0 : i32
      %dma_wait3A_348 = tpu.memref_slice %arg5[%add3A_196, %dma_wait3A_347] : memref<32x128xi32, #tpu.memory_space<vmem>> -> memref<1x128xi32, #tpu.memory_space<vmem>>
      %dma_wait3A_349 = tpu.memref_squeeze %dma_wait3A_348 : memref<1x128xi32, #tpu.memory_space<vmem>> -> memref<128xi32, #tpu.memory_space<vmem>>
      %dma_wait3A_350 = arith.constant 0 : i32
      %dma_wait3A_351 = arith.constant 0 : i32
      %dma_wait3A_352 = tpu.memref_slice %arg2[%dma_wait3A_350, %dma_wait3A_351] : memref<8192x32xf32, #tpu.memory_space<hbm>> -> memref<8192x32xf32, #tpu.memory_space<hbm>>
      tpu.wait_indirect_dma semaphore(%arg7 : memref<!tpu.dma_semaphore, #tpu.memory_space<semaphore_mem>>) src(%dma_wait3A_352 : memref<8192x32xf32, #tpu.memory_space<hbm>>) dst(%dma_wait3A_346 : memref<128x32xf32, #tpu.memory_space<vmem>>)
      %dma_wait3A_353 = arith.constant 1920 : i32
      %dma_wait3A_354 = arith.constant 0 : i32
      %dma_wait3A_355 = tpu.memref_slice %arg6[%dma_wait3A_353, %dma_wait3A_354] : memref<2048x32xf32, #tpu.memory_space<vmem>> -> memref<128x32xf32, #tpu.memory_space<vmem>>
      %dma_wait3A_356 = arith.constant 0 : i32
      %dma_wait3A_357 = tpu.memref_slice %arg5[%add3A_209, %dma_wait3A_356] : memref<32x128xi32, #tpu.memory_space<vmem>> -> memref<1x128xi32, #tpu.memory_space<vmem>>
      %dma_wait3A_358 = tpu.memref_squeeze %dma_wait3A_357 : memref<1x128xi32, #tpu.memory_space<vmem>> -> memref<128xi32, #tpu.memory_space<vmem>>
      %dma_wait3A_359 = arith.constant 0 : i32
      %dma_wait3A_360 = arith.constant 0 : i32
      %dma_wait3A_361 = tpu.memref_slice %arg2[%dma_wait3A_359, %dma_wait3A_360] : memref<8192x32xf32, #tpu.memory_space<hbm>> -> memref<8192x32xf32, #tpu.memory_space<hbm>>
      tpu.wait_indirect_dma semaphore(%arg7 : memref<!tpu.dma_semaphore, #tpu.memory_space<semaphore_mem>>) src(%dma_wait3A_361 : memref<8192x32xf32, #tpu.memory_space<hbm>>) dst(%dma_wait3A_355 : memref<128x32xf32, #tpu.memory_space<vmem>>)
      %mul3A_362 = arith.constant 4096 : i32
      %mul3A_363 = arith.muli %add3A, %mul3A_362 : i32
      %mul3A_364 = arith.constant 2048 : i32
      %mul3A_365 = arith.muli %add3A_11, %mul3A_364 : i32
      %add3A_366 = arith.addi %mul3A_363, %mul3A_365 : i32
      "tpu.region"() ({
        %run_scoped3A = tpu.sem_alloc : memref<!tpu.dma_semaphore, #tpu.memory_space<semaphore_mem>>
        %dma_start3A_367 = arith.constant 0 : i32
        %dma_start3A_368 = tpu.memref_slice %arg4[%add3A_366, %dma_start3A_367] : memref<131072x32xf32, #tpu.memory_space<hbm>> -> memref<2048x32xf32, #tpu.memory_space<hbm>>
        %dma_start3A_369 = arith.constant 0 : i32
        %dma_start3A_370 = tpu.memref_slice %arg4[%add3A_366, %dma_start3A_369] : memref<131072x32xf32, #tpu.memory_space<hbm>> -> memref<2048x32xf32, #tpu.memory_space<hbm>>
        tpu.enqueue_dma source(%arg6 : memref<2048x32xf32, #tpu.memory_space<vmem>>) target(%dma_start3A_370 : memref<2048x32xf32, #tpu.memory_space<hbm>>) target_semaphore(%run_scoped3A : memref<!tpu.dma_semaphore, #tpu.memory_space<semaphore_mem>>)
        %dma_wait3A_371 = arith.constant 0 : i32
        %dma_wait3A_372 = tpu.memref_slice %arg4[%add3A_366, %dma_wait3A_371] : memref<131072x32xf32, #tpu.memory_space<hbm>> -> memref<2048x32xf32, #tpu.memory_space<hbm>>
        %dma_wait3A_373 = arith.constant 0 : i32
        %dma_wait3A_374 = tpu.memref_slice %arg4[%add3A_366, %dma_wait3A_373] : memref<131072x32xf32, #tpu.memory_space<hbm>> -> memref<2048x32xf32, #tpu.memory_space<hbm>>
        tpu.wait_dma2 semaphore(%run_scoped3A : memref<!tpu.dma_semaphore, #tpu.memory_space<semaphore_mem>>) src(%arg6 : memref<2048x32xf32, #tpu.memory_space<vmem>>) dst(%dma_wait3A_374 : memref<2048x32xf32, #tpu.memory_space<hbm>>)
        tpu.yield
      }) : () -> ()
    }
    %scan3A_6 = arith.constant 2 : i32
    return
  }
}

#map = affine_map<(d0, d1) -> (0, 0)>
module attributes {stable_mosaic.version = 14 : i64} {
  func.func @body(%arg0: i32, %arg1: i32, %arg2: memref<8192x32xf32, #tpu.memory_space<hbm>>, %arg3: memref<1024x128xi32, #tpu.memory_space<hbm>>, %arg4: memref<131072x32xf32, #tpu.memory_space<hbm>>, %arg5: memref<32x128xi32, #tpu.memory_space<vmem>>, %arg6: memref<2048x32xf32, #tpu.memory_space<vmem>>, %arg7: memref<!tpu.dma_semaphore, #tpu.memory_space<semaphore_mem>>) attributes {dimension_semantics = [#tpu.dimension_semantics<core_parallel>, #tpu.dimension_semantics<subcore_parallel>], iteration_bounds = array<i64: 2, 16>, scalar_prefetch = 0 : i64, scratch_operands = 3 : i64, tpu.core_type = #tpu.core_type<sc_vector_subcore>, window_params = [{transform_indices = #map}, {transform_indices = #map}, {transform_indices = #map}]} {
    %mul3A = arith.constant 2 : i32
    %mul3A_0 = arith.muli %arg1, %mul3A : i32
    %add3A = arith.addi %mul3A_0, %arg0 : i32
    %mul3A_1 = arith.constant 32 : i32
    %mul3A_2 = arith.muli %add3A, %mul3A_1 : i32
    "tpu.region"() ({
      %run_scoped3A = tpu.sem_alloc : memref<!tpu.dma_semaphore, #tpu.memory_space<semaphore_mem>>
      %dma_start3A = arith.constant 0 : i32
      %dma_start3A_7 = tpu.memref_slice %arg3[%mul3A_2, %dma_start3A] : memref<1024x128xi32, #tpu.memory_space<hbm>> -> memref<32x128xi32, #tpu.memory_space<hbm>>
      %dma_start3A_8 = arith.constant 0 : i32
      %dma_start3A_9 = tpu.memref_slice %arg3[%mul3A_2, %dma_start3A_8] : memref<1024x128xi32, #tpu.memory_space<hbm>> -> memref<32x128xi32, #tpu.memory_space<hbm>>
      tpu.enqueue_dma source(%dma_start3A_9 : memref<32x128xi32, #tpu.memory_space<hbm>>) target(%arg5 : memref<32x128xi32, #tpu.memory_space<vmem>>) target_semaphore(%run_scoped3A : memref<!tpu.dma_semaphore, #tpu.memory_space<semaphore_mem>>)
      %dma_wait3A = arith.constant 0 : i32
      %dma_wait3A_10 = tpu.memref_slice %arg3[%mul3A_2, %dma_wait3A] : memref<1024x128xi32, #tpu.memory_space<hbm>> -> memref<32x128xi32, #tpu.memory_space<hbm>>
      %dma_wait3A_11 = arith.constant 0 : i32
      %dma_wait3A_12 = tpu.memref_slice %arg3[%mul3A_2, %dma_wait3A_11] : memref<1024x128xi32, #tpu.memory_space<hbm>> -> memref<32x128xi32, #tpu.memory_space<hbm>>
      tpu.wait_dma2 semaphore(%run_scoped3A : memref<!tpu.dma_semaphore, #tpu.memory_space<semaphore_mem>>) src(%dma_wait3A_12 : memref<32x128xi32, #tpu.memory_space<hbm>>) dst(%arg5 : memref<32x128xi32, #tpu.memory_space<vmem>>)
      tpu.yield
    }) : () -> ()
    %scan3A = arith.constant 0 : i32
    %scan3A_3 = arith.constant 2 : i32
    %scan3A_4 = arith.addi %scan3A, %scan3A_3 : i32
    %scan3A_5 = arith.constant 1 : i32
    scf.for %scan3A_7 = %scan3A to %scan3A_4 step %scan3A_5  : i32 {
      %mul3A_8 = arith.constant 1 : i32
      %mul3A_9 = arith.muli %scan3A_7, %mul3A_8 : i32
      %add3A_10 = arith.constant 0 : i32
      %add3A_11 = arith.addi %add3A_10, %mul3A_9 : i32
      %mul3A_12 = arith.constant 16 : i32
      %mul3A_13 = arith.muli %add3A_11, %mul3A_12 : i32
      %add3A_14 = arith.constant 0 : i32
      %add3A_15 = arith.addi %mul3A_13, %add3A_14 : i32
      %dma_start3A = arith.constant 0 : i32
      %dma_start3A_16 = arith.constant 0 : i32
      %dma_start3A_17 = tpu.memref_slice %arg6[%dma_start3A, %dma_start3A_16] : memref<2048x32xf32, #tpu.memory_space<vmem>> -> memref<128x32xf32, #tpu.memory_space<vmem>>
      %dma_start3A_18 = arith.constant 0 : i32
      %dma_start3A_19 = tpu.memref_slice %arg5[%add3A_15, %dma_start3A_18] : memref<32x128xi32, #tpu.memory_space<vmem>> -> memref<1x128xi32, #tpu.memory_space<vmem>>
      %dma_start3A_20 = tpu.memref_squeeze %dma_start3A_19 : memref<1x128xi32, #tpu.memory_space<vmem>> -> memref<128xi32, #tpu.memory_space<vmem>>
      %dma_start3A_21 = arith.constant 0 : i32
      %dma_start3A_22 = arith.constant 0 : i32
      %dma_start3A_23 = tpu.memref_slice %arg2[%dma_start3A_21, %dma_start3A_22] : memref<8192x32xf32, #tpu.memory_space<hbm>> -> memref<8192x32xf32, #tpu.memory_space<hbm>>
      tpu.enqueue_indirect_dma source(%dma_start3A_23 : memref<8192x32xf32, #tpu.memory_space<hbm>>) target(%dma_start3A_17 : memref<128x32xf32, #tpu.memory_space<vmem>>) offsets(%dma_start3A_20 : memref<128xi32, #tpu.memory_space<vmem>>) semaphore(%arg7 : memref<!tpu.dma_semaphore, #tpu.memory_space<semaphore_mem>>)
      %mul3A_24 = arith.constant 16 : i32
      %mul3A_25 = arith.muli %add3A_11, %mul3A_24 : i32
      %add3A_26 = arith.constant 1 : i32
      %add3A_27 = arith.addi %mul3A_25, %add3A_26 : i32
      %dma_start3A_28 = arith.constant 128 : i32
      %dma_start3A_29 = arith.constant 0 : i32
      %dma_start3A_30 = tpu.memref_slice %arg6[%dma_start3A_28, %dma_start3A_29] : memref<2048x32xf32, #tpu.memory_space<vmem>> -> memref<128x32xf32, #tpu.memory_space<vmem>>
      %dma_start3A_31 = arith.constant 0 : i32
      %dma_start3A_32 = tpu.memref_slice %arg5[%add3A_27, %dma_start3A_31] : memref<32x128xi32, #tpu.memory_space<vmem>> -> memref<1x128xi32, #tpu.memory_space<vmem>>
      %dma_start3A_33 = tpu.memref_squeeze %dma_start3A_32 : memref<1x128xi32, #tpu.memory_space<vmem>> -> memref<128xi32, #tpu.memory_space<vmem>>
      %dma_start3A_34 = arith.constant 0 : i32
      %dma_start3A_35 = arith.constant 0 : i32
      %dma_start3A_36 = tpu.memref_slice %arg2[%dma_start3A_34, %dma_start3A_35] : memref<8192x32xf32, #tpu.memory_space<hbm>> -> memref<8192x32xf32, #tpu.memory_space<hbm>>
      tpu.enqueue_indirect_dma source(%dma_start3A_36 : memref<8192x32xf32, #tpu.memory_space<hbm>>) target(%dma_start3A_30 : memref<128x32xf32, #tpu.memory_space<vmem>>) offsets(%dma_start3A_33 : memref<128xi32, #tpu.memory_space<vmem>>) semaphore(%arg7 : memref<!tpu.dma_semaphore, #tpu.memory_space<semaphore_mem>>)
      %mul3A_37 = arith.constant 16 : i32
      %mul3A_38 = arith.muli %add3A_11, %mul3A_37 : i32
      %add3A_39 = arith.constant 2 : i32
      %add3A_40 = arith.addi %mul3A_38, %add3A_39 : i32
      %dma_start3A_41 = arith.constant 256 : i32
      %dma_start3A_42 = arith.constant 0 : i32
      %dma_start3A_43 = tpu.memref_slice %arg6[%dma_start3A_41, %dma_start3A_42] : memref<2048x32xf32, #tpu.memory_space<vmem>> -> memref<128x32xf32, #tpu.memory_space<vmem>>
      %dma_start3A_44 = arith.constant 0 : i32
      %dma_start3A_45 = tpu.memref_slice %arg5[%add3A_40, %dma_start3A_44] : memref<32x128xi32, #tpu.memory_space<vmem>> -> memref<1x128xi32, #tpu.memory_space<vmem>>
      %dma_start3A_46 = tpu.memref_squeeze %dma_start3A_45 : memref<1x128xi32, #tpu.memory_space<vmem>> -> memref<128xi32, #tpu.memory_space<vmem>>
      %dma_start3A_47 = arith.constant 0 : i32
      %dma_start3A_48 = arith.constant 0 : i32
      %dma_start3A_49 = tpu.memref_slice %arg2[%dma_start3A_47, %dma_start3A_48] : memref<8192x32xf32, #tpu.memory_space<hbm>> -> memref<8192x32xf32, #tpu.memory_space<hbm>>
      tpu.enqueue_indirect_dma source(%dma_start3A_49 : memref<8192x32xf32, #tpu.memory_space<hbm>>) target(%dma_start3A_43 : memref<128x32xf32, #tpu.memory_space<vmem>>) offsets(%dma_start3A_46 : memref<128xi32, #tpu.memory_space<vmem>>) semaphore(%arg7 : memref<!tpu.dma_semaphore, #tpu.memory_space<semaphore_mem>>)
      %mul3A_50 = arith.constant 16 : i32
      %mul3A_51 = arith.muli %add3A_11, %mul3A_50 : i32
      %add3A_52 = arith.constant 3 : i32
      %add3A_53 = arith.addi %mul3A_51, %add3A_52 : i32
      %dma_start3A_54 = arith.constant 384 : i32
      %dma_start3A_55 = arith.constant 0 : i32
      %dma_start3A_56 = tpu.memref_slice %arg6[%dma_start3A_54, %dma_start3A_55] : memref<2048x32xf32, #tpu.memory_space<vmem>> -> memref<128x32xf32, #tpu.memory_space<vmem>>
      %dma_start3A_57 = arith.constant 0 : i32
      %dma_start3A_58 = tpu.memref_slice %arg5[%add3A_53, %dma_start3A_57] : memref<32x128xi32, #tpu.memory_space<vmem>> -> memref<1x128xi32, #tpu.memory_space<vmem>>
      %dma_start3A_59 = tpu.memref_squeeze %dma_start3A_58 : memref<1x128xi32, #tpu.memory_space<vmem>> -> memref<128xi32, #tpu.memory_space<vmem>>
      %dma_start3A_60 = arith.constant 0 : i32
      %dma_start3A_61 = arith.constant 0 : i32
      %dma_start3A_62 = tpu.memref_slice %arg2[%dma_start3A_60, %dma_start3A_61] : memref<8192x32xf32, #tpu.memory_space<hbm>> -> memref<8192x32xf32, #tpu.memory_space<hbm>>
      tpu.enqueue_indirect_dma source(%dma_start3A_62 : memref<8192x32xf32, #tpu.memory_space<hbm>>) target(%dma_start3A_56 : memref<128x32xf32, #tpu.memory_space<vmem>>) offsets(%dma_start3A_59 : memref<128xi32, #tpu.memory_space<vmem>>) semaphore(%arg7 : memref<!tpu.dma_semaphore, #tpu.memory_space<semaphore_mem>>)
      %mul3A_63 = arith.constant 16 : i32
      %mul3A_64 = arith.muli %add3A_11, %mul3A_63 : i32
      %add3A_65 = arith.constant 4 : i32
      %add3A_66 = arith.addi %mul3A_64, %add3A_65 : i32
      %dma_start3A_67 = arith.constant 512 : i32
      %dma_start3A_68 = arith.constant 0 : i32
      %dma_start3A_69 = tpu.memref_slice %arg6[%dma_start3A_67, %dma_start3A_68] : memref<2048x32xf32, #tpu.memory_space<vmem>> -> memref<128x32xf32, #tpu.memory_space<vmem>>
      %dma_start3A_70 = arith.constant 0 : i32
      %dma_start3A_71 = tpu.memref_slice %arg5[%add3A_66, %dma_start3A_70] : memref<32x128xi32, #tpu.memory_space<vmem>> -> memref<1x128xi32, #tpu.memory_space<vmem>>
      %dma_start3A_72 = tpu.memref_squeeze %dma_start3A_71 : memref<1x128xi32, #tpu.memory_space<vmem>> -> memref<128xi32, #tpu.memory_space<vmem>>
      %dma_start3A_73 = arith.constant 0 : i32
      %dma_start3A_74 = arith.constant 0 : i32
      %dma_start3A_75 = tpu.memref_slice %arg2[%dma_start3A_73, %dma_start3A_74] : memref<8192x32xf32, #tpu.memory_space<hbm>> -> memref<8192x32xf32, #tpu.memory_space<hbm>>
      tpu.enqueue_indirect_dma source(%dma_start3A_75 : memref<8192x32xf32, #tpu.memory_space<hbm>>) target(%dma_start3A_69 : memref<128x32xf32, #tpu.memory_space<vmem>>) offsets(%dma_start3A_72 : memref<128xi32, #tpu.memory_space<vmem>>) semaphore(%arg7 : memref<!tpu.dma_semaphore, #tpu.memory_space<semaphore_mem>>)
      %mul3A_76 = arith.constant 16 : i32
      %mul3A_77 = arith.muli %add3A_11, %mul3A_76 : i32
      %add3A_78 = arith.constant 5 : i32
      %add3A_79 = arith.addi %mul3A_77, %add3A_78 : i32
      %dma_start3A_80 = arith.constant 640 : i32
      %dma_start3A_81 = arith.constant 0 : i32
      %dma_start3A_82 = tpu.memref_slice %arg6[%dma_start3A_80, %dma_start3A_81] : memref<2048x32xf32, #tpu.memory_space<vmem>> -> memref<128x32xf32, #tpu.memory_space<vmem>>
      %dma_start3A_83 = arith.constant 0 : i32
      %dma_start3A_84 = tpu.memref_slice %arg5[%add3A_79, %dma_start3A_83] : memref<32x128xi32, #tpu.memory_space<vmem>> -> memref<1x128xi32, #tpu.memory_space<vmem>>
      %dma_start3A_85 = tpu.memref_squeeze %dma_start3A_84 : memref<1x128xi32, #tpu.memory_space<vmem>> -> memref<128xi32, #tpu.memory_space<vmem>>
      %dma_start3A_86 = arith.constant 0 : i32
      %dma_start3A_87 = arith.constant 0 : i32
      %dma_start3A_88 = tpu.memref_slice %arg2[%dma_start3A_86, %dma_start3A_87] : memref<8192x32xf32, #tpu.memory_space<hbm>> -> memref<8192x32xf32, #tpu.memory_space<hbm>>
      tpu.enqueue_indirect_dma source(%dma_start3A_88 : memref<8192x32xf32, #tpu.memory_space<hbm>>) target(%dma_start3A_82 : memref<128x32xf32, #tpu.memory_space<vmem>>) offsets(%dma_start3A_85 : memref<128xi32, #tpu.memory_space<vmem>>) semaphore(%arg7 : memref<!tpu.dma_semaphore, #tpu.memory_space<semaphore_mem>>)
      %mul3A_89 = arith.constant 16 : i32
      %mul3A_90 = arith.muli %add3A_11, %mul3A_89 : i32
      %add3A_91 = arith.constant 6 : i32
      %add3A_92 = arith.addi %mul3A_90, %add3A_91 : i32
      %dma_start3A_93 = arith.constant 768 : i32
      %dma_start3A_94 = arith.constant 0 : i32
      %dma_start3A_95 = tpu.memref_slice %arg6[%dma_start3A_93, %dma_start3A_94] : memref<2048x32xf32, #tpu.memory_space<vmem>> -> memref<128x32xf32, #tpu.memory_space<vmem>>
      %dma_start3A_96 = arith.constant 0 : i32
      %dma_start3A_97 = tpu.memref_slice %arg5[%add3A_92, %dma_start3A_96] : memref<32x128xi32, #tpu.memory_space<vmem>> -> memref<1x128xi32, #tpu.memory_space<vmem>>
      %dma_start3A_98 = tpu.memref_squeeze %dma_start3A_97 : memref<1x128xi32, #tpu.memory_space<vmem>> -> memref<128xi32, #tpu.memory_space<vmem>>
      %dma_start3A_99 = arith.constant 0 : i32
      %dma_start3A_100 = arith.constant 0 : i32
      %dma_start3A_101 = tpu.memref_slice %arg2[%dma_start3A_99, %dma_start3A_100] : memref<8192x32xf32, #tpu.memory_space<hbm>> -> memref<8192x32xf32, #tpu.memory_space<hbm>>
      tpu.enqueue_indirect_dma source(%dma_start3A_101 : memref<8192x32xf32, #tpu.memory_space<hbm>>) target(%dma_start3A_95 : memref<128x32xf32, #tpu.memory_space<vmem>>) offsets(%dma_start3A_98 : memref<128xi32, #tpu.memory_space<vmem>>) semaphore(%arg7 : memref<!tpu.dma_semaphore, #tpu.memory_space<semaphore_mem>>)
      %mul3A_102 = arith.constant 16 : i32
      %mul3A_103 = arith.muli %add3A_11, %mul3A_102 : i32
      %add3A_104 = arith.constant 7 : i32
      %add3A_105 = arith.addi %mul3A_103, %add3A_104 : i32
      %dma_start3A_106 = arith.constant 896 : i32
      %dma_start3A_107 = arith.constant 0 : i32
      %dma_start3A_108 = tpu.memref_slice %arg6[%dma_start3A_106, %dma_start3A_107] : memref<2048x32xf32, #tpu.memory_space<vmem>> -> memref<128x32xf32, #tpu.memory_space<vmem>>
      %dma_start3A_109 = arith.constant 0 : i32
      %dma_start3A_110 = tpu.memref_slice %arg5[%add3A_105, %dma_start3A_109] : memref<32x128xi32, #tpu.memory_space<vmem>> -> memref<1x128xi32, #tpu.memory_space<vmem>>
      %dma_start3A_111 = tpu.memref_squeeze %dma_start3A_110 : memref<1x128xi32, #tpu.memory_space<vmem>> -> memref<128xi32, #tpu.memory_space<vmem>>
      %dma_start3A_112 = arith.constant 0 : i32
      %dma_start3A_113 = arith.constant 0 : i32
      %dma_start3A_114 = tpu.memref_slice %arg2[%dma_start3A_112, %dma_start3A_113] : memref<8192x32xf32, #tpu.memory_space<hbm>> -> memref<8192x32xf32, #tpu.memory_space<hbm>>
      tpu.enqueue_indirect_dma source(%dma_start3A_114 : memref<8192x32xf32, #tpu.memory_space<hbm>>) target(%dma_start3A_108 : memref<128x32xf32, #tpu.memory_space<vmem>>) offsets(%dma_start3A_111 : memref<128xi32, #tpu.memory_space<vmem>>) semaphore(%arg7 : memref<!tpu.dma_semaphore, #tpu.memory_space<semaphore_mem>>)
      %mul3A_115 = arith.constant 16 : i32
      %mul3A_116 = arith.muli %add3A_11, %mul3A_115 : i32
      %add3A_117 = arith.constant 8 : i32
      %add3A_118 = arith.addi %mul3A_116, %add3A_117 : i32
      %dma_start3A_119 = arith.constant 1024 : i32
      %dma_start3A_120 = arith.constant 0 : i32
      %dma_start3A_121 = tpu.memref_slice %arg6[%dma_start3A_119, %dma_start3A_120] : memref<2048x32xf32, #tpu.memory_space<vmem>> -> memref<128x32xf32, #tpu.memory_space<vmem>>
      %dma_start3A_122 = arith.constant 0 : i32
      %dma_start3A_123 = tpu.memref_slice %arg5[%add3A_118, %dma_start3A_122] : memref<32x128xi32, #tpu.memory_space<vmem>> -> memref<1x128xi32, #tpu.memory_space<vmem>>
      %dma_start3A_124 = tpu.memref_squeeze %dma_start3A_123 : memref<1x128xi32, #tpu.memory_space<vmem>> -> memref<128xi32, #tpu.memory_space<vmem>>
      %dma_start3A_125 = arith.constant 0 : i32
      %dma_start3A_126 = arith.constant 0 : i32
      %dma_start3A_127 = tpu.memref_slice %arg2[%dma_start3A_125, %dma_start3A_126] : memref<8192x32xf32, #tpu.memory_space<hbm>> -> memref<8192x32xf32, #tpu.memory_space<hbm>>
      tpu.enqueue_indirect_dma source(%dma_start3A_127 : memref<8192x32xf32, #tpu.memory_space<hbm>>) target(%dma_start3A_121 : memref<128x32xf32, #tpu.memory_space<vmem>>) offsets(%dma_start3A_124 : memref<128xi32, #tpu.memory_space<vmem>>) semaphore(%arg7 : memref<!tpu.dma_semaphore, #tpu.memory_space<semaphore_mem>>)
      %mul3A_128 = arith.constant 16 : i32
      %mul3A_129 = arith.muli %add3A_11, %mul3A_128 : i32
      %add3A_130 = arith.constant 9 : i32
      %add3A_131 = arith.addi %mul3A_129, %add3A_130 : i32
      %dma_start3A_132 = arith.constant 1152 : i32
      %dma_start3A_133 = arith.constant 0 : i32
      %dma_start3A_134 = tpu.memref_slice %arg6[%dma_start3A_132, %dma_start3A_133] : memref<2048x32xf32, #tpu.memory_space<vmem>> -> memref<128x32xf32, #tpu.memory_space<vmem>>
      %dma_start3A_135 = arith.constant 0 : i32
      %dma_start3A_136 = tpu.memref_slice %arg5[%add3A_131, %dma_start3A_135] : memref<32x128xi32, #tpu.memory_space<vmem>> -> memref<1x128xi32, #tpu.memory_space<vmem>>
      %dma_start3A_137 = tpu.memref_squeeze %dma_start3A_136 : memref<1x128xi32, #tpu.memory_space<vmem>> -> memref<128xi32, #tpu.memory_space<vmem>>
      %dma_start3A_138 = arith.constant 0 : i32
      %dma_start3A_139 = arith.constant 0 : i32
      %dma_start3A_140 = tpu.memref_slice %arg2[%dma_start3A_138, %dma_start3A_139] : memref<8192x32xf32, #tpu.memory_space<hbm>> -> memref<8192x32xf32, #tpu.memory_space<hbm>>
      tpu.enqueue_indirect_dma source(%dma_start3A_140 : memref<8192x32xf32, #tpu.memory_space<hbm>>) target(%dma_start3A_134 : memref<128x32xf32, #tpu.memory_space<vmem>>) offsets(%dma_start3A_137 : memref<128xi32, #tpu.memory_space<vmem>>) semaphore(%arg7 : memref<!tpu.dma_semaphore, #tpu.memory_space<semaphore_mem>>)
      %mul3A_141 = arith.constant 16 : i32
      %mul3A_142 = arith.muli %add3A_11, %mul3A_141 : i32
      %add3A_143 = arith.constant 10 : i32
      %add3A_144 = arith.addi %mul3A_142, %add3A_143 : i32
      %dma_start3A_145 = arith.constant 1280 : i32
      %dma_start3A_146 = arith.constant 0 : i32
      %dma_start3A_147 = tpu.memref_slice %arg6[%dma_start3A_145, %dma_start3A_146] : memref<2048x32xf32, #tpu.memory_space<vmem>> -> memref<128x32xf32, #tpu.memory_space<vmem>>
      %dma_start3A_148 = arith.constant 0 : i32
      %dma_start3A_149 = tpu.memref_slice %arg5[%add3A_144, %dma_start3A_148] : memref<32x128xi32, #tpu.memory_space<vmem>> -> memref<1x128xi32, #tpu.memory_space<vmem>>
      %dma_start3A_150 = tpu.memref_squeeze %dma_start3A_149 : memref<1x128xi32, #tpu.memory_space<vmem>> -> memref<128xi32, #tpu.memory_space<vmem>>
      %dma_start3A_151 = arith.constant 0 : i32
      %dma_start3A_152 = arith.constant 0 : i32
      %dma_start3A_153 = tpu.memref_slice %arg2[%dma_start3A_151, %dma_start3A_152] : memref<8192x32xf32, #tpu.memory_space<hbm>> -> memref<8192x32xf32, #tpu.memory_space<hbm>>
      tpu.enqueue_indirect_dma source(%dma_start3A_153 : memref<8192x32xf32, #tpu.memory_space<hbm>>) target(%dma_start3A_147 : memref<128x32xf32, #tpu.memory_space<vmem>>) offsets(%dma_start3A_150 : memref<128xi32, #tpu.memory_space<vmem>>) semaphore(%arg7 : memref<!tpu.dma_semaphore, #tpu.memory_space<semaphore_mem>>)
      %mul3A_154 = arith.constant 16 : i32
      %mul3A_155 = arith.muli %add3A_11, %mul3A_154 : i32
      %add3A_156 = arith.constant 11 : i32
      %add3A_157 = arith.addi %mul3A_155, %add3A_156 : i32
      %dma_start3A_158 = arith.constant 1408 : i32
      %dma_start3A_159 = arith.constant 0 : i32
      %dma_start3A_160 = tpu.memref_slice %arg6[%dma_start3A_158, %dma_start3A_159] : memref<2048x32xf32, #tpu.memory_space<vmem>> -> memref<128x32xf32, #tpu.memory_space<vmem>>
      %dma_start3A_161 = arith.constant 0 : i32
      %dma_start3A_162 = tpu.memref_slice %arg5[%add3A_157, %dma_start3A_161] : memref<32x128xi32, #tpu.memory_space<vmem>> -> memref<1x128xi32, #tpu.memory_space<vmem>>
      %dma_start3A_163 = tpu.memref_squeeze %dma_start3A_162 : memref<1x128xi32, #tpu.memory_space<vmem>> -> memref<128xi32, #tpu.memory_space<vmem>>
      %dma_start3A_164 = arith.constant 0 : i32
      %dma_start3A_165 = arith.constant 0 : i32
      %dma_start3A_166 = tpu.memref_slice %arg2[%dma_start3A_164, %dma_start3A_165] : memref<8192x32xf32, #tpu.memory_space<hbm>> -> memref<8192x32xf32, #tpu.memory_space<hbm>>
      tpu.enqueue_indirect_dma source(%dma_start3A_166 : memref<8192x32xf32, #tpu.memory_space<hbm>>) target(%dma_start3A_160 : memref<128x32xf32, #tpu.memory_space<vmem>>) offsets(%dma_start3A_163 : memref<128xi32, #tpu.memory_space<vmem>>) semaphore(%arg7 : memref<!tpu.dma_semaphore, #tpu.memory_space<semaphore_mem>>)
      %mul3A_167 = arith.constant 16 : i32
      %mul3A_168 = arith.muli %add3A_11, %mul3A_167 : i32
      %add3A_169 = arith.constant 12 : i32
      %add3A_170 = arith.addi %mul3A_168, %add3A_169 : i32
      %dma_start3A_171 = arith.constant 1536 : i32
      %dma_start3A_172 = arith.constant 0 : i32
      %dma_start3A_173 = tpu.memref_slice %arg6[%dma_start3A_171, %dma_start3A_172] : memref<2048x32xf32, #tpu.memory_space<vmem>> -> memref<128x32xf32, #tpu.memory_space<vmem>>
      %dma_start3A_174 = arith.constant 0 : i32
      %dma_start3A_175 = tpu.memref_slice %arg5[%add3A_170, %dma_start3A_174] : memref<32x128xi32, #tpu.memory_space<vmem>> -> memref<1x128xi32, #tpu.memory_space<vmem>>
      %dma_start3A_176 = tpu.memref_squeeze %dma_start3A_175 : memref<1x128xi32, #tpu.memory_space<vmem>> -> memref<128xi32, #tpu.memory_space<vmem>>
      %dma_start3A_177 = arith.constant 0 : i32
      %dma_start3A_178 = arith.constant 0 : i32
      %dma_start3A_179 = tpu.memref_slice %arg2[%dma_start3A_177, %dma_start3A_178] : memref<8192x32xf32, #tpu.memory_space<hbm>> -> memref<8192x32xf32, #tpu.memory_space<hbm>>
      tpu.enqueue_indirect_dma source(%dma_start3A_179 : memref<8192x32xf32, #tpu.memory_space<hbm>>) target(%dma_start3A_173 : memref<128x32xf32, #tpu.memory_space<vmem>>) offsets(%dma_start3A_176 : memref<128xi32, #tpu.memory_space<vmem>>) semaphore(%arg7 : memref<!tpu.dma_semaphore, #tpu.memory_space<semaphore_mem>>)
      %mul3A_180 = arith.constant 16 : i32
      %mul3A_181 = arith.muli %add3A_11, %mul3A_180 : i32
      %add3A_182 = arith.constant 13 : i32
      %add3A_183 = arith.addi %mul3A_181, %add3A_182 : i32
      %dma_start3A_184 = arith.constant 1664 : i32
      %dma_start3A_185 = arith.constant 0 : i32
      %dma_start3A_186 = tpu.memref_slice %arg6[%dma_start3A_184, %dma_start3A_185] : memref<2048x32xf32, #tpu.memory_space<vmem>> -> memref<128x32xf32, #tpu.memory_space<vmem>>
      %dma_start3A_187 = arith.constant 0 : i32
      %dma_start3A_188 = tpu.memref_slice %arg5[%add3A_183, %dma_start3A_187] : memref<32x128xi32, #tpu.memory_space<vmem>> -> memref<1x128xi32, #tpu.memory_space<vmem>>
      %dma_start3A_189 = tpu.memref_squeeze %dma_start3A_188 : memref<1x128xi32, #tpu.memory_space<vmem>> -> memref<128xi32, #tpu.memory_space<vmem>>
      %dma_start3A_190 = arith.constant 0 : i32
      %dma_start3A_191 = arith.constant 0 : i32
      %dma_start3A_192 = tpu.memref_slice %arg2[%dma_start3A_190, %dma_start3A_191] : memref<8192x32xf32, #tpu.memory_space<hbm>> -> memref<8192x32xf32, #tpu.memory_space<hbm>>
      tpu.enqueue_indirect_dma source(%dma_start3A_192 : memref<8192x32xf32, #tpu.memory_space<hbm>>) target(%dma_start3A_186 : memref<128x32xf32, #tpu.memory_space<vmem>>) offsets(%dma_start3A_189 : memref<128xi32, #tpu.memory_space<vmem>>) semaphore(%arg7 : memref<!tpu.dma_semaphore, #tpu.memory_space<semaphore_mem>>)
      %mul3A_193 = arith.constant 16 : i32
      %mul3A_194 = arith.muli %add3A_11, %mul3A_193 : i32
      %add3A_195 = arith.constant 14 : i32
      %add3A_196 = arith.addi %mul3A_194, %add3A_195 : i32
      %dma_start3A_197 = arith.constant 1792 : i32
      %dma_start3A_198 = arith.constant 0 : i32
      %dma_start3A_199 = tpu.memref_slice %arg6[%dma_start3A_197, %dma_start3A_198] : memref<2048x32xf32, #tpu.memory_space<vmem>> -> memref<128x32xf32, #tpu.memory_space<vmem>>
      %dma_start3A_200 = arith.constant 0 : i32
      %dma_start3A_201 = tpu.memref_slice %arg5[%add3A_196, %dma_start3A_200] : memref<32x128xi32, #tpu.memory_space<vmem>> -> memref<1x128xi32, #tpu.memory_space<vmem>>
      %dma_start3A_202 = tpu.memref_squeeze %dma_start3A_201 : memref<1x128xi32, #tpu.memory_space<vmem>> -> memref<128xi32, #tpu.memory_space<vmem>>
      %dma_start3A_203 = arith.constant 0 : i32
      %dma_start3A_204 = arith.constant 0 : i32
      %dma_start3A_205 = tpu.memref_slice %arg2[%dma_start3A_203, %dma_start3A_204] : memref<8192x32xf32, #tpu.memory_space<hbm>> -> memref<8192x32xf32, #tpu.memory_space<hbm>>
      tpu.enqueue_indirect_dma source(%dma_start3A_205 : memref<8192x32xf32, #tpu.memory_space<hbm>>) target(%dma_start3A_199 : memref<128x32xf32, #tpu.memory_space<vmem>>) offsets(%dma_start3A_202 : memref<128xi32, #tpu.memory_space<vmem>>) semaphore(%arg7 : memref<!tpu.dma_semaphore, #tpu.memory_space<semaphore_mem>>)
      %mul3A_206 = arith.constant 16 : i32
      %mul3A_207 = arith.muli %add3A_11, %mul3A_206 : i32
      %add3A_208 = arith.constant 15 : i32
      %add3A_209 = arith.addi %mul3A_207, %add3A_208 : i32
      %dma_start3A_210 = arith.constant 1920 : i32
      %dma_start3A_211 = arith.constant 0 : i32
      %dma_start3A_212 = tpu.memref_slice %arg6[%dma_start3A_210, %dma_start3A_211] : memref<2048x32xf32, #tpu.memory_space<vmem>> -> memref<128x32xf32, #tpu.memory_space<vmem>>
      %dma_start3A_213 = arith.constant 0 : i32
      %dma_start3A_214 = tpu.memref_slice %arg5[%add3A_209, %dma_start3A_213] : memref<32x128xi32, #tpu.memory_space<vmem>> -> memref<1x128xi32, #tpu.memory_space<vmem>>
      %dma_start3A_215 = tpu.memref_squeeze %dma_start3A_214 : memref<1x128xi32, #tpu.memory_space<vmem>> -> memref<128xi32, #tpu.memory_space<vmem>>
      %dma_start3A_216 = arith.constant 0 : i32
      %dma_start3A_217 = arith.constant 0 : i32
      %dma_start3A_218 = tpu.memref_slice %arg2[%dma_start3A_216, %dma_start3A_217] : memref<8192x32xf32, #tpu.memory_space<hbm>> -> memref<8192x32xf32, #tpu.memory_space<hbm>>
      tpu.enqueue_indirect_dma source(%dma_start3A_218 : memref<8192x32xf32, #tpu.memory_space<hbm>>) target(%dma_start3A_212 : memref<128x32xf32, #tpu.memory_space<vmem>>) offsets(%dma_start3A_215 : memref<128xi32, #tpu.memory_space<vmem>>) semaphore(%arg7 : memref<!tpu.dma_semaphore, #tpu.memory_space<semaphore_mem>>)
      %dma_wait3A = arith.constant 0 : i32
      %dma_wait3A_219 = arith.constant 0 : i32
      %dma_wait3A_220 = tpu.memref_slice %arg6[%dma_wait3A, %dma_wait3A_219] : memref<2048x32xf32, #tpu.memory_space<vmem>> -> memref<128x32xf32, #tpu.memory_space<vmem>>
      %dma_wait3A_221 = arith.constant 0 : i32
      %dma_wait3A_222 = tpu.memref_slice %arg5[%add3A_15, %dma_wait3A_221] : memref<32x128xi32, #tpu.memory_space<vmem>> -> memref<1x128xi32, #tpu.memory_space<vmem>>
      %dma_wait3A_223 = tpu.memref_squeeze %dma_wait3A_222 : memref<1x128xi32, #tpu.memory_space<vmem>> -> memref<128xi32, #tpu.memory_space<vmem>>
      %dma_wait3A_224 = arith.constant 0 : i32
      %dma_wait3A_225 = arith.constant 0 : i32
      %dma_wait3A_226 = tpu.memref_slice %arg2[%dma_wait3A_224, %dma_wait3A_225] : memref<8192x32xf32, #tpu.memory_space<hbm>> -> memref<8192x32xf32, #tpu.memory_space<hbm>>
      tpu.wait_indirect_dma semaphore(%arg7 : memref<!tpu.dma_semaphore, #tpu.memory_space<semaphore_mem>>) src(%dma_wait3A_226 : memref<8192x32xf32, #tpu.memory_space<hbm>>) dst(%dma_wait3A_220 : memref<128x32xf32, #tpu.memory_space<vmem>>)
      %dma_wait3A_227 = arith.constant 128 : i32
      %dma_wait3A_228 = arith.constant 0 : i32
      %dma_wait3A_229 = tpu.memref_slice %arg6[%dma_wait3A_227, %dma_wait3A_228] : memref<2048x32xf32, #tpu.memory_space<vmem>> -> memref<128x32xf32, #tpu.memory_space<vmem>>
      %dma_wait3A_230 = arith.constant 0 : i32
      %dma_wait3A_231 = tpu.memref_slice %arg5[%add3A_27, %dma_wait3A_230] : memref<32x128xi32, #tpu.memory_space<vmem>> -> memref<1x128xi32, #tpu.memory_space<vmem>>
      %dma_wait3A_232 = tpu.memref_squeeze %dma_wait3A_231 : memref<1x128xi32, #tpu.memory_space<vmem>> -> memref<128xi32, #tpu.memory_space<vmem>>
      %dma_wait3A_233 = arith.constant 0 : i32
      %dma_wait3A_234 = arith.constant 0 : i32
      %dma_wait3A_235 = tpu.memref_slice %arg2[%dma_wait3A_233, %dma_wait3A_234] : memref<8192x32xf32, #tpu.memory_space<hbm>> -> memref<8192x32xf32, #tpu.memory_space<hbm>>
      tpu.wait_indirect_dma semaphore(%arg7 : memref<!tpu.dma_semaphore, #tpu.memory_space<semaphore_mem>>) src(%dma_wait3A_235 : memref<8192x32xf32, #tpu.memory_space<hbm>>) dst(%dma_wait3A_229 : memref<128x32xf32, #tpu.memory_space<vmem>>)
      %dma_wait3A_236 = arith.constant 256 : i32
      %dma_wait3A_237 = arith.constant 0 : i32
      %dma_wait3A_238 = tpu.memref_slice %arg6[%dma_wait3A_236, %dma_wait3A_237] : memref<2048x32xf32, #tpu.memory_space<vmem>> -> memref<128x32xf32, #tpu.memory_space<vmem>>
      %dma_wait3A_239 = arith.constant 0 : i32
      %dma_wait3A_240 = tpu.memref_slice %arg5[%add3A_40, %dma_wait3A_239] : memref<32x128xi32, #tpu.memory_space<vmem>> -> memref<1x128xi32, #tpu.memory_space<vmem>>
      %dma_wait3A_241 = tpu.memref_squeeze %dma_wait3A_240 : memref<1x128xi32, #tpu.memory_space<vmem>> -> memref<128xi32, #tpu.memory_space<vmem>>
      %dma_wait3A_242 = arith.constant 0 : i32
      %dma_wait3A_243 = arith.constant 0 : i32
      %dma_wait3A_244 = tpu.memref_slice %arg2[%dma_wait3A_242, %dma_wait3A_243] : memref<8192x32xf32, #tpu.memory_space<hbm>> -> memref<8192x32xf32, #tpu.memory_space<hbm>>
      tpu.wait_indirect_dma semaphore(%arg7 : memref<!tpu.dma_semaphore, #tpu.memory_space<semaphore_mem>>) src(%dma_wait3A_244 : memref<8192x32xf32, #tpu.memory_space<hbm>>) dst(%dma_wait3A_238 : memref<128x32xf32, #tpu.memory_space<vmem>>)
      %dma_wait3A_245 = arith.constant 384 : i32
      %dma_wait3A_246 = arith.constant 0 : i32
      %dma_wait3A_247 = tpu.memref_slice %arg6[%dma_wait3A_245, %dma_wait3A_246] : memref<2048x32xf32, #tpu.memory_space<vmem>> -> memref<128x32xf32, #tpu.memory_space<vmem>>
      %dma_wait3A_248 = arith.constant 0 : i32
      %dma_wait3A_249 = tpu.memref_slice %arg5[%add3A_53, %dma_wait3A_248] : memref<32x128xi32, #tpu.memory_space<vmem>> -> memref<1x128xi32, #tpu.memory_space<vmem>>
      %dma_wait3A_250 = tpu.memref_squeeze %dma_wait3A_249 : memref<1x128xi32, #tpu.memory_space<vmem>> -> memref<128xi32, #tpu.memory_space<vmem>>
      %dma_wait3A_251 = arith.constant 0 : i32
      %dma_wait3A_252 = arith.constant 0 : i32
      %dma_wait3A_253 = tpu.memref_slice %arg2[%dma_wait3A_251, %dma_wait3A_252] : memref<8192x32xf32, #tpu.memory_space<hbm>> -> memref<8192x32xf32, #tpu.memory_space<hbm>>
      tpu.wait_indirect_dma semaphore(%arg7 : memref<!tpu.dma_semaphore, #tpu.memory_space<semaphore_mem>>) src(%dma_wait3A_253 : memref<8192x32xf32, #tpu.memory_space<hbm>>) dst(%dma_wait3A_247 : memref<128x32xf32, #tpu.memory_space<vmem>>)
      %dma_wait3A_254 = arith.constant 512 : i32
      %dma_wait3A_255 = arith.constant 0 : i32
      %dma_wait3A_256 = tpu.memref_slice %arg6[%dma_wait3A_254, %dma_wait3A_255] : memref<2048x32xf32, #tpu.memory_space<vmem>> -> memref<128x32xf32, #tpu.memory_space<vmem>>
      %dma_wait3A_257 = arith.constant 0 : i32
      %dma_wait3A_258 = tpu.memref_slice %arg5[%add3A_66, %dma_wait3A_257] : memref<32x128xi32, #tpu.memory_space<vmem>> -> memref<1x128xi32, #tpu.memory_space<vmem>>
      %dma_wait3A_259 = tpu.memref_squeeze %dma_wait3A_258 : memref<1x128xi32, #tpu.memory_space<vmem>> -> memref<128xi32, #tpu.memory_space<vmem>>
      %dma_wait3A_260 = arith.constant 0 : i32
      %dma_wait3A_261 = arith.constant 0 : i32
      %dma_wait3A_262 = tpu.memref_slice %arg2[%dma_wait3A_260, %dma_wait3A_261] : memref<8192x32xf32, #tpu.memory_space<hbm>> -> memref<8192x32xf32, #tpu.memory_space<hbm>>
      tpu.wait_indirect_dma semaphore(%arg7 : memref<!tpu.dma_semaphore, #tpu.memory_space<semaphore_mem>>) src(%dma_wait3A_262 : memref<8192x32xf32, #tpu.memory_space<hbm>>) dst(%dma_wait3A_256 : memref<128x32xf32, #tpu.memory_space<vmem>>)
      %dma_wait3A_263 = arith.constant 640 : i32
      %dma_wait3A_264 = arith.constant 0 : i32
      %dma_wait3A_265 = tpu.memref_slice %arg6[%dma_wait3A_263, %dma_wait3A_264] : memref<2048x32xf32, #tpu.memory_space<vmem>> -> memref<128x32xf32, #tpu.memory_space<vmem>>
      %dma_wait3A_266 = arith.constant 0 : i32
      %dma_wait3A_267 = tpu.memref_slice %arg5[%add3A_79, %dma_wait3A_266] : memref<32x128xi32, #tpu.memory_space<vmem>> -> memref<1x128xi32, #tpu.memory_space<vmem>>
      %dma_wait3A_268 = tpu.memref_squeeze %dma_wait3A_267 : memref<1x128xi32, #tpu.memory_space<vmem>> -> memref<128xi32, #tpu.memory_space<vmem>>
      %dma_wait3A_269 = arith.constant 0 : i32
      %dma_wait3A_270 = arith.constant 0 : i32
      %dma_wait3A_271 = tpu.memref_slice %arg2[%dma_wait3A_269, %dma_wait3A_270] : memref<8192x32xf32, #tpu.memory_space<hbm>> -> memref<8192x32xf32, #tpu.memory_space<hbm>>
      tpu.wait_indirect_dma semaphore(%arg7 : memref<!tpu.dma_semaphore, #tpu.memory_space<semaphore_mem>>) src(%dma_wait3A_271 : memref<8192x32xf32, #tpu.memory_space<hbm>>) dst(%dma_wait3A_265 : memref<128x32xf32, #tpu.memory_space<vmem>>)
      %dma_wait3A_272 = arith.constant 768 : i32
      %dma_wait3A_273 = arith.constant 0 : i32
      %dma_wait3A_274 = tpu.memref_slice %arg6[%dma_wait3A_272, %dma_wait3A_273] : memref<2048x32xf32, #tpu.memory_space<vmem>> -> memref<128x32xf32, #tpu.memory_space<vmem>>
      %dma_wait3A_275 = arith.constant 0 : i32
      %dma_wait3A_276 = tpu.memref_slice %arg5[%add3A_92, %dma_wait3A_275] : memref<32x128xi32, #tpu.memory_space<vmem>> -> memref<1x128xi32, #tpu.memory_space<vmem>>
      %dma_wait3A_277 = tpu.memref_squeeze %dma_wait3A_276 : memref<1x128xi32, #tpu.memory_space<vmem>> -> memref<128xi32, #tpu.memory_space<vmem>>
      %dma_wait3A_278 = arith.constant 0 : i32
      %dma_wait3A_279 = arith.constant 0 : i32
      %dma_wait3A_280 = tpu.memref_slice %arg2[%dma_wait3A_278, %dma_wait3A_279] : memref<8192x32xf32, #tpu.memory_space<hbm>> -> memref<8192x32xf32, #tpu.memory_space<hbm>>
      tpu.wait_indirect_dma semaphore(%arg7 : memref<!tpu.dma_semaphore, #tpu.memory_space<semaphore_mem>>) src(%dma_wait3A_280 : memref<8192x32xf32, #tpu.memory_space<hbm>>) dst(%dma_wait3A_274 : memref<128x32xf32, #tpu.memory_space<vmem>>)
      %dma_wait3A_281 = arith.constant 896 : i32
      %dma_wait3A_282 = arith.constant 0 : i32
      %dma_wait3A_283 = tpu.memref_slice %arg6[%dma_wait3A_281, %dma_wait3A_282] : memref<2048x32xf32, #tpu.memory_space<vmem>> -> memref<128x32xf32, #tpu.memory_space<vmem>>
      %dma_wait3A_284 = arith.constant 0 : i32
      %dma_wait3A_285 = tpu.memref_slice %arg5[%add3A_105, %dma_wait3A_284] : memref<32x128xi32, #tpu.memory_space<vmem>> -> memref<1x128xi32, #tpu.memory_space<vmem>>
      %dma_wait3A_286 = tpu.memref_squeeze %dma_wait3A_285 : memref<1x128xi32, #tpu.memory_space<vmem>> -> memref<128xi32, #tpu.memory_space<vmem>>
      %dma_wait3A_287 = arith.constant 0 : i32
      %dma_wait3A_288 = arith.constant 0 : i32
      %dma_wait3A_289 = tpu.memref_slice %arg2[%dma_wait3A_287, %dma_wait3A_288] : memref<8192x32xf32, #tpu.memory_space<hbm>> -> memref<8192x32xf32, #tpu.memory_space<hbm>>
      tpu.wait_indirect_dma semaphore(%arg7 : memref<!tpu.dma_semaphore, #tpu.memory_space<semaphore_mem>>) src(%dma_wait3A_289 : memref<8192x32xf32, #tpu.memory_space<hbm>>) dst(%dma_wait3A_283 : memref<128x32xf32, #tpu.memory_space<vmem>>)
      %dma_wait3A_290 = arith.constant 1024 : i32
      %dma_wait3A_291 = arith.constant 0 : i32
      %dma_wait3A_292 = tpu.memref_slice %arg6[%dma_wait3A_290, %dma_wait3A_291] : memref<2048x32xf32, #tpu.memory_space<vmem>> -> memref<128x32xf32, #tpu.memory_space<vmem>>
      %dma_wait3A_293 = arith.constant 0 : i32
      %dma_wait3A_294 = tpu.memref_slice %arg5[%add3A_118, %dma_wait3A_293] : memref<32x128xi32, #tpu.memory_space<vmem>> -> memref<1x128xi32, #tpu.memory_space<vmem>>
      %dma_wait3A_295 = tpu.memref_squeeze %dma_wait3A_294 : memref<1x128xi32, #tpu.memory_space<vmem>> -> memref<128xi32, #tpu.memory_space<vmem>>
      %dma_wait3A_296 = arith.constant 0 : i32
      %dma_wait3A_297 = arith.constant 0 : i32
      %dma_wait3A_298 = tpu.memref_slice %arg2[%dma_wait3A_296, %dma_wait3A_297] : memref<8192x32xf32, #tpu.memory_space<hbm>> -> memref<8192x32xf32, #tpu.memory_space<hbm>>
      tpu.wait_indirect_dma semaphore(%arg7 : memref<!tpu.dma_semaphore, #tpu.memory_space<semaphore_mem>>) src(%dma_wait3A_298 : memref<8192x32xf32, #tpu.memory_space<hbm>>) dst(%dma_wait3A_292 : memref<128x32xf32, #tpu.memory_space<vmem>>)
      %dma_wait3A_299 = arith.constant 1152 : i32
      %dma_wait3A_300 = arith.constant 0 : i32
      %dma_wait3A_301 = tpu.memref_slice %arg6[%dma_wait3A_299, %dma_wait3A_300] : memref<2048x32xf32, #tpu.memory_space<vmem>> -> memref<128x32xf32, #tpu.memory_space<vmem>>
      %dma_wait3A_302 = arith.constant 0 : i32
      %dma_wait3A_303 = tpu.memref_slice %arg5[%add3A_131, %dma_wait3A_302] : memref<32x128xi32, #tpu.memory_space<vmem>> -> memref<1x128xi32, #tpu.memory_space<vmem>>
      %dma_wait3A_304 = tpu.memref_squeeze %dma_wait3A_303 : memref<1x128xi32, #tpu.memory_space<vmem>> -> memref<128xi32, #tpu.memory_space<vmem>>
      %dma_wait3A_305 = arith.constant 0 : i32
      %dma_wait3A_306 = arith.constant 0 : i32
      %dma_wait3A_307 = tpu.memref_slice %arg2[%dma_wait3A_305, %dma_wait3A_306] : memref<8192x32xf32, #tpu.memory_space<hbm>> -> memref<8192x32xf32, #tpu.memory_space<hbm>>
      tpu.wait_indirect_dma semaphore(%arg7 : memref<!tpu.dma_semaphore, #tpu.memory_space<semaphore_mem>>) src(%dma_wait3A_307 : memref<8192x32xf32, #tpu.memory_space<hbm>>) dst(%dma_wait3A_301 : memref<128x32xf32, #tpu.memory_space<vmem>>)
      %dma_wait3A_308 = arith.constant 1280 : i32
      %dma_wait3A_309 = arith.constant 0 : i32
      %dma_wait3A_310 = tpu.memref_slice %arg6[%dma_wait3A_308, %dma_wait3A_309] : memref<2048x32xf32, #tpu.memory_space<vmem>> -> memref<128x32xf32, #tpu.memory_space<vmem>>
      %dma_wait3A_311 = arith.constant 0 : i32
      %dma_wait3A_312 = tpu.memref_slice %arg5[%add3A_144, %dma_wait3A_311] : memref<32x128xi32, #tpu.memory_space<vmem>> -> memref<1x128xi32, #tpu.memory_space<vmem>>
      %dma_wait3A_313 = tpu.memref_squeeze %dma_wait3A_312 : memref<1x128xi32, #tpu.memory_space<vmem>> -> memref<128xi32, #tpu.memory_space<vmem>>
      %dma_wait3A_314 = arith.constant 0 : i32
      %dma_wait3A_315 = arith.constant 0 : i32
      %dma_wait3A_316 = tpu.memref_slice %arg2[%dma_wait3A_314, %dma_wait3A_315] : memref<8192x32xf32, #tpu.memory_space<hbm>> -> memref<8192x32xf32, #tpu.memory_space<hbm>>
      tpu.wait_indirect_dma semaphore(%arg7 : memref<!tpu.dma_semaphore, #tpu.memory_space<semaphore_mem>>) src(%dma_wait3A_316 : memref<8192x32xf32, #tpu.memory_space<hbm>>) dst(%dma_wait3A_310 : memref<128x32xf32, #tpu.memory_space<vmem>>)
      %dma_wait3A_317 = arith.constant 1408 : i32
      %dma_wait3A_318 = arith.constant 0 : i32
      %dma_wait3A_319 = tpu.memref_slice %arg6[%dma_wait3A_317, %dma_wait3A_318] : memref<2048x32xf32, #tpu.memory_space<vmem>> -> memref<128x32xf32, #tpu.memory_space<vmem>>
      %dma_wait3A_320 = arith.constant 0 : i32
      %dma_wait3A_321 = tpu.memref_slice %arg5[%add3A_157, %dma_wait3A_320] : memref<32x128xi32, #tpu.memory_space<vmem>> -> memref<1x128xi32, #tpu.memory_space<vmem>>
      %dma_wait3A_322 = tpu.memref_squeeze %dma_wait3A_321 : memref<1x128xi32, #tpu.memory_space<vmem>> -> memref<128xi32, #tpu.memory_space<vmem>>
      %dma_wait3A_323 = arith.constant 0 : i32
      %dma_wait3A_324 = arith.constant 0 : i32
      %dma_wait3A_325 = tpu.memref_slice %arg2[%dma_wait3A_323, %dma_wait3A_324] : memref<8192x32xf32, #tpu.memory_space<hbm>> -> memref<8192x32xf32, #tpu.memory_space<hbm>>
      tpu.wait_indirect_dma semaphore(%arg7 : memref<!tpu.dma_semaphore, #tpu.memory_space<semaphore_mem>>) src(%dma_wait3A_325 : memref<8192x32xf32, #tpu.memory_space<hbm>>) dst(%dma_wait3A_319 : memref<128x32xf32, #tpu.memory_space<vmem>>)
      %dma_wait3A_326 = arith.constant 1536 : i32
      %dma_wait3A_327 = arith.constant 0 : i32
      %dma_wait3A_328 = tpu.memref_slice %arg6[%dma_wait3A_326, %dma_wait3A_327] : memref<2048x32xf32, #tpu.memory_space<vmem>> -> memref<128x32xf32, #tpu.memory_space<vmem>>
      %dma_wait3A_329 = arith.constant 0 : i32
      %dma_wait3A_330 = tpu.memref_slice %arg5[%add3A_170, %dma_wait3A_329] : memref<32x128xi32, #tpu.memory_space<vmem>> -> memref<1x128xi32, #tpu.memory_space<vmem>>
      %dma_wait3A_331 = tpu.memref_squeeze %dma_wait3A_330 : memref<1x128xi32, #tpu.memory_space<vmem>> -> memref<128xi32, #tpu.memory_space<vmem>>
      %dma_wait3A_332 = arith.constant 0 : i32
      %dma_wait3A_333 = arith.constant 0 : i32
      %dma_wait3A_334 = tpu.memref_slice %arg2[%dma_wait3A_332, %dma_wait3A_333] : memref<8192x32xf32, #tpu.memory_space<hbm>> -> memref<8192x32xf32, #tpu.memory_space<hbm>>
      tpu.wait_indirect_dma semaphore(%arg7 : memref<!tpu.dma_semaphore, #tpu.memory_space<semaphore_mem>>) src(%dma_wait3A_334 : memref<8192x32xf32, #tpu.memory_space<hbm>>) dst(%dma_wait3A_328 : memref<128x32xf32, #tpu.memory_space<vmem>>)
      %dma_wait3A_335 = arith.constant 1664 : i32
      %dma_wait3A_336 = arith.constant 0 : i32
      %dma_wait3A_337 = tpu.memref_slice %arg6[%dma_wait3A_335, %dma_wait3A_336] : memref<2048x32xf32, #tpu.memory_space<vmem>> -> memref<128x32xf32, #tpu.memory_space<vmem>>
      %dma_wait3A_338 = arith.constant 0 : i32
      %dma_wait3A_339 = tpu.memref_slice %arg5[%add3A_183, %dma_wait3A_338] : memref<32x128xi32, #tpu.memory_space<vmem>> -> memref<1x128xi32, #tpu.memory_space<vmem>>
      %dma_wait3A_340 = tpu.memref_squeeze %dma_wait3A_339 : memref<1x128xi32, #tpu.memory_space<vmem>> -> memref<128xi32, #tpu.memory_space<vmem>>
      %dma_wait3A_341 = arith.constant 0 : i32
      %dma_wait3A_342 = arith.constant 0 : i32
      %dma_wait3A_343 = tpu.memref_slice %arg2[%dma_wait3A_341, %dma_wait3A_342] : memref<8192x32xf32, #tpu.memory_space<hbm>> -> memref<8192x32xf32, #tpu.memory_space<hbm>>
      tpu.wait_indirect_dma semaphore(%arg7 : memref<!tpu.dma_semaphore, #tpu.memory_space<semaphore_mem>>) src(%dma_wait3A_343 : memref<8192x32xf32, #tpu.memory_space<hbm>>) dst(%dma_wait3A_337 : memref<128x32xf32, #tpu.memory_space<vmem>>)
      %dma_wait3A_344 = arith.constant 1792 : i32
      %dma_wait3A_345 = arith.constant 0 : i32
      %dma_wait3A_346 = tpu.memref_slice %arg6[%dma_wait3A_344, %dma_wait3A_345] : memref<2048x32xf32, #tpu.memory_space<vmem>> -> memref<128x32xf32, #tpu.memory_space<vmem>>
      %dma_wait3A_347 = arith.constant 0 : i32
      %dma_wait3A_348 = tpu.memref_slice %arg5[%add3A_196, %dma_wait3A_347] : memref<32x128xi32, #tpu.memory_space<vmem>> -> memref<1x128xi32, #tpu.memory_space<vmem>>
      %dma_wait3A_349 = tpu.memref_squeeze %dma_wait3A_348 : memref<1x128xi32, #tpu.memory_space<vmem>> -> memref<128xi32, #tpu.memory_space<vmem>>
      %dma_wait3A_350 = arith.constant 0 : i32
      %dma_wait3A_351 = arith.constant 0 : i32
      %dma_wait3A_352 = tpu.memref_slice %arg2[%dma_wait3A_350, %dma_wait3A_351] : memref<8192x32xf32, #tpu.memory_space<hbm>> -> memref<8192x32xf32, #tpu.memory_space<hbm>>
      tpu.wait_indirect_dma semaphore(%arg7 : memref<!tpu.dma_semaphore, #tpu.memory_space<semaphore_mem>>) src(%dma_wait3A_352 : memref<8192x32xf32, #tpu.memory_space<hbm>>) dst(%dma_wait3A_346 : memref<128x32xf32, #tpu.memory_space<vmem>>)
      %dma_wait3A_353 = arith.constant 1920 : i32
      %dma_wait3A_354 = arith.constant 0 : i32
      %dma_wait3A_355 = tpu.memref_slice %arg6[%dma_wait3A_353, %dma_wait3A_354] : memref<2048x32xf32, #tpu.memory_space<vmem>> -> memref<128x32xf32, #tpu.memory_space<vmem>>
      %dma_wait3A_356 = arith.constant 0 : i32
      %dma_wait3A_357 = tpu.memref_slice %arg5[%add3A_209, %dma_wait3A_356] : memref<32x128xi32, #tpu.memory_space<vmem>> -> memref<1x128xi32, #tpu.memory_space<vmem>>
      %dma_wait3A_358 = tpu.memref_squeeze %dma_wait3A_357 : memref<1x128xi32, #tpu.memory_space<vmem>> -> memref<128xi32, #tpu.memory_space<vmem>>
      %dma_wait3A_359 = arith.constant 0 : i32
      %dma_wait3A_360 = arith.constant 0 : i32
      %dma_wait3A_361 = tpu.memref_slice %arg2[%dma_wait3A_359, %dma_wait3A_360] : memref<8192x32xf32, #tpu.memory_space<hbm>> -> memref<8192x32xf32, #tpu.memory_space<hbm>>
      tpu.wait_indirect_dma semaphore(%arg7 : memref<!tpu.dma_semaphore, #tpu.memory_space<semaphore_mem>>) src(%dma_wait3A_361 : memref<8192x32xf32, #tpu.memory_space<hbm>>) dst(%dma_wait3A_355 : memref<128x32xf32, #tpu.memory_space<vmem>>)
      %mul3A_362 = arith.constant 4096 : i32
      %mul3A_363 = arith.muli %add3A, %mul3A_362 : i32
      %mul3A_364 = arith.constant 2048 : i32
      %mul3A_365 = arith.muli %add3A_11, %mul3A_364 : i32
      %add3A_366 = arith.addi %mul3A_363, %mul3A_365 : i32
      "tpu.region"() ({
        %run_scoped3A = tpu.sem_alloc : memref<!tpu.dma_semaphore, #tpu.memory_space<semaphore_mem>>
        %dma_start3A_367 = arith.constant 0 : i32
        %dma_start3A_368 = tpu.memref_slice %arg4[%add3A_366, %dma_start3A_367] : memref<131072x32xf32, #tpu.memory_space<hbm>> -> memref<2048x32xf32, #tpu.memory_space<hbm>>
        %dma_start3A_369 = arith.constant 0 : i32
        %dma_start3A_370 = tpu.memref_slice %arg4[%add3A_366, %dma_start3A_369] : memref<131072x32xf32, #tpu.memory_space<hbm>> -> memref<2048x32xf32, #tpu.memory_space<hbm>>
        tpu.enqueue_dma source(%arg6 : memref<2048x32xf32, #tpu.memory_space<vmem>>) target(%dma_start3A_370 : memref<2048x32xf32, #tpu.memory_space<hbm>>) target_semaphore(%run_scoped3A : memref<!tpu.dma_semaphore, #tpu.memory_space<semaphore_mem>>)
        %dma_wait3A_371 = arith.constant 0 : i32
        %dma_wait3A_372 = tpu.memref_slice %arg4[%add3A_366, %dma_wait3A_371] : memref<131072x32xf32, #tpu.memory_space<hbm>> -> memref<2048x32xf32, #tpu.memory_space<hbm>>
        %dma_wait3A_373 = arith.constant 0 : i32
        %dma_wait3A_374 = tpu.memref_slice %arg4[%add3A_366, %dma_wait3A_373] : memref<131072x32xf32, #tpu.memory_space<hbm>> -> memref<2048x32xf32, #tpu.memory_space<hbm>>
        tpu.wait_dma2 semaphore(%run_scoped3A : memref<!tpu.dma_semaphore, #tpu.memory_space<semaphore_mem>>) src(%arg6 : memref<2048x32xf32, #tpu.memory_space<vmem>>) dst(%dma_wait3A_374 : memref<2048x32xf32, #tpu.memory_space<hbm>>)
        tpu.yield
      }) : () -> ()
    }
    %scan3A_6 = arith.constant 2 : i32
    return
  }
}

module attributes {stable_mosaic.version = 14 : i64} {
  func.func @_knn_body(%arg0: i32, %arg1: i32, %arg2: memref<1x512x32xf32, #tpu.memory_space<vmem>>, %arg3: memref<1x2048x32xf32, #tpu.memory_space<vmem>>, %arg4: memref<32x32xf32, #tpu.memory_space<vmem>>, %arg5: memref<1x512x16xi32, #tpu.memory_space<vmem>>, %arg6: memref<1x512x16xi32, #tpu.memory_space<vmem>>, %arg7: memref<1x512x32xf32, #tpu.memory_space<vmem>>) attributes {dimension_semantics = [#tpu.dimension_semantics<arbitrary>, #tpu.dimension_semantics<arbitrary>], iteration_bounds = array<i64: 4, 4>, scalar_prefetch = 0 : i64, scratch_operands = 0 : i64, tpu.core_type = #tpu.core_type<tc>, window_params = [{transform_indices = @transform_0, window_bounds = array<i64: 1, 512, 32>}, {transform_indices = @transform_1, window_bounds = array<i64: 1, 2048, 32>}, {pipeline_mode = #tpu.pipeline_mode<synchronous>, transform_indices = @transform_2, window_bounds = array<i64: 32, 32>}, {transform_indices = @transform_3, window_bounds = array<i64: 1, 512, 16>}, {transform_indices = @transform_4, window_bounds = array<i64: 1, 512, 16>}, {transform_indices = @transform_5, window_bounds = array<i64: 1, 512, 32>}]} {
    %get3A = arith.constant 0 : index
    %get3A_0 = arith.constant 0 : index
    %get3A_1 = arith.constant 0 : index
    %get3A_2 = vector.load %arg2[%get3A, %get3A_0, %get3A_1] : memref<1x512x32xf32, #tpu.memory_space<vmem>>, vector<1x512x32xf32>
    %get3A_3 = vector.shape_cast %get3A_2 : vector<1x512x32xf32> to vector<512x32xf32>
    %get3A_4 = arith.constant 0 : index
    %get3A_5 = arith.constant 0 : index
    %get3A_6 = arith.constant 0 : index
    %get3A_7 = vector.load %arg3[%get3A_4, %get3A_5, %get3A_6] : memref<1x2048x32xf32, #tpu.memory_space<vmem>>, vector<1x2048x32xf32>
    %get3A_8 = vector.shape_cast %get3A_7 : vector<1x2048x32xf32> to vector<2048x32xf32>
    %mul3A = arith.constant -2.000000e+00 : f32
    %mul3A_9 = vector.broadcast %mul3A : f32 to vector<512x32xf32>
    %mul3A_10 = arith.mulf %mul3A_9, %get3A_3 : vector<512x32xf32>
    %dot_general3A = arith.constant dense<0.000000e+00> : vector<512x2048xf32>
    %dot_general3A_11 = tpu.matmul %mul3A_10, %get3A_8, %dot_general3A {dimension_numbers = #tpu.dot_dimension_numbers<[1], [1], [0], [0], [0, 0, 1, 0], [], []>, transpose_lhs_hint = false} : vector<512x32xf32>, vector<2048x32xf32>, vector<512x2048xf32> -> vector<512x2048xf32>
    %mul3A_12 = arith.mulf %get3A_3, %get3A_3 : vector<512x32xf32>
    %reduce_sum3A = arith.constant dense<0.000000e+00> : vector<512xf32>
    %reduce_sum3A_13 = vector.multi_reduction <add>, %mul3A_12, %reduce_sum3A [1] : vector<512x32xf32> to vector<512xf32>
    %broadcast_in_dim3A = vector.shape_cast %reduce_sum3A_13 : vector<512xf32> to vector<512x1xf32>
    %mul3A_14 = arith.mulf %get3A_8, %get3A_8 : vector<2048x32xf32>
    %reduce_sum3A_15 = arith.constant dense<0.000000e+00> : vector<2048xf32>
    %reduce_sum3A_16 = vector.multi_reduction <add>, %mul3A_14, %reduce_sum3A_15 [1] : vector<2048x32xf32> to vector<2048xf32>
    %broadcast_in_dim3A_17 = vector.shape_cast %reduce_sum3A_16 : vector<2048xf32> to vector<1x2048xf32>
    %add3A = vector.broadcast %broadcast_in_dim3A : vector<512x1xf32> to vector<512x2048xf32>
    %add3A_18 = arith.addf %dot_general3A_11, %add3A : vector<512x2048xf32>
    %add3A_19 = vector.broadcast %broadcast_in_dim3A_17 : vector<1x2048xf32> to vector<512x2048xf32>
    %add3A_20 = arith.addf %add3A_18, %add3A_19 : vector<512x2048xf32>
    %iota3A = tpu.iota {dimensions = array<i32: 1>} : vector<512x2048xi32>
    %convert_element_type3A = arith.sitofp %iota3A : vector<512x2048xi32> to vector<512x2048xf32>
    %iota3A_21 = tpu.iota {dimensions = array<i32: 0>} : vector<512x2048xi32>
    %mul3A_22 = arith.constant 512 : i32
    %mul3A_23 = arith.muli %arg1, %mul3A_22 : i32
    %add3A_24 = vector.broadcast %mul3A_23 : i32 to vector<512x2048xi32>
    %add3A_25 = arith.addi %iota3A_21, %add3A_24 : vector<512x2048xi32>
    %convert_element_type3A_26 = arith.sitofp %add3A_25 : vector<512x2048xi32> to vector<512x2048xf32>
    %eq3A = arith.cmpf oeq, %convert_element_type3A, %convert_element_type3A_26 : vector<512x2048xf32>
    %jit3A = arith.constant 0x7F800000 : f32
    %broadcast_in_dim3A_27 = vector.broadcast %jit3A : f32 to vector<512x2048xf32>
    %select_n3A = arith.select %eq3A, %broadcast_in_dim3A_27, %add3A_20 : vector<512x2048xi1>, vector<512x2048xf32>
    %reduce_min3A = arith.constant dense<0x7F800000> : vector<512xf32>
    %reduce_min3A_28 = vector.multi_reduction <minimumf>, %select_n3A, %reduce_min3A [1] : vector<512x2048xf32> to vector<512xf32>
    %broadcast_in_dim3A_29 = vector.shape_cast %reduce_min3A_28 : vector<512xf32> to vector<512x1xf32>
    %eq3A_30 = vector.broadcast %broadcast_in_dim3A_29 : vector<512x1xf32> to vector<512x2048xf32>
    %eq3A_31 = arith.cmpf oeq, %select_n3A, %eq3A_30 : vector<512x2048xf32>
    %jit3A_32 = arith.constant 4.096000e+03 : f32
    %broadcast_in_dim3A_33 = vector.broadcast %jit3A_32 : f32 to vector<512x2048xf32>
    %select_n3A_34 = arith.select %eq3A_31, %convert_element_type3A, %broadcast_in_dim3A_33 : vector<512x2048xi1>, vector<512x2048xf32>
    %reduce_min3A_35 = arith.constant dense<0x7F800000> : vector<512xf32>
    %reduce_min3A_36 = vector.multi_reduction <minimumf>, %select_n3A_34, %reduce_min3A_35 [1] : vector<512x2048xf32> to vector<512xf32>
    %broadcast_in_dim3A_37 = vector.shape_cast %reduce_min3A_36 : vector<512xf32> to vector<512x1xf32>
    %eq3A_38 = vector.broadcast %broadcast_in_dim3A_37 : vector<512x1xf32> to vector<512x2048xf32>
    %eq3A_39 = arith.cmpf oeq, %convert_element_type3A, %eq3A_38 : vector<512x2048xf32>
    %jit3A_40 = arith.constant 0x7F800000 : f32
    %broadcast_in_dim3A_41 = vector.broadcast %jit3A_40 : f32 to vector<512x2048xf32>
    %select_n3A_42 = arith.select %eq3A_39, %broadcast_in_dim3A_41, %select_n3A : vector<512x2048xi1>, vector<512x2048xf32>
    %reduce_min3A_43 = arith.constant dense<0x7F800000> : vector<512xf32>
    %reduce_min3A_44 = vector.multi_reduction <minimumf>, %select_n3A_42, %reduce_min3A_43 [1] : vector<512x2048xf32> to vector<512xf32>
    %broadcast_in_dim3A_45 = vector.shape_cast %reduce_min3A_44 : vector<512xf32> to vector<512x1xf32>
    %eq3A_46 = vector.broadcast %broadcast_in_dim3A_45 : vector<512x1xf32> to vector<512x2048xf32>
    %eq3A_47 = arith.cmpf oeq, %select_n3A_42, %eq3A_46 : vector<512x2048xf32>
    %jit3A_48 = arith.constant 4.096000e+03 : f32
    %broadcast_in_dim3A_49 = vector.broadcast %jit3A_48 : f32 to vector<512x2048xf32>
    %select_n3A_50 = arith.select %eq3A_47, %convert_element_type3A, %broadcast_in_dim3A_49 : vector<512x2048xi1>, vector<512x2048xf32>
    %reduce_min3A_51 = arith.constant dense<0x7F800000> : vector<512xf32>
    %reduce_min3A_52 = vector.multi_reduction <minimumf>, %select_n3A_50, %reduce_min3A_51 [1] : vector<512x2048xf32> to vector<512xf32>
    %broadcast_in_dim3A_53 = vector.shape_cast %reduce_min3A_52 : vector<512xf32> to vector<512x1xf32>
    %eq3A_54 = vector.broadcast %broadcast_in_dim3A_53 : vector<512x1xf32> to vector<512x2048xf32>
    %eq3A_55 = arith.cmpf oeq, %convert_element_type3A, %eq3A_54 : vector<512x2048xf32>
    %jit3A_56 = arith.constant 0x7F800000 : f32
    %broadcast_in_dim3A_57 = vector.broadcast %jit3A_56 : f32 to vector<512x2048xf32>
    %select_n3A_58 = arith.select %eq3A_55, %broadcast_in_dim3A_57, %select_n3A_42 : vector<512x2048xi1>, vector<512x2048xf32>
    %reduce_min3A_59 = arith.constant dense<0x7F800000> : vector<512xf32>
    %reduce_min3A_60 = vector.multi_reduction <minimumf>, %select_n3A_58, %reduce_min3A_59 [1] : vector<512x2048xf32> to vector<512xf32>
    %broadcast_in_dim3A_61 = vector.shape_cast %reduce_min3A_60 : vector<512xf32> to vector<512x1xf32>
    %eq3A_62 = vector.broadcast %broadcast_in_dim3A_61 : vector<512x1xf32> to vector<512x2048xf32>
    %eq3A_63 = arith.cmpf oeq, %select_n3A_58, %eq3A_62 : vector<512x2048xf32>
    %jit3A_64 = arith.constant 4.096000e+03 : f32
    %broadcast_in_dim3A_65 = vector.broadcast %jit3A_64 : f32 to vector<512x2048xf32>
    %select_n3A_66 = arith.select %eq3A_63, %convert_element_type3A, %broadcast_in_dim3A_65 : vector<512x2048xi1>, vector<512x2048xf32>
    %reduce_min3A_67 = arith.constant dense<0x7F800000> : vector<512xf32>
    %reduce_min3A_68 = vector.multi_reduction <minimumf>, %select_n3A_66, %reduce_min3A_67 [1] : vector<512x2048xf32> to vector<512xf32>
    %broadcast_in_dim3A_69 = vector.shape_cast %reduce_min3A_68 : vector<512xf32> to vector<512x1xf32>
    %eq3A_70 = vector.broadcast %broadcast_in_dim3A_69 : vector<512x1xf32> to vector<512x2048xf32>
    %eq3A_71 = arith.cmpf oeq, %convert_element_type3A, %eq3A_70 : vector<512x2048xf32>
    %jit3A_72 = arith.constant 0x7F800000 : f32
    %broadcast_in_dim3A_73 = vector.broadcast %jit3A_72 : f32 to vector<512x2048xf32>
    %select_n3A_74 = arith.select %eq3A_71, %broadcast_in_dim3A_73, %select_n3A_58 : vector<512x2048xi1>, vector<512x2048xf32>
    %reduce_min3A_75 = arith.constant dense<0x7F800000> : vector<512xf32>
    %reduce_min3A_76 = vector.multi_reduction <minimumf>, %select_n3A_74, %reduce_min3A_75 [1] : vector<512x2048xf32> to vector<512xf32>
    %broadcast_in_dim3A_77 = vector.shape_cast %reduce_min3A_76 : vector<512xf32> to vector<512x1xf32>
    %eq3A_78 = vector.broadcast %broadcast_in_dim3A_77 : vector<512x1xf32> to vector<512x2048xf32>
    %eq3A_79 = arith.cmpf oeq, %select_n3A_74, %eq3A_78 : vector<512x2048xf32>
    %jit3A_80 = arith.constant 4.096000e+03 : f32
    %broadcast_in_dim3A_81 = vector.broadcast %jit3A_80 : f32 to vector<512x2048xf32>
    %select_n3A_82 = arith.select %eq3A_79, %convert_element_type3A, %broadcast_in_dim3A_81 : vector<512x2048xi1>, vector<512x2048xf32>
    %reduce_min3A_83 = arith.constant dense<0x7F800000> : vector<512xf32>
    %reduce_min3A_84 = vector.multi_reduction <minimumf>, %select_n3A_82, %reduce_min3A_83 [1] : vector<512x2048xf32> to vector<512xf32>
    %broadcast_in_dim3A_85 = vector.shape_cast %reduce_min3A_84 : vector<512xf32> to vector<512x1xf32>
    %eq3A_86 = vector.broadcast %broadcast_in_dim3A_85 : vector<512x1xf32> to vector<512x2048xf32>
    %eq3A_87 = arith.cmpf oeq, %convert_element_type3A, %eq3A_86 : vector<512x2048xf32>
    %jit3A_88 = arith.constant 0x7F800000 : f32
    %broadcast_in_dim3A_89 = vector.broadcast %jit3A_88 : f32 to vector<512x2048xf32>
    %select_n3A_90 = arith.select %eq3A_87, %broadcast_in_dim3A_89, %select_n3A_74 : vector<512x2048xi1>, vector<512x2048xf32>
    %reduce_min3A_91 = arith.constant dense<0x7F800000> : vector<512xf32>
    %reduce_min3A_92 = vector.multi_reduction <minimumf>, %select_n3A_90, %reduce_min3A_91 [1] : vector<512x2048xf32> to vector<512xf32>
    %broadcast_in_dim3A_93 = vector.shape_cast %reduce_min3A_92 : vector<512xf32> to vector<512x1xf32>
    %eq3A_94 = vector.broadcast %broadcast_in_dim3A_93 : vector<512x1xf32> to vector<512x2048xf32>
    %eq3A_95 = arith.cmpf oeq, %select_n3A_90, %eq3A_94 : vector<512x2048xf32>
    %jit3A_96 = arith.constant 4.096000e+03 : f32
    %broadcast_in_dim3A_97 = vector.broadcast %jit3A_96 : f32 to vector<512x2048xf32>
    %select_n3A_98 = arith.select %eq3A_95, %convert_element_type3A, %broadcast_in_dim3A_97 : vector<512x2048xi1>, vector<512x2048xf32>
    %reduce_min3A_99 = arith.constant dense<0x7F800000> : vector<512xf32>
    %reduce_min3A_100 = vector.multi_reduction <minimumf>, %select_n3A_98, %reduce_min3A_99 [1] : vector<512x2048xf32> to vector<512xf32>
    %broadcast_in_dim3A_101 = vector.shape_cast %reduce_min3A_100 : vector<512xf32> to vector<512x1xf32>
    %eq3A_102 = vector.broadcast %broadcast_in_dim3A_101 : vector<512x1xf32> to vector<512x2048xf32>
    %eq3A_103 = arith.cmpf oeq, %convert_element_type3A, %eq3A_102 : vector<512x2048xf32>
    %jit3A_104 = arith.constant 0x7F800000 : f32
    %broadcast_in_dim3A_105 = vector.broadcast %jit3A_104 : f32 to vector<512x2048xf32>
    %select_n3A_106 = arith.select %eq3A_103, %broadcast_in_dim3A_105, %select_n3A_90 : vector<512x2048xi1>, vector<512x2048xf32>
    %reduce_min3A_107 = arith.constant dense<0x7F800000> : vector<512xf32>
    %reduce_min3A_108 = vector.multi_reduction <minimumf>, %select_n3A_106, %reduce_min3A_107 [1] : vector<512x2048xf32> to vector<512xf32>
    %broadcast_in_dim3A_109 = vector.shape_cast %reduce_min3A_108 : vector<512xf32> to vector<512x1xf32>
    %eq3A_110 = vector.broadcast %broadcast_in_dim3A_109 : vector<512x1xf32> to vector<512x2048xf32>
    %eq3A_111 = arith.cmpf oeq, %select_n3A_106, %eq3A_110 : vector<512x2048xf32>
    %jit3A_112 = arith.constant 4.096000e+03 : f32
    %broadcast_in_dim3A_113 = vector.broadcast %jit3A_112 : f32 to vector<512x2048xf32>
    %select_n3A_114 = arith.select %eq3A_111, %convert_element_type3A, %broadcast_in_dim3A_113 : vector<512x2048xi1>, vector<512x2048xf32>
    %reduce_min3A_115 = arith.constant dense<0x7F800000> : vector<512xf32>
    %reduce_min3A_116 = vector.multi_reduction <minimumf>, %select_n3A_114, %reduce_min3A_115 [1] : vector<512x2048xf32> to vector<512xf32>
    %broadcast_in_dim3A_117 = vector.shape_cast %reduce_min3A_116 : vector<512xf32> to vector<512x1xf32>
    %eq3A_118 = vector.broadcast %broadcast_in_dim3A_117 : vector<512x1xf32> to vector<512x2048xf32>
    %eq3A_119 = arith.cmpf oeq, %convert_element_type3A, %eq3A_118 : vector<512x2048xf32>
    %jit3A_120 = arith.constant 0x7F800000 : f32
    %broadcast_in_dim3A_121 = vector.broadcast %jit3A_120 : f32 to vector<512x2048xf32>
    %select_n3A_122 = arith.select %eq3A_119, %broadcast_in_dim3A_121, %select_n3A_106 : vector<512x2048xi1>, vector<512x2048xf32>
    %reduce_min3A_123 = arith.constant dense<0x7F800000> : vector<512xf32>
    %reduce_min3A_124 = vector.multi_reduction <minimumf>, %select_n3A_122, %reduce_min3A_123 [1] : vector<512x2048xf32> to vector<512xf32>
    %broadcast_in_dim3A_125 = vector.shape_cast %reduce_min3A_124 : vector<512xf32> to vector<512x1xf32>
    %eq3A_126 = vector.broadcast %broadcast_in_dim3A_125 : vector<512x1xf32> to vector<512x2048xf32>
    %eq3A_127 = arith.cmpf oeq, %select_n3A_122, %eq3A_126 : vector<512x2048xf32>
    %jit3A_128 = arith.constant 4.096000e+03 : f32
    %broadcast_in_dim3A_129 = vector.broadcast %jit3A_128 : f32 to vector<512x2048xf32>
    %select_n3A_130 = arith.select %eq3A_127, %convert_element_type3A, %broadcast_in_dim3A_129 : vector<512x2048xi1>, vector<512x2048xf32>
    %reduce_min3A_131 = arith.constant dense<0x7F800000> : vector<512xf32>
    %reduce_min3A_132 = vector.multi_reduction <minimumf>, %select_n3A_130, %reduce_min3A_131 [1] : vector<512x2048xf32> to vector<512xf32>
    %broadcast_in_dim3A_133 = vector.shape_cast %reduce_min3A_132 : vector<512xf32> to vector<512x1xf32>
    %eq3A_134 = vector.broadcast %broadcast_in_dim3A_133 : vector<512x1xf32> to vector<512x2048xf32>
    %eq3A_135 = arith.cmpf oeq, %convert_element_type3A, %eq3A_134 : vector<512x2048xf32>
    %jit3A_136 = arith.constant 0x7F800000 : f32
    %broadcast_in_dim3A_137 = vector.broadcast %jit3A_136 : f32 to vector<512x2048xf32>
    %select_n3A_138 = arith.select %eq3A_135, %broadcast_in_dim3A_137, %select_n3A_122 : vector<512x2048xi1>, vector<512x2048xf32>
    %reduce_min3A_139 = arith.constant dense<0x7F800000> : vector<512xf32>
    %reduce_min3A_140 = vector.multi_reduction <minimumf>, %select_n3A_138, %reduce_min3A_139 [1] : vector<512x2048xf32> to vector<512xf32>
    %broadcast_in_dim3A_141 = vector.shape_cast %reduce_min3A_140 : vector<512xf32> to vector<512x1xf32>
    %eq3A_142 = vector.broadcast %broadcast_in_dim3A_141 : vector<512x1xf32> to vector<512x2048xf32>
    %eq3A_143 = arith.cmpf oeq, %select_n3A_138, %eq3A_142 : vector<512x2048xf32>
    %jit3A_144 = arith.constant 4.096000e+03 : f32
    %broadcast_in_dim3A_145 = vector.broadcast %jit3A_144 : f32 to vector<512x2048xf32>
    %select_n3A_146 = arith.select %eq3A_143, %convert_element_type3A, %broadcast_in_dim3A_145 : vector<512x2048xi1>, vector<512x2048xf32>
    %reduce_min3A_147 = arith.constant dense<0x7F800000> : vector<512xf32>
    %reduce_min3A_148 = vector.multi_reduction <minimumf>, %select_n3A_146, %reduce_min3A_147 [1] : vector<512x2048xf32> to vector<512xf32>
    %broadcast_in_dim3A_149 = vector.shape_cast %reduce_min3A_148 : vector<512xf32> to vector<512x1xf32>
    %eq3A_150 = vector.broadcast %broadcast_in_dim3A_149 : vector<512x1xf32> to vector<512x2048xf32>
    %eq3A_151 = arith.cmpf oeq, %convert_element_type3A, %eq3A_150 : vector<512x2048xf32>
    %jit3A_152 = arith.constant 0x7F800000 : f32
    %broadcast_in_dim3A_153 = vector.broadcast %jit3A_152 : f32 to vector<512x2048xf32>
    %select_n3A_154 = arith.select %eq3A_151, %broadcast_in_dim3A_153, %select_n3A_138 : vector<512x2048xi1>, vector<512x2048xf32>
    %reduce_min3A_155 = arith.constant dense<0x7F800000> : vector<512xf32>
    %reduce_min3A_156 = vector.multi_reduction <minimumf>, %select_n3A_154, %reduce_min3A_155 [1] : vector<512x2048xf32> to vector<512xf32>
    %broadcast_in_dim3A_157 = vector.shape_cast %reduce_min3A_156 : vector<512xf32> to vector<512x1xf32>
    %eq3A_158 = vector.broadcast %broadcast_in_dim3A_157 : vector<512x1xf32> to vector<512x2048xf32>
    %eq3A_159 = arith.cmpf oeq, %select_n3A_154, %eq3A_158 : vector<512x2048xf32>
    %jit3A_160 = arith.constant 4.096000e+03 : f32
    %broadcast_in_dim3A_161 = vector.broadcast %jit3A_160 : f32 to vector<512x2048xf32>
    %select_n3A_162 = arith.select %eq3A_159, %convert_element_type3A, %broadcast_in_dim3A_161 : vector<512x2048xi1>, vector<512x2048xf32>
    %reduce_min3A_163 = arith.constant dense<0x7F800000> : vector<512xf32>
    %reduce_min3A_164 = vector.multi_reduction <minimumf>, %select_n3A_162, %reduce_min3A_163 [1] : vector<512x2048xf32> to vector<512xf32>
    %broadcast_in_dim3A_165 = vector.shape_cast %reduce_min3A_164 : vector<512xf32> to vector<512x1xf32>
    %eq3A_166 = vector.broadcast %broadcast_in_dim3A_165 : vector<512x1xf32> to vector<512x2048xf32>
    %eq3A_167 = arith.cmpf oeq, %convert_element_type3A, %eq3A_166 : vector<512x2048xf32>
    %jit3A_168 = arith.constant 0x7F800000 : f32
    %broadcast_in_dim3A_169 = vector.broadcast %jit3A_168 : f32 to vector<512x2048xf32>
    %select_n3A_170 = arith.select %eq3A_167, %broadcast_in_dim3A_169, %select_n3A_154 : vector<512x2048xi1>, vector<512x2048xf32>
    %reduce_min3A_171 = arith.constant dense<0x7F800000> : vector<512xf32>
    %reduce_min3A_172 = vector.multi_reduction <minimumf>, %select_n3A_170, %reduce_min3A_171 [1] : vector<512x2048xf32> to vector<512xf32>
    %broadcast_in_dim3A_173 = vector.shape_cast %reduce_min3A_172 : vector<512xf32> to vector<512x1xf32>
    %eq3A_174 = vector.broadcast %broadcast_in_dim3A_173 : vector<512x1xf32> to vector<512x2048xf32>
    %eq3A_175 = arith.cmpf oeq, %select_n3A_170, %eq3A_174 : vector<512x2048xf32>
    %jit3A_176 = arith.constant 4.096000e+03 : f32
    %broadcast_in_dim3A_177 = vector.broadcast %jit3A_176 : f32 to vector<512x2048xf32>
    %select_n3A_178 = arith.select %eq3A_175, %convert_element_type3A, %broadcast_in_dim3A_177 : vector<512x2048xi1>, vector<512x2048xf32>
    %reduce_min3A_179 = arith.constant dense<0x7F800000> : vector<512xf32>
    %reduce_min3A_180 = vector.multi_reduction <minimumf>, %select_n3A_178, %reduce_min3A_179 [1] : vector<512x2048xf32> to vector<512xf32>
    %broadcast_in_dim3A_181 = vector.shape_cast %reduce_min3A_180 : vector<512xf32> to vector<512x1xf32>
    %eq3A_182 = vector.broadcast %broadcast_in_dim3A_181 : vector<512x1xf32> to vector<512x2048xf32>
    %eq3A_183 = arith.cmpf oeq, %convert_element_type3A, %eq3A_182 : vector<512x2048xf32>
    %jit3A_184 = arith.constant 0x7F800000 : f32
    %broadcast_in_dim3A_185 = vector.broadcast %jit3A_184 : f32 to vector<512x2048xf32>
    %select_n3A_186 = arith.select %eq3A_183, %broadcast_in_dim3A_185, %select_n3A_170 : vector<512x2048xi1>, vector<512x2048xf32>
    %reduce_min3A_187 = arith.constant dense<0x7F800000> : vector<512xf32>
    %reduce_min3A_188 = vector.multi_reduction <minimumf>, %select_n3A_186, %reduce_min3A_187 [1] : vector<512x2048xf32> to vector<512xf32>
    %broadcast_in_dim3A_189 = vector.shape_cast %reduce_min3A_188 : vector<512xf32> to vector<512x1xf32>
    %eq3A_190 = vector.broadcast %broadcast_in_dim3A_189 : vector<512x1xf32> to vector<512x2048xf32>
    %eq3A_191 = arith.cmpf oeq, %select_n3A_186, %eq3A_190 : vector<512x2048xf32>
    %jit3A_192 = arith.constant 4.096000e+03 : f32
    %broadcast_in_dim3A_193 = vector.broadcast %jit3A_192 : f32 to vector<512x2048xf32>
    %select_n3A_194 = arith.select %eq3A_191, %convert_element_type3A, %broadcast_in_dim3A_193 : vector<512x2048xi1>, vector<512x2048xf32>
    %reduce_min3A_195 = arith.constant dense<0x7F800000> : vector<512xf32>
    %reduce_min3A_196 = vector.multi_reduction <minimumf>, %select_n3A_194, %reduce_min3A_195 [1] : vector<512x2048xf32> to vector<512xf32>
    %broadcast_in_dim3A_197 = vector.shape_cast %reduce_min3A_196 : vector<512xf32> to vector<512x1xf32>
    %eq3A_198 = vector.broadcast %broadcast_in_dim3A_197 : vector<512x1xf32> to vector<512x2048xf32>
    %eq3A_199 = arith.cmpf oeq, %convert_element_type3A, %eq3A_198 : vector<512x2048xf32>
    %jit3A_200 = arith.constant 0x7F800000 : f32
    %broadcast_in_dim3A_201 = vector.broadcast %jit3A_200 : f32 to vector<512x2048xf32>
    %select_n3A_202 = arith.select %eq3A_199, %broadcast_in_dim3A_201, %select_n3A_186 : vector<512x2048xi1>, vector<512x2048xf32>
    %reduce_min3A_203 = arith.constant dense<0x7F800000> : vector<512xf32>
    %reduce_min3A_204 = vector.multi_reduction <minimumf>, %select_n3A_202, %reduce_min3A_203 [1] : vector<512x2048xf32> to vector<512xf32>
    %broadcast_in_dim3A_205 = vector.shape_cast %reduce_min3A_204 : vector<512xf32> to vector<512x1xf32>
    %eq3A_206 = vector.broadcast %broadcast_in_dim3A_205 : vector<512x1xf32> to vector<512x2048xf32>
    %eq3A_207 = arith.cmpf oeq, %select_n3A_202, %eq3A_206 : vector<512x2048xf32>
    %jit3A_208 = arith.constant 4.096000e+03 : f32
    %broadcast_in_dim3A_209 = vector.broadcast %jit3A_208 : f32 to vector<512x2048xf32>
    %select_n3A_210 = arith.select %eq3A_207, %convert_element_type3A, %broadcast_in_dim3A_209 : vector<512x2048xi1>, vector<512x2048xf32>
    %reduce_min3A_211 = arith.constant dense<0x7F800000> : vector<512xf32>
    %reduce_min3A_212 = vector.multi_reduction <minimumf>, %select_n3A_210, %reduce_min3A_211 [1] : vector<512x2048xf32> to vector<512xf32>
    %broadcast_in_dim3A_213 = vector.shape_cast %reduce_min3A_212 : vector<512xf32> to vector<512x1xf32>
    %eq3A_214 = vector.broadcast %broadcast_in_dim3A_213 : vector<512x1xf32> to vector<512x2048xf32>
    %eq3A_215 = arith.cmpf oeq, %convert_element_type3A, %eq3A_214 : vector<512x2048xf32>
    %jit3A_216 = arith.constant 0x7F800000 : f32
    %broadcast_in_dim3A_217 = vector.broadcast %jit3A_216 : f32 to vector<512x2048xf32>
    %select_n3A_218 = arith.select %eq3A_215, %broadcast_in_dim3A_217, %select_n3A_202 : vector<512x2048xi1>, vector<512x2048xf32>
    %reduce_min3A_219 = arith.constant dense<0x7F800000> : vector<512xf32>
    %reduce_min3A_220 = vector.multi_reduction <minimumf>, %select_n3A_218, %reduce_min3A_219 [1] : vector<512x2048xf32> to vector<512xf32>
    %broadcast_in_dim3A_221 = vector.shape_cast %reduce_min3A_220 : vector<512xf32> to vector<512x1xf32>
    %eq3A_222 = vector.broadcast %broadcast_in_dim3A_221 : vector<512x1xf32> to vector<512x2048xf32>
    %eq3A_223 = arith.cmpf oeq, %select_n3A_218, %eq3A_222 : vector<512x2048xf32>
    %jit3A_224 = arith.constant 4.096000e+03 : f32
    %broadcast_in_dim3A_225 = vector.broadcast %jit3A_224 : f32 to vector<512x2048xf32>
    %select_n3A_226 = arith.select %eq3A_223, %convert_element_type3A, %broadcast_in_dim3A_225 : vector<512x2048xi1>, vector<512x2048xf32>
    %reduce_min3A_227 = arith.constant dense<0x7F800000> : vector<512xf32>
    %reduce_min3A_228 = vector.multi_reduction <minimumf>, %select_n3A_226, %reduce_min3A_227 [1] : vector<512x2048xf32> to vector<512xf32>
    %broadcast_in_dim3A_229 = vector.shape_cast %reduce_min3A_228 : vector<512xf32> to vector<512x1xf32>
    %eq3A_230 = vector.broadcast %broadcast_in_dim3A_229 : vector<512x1xf32> to vector<512x2048xf32>
    %eq3A_231 = arith.cmpf oeq, %convert_element_type3A, %eq3A_230 : vector<512x2048xf32>
    %jit3A_232 = arith.constant 0x7F800000 : f32
    %broadcast_in_dim3A_233 = vector.broadcast %jit3A_232 : f32 to vector<512x2048xf32>
    %select_n3A_234 = arith.select %eq3A_231, %broadcast_in_dim3A_233, %select_n3A_218 : vector<512x2048xi1>, vector<512x2048xf32>
    %reduce_min3A_235 = arith.constant dense<0x7F800000> : vector<512xf32>
    %reduce_min3A_236 = vector.multi_reduction <minimumf>, %select_n3A_234, %reduce_min3A_235 [1] : vector<512x2048xf32> to vector<512xf32>
    %broadcast_in_dim3A_237 = vector.shape_cast %reduce_min3A_236 : vector<512xf32> to vector<512x1xf32>
    %eq3A_238 = vector.broadcast %broadcast_in_dim3A_237 : vector<512x1xf32> to vector<512x2048xf32>
    %eq3A_239 = arith.cmpf oeq, %select_n3A_234, %eq3A_238 : vector<512x2048xf32>
    %jit3A_240 = arith.constant 4.096000e+03 : f32
    %broadcast_in_dim3A_241 = vector.broadcast %jit3A_240 : f32 to vector<512x2048xf32>
    %select_n3A_242 = arith.select %eq3A_239, %convert_element_type3A, %broadcast_in_dim3A_241 : vector<512x2048xi1>, vector<512x2048xf32>
    %reduce_min3A_243 = arith.constant dense<0x7F800000> : vector<512xf32>
    %reduce_min3A_244 = vector.multi_reduction <minimumf>, %select_n3A_242, %reduce_min3A_243 [1] : vector<512x2048xf32> to vector<512xf32>
    %broadcast_in_dim3A_245 = vector.shape_cast %reduce_min3A_244 : vector<512xf32> to vector<512x1xf32>
    %eq3A_246 = vector.broadcast %broadcast_in_dim3A_245 : vector<512x1xf32> to vector<512x2048xf32>
    %eq3A_247 = arith.cmpf oeq, %convert_element_type3A, %eq3A_246 : vector<512x2048xf32>
    %jit3A_248 = arith.constant 0x7F800000 : f32
    %broadcast_in_dim3A_249 = vector.broadcast %jit3A_248 : f32 to vector<512x2048xf32>
    %select_n3A_250 = arith.select %eq3A_247, %broadcast_in_dim3A_249, %select_n3A_234 : vector<512x2048xi1>, vector<512x2048xf32>
    %reduce_min3A_251 = arith.constant dense<0x7F800000> : vector<512xf32>
    %reduce_min3A_252 = vector.multi_reduction <minimumf>, %select_n3A_250, %reduce_min3A_251 [1] : vector<512x2048xf32> to vector<512xf32>
    %broadcast_in_dim3A_253 = vector.shape_cast %reduce_min3A_252 : vector<512xf32> to vector<512x1xf32>
    %eq3A_254 = vector.broadcast %broadcast_in_dim3A_253 : vector<512x1xf32> to vector<512x2048xf32>
    %eq3A_255 = arith.cmpf oeq, %select_n3A_250, %eq3A_254 : vector<512x2048xf32>
    %jit3A_256 = arith.constant 4.096000e+03 : f32
    %broadcast_in_dim3A_257 = vector.broadcast %jit3A_256 : f32 to vector<512x2048xf32>
    %select_n3A_258 = arith.select %eq3A_255, %convert_element_type3A, %broadcast_in_dim3A_257 : vector<512x2048xi1>, vector<512x2048xf32>
    %reduce_min3A_259 = arith.constant dense<0x7F800000> : vector<512xf32>
    %reduce_min3A_260 = vector.multi_reduction <minimumf>, %select_n3A_258, %reduce_min3A_259 [1] : vector<512x2048xf32> to vector<512xf32>
    %broadcast_in_dim3A_261 = vector.shape_cast %reduce_min3A_260 : vector<512xf32> to vector<512x1xf32>
    %eq3A_262 = vector.broadcast %broadcast_in_dim3A_261 : vector<512x1xf32> to vector<512x2048xf32>
    %eq3A_263 = arith.cmpf oeq, %convert_element_type3A, %eq3A_262 : vector<512x2048xf32>
    %jit3A_264 = arith.constant 0x7F800000 : f32
    %broadcast_in_dim3A_265 = vector.broadcast %jit3A_264 : f32 to vector<512x2048xf32>
    %select_n3A_266 = arith.select %eq3A_263, %broadcast_in_dim3A_265, %select_n3A_250 : vector<512x2048xi1>, vector<512x2048xf32>
    %reduce_min3A_267 = arith.constant dense<0x7F800000> : vector<512xf32>
    %reduce_min3A_268 = vector.multi_reduction <minimumf>, %select_n3A_266, %reduce_min3A_267 [1] : vector<512x2048xf32> to vector<512xf32>
    %broadcast_in_dim3A_269 = vector.shape_cast %reduce_min3A_268 : vector<512xf32> to vector<512x1xf32>
    %eq3A_270 = vector.broadcast %broadcast_in_dim3A_269 : vector<512x1xf32> to vector<512x2048xf32>
    %eq3A_271 = arith.cmpf oeq, %select_n3A_266, %eq3A_270 : vector<512x2048xf32>
    %jit3A_272 = arith.constant 4.096000e+03 : f32
    %broadcast_in_dim3A_273 = vector.broadcast %jit3A_272 : f32 to vector<512x2048xf32>
    %select_n3A_274 = arith.select %eq3A_271, %convert_element_type3A, %broadcast_in_dim3A_273 : vector<512x2048xi1>, vector<512x2048xf32>
    %reduce_min3A_275 = arith.constant dense<0x7F800000> : vector<512xf32>
    %reduce_min3A_276 = vector.multi_reduction <minimumf>, %select_n3A_274, %reduce_min3A_275 [1] : vector<512x2048xf32> to vector<512xf32>
    %broadcast_in_dim3A_277 = vector.shape_cast %reduce_min3A_276 : vector<512xf32> to vector<512x1xf32>
    %concatenate3A = tpu.concatenate %broadcast_in_dim3A_37, %broadcast_in_dim3A_53, %broadcast_in_dim3A_69, %broadcast_in_dim3A_85, %broadcast_in_dim3A_101, %broadcast_in_dim3A_117, %broadcast_in_dim3A_133, %broadcast_in_dim3A_149, %broadcast_in_dim3A_165, %broadcast_in_dim3A_181, %broadcast_in_dim3A_197, %broadcast_in_dim3A_213, %broadcast_in_dim3A_229, %broadcast_in_dim3A_245, %broadcast_in_dim3A_261, %broadcast_in_dim3A_277 in 1 : vector<512x1xf32>, vector<512x1xf32>, vector<512x1xf32>, vector<512x1xf32>, vector<512x1xf32>, vector<512x1xf32>, vector<512x1xf32>, vector<512x1xf32>, vector<512x1xf32>, vector<512x1xf32>, vector<512x1xf32>, vector<512x1xf32>, vector<512x1xf32>, vector<512x1xf32>, vector<512x1xf32>, vector<512x1xf32> -> vector<512x16xf32>
    %convert_element_type3A_278 = arith.fptosi %concatenate3A : vector<512x16xf32> to vector<512x16xi32>
    %swap3A = arith.constant 0 : index
    %swap3A_279 = arith.constant 0 : index
    %swap3A_280 = arith.constant 0 : index
    %swap3A_281 = vector.load %arg5[%swap3A, %swap3A_279, %swap3A_280] : memref<1x512x16xi32, #tpu.memory_space<vmem>>, vector<1x512x16xi32>
    %swap3A_282 = vector.shape_cast %swap3A_281 : vector<1x512x16xi32> to vector<512x16xi32>
    %swap3A_283 = vector.shape_cast %convert_element_type3A_278 : vector<512x16xi32> to vector<1x512x16xi32>
    tpu.vector_store %arg5[%swap3A, %swap3A_279, %swap3A_280], %swap3A_283 {strides = array<i32>} : memref<1x512x16xi32, #tpu.memory_space<vmem>>, vector<1x512x16xi32>,
    %mul3A_284 = arith.constant 2048 : i32
    %mul3A_285 = arith.muli %arg0, %mul3A_284 : i32
    %add3A_286 = vector.broadcast %mul3A_285 : i32 to vector<512x16xi32>
    %add3A_287 = arith.addi %convert_element_type3A_278, %add3A_286 : vector<512x16xi32>
    %swap3A_288 = arith.constant 0 : index
    %swap3A_289 = arith.constant 0 : index
    %swap3A_290 = arith.constant 0 : index
    %swap3A_291 = vector.load %arg6[%swap3A_288, %swap3A_289, %swap3A_290] : memref<1x512x16xi32, #tpu.memory_space<vmem>>, vector<1x512x16xi32>
    %swap3A_292 = vector.shape_cast %swap3A_291 : vector<1x512x16xi32> to vector<512x16xi32>
    %swap3A_293 = vector.shape_cast %add3A_287 : vector<512x16xi32> to vector<1x512x16xi32>
    tpu.vector_store %arg6[%swap3A_288, %swap3A_289, %swap3A_290], %swap3A_293 {strides = array<i32>} : memref<1x512x16xi32, #tpu.memory_space<vmem>>, vector<1x512x16xi32>,
    %get3A_294 = arith.constant 0 : index
    %get3A_295 = arith.constant 0 : index
    %get3A_296 = vector.load %arg4[%get3A_294, %get3A_295] : memref<32x32xf32, #tpu.memory_space<vmem>>, vector<32x32xf32>
    %dot_general3A_297 = arith.constant dense<0.000000e+00> : vector<512x32xf32>
    %dot_general3A_298 = tpu.matmul %get3A_3, %get3A_296, %dot_general3A_297 {dimension_numbers = #tpu.dot_dimension_numbers<[1], [0], [0], [1], [0, 0, 1, 1], [], []>, transpose_lhs_hint = false} : vector<512x32xf32>, vector<32x32xf32>, vector<512x32xf32> -> vector<512x32xf32>
    %swap3A_299 = arith.constant 0 : index
    %swap3A_300 = arith.constant 0 : index
    %swap3A_301 = arith.constant 0 : index
    %swap3A_302 = vector.load %arg7[%swap3A_299, %swap3A_300, %swap3A_301] : memref<1x512x32xf32, #tpu.memory_space<vmem>>, vector<1x512x32xf32>
    %swap3A_303 = vector.shape_cast %swap3A_302 : vector<1x512x32xf32> to vector<512x32xf32>
    %swap3A_304 = vector.shape_cast %dot_general3A_298 : vector<512x32xf32> to vector<1x512x32xf32>
    tpu.vector_store %arg7[%swap3A_299, %swap3A_300, %swap3A_301], %swap3A_304 {strides = array<i32>} : memref<1x512x32xf32, #tpu.memory_space<vmem>>, vector<1x512x32xf32>,
    return
  }
  func.func @transform_0(%arg0: i32, %arg1: i32) -> (i32, i32, i32) {
    %c0_i32 = arith.constant 0 : i32
    %c0_i32_0 = arith.constant 0 : i32
    return %arg0, %arg1, %c0_i32 : i32, i32, i32
  }
  func.func @transform_1(%arg0: i32, %arg1: i32) -> (i32, i32, i32) {
    %c0_i32 = arith.constant 0 : i32
    %c0_i32_0 = arith.constant 0 : i32
    %c0_i32_1 = arith.constant 0 : i32
    return %arg0, %c0_i32, %c0_i32_0 : i32, i32, i32
  }
  func.func @transform_2(%arg0: i32, %arg1: i32) -> (i32, i32) {
    %c0_i32 = arith.constant 0 : i32
    %c0_i32_0 = arith.constant 0 : i32
    %c0_i32_1 = arith.constant 0 : i32
    return %c0_i32, %c0_i32_0 : i32, i32
  }
  func.func @transform_3(%arg0: i32, %arg1: i32) -> (i32, i32, i32) {
    %c0_i32 = arith.constant 0 : i32
    %c0_i32_0 = arith.constant 0 : i32
    return %arg0, %arg1, %c0_i32 : i32, i32, i32
  }
  func.func @transform_4(%arg0: i32, %arg1: i32) -> (i32, i32, i32) {
    %c0_i32 = arith.constant 0 : i32
    %c0_i32_0 = arith.constant 0 : i32
    return %arg0, %arg1, %c0_i32 : i32, i32, i32
  }
  func.func @transform_5(%arg0: i32, %arg1: i32) -> (i32, i32, i32) {
    %c0_i32 = arith.constant 0 : i32
    %c0_i32_0 = arith.constant 0 : i32
    return %arg0, %arg1, %c0_i32 : i32, i32, i32
  }
}

module attributes {stable_mosaic.version = 14 : i64} {
  func.func @_conv_body(%arg0: i32, %arg1: i32, %arg2: memref<1x512x32xf32, #tpu.memory_space<vmem>>, %arg3: memref<1x4x512x128xf32, #tpu.memory_space<vmem>>, %arg4: memref<32x128xf32, #tpu.memory_space<vmem>>, %arg5: memref<1x128xf32, #tpu.memory_space<vmem>>, %arg6: memref<128x128xf32, #tpu.memory_space<vmem>>, %arg7: memref<32x128xf32, #tpu.memory_space<vmem>>, %arg8: memref<1x128xf32, #tpu.memory_space<vmem>>, %arg9: memref<128x128xf32, #tpu.memory_space<vmem>>, %arg10: memref<128x128xf32, #tpu.memory_space<vmem>>, %arg11: memref<32x128xf32, #tpu.memory_space<vmem>>, %arg12: memref<1x128xf32, #tpu.memory_space<vmem>>, %arg13: memref<1x512x128xf32, #tpu.memory_space<vmem>>) attributes {dimension_semantics = [#tpu.dimension_semantics<arbitrary>, #tpu.dimension_semantics<arbitrary>], iteration_bounds = array<i64: 4, 4>, scalar_prefetch = 0 : i64, scratch_operands = 0 : i64, tpu.core_type = #tpu.core_type<tc>, window_params = [{transform_indices = @transform_0, window_bounds = array<i64: 1, 512, 32>}, {transform_indices = @transform_1, window_bounds = array<i64: 1, 4, 512, 128>}, {pipeline_mode = #tpu.pipeline_mode<synchronous>, transform_indices = @transform_2, window_bounds = array<i64: 32, 128>}, {pipeline_mode = #tpu.pipeline_mode<synchronous>, transform_indices = @transform_3, window_bounds = array<i64: 1, 128>}, {pipeline_mode = #tpu.pipeline_mode<synchronous>, transform_indices = @transform_4, window_bounds = array<i64: 128, 128>}, {pipeline_mode = #tpu.pipeline_mode<synchronous>, transform_indices = @transform_5, window_bounds = array<i64: 32, 128>}, {pipeline_mode = #tpu.pipeline_mode<synchronous>, transform_indices = @transform_6, window_bounds = array<i64: 1, 128>}, {pipeline_mode = #tpu.pipeline_mode<synchronous>, transform_indices = @transform_7, window_bounds = array<i64: 128, 128>}, {pipeline_mode = #tpu.pipeline_mode<synchronous>, transform_indices = @transform_8, window_bounds = array<i64: 128, 128>}, {pipeline_mode = #tpu.pipeline_mode<synchronous>, transform_indices = @transform_9, window_bounds = array<i64: 32, 128>}, {pipeline_mode = #tpu.pipeline_mode<synchronous>, transform_indices = @transform_10, window_bounds = array<i64: 1, 128>}, {transform_indices = @transform_11, window_bounds = array<i64: 1, 512, 128>}]} {
    %get3A = arith.constant 0 : index
    %get3A_0 = arith.constant 0 : index
    %get3A_1 = arith.constant 0 : index
    %get3A_2 = vector.load %arg2[%get3A, %get3A_0, %get3A_1] : memref<1x512x32xf32, #tpu.memory_space<vmem>>, vector<1x512x32xf32>
    %get3A_3 = vector.shape_cast %get3A_2 : vector<1x512x32xf32> to vector<512x32xf32>
    %get3A_4 = arith.constant 0 : index
    %get3A_5 = arith.constant 0 : index
    %get3A_6 = vector.load %arg4[%get3A_4, %get3A_5] : memref<32x128xf32, #tpu.memory_space<vmem>>, vector<32x128xf32>
    %dot_general3A = arith.constant dense<0.000000e+00> : vector<512x128xf32>
    %dot_general3A_7 = tpu.matmul %get3A_3, %get3A_6, %dot_general3A {dimension_numbers = #tpu.dot_dimension_numbers<[1], [0], [0], [1], [0, 0, 1, 1], [], []>, transpose_lhs_hint = false} : vector<512x32xf32>, vector<32x128xf32>, vector<512x128xf32> -> vector<512x128xf32>
    %get3A_8 = arith.constant 0 : index
    %get3A_9 = arith.constant 0 : index
    %get3A_10 = vector.load %arg5[%get3A_8, %get3A_9] : memref<1x128xf32, #tpu.memory_space<vmem>>, vector<1x128xf32>
    %add3A = vector.broadcast %get3A_10 : vector<1x128xf32> to vector<512x128xf32>
    %add3A_11 = arith.addf %dot_general3A_7, %add3A : vector<512x128xf32>
    %get3A_12 = arith.constant 0 : index
    %get3A_13 = arith.constant 0 : index
    %get3A_14 = vector.load %arg7[%get3A_12, %get3A_13] : memref<32x128xf32, #tpu.memory_space<vmem>>, vector<32x128xf32>
    %dot_general3A_15 = arith.constant dense<0.000000e+00> : vector<512x128xf32>
    %dot_general3A_16 = tpu.matmul %get3A_3, %get3A_14, %dot_general3A_15 {dimension_numbers = #tpu.dot_dimension_numbers<[1], [0], [0], [1], [0, 0, 1, 1], [], []>, transpose_lhs_hint = false} : vector<512x32xf32>, vector<32x128xf32>, vector<512x128xf32> -> vector<512x128xf32>
    %get3A_17 = arith.constant 0 : index
    %get3A_18 = arith.constant 0 : index
    %get3A_19 = vector.load %arg8[%get3A_17, %get3A_18] : memref<1x128xf32, #tpu.memory_space<vmem>>, vector<1x128xf32>
    %add3A_20 = vector.broadcast %get3A_19 : vector<1x128xf32> to vector<512x128xf32>
    %add3A_21 = arith.addf %dot_general3A_16, %add3A_20 : vector<512x128xf32>
    %get3A_22 = arith.constant 0 : index
    %get3A_23 = arith.constant 0 : index
    %get3A_24 = vector.load %arg11[%get3A_22, %get3A_23] : memref<32x128xf32, #tpu.memory_space<vmem>>, vector<32x128xf32>
    %dot_general3A_25 = arith.constant dense<0.000000e+00> : vector<512x128xf32>
    %dot_general3A_26 = tpu.matmul %get3A_3, %get3A_24, %dot_general3A_25 {dimension_numbers = #tpu.dot_dimension_numbers<[1], [0], [0], [1], [0, 0, 1, 1], [], []>, transpose_lhs_hint = false} : vector<512x32xf32>, vector<32x128xf32>, vector<512x128xf32> -> vector<512x128xf32>
    %get3A_27 = arith.constant 0 : index
    %get3A_28 = arith.constant 0 : index
    %get3A_29 = vector.load %arg12[%get3A_27, %get3A_28] : memref<1x128xf32, #tpu.memory_space<vmem>>, vector<1x128xf32>
    %add3A_30 = vector.broadcast %get3A_29 : vector<1x128xf32> to vector<512x128xf32>
    %add3A_31 = arith.addf %dot_general3A_26, %add3A_30 : vector<512x128xf32>
    %slice3A = vector.extract_strided_slice %add3A_11 {offsets = [0, 0], sizes = [64, 128], strides = [1, 1]} : vector<512x128xf32> to vector<64x128xf32>
    %slice3A_32 = vector.extract_strided_slice %add3A_21 {offsets = [0, 0], sizes = [64, 128], strides = [1, 1]} : vector<512x128xf32> to vector<64x128xf32>
    %slice3A_33 = vector.extract_strided_slice %add3A_31 {offsets = [0, 0], sizes = [64, 128], strides = [1, 1]} : vector<512x128xf32> to vector<64x128xf32>
    %broadcast_in_dim3A = arith.constant 0xFF800000 : f32
    %broadcast_in_dim3A_34 = vector.broadcast %broadcast_in_dim3A : f32 to vector<64x128xf32>
    %broadcast_in_dim3A_35 = arith.constant 0xFF800000 : f32
    %broadcast_in_dim3A_36 = vector.broadcast %broadcast_in_dim3A_35 : f32 to vector<64x128xf32>
    %broadcast_in_dim3A_37 = arith.constant 0xFF800000 : f32
    %broadcast_in_dim3A_38 = vector.broadcast %broadcast_in_dim3A_37 : f32 to vector<64x128xf32>
    %get3A_39 = arith.constant 0 : index
    %get3A_40 = arith.constant 0 : index
    %get3A_41 = arith.constant 0 : index
    %get3A_42 = arith.constant 0 : index
    %get3A_43 = vector.load %arg3[%get3A_39, %get3A_40, %get3A_41, %get3A_42] : memref<1x4x512x128xf32, #tpu.memory_space<vmem>>, vector<1x1x64x128xf32>
    %get3A_44 = vector.shape_cast %get3A_43 : vector<1x1x64x128xf32> to vector<64x128xf32>
    %add3A_45 = arith.addf %get3A_44, %slice3A : vector<64x128xf32>
    %max3A = arith.constant 0.000000e+00 : f32
    %max3A_46 = vector.broadcast %max3A : f32 to vector<64x128xf32>
    %max3A_47 = arith.maximumf %add3A_45, %max3A_46 : vector<64x128xf32>
    %get3A_48 = arith.constant 0 : index
    %get3A_49 = arith.constant 0 : index
    %get3A_50 = vector.load %arg6[%get3A_48, %get3A_49] : memref<128x128xf32, #tpu.memory_space<vmem>>, vector<128x128xf32>
    %dot_general3A_51 = arith.constant dense<0.000000e+00> : vector<64x128xf32>
    %dot_general3A_52 = tpu.matmul %max3A_47, %get3A_50, %dot_general3A_51 {dimension_numbers = #tpu.dot_dimension_numbers<[1], [0], [0], [1], [0, 0, 1, 1], [], []>, transpose_lhs_hint = false} : vector<64x128xf32>, vector<128x128xf32>, vector<64x128xf32> -> vector<64x128xf32>
    %add3A_53 = arith.addf %dot_general3A_52, %slice3A_32 : vector<64x128xf32>
    %max3A_54 = arith.constant 0.000000e+00 : f32
    %max3A_55 = vector.broadcast %max3A_54 : f32 to vector<64x128xf32>
    %max3A_56 = arith.maximumf %add3A_53, %max3A_55 : vector<64x128xf32>
    %get3A_57 = arith.constant 0 : index
    %get3A_58 = arith.constant 0 : index
    %get3A_59 = vector.load %arg9[%get3A_57, %get3A_58] : memref<128x128xf32, #tpu.memory_space<vmem>>, vector<128x128xf32>
    %dot_general3A_60 = arith.constant dense<0.000000e+00> : vector<64x128xf32>
    %dot_general3A_61 = tpu.matmul %max3A_56, %get3A_59, %dot_general3A_60 {dimension_numbers = #tpu.dot_dimension_numbers<[1], [0], [0], [1], [0, 0, 1, 1], [], []>, transpose_lhs_hint = false} : vector<64x128xf32>, vector<128x128xf32>, vector<64x128xf32> -> vector<64x128xf32>
    %get3A_62 = arith.constant 0 : index
    %get3A_63 = arith.constant 0 : index
    %get3A_64 = vector.load %arg10[%get3A_62, %get3A_63] : memref<128x128xf32, #tpu.memory_space<vmem>>, vector<128x128xf32>
    %dot_general3A_65 = arith.constant dense<0.000000e+00> : vector<64x128xf32>
    %dot_general3A_66 = tpu.matmul %max3A_47, %get3A_64, %dot_general3A_65 {dimension_numbers = #tpu.dot_dimension_numbers<[1], [0], [0], [1], [0, 0, 1, 1], [], []>, transpose_lhs_hint = false} : vector<64x128xf32>, vector<128x128xf32>, vector<64x128xf32> -> vector<64x128xf32>
    %add3A_67 = arith.addf %dot_general3A_61, %dot_general3A_66 : vector<64x128xf32>
    %add3A_68 = arith.addf %add3A_67, %slice3A_33 : vector<64x128xf32>
    %max3A_69 = arith.maximumf %broadcast_in_dim3A_34, %max3A_47 : vector<64x128xf32>
    %max3A_70 = arith.maximumf %broadcast_in_dim3A_36, %max3A_56 : vector<64x128xf32>
    %max3A_71 = arith.maximumf %broadcast_in_dim3A_38, %add3A_68 : vector<64x128xf32>
    %get3A_72 = arith.constant 0 : index
    %get3A_73 = arith.constant 1 : index
    %get3A_74 = arith.constant 0 : index
    %get3A_75 = arith.constant 0 : index
    %get3A_76 = vector.load %arg3[%get3A_72, %get3A_73, %get3A_74, %get3A_75] : memref<1x4x512x128xf32, #tpu.memory_space<vmem>>, vector<1x1x64x128xf32>
    %get3A_77 = vector.shape_cast %get3A_76 : vector<1x1x64x128xf32> to vector<64x128xf32>
    %add3A_78 = arith.addf %get3A_77, %slice3A : vector<64x128xf32>
    %max3A_79 = arith.constant 0.000000e+00 : f32
    %max3A_80 = vector.broadcast %max3A_79 : f32 to vector<64x128xf32>
    %max3A_81 = arith.maximumf %add3A_78, %max3A_80 : vector<64x128xf32>
    %get3A_82 = arith.constant 0 : index
    %get3A_83 = arith.constant 0 : index
    %get3A_84 = vector.load %arg6[%get3A_82, %get3A_83] : memref<128x128xf32, #tpu.memory_space<vmem>>, vector<128x128xf32>
    %dot_general3A_85 = arith.constant dense<0.000000e+00> : vector<64x128xf32>
    %dot_general3A_86 = tpu.matmul %max3A_81, %get3A_84, %dot_general3A_85 {dimension_numbers = #tpu.dot_dimension_numbers<[1], [0], [0], [1], [0, 0, 1, 1], [], []>, transpose_lhs_hint = false} : vector<64x128xf32>, vector<128x128xf32>, vector<64x128xf32> -> vector<64x128xf32>
    %add3A_87 = arith.addf %dot_general3A_86, %slice3A_32 : vector<64x128xf32>
    %max3A_88 = arith.constant 0.000000e+00 : f32
    %max3A_89 = vector.broadcast %max3A_88 : f32 to vector<64x128xf32>
    %max3A_90 = arith.maximumf %add3A_87, %max3A_89 : vector<64x128xf32>
    %get3A_91 = arith.constant 0 : index
    %get3A_92 = arith.constant 0 : index
    %get3A_93 = vector.load %arg9[%get3A_91, %get3A_92] : memref<128x128xf32, #tpu.memory_space<vmem>>, vector<128x128xf32>
    %dot_general3A_94 = arith.constant dense<0.000000e+00> : vector<64x128xf32>
    %dot_general3A_95 = tpu.matmul %max3A_90, %get3A_93, %dot_general3A_94 {dimension_numbers = #tpu.dot_dimension_numbers<[1], [0], [0], [1], [0, 0, 1, 1], [], []>, transpose_lhs_hint = false} : vector<64x128xf32>, vector<128x128xf32>, vector<64x128xf32> -> vector<64x128xf32>
    %get3A_96 = arith.constant 0 : index
    %get3A_97 = arith.constant 0 : index
    %get3A_98 = vector.load %arg10[%get3A_96, %get3A_97] : memref<128x128xf32, #tpu.memory_space<vmem>>, vector<128x128xf32>
    %dot_general3A_99 = arith.constant dense<0.000000e+00> : vector<64x128xf32>
    %dot_general3A_100 = tpu.matmul %max3A_81, %get3A_98, %dot_general3A_99 {dimension_numbers = #tpu.dot_dimension_numbers<[1], [0], [0], [1], [0, 0, 1, 1], [], []>, transpose_lhs_hint = false} : vector<64x128xf32>, vector<128x128xf32>, vector<64x128xf32> -> vector<64x128xf32>
    %add3A_101 = arith.addf %dot_general3A_95, %dot_general3A_100 : vector<64x128xf32>
    %add3A_102 = arith.addf %add3A_101, %slice3A_33 : vector<64x128xf32>
    %max3A_103 = arith.maximumf %max3A_69, %max3A_81 : vector<64x128xf32>
    %max3A_104 = arith.maximumf %max3A_70, %max3A_90 : vector<64x128xf32>
    %max3A_105 = arith.maximumf %max3A_71, %add3A_102 : vector<64x128xf32>
    %get3A_106 = arith.constant 0 : index
    %get3A_107 = arith.constant 2 : index
    %get3A_108 = arith.constant 0 : index
    %get3A_109 = arith.constant 0 : index
    %get3A_110 = vector.load %arg3[%get3A_106, %get3A_107, %get3A_108, %get3A_109] : memref<1x4x512x128xf32, #tpu.memory_space<vmem>>, vector<1x1x64x128xf32>
    %get3A_111 = vector.shape_cast %get3A_110 : vector<1x1x64x128xf32> to vector<64x128xf32>
    %add3A_112 = arith.addf %get3A_111, %slice3A : vector<64x128xf32>
    %max3A_113 = arith.constant 0.000000e+00 : f32
    %max3A_114 = vector.broadcast %max3A_113 : f32 to vector<64x128xf32>
    %max3A_115 = arith.maximumf %add3A_112, %max3A_114 : vector<64x128xf32>
    %get3A_116 = arith.constant 0 : index
    %get3A_117 = arith.constant 0 : index
    %get3A_118 = vector.load %arg6[%get3A_116, %get3A_117] : memref<128x128xf32, #tpu.memory_space<vmem>>, vector<128x128xf32>
    %dot_general3A_119 = arith.constant dense<0.000000e+00> : vector<64x128xf32>
    %dot_general3A_120 = tpu.matmul %max3A_115, %get3A_118, %dot_general3A_119 {dimension_numbers = #tpu.dot_dimension_numbers<[1], [0], [0], [1], [0, 0, 1, 1], [], []>, transpose_lhs_hint = false} : vector<64x128xf32>, vector<128x128xf32>, vector<64x128xf32> -> vector<64x128xf32>
    %add3A_121 = arith.addf %dot_general3A_120, %slice3A_32 : vector<64x128xf32>
    %max3A_122 = arith.constant 0.000000e+00 : f32
    %max3A_123 = vector.broadcast %max3A_122 : f32 to vector<64x128xf32>
    %max3A_124 = arith.maximumf %add3A_121, %max3A_123 : vector<64x128xf32>
    %get3A_125 = arith.constant 0 : index
    %get3A_126 = arith.constant 0 : index
    %get3A_127 = vector.load %arg9[%get3A_125, %get3A_126] : memref<128x128xf32, #tpu.memory_space<vmem>>, vector<128x128xf32>
    %dot_general3A_128 = arith.constant dense<0.000000e+00> : vector<64x128xf32>
    %dot_general3A_129 = tpu.matmul %max3A_124, %get3A_127, %dot_general3A_128 {dimension_numbers = #tpu.dot_dimension_numbers<[1], [0], [0], [1], [0, 0, 1, 1], [], []>, transpose_lhs_hint = false} : vector<64x128xf32>, vector<128x128xf32>, vector<64x128xf32> -> vector<64x128xf32>
    %get3A_130 = arith.constant 0 : index
    %get3A_131 = arith.constant 0 : index
    %get3A_132 = vector.load %arg10[%get3A_130, %get3A_131] : memref<128x128xf32, #tpu.memory_space<vmem>>, vector<128x128xf32>
    %dot_general3A_133 = arith.constant dense<0.000000e+00> : vector<64x128xf32>
    %dot_general3A_134 = tpu.matmul %max3A_115, %get3A_132, %dot_general3A_133 {dimension_numbers = #tpu.dot_dimension_numbers<[1], [0], [0], [1], [0, 0, 1, 1], [], []>, transpose_lhs_hint = false} : vector<64x128xf32>, vector<128x128xf32>, vector<64x128xf32> -> vector<64x128xf32>
    %add3A_135 = arith.addf %dot_general3A_129, %dot_general3A_134 : vector<64x128xf32>
    %add3A_136 = arith.addf %add3A_135, %slice3A_33 : vector<64x128xf32>
    %max3A_137 = arith.maximumf %max3A_103, %max3A_115 : vector<64x128xf32>
    %max3A_138 = arith.maximumf %max3A_104, %max3A_124 : vector<64x128xf32>
    %max3A_139 = arith.maximumf %max3A_105, %add3A_136 : vector<64x128xf32>
    %get3A_140 = arith.constant 0 : index
    %get3A_141 = arith.constant 3 : index
    %get3A_142 = arith.constant 0 : index
    %get3A_143 = arith.constant 0 : index
    %get3A_144 = vector.load %arg3[%get3A_140, %get3A_141, %get3A_142, %get3A_143] : memref<1x4x512x128xf32, #tpu.memory_space<vmem>>, vector<1x1x64x128xf32>
    %get3A_145 = vector.shape_cast %get3A_144 : vector<1x1x64x128xf32> to vector<64x128xf32>
    %add3A_146 = arith.addf %get3A_145, %slice3A : vector<64x128xf32>
    %max3A_147 = arith.constant 0.000000e+00 : f32
    %max3A_148 = vector.broadcast %max3A_147 : f32 to vector<64x128xf32>
    %max3A_149 = arith.maximumf %add3A_146, %max3A_148 : vector<64x128xf32>
    %get3A_150 = arith.constant 0 : index
    %get3A_151 = arith.constant 0 : index
    %get3A_152 = vector.load %arg6[%get3A_150, %get3A_151] : memref<128x128xf32, #tpu.memory_space<vmem>>, vector<128x128xf32>
    %dot_general3A_153 = arith.constant dense<0.000000e+00> : vector<64x128xf32>
    %dot_general3A_154 = tpu.matmul %max3A_149, %get3A_152, %dot_general3A_153 {dimension_numbers = #tpu.dot_dimension_numbers<[1], [0], [0], [1], [0, 0, 1, 1], [], []>, transpose_lhs_hint = false} : vector<64x128xf32>, vector<128x128xf32>, vector<64x128xf32> -> vector<64x128xf32>
    %add3A_155 = arith.addf %dot_general3A_154, %slice3A_32 : vector<64x128xf32>
    %max3A_156 = arith.constant 0.000000e+00 : f32
    %max3A_157 = vector.broadcast %max3A_156 : f32 to vector<64x128xf32>
    %max3A_158 = arith.maximumf %add3A_155, %max3A_157 : vector<64x128xf32>
    %get3A_159 = arith.constant 0 : index
    %get3A_160 = arith.constant 0 : index
    %get3A_161 = vector.load %arg9[%get3A_159, %get3A_160] : memref<128x128xf32, #tpu.memory_space<vmem>>, vector<128x128xf32>
    %dot_general3A_162 = arith.constant dense<0.000000e+00> : vector<64x128xf32>
    %dot_general3A_163 = tpu.matmul %max3A_158, %get3A_161, %dot_general3A_162 {dimension_numbers = #tpu.dot_dimension_numbers<[1], [0], [0], [1], [0, 0, 1, 1], [], []>, transpose_lhs_hint = false} : vector<64x128xf32>, vector<128x128xf32>, vector<64x128xf32> -> vector<64x128xf32>
    %get3A_164 = arith.constant 0 : index
    %get3A_165 = arith.constant 0 : index
    %get3A_166 = vector.load %arg10[%get3A_164, %get3A_165] : memref<128x128xf32, #tpu.memory_space<vmem>>, vector<128x128xf32>
    %dot_general3A_167 = arith.constant dense<0.000000e+00> : vector<64x128xf32>
    %dot_general3A_168 = tpu.matmul %max3A_149, %get3A_166, %dot_general3A_167 {dimension_numbers = #tpu.dot_dimension_numbers<[1], [0], [0], [1], [0, 0, 1, 1], [], []>, transpose_lhs_hint = false} : vector<64x128xf32>, vector<128x128xf32>, vector<64x128xf32> -> vector<64x128xf32>
    %add3A_169 = arith.addf %dot_general3A_163, %dot_general3A_168 : vector<64x128xf32>
    %add3A_170 = arith.addf %add3A_169, %slice3A_33 : vector<64x128xf32>
    %max3A_171 = arith.maximumf %max3A_137, %max3A_149 : vector<64x128xf32>
    %max3A_172 = arith.maximumf %max3A_138, %max3A_158 : vector<64x128xf32>
    %max3A_173 = arith.maximumf %max3A_139, %add3A_170 : vector<64x128xf32>
    %slice3A_174 = vector.extract_strided_slice %max3A_173 {offsets = [0, 0], sizes = [64, 64], strides = [1, 1]} : vector<64x128xf32> to vector<64x64xf32>
    %slice3A_175 = vector.extract_strided_slice %max3A_173 {offsets = [0, 64], sizes = [64, 64], strides = [1, 1]} : vector<64x128xf32> to vector<64x64xf32>
    %max3A_176 = arith.maximumf %slice3A_174, %slice3A_175 : vector<64x64xf32>
    %slice3A_177 = vector.extract_strided_slice %max3A_176 {offsets = [0, 0], sizes = [64, 32], strides = [1, 1]} : vector<64x64xf32> to vector<64x32xf32>
    %slice3A_178 = vector.extract_strided_slice %max3A_176 {offsets = [0, 32], sizes = [64, 32], strides = [1, 1]} : vector<64x64xf32> to vector<64x32xf32>
    %max3A_179 = arith.maximumf %slice3A_177, %slice3A_178 : vector<64x32xf32>
    %slice3A_180 = vector.extract_strided_slice %max3A_172 {offsets = [0, 0], sizes = [64, 64], strides = [1, 1]} : vector<64x128xf32> to vector<64x64xf32>
    %slice3A_181 = vector.extract_strided_slice %max3A_172 {offsets = [0, 64], sizes = [64, 64], strides = [1, 1]} : vector<64x128xf32> to vector<64x64xf32>
    %max3A_182 = arith.maximumf %slice3A_180, %slice3A_181 : vector<64x64xf32>
    %slice3A_183 = vector.extract_strided_slice %max3A_182 {offsets = [0, 0], sizes = [64, 32], strides = [1, 1]} : vector<64x64xf32> to vector<64x32xf32>
    %slice3A_184 = vector.extract_strided_slice %max3A_182 {offsets = [0, 32], sizes = [64, 32], strides = [1, 1]} : vector<64x64xf32> to vector<64x32xf32>
    %max3A_185 = arith.maximumf %slice3A_183, %slice3A_184 : vector<64x32xf32>
    %slice3A_186 = vector.extract_strided_slice %max3A_171 {offsets = [0, 0], sizes = [64, 64], strides = [1, 1]} : vector<64x128xf32> to vector<64x64xf32>
    %slice3A_187 = vector.extract_strided_slice %max3A_171 {offsets = [0, 64], sizes = [64, 64], strides = [1, 1]} : vector<64x128xf32> to vector<64x64xf32>
    %max3A_188 = arith.maximumf %slice3A_186, %slice3A_187 : vector<64x64xf32>
    %slice3A_189 = vector.extract_strided_slice %max3A_188 {offsets = [0, 0], sizes = [64, 32], strides = [1, 1]} : vector<64x64xf32> to vector<64x32xf32>
    %slice3A_190 = vector.extract_strided_slice %max3A_188 {offsets = [0, 32], sizes = [64, 32], strides = [1, 1]} : vector<64x64xf32> to vector<64x32xf32>
    %max3A_191 = arith.maximumf %slice3A_189, %slice3A_190 : vector<64x32xf32>
    %slice3A_192 = vector.extract_strided_slice %get3A_3 {offsets = [0, 0], sizes = [64, 32], strides = [1, 1]} : vector<512x32xf32> to vector<64x32xf32>
    %concatenate3A = tpu.concatenate %max3A_179, %max3A_185, %max3A_191, %slice3A_192 in 1 : vector<64x32xf32>, vector<64x32xf32>, vector<64x32xf32>, vector<64x32xf32> -> vector<64x128xf32>
    %swap3A = arith.constant 0 : index
    %swap3A_193 = arith.constant 0 : index
    %swap3A_194 = arith.constant 0 : index
    %swap3A_195 = vector.load %arg13[%swap3A, %swap3A_193, %swap3A_194] : memref<1x512x128xf32, #tpu.memory_space<vmem>>, vector<1x64x128xf32>
    %swap3A_196 = vector.shape_cast %swap3A_195 : vector<1x64x128xf32> to vector<64x128xf32>
    %swap3A_197 = vector.shape_cast %concatenate3A : vector<64x128xf32> to vector<1x64x128xf32>
    tpu.vector_store %arg13[%swap3A, %swap3A_193, %swap3A_194], %swap3A_197 {strides = array<i32>} : memref<1x512x128xf32, #tpu.memory_space<vmem>>, vector<1x64x128xf32>,
    %slice3A_198 = vector.extract_strided_slice %add3A_11 {offsets = [64, 0], sizes = [64, 128], strides = [1, 1]} : vector<512x128xf32> to vector<64x128xf32>
    %slice3A_199 = vector.extract_strided_slice %add3A_21 {offsets = [64, 0], sizes = [64, 128], strides = [1, 1]} : vector<512x128xf32> to vector<64x128xf32>
    %slice3A_200 = vector.extract_strided_slice %add3A_31 {offsets = [64, 0], sizes = [64, 128], strides = [1, 1]} : vector<512x128xf32> to vector<64x128xf32>
    %broadcast_in_dim3A_201 = arith.constant 0xFF800000 : f32
    %broadcast_in_dim3A_202 = vector.broadcast %broadcast_in_dim3A_201 : f32 to vector<64x128xf32>
    %broadcast_in_dim3A_203 = arith.constant 0xFF800000 : f32
    %broadcast_in_dim3A_204 = vector.broadcast %broadcast_in_dim3A_203 : f32 to vector<64x128xf32>
    %broadcast_in_dim3A_205 = arith.constant 0xFF800000 : f32
    %broadcast_in_dim3A_206 = vector.broadcast %broadcast_in_dim3A_205 : f32 to vector<64x128xf32>
    %get3A_207 = arith.constant 0 : index
    %get3A_208 = arith.constant 0 : index
    %get3A_209 = arith.constant 64 : index
    %get3A_210 = arith.constant 0 : index
    %get3A_211 = vector.load %arg3[%get3A_207, %get3A_208, %get3A_209, %get3A_210] : memref<1x4x512x128xf32, #tpu.memory_space<vmem>>, vector<1x1x64x128xf32>
    %get3A_212 = vector.shape_cast %get3A_211 : vector<1x1x64x128xf32> to vector<64x128xf32>
    %add3A_213 = arith.addf %get3A_212, %slice3A_198 : vector<64x128xf32>
    %max3A_214 = arith.constant 0.000000e+00 : f32
    %max3A_215 = vector.broadcast %max3A_214 : f32 to vector<64x128xf32>
    %max3A_216 = arith.maximumf %add3A_213, %max3A_215 : vector<64x128xf32>
    %get3A_217 = arith.constant 0 : index
    %get3A_218 = arith.constant 0 : index
    %get3A_219 = vector.load %arg6[%get3A_217, %get3A_218] : memref<128x128xf32, #tpu.memory_space<vmem>>, vector<128x128xf32>
    %dot_general3A_220 = arith.constant dense<0.000000e+00> : vector<64x128xf32>
    %dot_general3A_221 = tpu.matmul %max3A_216, %get3A_219, %dot_general3A_220 {dimension_numbers = #tpu.dot_dimension_numbers<[1], [0], [0], [1], [0, 0, 1, 1], [], []>, transpose_lhs_hint = false} : vector<64x128xf32>, vector<128x128xf32>, vector<64x128xf32> -> vector<64x128xf32>
    %add3A_222 = arith.addf %dot_general3A_221, %slice3A_199 : vector<64x128xf32>
    %max3A_223 = arith.constant 0.000000e+00 : f32
    %max3A_224 = vector.broadcast %max3A_223 : f32 to vector<64x128xf32>
    %max3A_225 = arith.maximumf %add3A_222, %max3A_224 : vector<64x128xf32>
    %get3A_226 = arith.constant 0 : index
    %get3A_227 = arith.constant 0 : index
    %get3A_228 = vector.load %arg9[%get3A_226, %get3A_227] : memref<128x128xf32, #tpu.memory_space<vmem>>, vector<128x128xf32>
    %dot_general3A_229 = arith.constant dense<0.000000e+00> : vector<64x128xf32>
    %dot_general3A_230 = tpu.matmul %max3A_225, %get3A_228, %dot_general3A_229 {dimension_numbers = #tpu.dot_dimension_numbers<[1], [0], [0], [1], [0, 0, 1, 1], [], []>, transpose_lhs_hint = false} : vector<64x128xf32>, vector<128x128xf32>, vector<64x128xf32> -> vector<64x128xf32>
    %get3A_231 = arith.constant 0 : index
    %get3A_232 = arith.constant 0 : index
    %get3A_233 = vector.load %arg10[%get3A_231, %get3A_232] : memref<128x128xf32, #tpu.memory_space<vmem>>, vector<128x128xf32>
    %dot_general3A_234 = arith.constant dense<0.000000e+00> : vector<64x128xf32>
    %dot_general3A_235 = tpu.matmul %max3A_216, %get3A_233, %dot_general3A_234 {dimension_numbers = #tpu.dot_dimension_numbers<[1], [0], [0], [1], [0, 0, 1, 1], [], []>, transpose_lhs_hint = false} : vector<64x128xf32>, vector<128x128xf32>, vector<64x128xf32> -> vector<64x128xf32>
    %add3A_236 = arith.addf %dot_general3A_230, %dot_general3A_235 : vector<64x128xf32>
    %add3A_237 = arith.addf %add3A_236, %slice3A_200 : vector<64x128xf32>
    %max3A_238 = arith.maximumf %broadcast_in_dim3A_202, %max3A_216 : vector<64x128xf32>
    %max3A_239 = arith.maximumf %broadcast_in_dim3A_204, %max3A_225 : vector<64x128xf32>
    %max3A_240 = arith.maximumf %broadcast_in_dim3A_206, %add3A_237 : vector<64x128xf32>
    %get3A_241 = arith.constant 0 : index
    %get3A_242 = arith.constant 1 : index
    %get3A_243 = arith.constant 64 : index
    %get3A_244 = arith.constant 0 : index
    %get3A_245 = vector.load %arg3[%get3A_241, %get3A_242, %get3A_243, %get3A_244] : memref<1x4x512x128xf32, #tpu.memory_space<vmem>>, vector<1x1x64x128xf32>
    %get3A_246 = vector.shape_cast %get3A_245 : vector<1x1x64x128xf32> to vector<64x128xf32>
    %add3A_247 = arith.addf %get3A_246, %slice3A_198 : vector<64x128xf32>
    %max3A_248 = arith.constant 0.000000e+00 : f32
    %max3A_249 = vector.broadcast %max3A_248 : f32 to vector<64x128xf32>
    %max3A_250 = arith.maximumf %add3A_247, %max3A_249 : vector<64x128xf32>
    %get3A_251 = arith.constant 0 : index
    %get3A_252 = arith.constant 0 : index
    %get3A_253 = vector.load %arg6[%get3A_251, %get3A_252] : memref<128x128xf32, #tpu.memory_space<vmem>>, vector<128x128xf32>
    %dot_general3A_254 = arith.constant dense<0.000000e+00> : vector<64x128xf32>
    %dot_general3A_255 = tpu.matmul %max3A_250, %get3A_253, %dot_general3A_254 {dimension_numbers = #tpu.dot_dimension_numbers<[1], [0], [0], [1], [0, 0, 1, 1], [], []>, transpose_lhs_hint = false} : vector<64x128xf32>, vector<128x128xf32>, vector<64x128xf32> -> vector<64x128xf32>
    %add3A_256 = arith.addf %dot_general3A_255, %slice3A_199 : vector<64x128xf32>
    %max3A_257 = arith.constant 0.000000e+00 : f32
    %max3A_258 = vector.broadcast %max3A_257 : f32 to vector<64x128xf32>
    %max3A_259 = arith.maximumf %add3A_256, %max3A_258 : vector<64x128xf32>
    %get3A_260 = arith.constant 0 : index
    %get3A_261 = arith.constant 0 : index
    %get3A_262 = vector.load %arg9[%get3A_260, %get3A_261] : memref<128x128xf32, #tpu.memory_space<vmem>>, vector<128x128xf32>
    %dot_general3A_263 = arith.constant dense<0.000000e+00> : vector<64x128xf32>
    %dot_general3A_264 = tpu.matmul %max3A_259, %get3A_262, %dot_general3A_263 {dimension_numbers = #tpu.dot_dimension_numbers<[1], [0], [0], [1], [0, 0, 1, 1], [], []>, transpose_lhs_hint = false} : vector<64x128xf32>, vector<128x128xf32>, vector<64x128xf32> -> vector<64x128xf32>
    %get3A_265 = arith.constant 0 : index
    %get3A_266 = arith.constant 0 : index
    %get3A_267 = vector.load %arg10[%get3A_265, %get3A_266] : memref<128x128xf32, #tpu.memory_space<vmem>>, vector<128x128xf32>
    %dot_general3A_268 = arith.constant dense<0.000000e+00> : vector<64x128xf32>
    %dot_general3A_269 = tpu.matmul %max3A_250, %get3A_267, %dot_general3A_268 {dimension_numbers = #tpu.dot_dimension_numbers<[1], [0], [0], [1], [0, 0, 1, 1], [], []>, transpose_lhs_hint = false} : vector<64x128xf32>, vector<128x128xf32>, vector<64x128xf32> -> vector<64x128xf32>
    %add3A_270 = arith.addf %dot_general3A_264, %dot_general3A_269 : vector<64x128xf32>
    %add3A_271 = arith.addf %add3A_270, %slice3A_200 : vector<64x128xf32>
    %max3A_272 = arith.maximumf %max3A_238, %max3A_250 : vector<64x128xf32>
    %max3A_273 = arith.maximumf %max3A_239, %max3A_259 : vector<64x128xf32>
    %max3A_274 = arith.maximumf %max3A_240, %add3A_271 : vector<64x128xf32>
    %get3A_275 = arith.constant 0 : index
    %get3A_276 = arith.constant 2 : index
    %get3A_277 = arith.constant 64 : index
    %get3A_278 = arith.constant 0 : index
    %get3A_279 = vector.load %arg3[%get3A_275, %get3A_276, %get3A_277, %get3A_278] : memref<1x4x512x128xf32, #tpu.memory_space<vmem>>, vector<1x1x64x128xf32>
    %get3A_280 = vector.shape_cast %get3A_279 : vector<1x1x64x128xf32> to vector<64x128xf32>
    %add3A_281 = arith.addf %get3A_280, %slice3A_198 : vector<64x128xf32>
    %max3A_282 = arith.constant 0.000000e+00 : f32
    %max3A_283 = vector.broadcast %max3A_282 : f32 to vector<64x128xf32>
    %max3A_284 = arith.maximumf %add3A_281, %max3A_283 : vector<64x128xf32>
    %get3A_285 = arith.constant 0 : index
    %get3A_286 = arith.constant 0 : index
    %get3A_287 = vector.load %arg6[%get3A_285, %get3A_286] : memref<128x128xf32, #tpu.memory_space<vmem>>, vector<128x128xf32>
    %dot_general3A_288 = arith.constant dense<0.000000e+00> : vector<64x128xf32>
    %dot_general3A_289 = tpu.matmul %max3A_284, %get3A_287, %dot_general3A_288 {dimension_numbers = #tpu.dot_dimension_numbers<[1], [0], [0], [1], [0, 0, 1, 1], [], []>, transpose_lhs_hint = false} : vector<64x128xf32>, vector<128x128xf32>, vector<64x128xf32> -> vector<64x128xf32>
    %add3A_290 = arith.addf %dot_general3A_289, %slice3A_199 : vector<64x128xf32>
    %max3A_291 = arith.constant 0.000000e+00 : f32
    %max3A_292 = vector.broadcast %max3A_291 : f32 to vector<64x128xf32>
    %max3A_293 = arith.maximumf %add3A_290, %max3A_292 : vector<64x128xf32>
    %get3A_294 = arith.constant 0 : index
    %get3A_295 = arith.constant 0 : index
    %get3A_296 = vector.load %arg9[%get3A_294, %get3A_295] : memref<128x128xf32, #tpu.memory_space<vmem>>, vector<128x128xf32>
    %dot_general3A_297 = arith.constant dense<0.000000e+00> : vector<64x128xf32>
    %dot_general3A_298 = tpu.matmul %max3A_293, %get3A_296, %dot_general3A_297 {dimension_numbers = #tpu.dot_dimension_numbers<[1], [0], [0], [1], [0, 0, 1, 1], [], []>, transpose_lhs_hint = false} : vector<64x128xf32>, vector<128x128xf32>, vector<64x128xf32> -> vector<64x128xf32>
    %get3A_299 = arith.constant 0 : index
    %get3A_300 = arith.constant 0 : index
    %get3A_301 = vector.load %arg10[%get3A_299, %get3A_300] : memref<128x128xf32, #tpu.memory_space<vmem>>, vector<128x128xf32>
    %dot_general3A_302 = arith.constant dense<0.000000e+00> : vector<64x128xf32>
    %dot_general3A_303 = tpu.matmul %max3A_284, %get3A_301, %dot_general3A_302 {dimension_numbers = #tpu.dot_dimension_numbers<[1], [0], [0], [1], [0, 0, 1, 1], [], []>, transpose_lhs_hint = false} : vector<64x128xf32>, vector<128x128xf32>, vector<64x128xf32> -> vector<64x128xf32>
    %add3A_304 = arith.addf %dot_general3A_298, %dot_general3A_303 : vector<64x128xf32>
    %add3A_305 = arith.addf %add3A_304, %slice3A_200 : vector<64x128xf32>
    %max3A_306 = arith.maximumf %max3A_272, %max3A_284 : vector<64x128xf32>
    %max3A_307 = arith.maximumf %max3A_273, %max3A_293 : vector<64x128xf32>
    %max3A_308 = arith.maximumf %max3A_274, %add3A_305 : vector<64x128xf32>
    %get3A_309 = arith.constant 0 : index
    %get3A_310 = arith.constant 3 : index
    %get3A_311 = arith.constant 64 : index
    %get3A_312 = arith.constant 0 : index
    %get3A_313 = vector.load %arg3[%get3A_309, %get3A_310, %get3A_311, %get3A_312] : memref<1x4x512x128xf32, #tpu.memory_space<vmem>>, vector<1x1x64x128xf32>
    %get3A_314 = vector.shape_cast %get3A_313 : vector<1x1x64x128xf32> to vector<64x128xf32>
    %add3A_315 = arith.addf %get3A_314, %slice3A_198 : vector<64x128xf32>
    %max3A_316 = arith.constant 0.000000e+00 : f32
    %max3A_317 = vector.broadcast %max3A_316 : f32 to vector<64x128xf32>
    %max3A_318 = arith.maximumf %add3A_315, %max3A_317 : vector<64x128xf32>
    %get3A_319 = arith.constant 0 : index
    %get3A_320 = arith.constant 0 : index
    %get3A_321 = vector.load %arg6[%get3A_319, %get3A_320] : memref<128x128xf32, #tpu.memory_space<vmem>>, vector<128x128xf32>
    %dot_general3A_322 = arith.constant dense<0.000000e+00> : vector<64x128xf32>
    %dot_general3A_323 = tpu.matmul %max3A_318, %get3A_321, %dot_general3A_322 {dimension_numbers = #tpu.dot_dimension_numbers<[1], [0], [0], [1], [0, 0, 1, 1], [], []>, transpose_lhs_hint = false} : vector<64x128xf32>, vector<128x128xf32>, vector<64x128xf32> -> vector<64x128xf32>
    %add3A_324 = arith.addf %dot_general3A_323, %slice3A_199 : vector<64x128xf32>
    %max3A_325 = arith.constant 0.000000e+00 : f32
    %max3A_326 = vector.broadcast %max3A_325 : f32 to vector<64x128xf32>
    %max3A_327 = arith.maximumf %add3A_324, %max3A_326 : vector<64x128xf32>
    %get3A_328 = arith.constant 0 : index
    %get3A_329 = arith.constant 0 : index
    %get3A_330 = vector.load %arg9[%get3A_328, %get3A_329] : memref<128x128xf32, #tpu.memory_space<vmem>>, vector<128x128xf32>
    %dot_general3A_331 = arith.constant dense<0.000000e+00> : vector<64x128xf32>
    %dot_general3A_332 = tpu.matmul %max3A_327, %get3A_330, %dot_general3A_331 {dimension_numbers = #tpu.dot_dimension_numbers<[1], [0], [0], [1], [0, 0, 1, 1], [], []>, transpose_lhs_hint = false} : vector<64x128xf32>, vector<128x128xf32>, vector<64x128xf32> -> vector<64x128xf32>
    %get3A_333 = arith.constant 0 : index
    %get3A_334 = arith.constant 0 : index
    %get3A_335 = vector.load %arg10[%get3A_333, %get3A_334] : memref<128x128xf32, #tpu.memory_space<vmem>>, vector<128x128xf32>
    %dot_general3A_336 = arith.constant dense<0.000000e+00> : vector<64x128xf32>
    %dot_general3A_337 = tpu.matmul %max3A_318, %get3A_335, %dot_general3A_336 {dimension_numbers = #tpu.dot_dimension_numbers<[1], [0], [0], [1], [0, 0, 1, 1], [], []>, transpose_lhs_hint = false} : vector<64x128xf32>, vector<128x128xf32>, vector<64x128xf32> -> vector<64x128xf32>
    %add3A_338 = arith.addf %dot_general3A_332, %dot_general3A_337 : vector<64x128xf32>
    %add3A_339 = arith.addf %add3A_338, %slice3A_200 : vector<64x128xf32>
    %max3A_340 = arith.maximumf %max3A_306, %max3A_318 : vector<64x128xf32>
    %max3A_341 = arith.maximumf %max3A_307, %max3A_327 : vector<64x128xf32>
    %max3A_342 = arith.maximumf %max3A_308, %add3A_339 : vector<64x128xf32>
    %slice3A_343 = vector.extract_strided_slice %max3A_342 {offsets = [0, 0], sizes = [64, 64], strides = [1, 1]} : vector<64x128xf32> to vector<64x64xf32>
    %slice3A_344 = vector.extract_strided_slice %max3A_342 {offsets = [0, 64], sizes = [64, 64], strides = [1, 1]} : vector<64x128xf32> to vector<64x64xf32>
    %max3A_345 = arith.maximumf %slice3A_343, %slice3A_344 : vector<64x64xf32>
    %slice3A_346 = vector.extract_strided_slice %max3A_345 {offsets = [0, 0], sizes = [64, 32], strides = [1, 1]} : vector<64x64xf32> to vector<64x32xf32>
    %slice3A_347 = vector.extract_strided_slice %max3A_345 {offsets = [0, 32], sizes = [64, 32], strides = [1, 1]} : vector<64x64xf32> to vector<64x32xf32>
    %max3A_348 = arith.maximumf %slice3A_346, %slice3A_347 : vector<64x32xf32>
    %slice3A_349 = vector.extract_strided_slice %max3A_341 {offsets = [0, 0], sizes = [64, 64], strides = [1, 1]} : vector<64x128xf32> to vector<64x64xf32>
    %slice3A_350 = vector.extract_strided_slice %max3A_341 {offsets = [0, 64], sizes = [64, 64], strides = [1, 1]} : vector<64x128xf32> to vector<64x64xf32>
    %max3A_351 = arith.maximumf %slice3A_349, %slice3A_350 : vector<64x64xf32>
    %slice3A_352 = vector.extract_strided_slice %max3A_351 {offsets = [0, 0], sizes = [64, 32], strides = [1, 1]} : vector<64x64xf32> to vector<64x32xf32>
    %slice3A_353 = vector.extract_strided_slice %max3A_351 {offsets = [0, 32], sizes = [64, 32], strides = [1, 1]} : vector<64x64xf32> to vector<64x32xf32>
    %max3A_354 = arith.maximumf %slice3A_352, %slice3A_353 : vector<64x32xf32>
    %slice3A_355 = vector.extract_strided_slice %max3A_340 {offsets = [0, 0], sizes = [64, 64], strides = [1, 1]} : vector<64x128xf32> to vector<64x64xf32>
    %slice3A_356 = vector.extract_strided_slice %max3A_340 {offsets = [0, 64], sizes = [64, 64], strides = [1, 1]} : vector<64x128xf32> to vector<64x64xf32>
    %max3A_357 = arith.maximumf %slice3A_355, %slice3A_356 : vector<64x64xf32>
    %slice3A_358 = vector.extract_strided_slice %max3A_357 {offsets = [0, 0], sizes = [64, 32], strides = [1, 1]} : vector<64x64xf32> to vector<64x32xf32>
    %slice3A_359 = vector.extract_strided_slice %max3A_357 {offsets = [0, 32], sizes = [64, 32], strides = [1, 1]} : vector<64x64xf32> to vector<64x32xf32>
    %max3A_360 = arith.maximumf %slice3A_358, %slice3A_359 : vector<64x32xf32>
    %slice3A_361 = vector.extract_strided_slice %get3A_3 {offsets = [64, 0], sizes = [64, 32], strides = [1, 1]} : vector<512x32xf32> to vector<64x32xf32>
    %concatenate3A_362 = tpu.concatenate %max3A_348, %max3A_354, %max3A_360, %slice3A_361 in 1 : vector<64x32xf32>, vector<64x32xf32>, vector<64x32xf32>, vector<64x32xf32> -> vector<64x128xf32>
    %swap3A_363 = arith.constant 0 : index
    %swap3A_364 = arith.constant 64 : index
    %swap3A_365 = arith.constant 0 : index
    %swap3A_366 = vector.load %arg13[%swap3A_363, %swap3A_364, %swap3A_365] : memref<1x512x128xf32, #tpu.memory_space<vmem>>, vector<1x64x128xf32>
    %swap3A_367 = vector.shape_cast %swap3A_366 : vector<1x64x128xf32> to vector<64x128xf32>
    %swap3A_368 = vector.shape_cast %concatenate3A_362 : vector<64x128xf32> to vector<1x64x128xf32>
    tpu.vector_store %arg13[%swap3A_363, %swap3A_364, %swap3A_365], %swap3A_368 {strides = array<i32>} : memref<1x512x128xf32, #tpu.memory_space<vmem>>, vector<1x64x128xf32>,
    %slice3A_369 = vector.extract_strided_slice %add3A_11 {offsets = [128, 0], sizes = [64, 128], strides = [1, 1]} : vector<512x128xf32> to vector<64x128xf32>
    %slice3A_370 = vector.extract_strided_slice %add3A_21 {offsets = [128, 0], sizes = [64, 128], strides = [1, 1]} : vector<512x128xf32> to vector<64x128xf32>
    %slice3A_371 = vector.extract_strided_slice %add3A_31 {offsets = [128, 0], sizes = [64, 128], strides = [1, 1]} : vector<512x128xf32> to vector<64x128xf32>
    %broadcast_in_dim3A_372 = arith.constant 0xFF800000 : f32
    %broadcast_in_dim3A_373 = vector.broadcast %broadcast_in_dim3A_372 : f32 to vector<64x128xf32>
    %broadcast_in_dim3A_374 = arith.constant 0xFF800000 : f32
    %broadcast_in_dim3A_375 = vector.broadcast %broadcast_in_dim3A_374 : f32 to vector<64x128xf32>
    %broadcast_in_dim3A_376 = arith.constant 0xFF800000 : f32
    %broadcast_in_dim3A_377 = vector.broadcast %broadcast_in_dim3A_376 : f32 to vector<64x128xf32>
    %get3A_378 = arith.constant 0 : index
    %get3A_379 = arith.constant 0 : index
    %get3A_380 = arith.constant 128 : index
    %get3A_381 = arith.constant 0 : index
    %get3A_382 = vector.load %arg3[%get3A_378, %get3A_379, %get3A_380, %get3A_381] : memref<1x4x512x128xf32, #tpu.memory_space<vmem>>, vector<1x1x64x128xf32>
    %get3A_383 = vector.shape_cast %get3A_382 : vector<1x1x64x128xf32> to vector<64x128xf32>
    %add3A_384 = arith.addf %get3A_383, %slice3A_369 : vector<64x128xf32>
    %max3A_385 = arith.constant 0.000000e+00 : f32
    %max3A_386 = vector.broadcast %max3A_385 : f32 to vector<64x128xf32>
    %max3A_387 = arith.maximumf %add3A_384, %max3A_386 : vector<64x128xf32>
    %get3A_388 = arith.constant 0 : index
    %get3A_389 = arith.constant 0 : index
    %get3A_390 = vector.load %arg6[%get3A_388, %get3A_389] : memref<128x128xf32, #tpu.memory_space<vmem>>, vector<128x128xf32>
    %dot_general3A_391 = arith.constant dense<0.000000e+00> : vector<64x128xf32>
    %dot_general3A_392 = tpu.matmul %max3A_387, %get3A_390, %dot_general3A_391 {dimension_numbers = #tpu.dot_dimension_numbers<[1], [0], [0], [1], [0, 0, 1, 1], [], []>, transpose_lhs_hint = false} : vector<64x128xf32>, vector<128x128xf32>, vector<64x128xf32> -> vector<64x128xf32>
    %add3A_393 = arith.addf %dot_general3A_392, %slice3A_370 : vector<64x128xf32>
    %max3A_394 = arith.constant 0.000000e+00 : f32
    %max3A_395 = vector.broadcast %max3A_394 : f32 to vector<64x128xf32>
    %max3A_396 = arith.maximumf %add3A_393, %max3A_395 : vector<64x128xf32>
    %get3A_397 = arith.constant 0 : index
    %get3A_398 = arith.constant 0 : index
    %get3A_399 = vector.load %arg9[%get3A_397, %get3A_398] : memref<128x128xf32, #tpu.memory_space<vmem>>, vector<128x128xf32>
    %dot_general3A_400 = arith.constant dense<0.000000e+00> : vector<64x128xf32>
    %dot_general3A_401 = tpu.matmul %max3A_396, %get3A_399, %dot_general3A_400 {dimension_numbers = #tpu.dot_dimension_numbers<[1], [0], [0], [1], [0, 0, 1, 1], [], []>, transpose_lhs_hint = false} : vector<64x128xf32>, vector<128x128xf32>, vector<64x128xf32> -> vector<64x128xf32>
    %get3A_402 = arith.constant 0 : index
    %get3A_403 = arith.constant 0 : index
    %get3A_404 = vector.load %arg10[%get3A_402, %get3A_403] : memref<128x128xf32, #tpu.memory_space<vmem>>, vector<128x128xf32>
    %dot_general3A_405 = arith.constant dense<0.000000e+00> : vector<64x128xf32>
    %dot_general3A_406 = tpu.matmul %max3A_387, %get3A_404, %dot_general3A_405 {dimension_numbers = #tpu.dot_dimension_numbers<[1], [0], [0], [1], [0, 0, 1, 1], [], []>, transpose_lhs_hint = false} : vector<64x128xf32>, vector<128x128xf32>, vector<64x128xf32> -> vector<64x128xf32>
    %add3A_407 = arith.addf %dot_general3A_401, %dot_general3A_406 : vector<64x128xf32>
    %add3A_408 = arith.addf %add3A_407, %slice3A_371 : vector<64x128xf32>
    %max3A_409 = arith.maximumf %broadcast_in_dim3A_373, %max3A_387 : vector<64x128xf32>
    %max3A_410 = arith.maximumf %broadcast_in_dim3A_375, %max3A_396 : vector<64x128xf32>
    %max3A_411 = arith.maximumf %broadcast_in_dim3A_377, %add3A_408 : vector<64x128xf32>
    %get3A_412 = arith.constant 0 : index
    %get3A_413 = arith.constant 1 : index
    %get3A_414 = arith.constant 128 : index
    %get3A_415 = arith.constant 0 : index
    %get3A_416 = vector.load %arg3[%get3A_412, %get3A_413, %get3A_414, %get3A_415] : memref<1x4x512x128xf32, #tpu.memory_space<vmem>>, vector<1x1x64x128xf32>
    %get3A_417 = vector.shape_cast %get3A_416 : vector<1x1x64x128xf32> to vector<64x128xf32>
    %add3A_418 = arith.addf %get3A_417, %slice3A_369 : vector<64x128xf32>
    %max3A_419 = arith.constant 0.000000e+00 : f32
    %max3A_420 = vector.broadcast %max3A_419 : f32 to vector<64x128xf32>
    %max3A_421 = arith.maximumf %add3A_418, %max3A_420 : vector<64x128xf32>
    %get3A_422 = arith.constant 0 : index
    %get3A_423 = arith.constant 0 : index
    %get3A_424 = vector.load %arg6[%get3A_422, %get3A_423] : memref<128x128xf32, #tpu.memory_space<vmem>>, vector<128x128xf32>
    %dot_general3A_425 = arith.constant dense<0.000000e+00> : vector<64x128xf32>
    %dot_general3A_426 = tpu.matmul %max3A_421, %get3A_424, %dot_general3A_425 {dimension_numbers = #tpu.dot_dimension_numbers<[1], [0], [0], [1], [0, 0, 1, 1], [], []>, transpose_lhs_hint = false} : vector<64x128xf32>, vector<128x128xf32>, vector<64x128xf32> -> vector<64x128xf32>
    %add3A_427 = arith.addf %dot_general3A_426, %slice3A_370 : vector<64x128xf32>
    %max3A_428 = arith.constant 0.000000e+00 : f32
    %max3A_429 = vector.broadcast %max3A_428 : f32 to vector<64x128xf32>
    %max3A_430 = arith.maximumf %add3A_427, %max3A_429 : vector<64x128xf32>
    %get3A_431 = arith.constant 0 : index
    %get3A_432 = arith.constant 0 : index
    %get3A_433 = vector.load %arg9[%get3A_431, %get3A_432] : memref<128x128xf32, #tpu.memory_space<vmem>>, vector<128x128xf32>
    %dot_general3A_434 = arith.constant dense<0.000000e+00> : vector<64x128xf32>
    %dot_general3A_435 = tpu.matmul %max3A_430, %get3A_433, %dot_general3A_434 {dimension_numbers = #tpu.dot_dimension_numbers<[1], [0], [0], [1], [0, 0, 1, 1], [], []>, transpose_lhs_hint = false} : vector<64x128xf32>, vector<128x128xf32>, vector<64x128xf32> -> vector<64x128xf32>
    %get3A_436 = arith.constant 0 : index
    %get3A_437 = arith.constant 0 : index
    %get3A_438 = vector.load %arg10[%get3A_436, %get3A_437] : memref<128x128xf32, #tpu.memory_space<vmem>>, vector<128x128xf32>
    %dot_general3A_439 = arith.constant dense<0.000000e+00> : vector<64x128xf32>
    %dot_general3A_440 = tpu.matmul %max3A_421, %get3A_438, %dot_general3A_439 {dimension_numbers = #tpu.dot_dimension_numbers<[1], [0], [0], [1], [0, 0, 1, 1], [], []>, transpose_lhs_hint = false} : vector<64x128xf32>, vector<128x128xf32>, vector<64x128xf32> -> vector<64x128xf32>
    %add3A_441 = arith.addf %dot_general3A_435, %dot_general3A_440 : vector<64x128xf32>
    %add3A_442 = arith.addf %add3A_441, %slice3A_371 : vector<64x128xf32>
    %max3A_443 = arith.maximumf %max3A_409, %max3A_421 : vector<64x128xf32>
    %max3A_444 = arith.maximumf %max3A_410, %max3A_430 : vector<64x128xf32>
    %max3A_445 = arith.maximumf %max3A_411, %add3A_442 : vector<64x128xf32>
    %get3A_446 = arith.constant 0 : index
    %get3A_447 = arith.constant 2 : index
    %get3A_448 = arith.constant 128 : index
    %get3A_449 = arith.constant 0 : index
    %get3A_450 = vector.load %arg3[%get3A_446, %get3A_447, %get3A_448, %get3A_449] : memref<1x4x512x128xf32, #tpu.memory_space<vmem>>, vector<1x1x64x128xf32>
    %get3A_451 = vector.shape_cast %get3A_450 : vector<1x1x64x128xf32> to vector<64x128xf32>
    %add3A_452 = arith.addf %get3A_451, %slice3A_369 : vector<64x128xf32>
    %max3A_453 = arith.constant 0.000000e+00 : f32
    %max3A_454 = vector.broadcast %max3A_453 : f32 to vector<64x128xf32>
    %max3A_455 = arith.maximumf %add3A_452, %max3A_454 : vector<64x128xf32>
    %get3A_456 = arith.constant 0 : index
    %get3A_457 = arith.constant 0 : index
    %get3A_458 = vector.load %arg6[%get3A_456, %get3A_457] : memref<128x128xf32, #tpu.memory_space<vmem>>, vector<128x128xf32>
    %dot_general3A_459 = arith.constant dense<0.000000e+00> : vector<64x128xf32>
    %dot_general3A_460 = tpu.matmul %max3A_455, %get3A_458, %dot_general3A_459 {dimension_numbers = #tpu.dot_dimension_numbers<[1], [0], [0], [1], [0, 0, 1, 1], [], []>, transpose_lhs_hint = false} : vector<64x128xf32>, vector<128x128xf32>, vector<64x128xf32> -> vector<64x128xf32>
    %add3A_461 = arith.addf %dot_general3A_460, %slice3A_370 : vector<64x128xf32>
    %max3A_462 = arith.constant 0.000000e+00 : f32
    %max3A_463 = vector.broadcast %max3A_462 : f32 to vector<64x128xf32>
    %max3A_464 = arith.maximumf %add3A_461, %max3A_463 : vector<64x128xf32>
    %get3A_465 = arith.constant 0 : index
    %get3A_466 = arith.constant 0 : index
    %get3A_467 = vector.load %arg9[%get3A_465, %get3A_466] : memref<128x128xf32, #tpu.memory_space<vmem>>, vector<128x128xf32>
    %dot_general3A_468 = arith.constant dense<0.000000e+00> : vector<64x128xf32>
    %dot_general3A_469 = tpu.matmul %max3A_464, %get3A_467, %dot_general3A_468 {dimension_numbers = #tpu.dot_dimension_numbers<[1], [0], [0], [1], [0, 0, 1, 1], [], []>, transpose_lhs_hint = false} : vector<64x128xf32>, vector<128x128xf32>, vector<64x128xf32> -> vector<64x128xf32>
    %get3A_470 = arith.constant 0 : index
    %get3A_471 = arith.constant 0 : index
    %get3A_472 = vector.load %arg10[%get3A_470, %get3A_471] : memref<128x128xf32, #tpu.memory_space<vmem>>, vector<128x128xf32>
    %dot_general3A_473 = arith.constant dense<0.000000e+00> : vector<64x128xf32>
    %dot_general3A_474 = tpu.matmul %max3A_455, %get3A_472, %dot_general3A_473 {dimension_numbers = #tpu.dot_dimension_numbers<[1], [0], [0], [1], [0, 0, 1, 1], [], []>, transpose_lhs_hint = false} : vector<64x128xf32>, vector<128x128xf32>, vector<64x128xf32> -> vector<64x128xf32>
    %add3A_475 = arith.addf %dot_general3A_469, %dot_general3A_474 : vector<64x128xf32>
    %add3A_476 = arith.addf %add3A_475, %slice3A_371 : vector<64x128xf32>
    %max3A_477 = arith.maximumf %max3A_443, %max3A_455 : vector<64x128xf32>
    %max3A_478 = arith.maximumf %max3A_444, %max3A_464 : vector<64x128xf32>
    %max3A_479 = arith.maximumf %max3A_445, %add3A_476 : vector<64x128xf32>
    %get3A_480 = arith.constant 0 : index
    %get3A_481 = arith.constant 3 : index
    %get3A_482 = arith.constant 128 : index
    %get3A_483 = arith.constant 0 : index
    %get3A_484 = vector.load %arg3[%get3A_480, %get3A_481, %get3A_482, %get3A_483] : memref<1x4x512x128xf32, #tpu.memory_space<vmem>>, vector<1x1x64x128xf32>
    %get3A_485 = vector.shape_cast %get3A_484 : vector<1x1x64x128xf32> to vector<64x128xf32>
    %add3A_486 = arith.addf %get3A_485, %slice3A_369 : vector<64x128xf32>
    %max3A_487 = arith.constant 0.000000e+00 : f32
    %max3A_488 = vector.broadcast %max3A_487 : f32 to vector<64x128xf32>
    %max3A_489 = arith.maximumf %add3A_486, %max3A_488 : vector<64x128xf32>
    %get3A_490 = arith.constant 0 : index
    %get3A_491 = arith.constant 0 : index
    %get3A_492 = vector.load %arg6[%get3A_490, %get3A_491] : memref<128x128xf32, #tpu.memory_space<vmem>>, vector<128x128xf32>
    %dot_general3A_493 = arith.constant dense<0.000000e+00> : vector<64x128xf32>
    %dot_general3A_494 = tpu.matmul %max3A_489, %get3A_492, %dot_general3A_493 {dimension_numbers = #tpu.dot_dimension_numbers<[1], [0], [0], [1], [0, 0, 1, 1], [], []>, transpose_lhs_hint = false} : vector<64x128xf32>, vector<128x128xf32>, vector<64x128xf32> -> vector<64x128xf32>
    %add3A_495 = arith.addf %dot_general3A_494, %slice3A_370 : vector<64x128xf32>
    %max3A_496 = arith.constant 0.000000e+00 : f32
    %max3A_497 = vector.broadcast %max3A_496 : f32 to vector<64x128xf32>
    %max3A_498 = arith.maximumf %add3A_495, %max3A_497 : vector<64x128xf32>
    %get3A_499 = arith.constant 0 : index
    %get3A_500 = arith.constant 0 : index
    %get3A_501 = vector.load %arg9[%get3A_499, %get3A_500] : memref<128x128xf32, #tpu.memory_space<vmem>>, vector<128x128xf32>
    %dot_general3A_502 = arith.constant dense<0.000000e+00> : vector<64x128xf32>
    %dot_general3A_503 = tpu.matmul %max3A_498, %get3A_501, %dot_general3A_502 {dimension_numbers = #tpu.dot_dimension_numbers<[1], [0], [0], [1], [0, 0, 1, 1], [], []>, transpose_lhs_hint = false} : vector<64x128xf32>, vector<128x128xf32>, vector<64x128xf32> -> vector<64x128xf32>
    %get3A_504 = arith.constant 0 : index
    %get3A_505 = arith.constant 0 : index
    %get3A_506 = vector.load %arg10[%get3A_504, %get3A_505] : memref<128x128xf32, #tpu.memory_space<vmem>>, vector<128x128xf32>
    %dot_general3A_507 = arith.constant dense<0.000000e+00> : vector<64x128xf32>
    %dot_general3A_508 = tpu.matmul %max3A_489, %get3A_506, %dot_general3A_507 {dimension_numbers = #tpu.dot_dimension_numbers<[1], [0], [0], [1], [0, 0, 1, 1], [], []>, transpose_lhs_hint = false} : vector<64x128xf32>, vector<128x128xf32>, vector<64x128xf32> -> vector<64x128xf32>
    %add3A_509 = arith.addf %dot_general3A_503, %dot_general3A_508 : vector<64x128xf32>
    %add3A_510 = arith.addf %add3A_509, %slice3A_371 : vector<64x128xf32>
    %max3A_511 = arith.maximumf %max3A_477, %max3A_489 : vector<64x128xf32>
    %max3A_512 = arith.maximumf %max3A_478, %max3A_498 : vector<64x128xf32>
    %max3A_513 = arith.maximumf %max3A_479, %add3A_510 : vector<64x128xf32>
    %slice3A_514 = vector.extract_strided_slice %max3A_513 {offsets = [0, 0], sizes = [64, 64], strides = [1, 1]} : vector<64x128xf32> to vector<64x64xf32>
    %slice3A_515 = vector.extract_strided_slice %max3A_513 {offsets = [0, 64], sizes = [64, 64], strides = [1, 1]} : vector<64x128xf32> to vector<64x64xf32>
    %max3A_516 = arith.maximumf %slice3A_514, %slice3A_515 : vector<64x64xf32>
    %slice3A_517 = vector.extract_strided_slice %max3A_516 {offsets = [0, 0], sizes = [64, 32], strides = [1, 1]} : vector<64x64xf32> to vector<64x32xf32>
    %slice3A_518 = vector.extract_strided_slice %max3A_516 {offsets = [0, 32], sizes = [64, 32], strides = [1, 1]} : vector<64x64xf32> to vector<64x32xf32>
    %max3A_519 = arith.maximumf %slice3A_517, %slice3A_518 : vector<64x32xf32>
    %slice3A_520 = vector.extract_strided_slice %max3A_512 {offsets = [0, 0], sizes = [64, 64], strides = [1, 1]} : vector<64x128xf32> to vector<64x64xf32>
    %slice3A_521 = vector.extract_strided_slice %max3A_512 {offsets = [0, 64], sizes = [64, 64], strides = [1, 1]} : vector<64x128xf32> to vector<64x64xf32>
    %max3A_522 = arith.maximumf %slice3A_520, %slice3A_521 : vector<64x64xf32>
    %slice3A_523 = vector.extract_strided_slice %max3A_522 {offsets = [0, 0], sizes = [64, 32], strides = [1, 1]} : vector<64x64xf32> to vector<64x32xf32>
    %slice3A_524 = vector.extract_strided_slice %max3A_522 {offsets = [0, 32], sizes = [64, 32], strides = [1, 1]} : vector<64x64xf32> to vector<64x32xf32>
    %max3A_525 = arith.maximumf %slice3A_523, %slice3A_524 : vector<64x32xf32>
    %slice3A_526 = vector.extract_strided_slice %max3A_511 {offsets = [0, 0], sizes = [64, 64], strides = [1, 1]} : vector<64x128xf32> to vector<64x64xf32>
    %slice3A_527 = vector.extract_strided_slice %max3A_511 {offsets = [0, 64], sizes = [64, 64], strides = [1, 1]} : vector<64x128xf32> to vector<64x64xf32>
    %max3A_528 = arith.maximumf %slice3A_526, %slice3A_527 : vector<64x64xf32>
    %slice3A_529 = vector.extract_strided_slice %max3A_528 {offsets = [0, 0], sizes = [64, 32], strides = [1, 1]} : vector<64x64xf32> to vector<64x32xf32>
    %slice3A_530 = vector.extract_strided_slice %max3A_528 {offsets = [0, 32], sizes = [64, 32], strides = [1, 1]} : vector<64x64xf32> to vector<64x32xf32>
    %max3A_531 = arith.maximumf %slice3A_529, %slice3A_530 : vector<64x32xf32>
    %slice3A_532 = vector.extract_strided_slice %get3A_3 {offsets = [128, 0], sizes = [64, 32], strides = [1, 1]} : vector<512x32xf32> to vector<64x32xf32>
    %concatenate3A_533 = tpu.concatenate %max3A_519, %max3A_525, %max3A_531, %slice3A_532 in 1 : vector<64x32xf32>, vector<64x32xf32>, vector<64x32xf32>, vector<64x32xf32> -> vector<64x128xf32>
    %swap3A_534 = arith.constant 0 : index
    %swap3A_535 = arith.constant 128 : index
    %swap3A_536 = arith.constant 0 : index
    %swap3A_537 = vector.load %arg13[%swap3A_534, %swap3A_535, %swap3A_536] : memref<1x512x128xf32, #tpu.memory_space<vmem>>, vector<1x64x128xf32>
    %swap3A_538 = vector.shape_cast %swap3A_537 : vector<1x64x128xf32> to vector<64x128xf32>
    %swap3A_539 = vector.shape_cast %concatenate3A_533 : vector<64x128xf32> to vector<1x64x128xf32>
    tpu.vector_store %arg13[%swap3A_534, %swap3A_535, %swap3A_536], %swap3A_539 {strides = array<i32>} : memref<1x512x128xf32, #tpu.memory_space<vmem>>, vector<1x64x128xf32>,
    %slice3A_540 = vector.extract_strided_slice %add3A_11 {offsets = [192, 0], sizes = [64, 128], strides = [1, 1]} : vector<512x128xf32> to vector<64x128xf32>
    %slice3A_541 = vector.extract_strided_slice %add3A_21 {offsets = [192, 0], sizes = [64, 128], strides = [1, 1]} : vector<512x128xf32> to vector<64x128xf32>
    %slice3A_542 = vector.extract_strided_slice %add3A_31 {offsets = [192, 0], sizes = [64, 128], strides = [1, 1]} : vector<512x128xf32> to vector<64x128xf32>
    %broadcast_in_dim3A_543 = arith.constant 0xFF800000 : f32
    %broadcast_in_dim3A_544 = vector.broadcast %broadcast_in_dim3A_543 : f32 to vector<64x128xf32>
    %broadcast_in_dim3A_545 = arith.constant 0xFF800000 : f32
    %broadcast_in_dim3A_546 = vector.broadcast %broadcast_in_dim3A_545 : f32 to vector<64x128xf32>
    %broadcast_in_dim3A_547 = arith.constant 0xFF800000 : f32
    %broadcast_in_dim3A_548 = vector.broadcast %broadcast_in_dim3A_547 : f32 to vector<64x128xf32>
    %get3A_549 = arith.constant 0 : index
    %get3A_550 = arith.constant 0 : index
    %get3A_551 = arith.constant 192 : index
    %get3A_552 = arith.constant 0 : index
    %get3A_553 = vector.load %arg3[%get3A_549, %get3A_550, %get3A_551, %get3A_552] : memref<1x4x512x128xf32, #tpu.memory_space<vmem>>, vector<1x1x64x128xf32>
    %get3A_554 = vector.shape_cast %get3A_553 : vector<1x1x64x128xf32> to vector<64x128xf32>
    %add3A_555 = arith.addf %get3A_554, %slice3A_540 : vector<64x128xf32>
    %max3A_556 = arith.constant 0.000000e+00 : f32
    %max3A_557 = vector.broadcast %max3A_556 : f32 to vector<64x128xf32>
    %max3A_558 = arith.maximumf %add3A_555, %max3A_557 : vector<64x128xf32>
    %get3A_559 = arith.constant 0 : index
    %get3A_560 = arith.constant 0 : index
    %get3A_561 = vector.load %arg6[%get3A_559, %get3A_560] : memref<128x128xf32, #tpu.memory_space<vmem>>, vector<128x128xf32>
    %dot_general3A_562 = arith.constant dense<0.000000e+00> : vector<64x128xf32>
    %dot_general3A_563 = tpu.matmul %max3A_558, %get3A_561, %dot_general3A_562 {dimension_numbers = #tpu.dot_dimension_numbers<[1], [0], [0], [1], [0, 0, 1, 1], [], []>, transpose_lhs_hint = false} : vector<64x128xf32>, vector<128x128xf32>, vector<64x128xf32> -> vector<64x128xf32>
    %add3A_564 = arith.addf %dot_general3A_563, %slice3A_541 : vector<64x128xf32>
    %max3A_565 = arith.constant 0.000000e+00 : f32
    %max3A_566 = vector.broadcast %max3A_565 : f32 to vector<64x128xf32>
    %max3A_567 = arith.maximumf %add3A_564, %max3A_566 : vector<64x128xf32>
    %get3A_568 = arith.constant 0 : index
    %get3A_569 = arith.constant 0 : index
    %get3A_570 = vector.load %arg9[%get3A_568, %get3A_569] : memref<128x128xf32, #tpu.memory_space<vmem>>, vector<128x128xf32>
    %dot_general3A_571 = arith.constant dense<0.000000e+00> : vector<64x128xf32>
    %dot_general3A_572 = tpu.matmul %max3A_567, %get3A_570, %dot_general3A_571 {dimension_numbers = #tpu.dot_dimension_numbers<[1], [0], [0], [1], [0, 0, 1, 1], [], []>, transpose_lhs_hint = false} : vector<64x128xf32>, vector<128x128xf32>, vector<64x128xf32> -> vector<64x128xf32>
    %get3A_573 = arith.constant 0 : index
    %get3A_574 = arith.constant 0 : index
    %get3A_575 = vector.load %arg10[%get3A_573, %get3A_574] : memref<128x128xf32, #tpu.memory_space<vmem>>, vector<128x128xf32>
    %dot_general3A_576 = arith.constant dense<0.000000e+00> : vector<64x128xf32>
    %dot_general3A_577 = tpu.matmul %max3A_558, %get3A_575, %dot_general3A_576 {dimension_numbers = #tpu.dot_dimension_numbers<[1], [0], [0], [1], [0, 0, 1, 1], [], []>, transpose_lhs_hint = false} : vector<64x128xf32>, vector<128x128xf32>, vector<64x128xf32> -> vector<64x128xf32>
    %add3A_578 = arith.addf %dot_general3A_572, %dot_general3A_577 : vector<64x128xf32>
    %add3A_579 = arith.addf %add3A_578, %slice3A_542 : vector<64x128xf32>
    %max3A_580 = arith.maximumf %broadcast_in_dim3A_544, %max3A_558 : vector<64x128xf32>
    %max3A_581 = arith.maximumf %broadcast_in_dim3A_546, %max3A_567 : vector<64x128xf32>
    %max3A_582 = arith.maximumf %broadcast_in_dim3A_548, %add3A_579 : vector<64x128xf32>
    %get3A_583 = arith.constant 0 : index
    %get3A_584 = arith.constant 1 : index
    %get3A_585 = arith.constant 192 : index
    %get3A_586 = arith.constant 0 : index
    %get3A_587 = vector.load %arg3[%get3A_583, %get3A_584, %get3A_585, %get3A_586] : memref<1x4x512x128xf32, #tpu.memory_space<vmem>>, vector<1x1x64x128xf32>
    %get3A_588 = vector.shape_cast %get3A_587 : vector<1x1x64x128xf32> to vector<64x128xf32>
    %add3A_589 = arith.addf %get3A_588, %slice3A_540 : vector<64x128xf32>
    %max3A_590 = arith.constant 0.000000e+00 : f32
    %max3A_591 = vector.broadcast %max3A_590 : f32 to vector<64x128xf32>
    %max3A_592 = arith.maximumf %add3A_589, %max3A_591 : vector<64x128xf32>
    %get3A_593 = arith.constant 0 : index
    %get3A_594 = arith.constant 0 : index
    %get3A_595 = vector.load %arg6[%get3A_593, %get3A_594] : memref<128x128xf32, #tpu.memory_space<vmem>>, vector<128x128xf32>
    %dot_general3A_596 = arith.constant dense<0.000000e+00> : vector<64x128xf32>
    %dot_general3A_597 = tpu.matmul %max3A_592, %get3A_595, %dot_general3A_596 {dimension_numbers = #tpu.dot_dimension_numbers<[1], [0], [0], [1], [0, 0, 1, 1], [], []>, transpose_lhs_hint = false} : vector<64x128xf32>, vector<128x128xf32>, vector<64x128xf32> -> vector<64x128xf32>
    %add3A_598 = arith.addf %dot_general3A_597, %slice3A_541 : vector<64x128xf32>
    %max3A_599 = arith.constant 0.000000e+00 : f32
    %max3A_600 = vector.broadcast %max3A_599 : f32 to vector<64x128xf32>
    %max3A_601 = arith.maximumf %add3A_598, %max3A_600 : vector<64x128xf32>
    %get3A_602 = arith.constant 0 : index
    %get3A_603 = arith.constant 0 : index
    %get3A_604 = vector.load %arg9[%get3A_602, %get3A_603] : memref<128x128xf32, #tpu.memory_space<vmem>>, vector<128x128xf32>
    %dot_general3A_605 = arith.constant dense<0.000000e+00> : vector<64x128xf32>
    %dot_general3A_606 = tpu.matmul %max3A_601, %get3A_604, %dot_general3A_605 {dimension_numbers = #tpu.dot_dimension_numbers<[1], [0], [0], [1], [0, 0, 1, 1], [], []>, transpose_lhs_hint = false} : vector<64x128xf32>, vector<128x128xf32>, vector<64x128xf32> -> vector<64x128xf32>
    %get3A_607 = arith.constant 0 : index
    %get3A_608 = arith.constant 0 : index
    %get3A_609 = vector.load %arg10[%get3A_607, %get3A_608] : memref<128x128xf32, #tpu.memory_space<vmem>>, vector<128x128xf32>
    %dot_general3A_610 = arith.constant dense<0.000000e+00> : vector<64x128xf32>
    %dot_general3A_611 = tpu.matmul %max3A_592, %get3A_609, %dot_general3A_610 {dimension_numbers = #tpu.dot_dimension_numbers<[1], [0], [0], [1], [0, 0, 1, 1], [], []>, transpose_lhs_hint = false} : vector<64x128xf32>, vector<128x128xf32>, vector<64x128xf32> -> vector<64x128xf32>
    %add3A_612 = arith.addf %dot_general3A_606, %dot_general3A_611 : vector<64x128xf32>
    %add3A_613 = arith.addf %add3A_612, %slice3A_542 : vector<64x128xf32>
    %max3A_614 = arith.maximumf %max3A_580, %max3A_592 : vector<64x128xf32>
    %max3A_615 = arith.maximumf %max3A_581, %max3A_601 : vector<64x128xf32>
    %max3A_616 = arith.maximumf %max3A_582, %add3A_613 : vector<64x128xf32>
    %get3A_617 = arith.constant 0 : index
    %get3A_618 = arith.constant 2 : index
    %get3A_619 = arith.constant 192 : index
    %get3A_620 = arith.constant 0 : index
    %get3A_621 = vector.load %arg3[%get3A_617, %get3A_618, %get3A_619, %get3A_620] : memref<1x4x512x128xf32, #tpu.memory_space<vmem>>, vector<1x1x64x128xf32>
    %get3A_622 = vector.shape_cast %get3A_621 : vector<1x1x64x128xf32> to vector<64x128xf32>
    %add3A_623 = arith.addf %get3A_622, %slice3A_540 : vector<64x128xf32>
    %max3A_624 = arith.constant 0.000000e+00 : f32
    %max3A_625 = vector.broadcast %max3A_624 : f32 to vector<64x128xf32>
    %max3A_626 = arith.maximumf %add3A_623, %max3A_625 : vector<64x128xf32>
    %get3A_627 = arith.constant 0 : index
    %get3A_628 = arith.constant 0 : index
    %get3A_629 = vector.load %arg6[%get3A_627, %get3A_628] : memref<128x128xf32, #tpu.memory_space<vmem>>, vector<128x128xf32>
    %dot_general3A_630 = arith.constant dense<0.000000e+00> : vector<64x128xf32>
    %dot_general3A_631 = tpu.matmul %max3A_626, %get3A_629, %dot_general3A_630 {dimension_numbers = #tpu.dot_dimension_numbers<[1], [0], [0], [1], [0, 0, 1, 1], [], []>, transpose_lhs_hint = false} : vector<64x128xf32>, vector<128x128xf32>, vector<64x128xf32> -> vector<64x128xf32>
    %add3A_632 = arith.addf %dot_general3A_631, %slice3A_541 : vector<64x128xf32>
    %max3A_633 = arith.constant 0.000000e+00 : f32
    %max3A_634 = vector.broadcast %max3A_633 : f32 to vector<64x128xf32>
    %max3A_635 = arith.maximumf %add3A_632, %max3A_634 : vector<64x128xf32>
    %get3A_636 = arith.constant 0 : index
    %get3A_637 = arith.constant 0 : index
    %get3A_638 = vector.load %arg9[%get3A_636, %get3A_637] : memref<128x128xf32, #tpu.memory_space<vmem>>, vector<128x128xf32>
    %dot_general3A_639 = arith.constant dense<0.000000e+00> : vector<64x128xf32>
    %dot_general3A_640 = tpu.matmul %max3A_635, %get3A_638, %dot_general3A_639 {dimension_numbers = #tpu.dot_dimension_numbers<[1], [0], [0], [1], [0, 0, 1, 1], [], []>, transpose_lhs_hint = false} : vector<64x128xf32>, vector<128x128xf32>, vector<64x128xf32> -> vector<64x128xf32>
    %get3A_641 = arith.constant 0 : index
    %get3A_642 = arith.constant 0 : index
    %get3A_643 = vector.load %arg10[%get3A_641, %get3A_642] : memref<128x128xf32, #tpu.memory_space<vmem>>, vector<128x128xf32>
    %dot_general3A_644 = arith.constant dense<0.000000e+00> : vector<64x128xf32>
    %dot_general3A_645 = tpu.matmul %max3A_626, %get3A_643, %dot_general3A_644 {dimension_numbers = #tpu.dot_dimension_numbers<[1], [0], [0], [1], [0, 0, 1, 1], [], []>, transpose_lhs_hint = false} : vector<64x128xf32>, vector<128x128xf32>, vector<64x128xf32> -> vector<64x128xf32>
    %add3A_646 = arith.addf %dot_general3A_640, %dot_general3A_645 : vector<64x128xf32>
    %add3A_647 = arith.addf %add3A_646, %slice3A_542 : vector<64x128xf32>
    %max3A_648 = arith.maximumf %max3A_614, %max3A_626 : vector<64x128xf32>
    %max3A_649 = arith.maximumf %max3A_615, %max3A_635 : vector<64x128xf32>
    %max3A_650 = arith.maximumf %max3A_616, %add3A_647 : vector<64x128xf32>
    %get3A_651 = arith.constant 0 : index
    %get3A_652 = arith.constant 3 : index
    %get3A_653 = arith.constant 192 : index
    %get3A_654 = arith.constant 0 : index
    %get3A_655 = vector.load %arg3[%get3A_651, %get3A_652, %get3A_653, %get3A_654] : memref<1x4x512x128xf32, #tpu.memory_space<vmem>>, vector<1x1x64x128xf32>
    %get3A_656 = vector.shape_cast %get3A_655 : vector<1x1x64x128xf32> to vector<64x128xf32>
    %add3A_657 = arith.addf %get3A_656, %slice3A_540 : vector<64x128xf32>
    %max3A_658 = arith.constant 0.000000e+00 : f32
    %max3A_659 = vector.broadcast %max3A_658 : f32 to vector<64x128xf32>
    %max3A_660 = arith.maximumf %add3A_657, %max3A_659 : vector<64x128xf32>
    %get3A_661 = arith.constant 0 : index
    %get3A_662 = arith.constant 0 : index
    %get3A_663 = vector.load %arg6[%get3A_661, %get3A_662] : memref<128x128xf32, #tpu.memory_space<vmem>>, vector<128x128xf32>
    %dot_general3A_664 = arith.constant dense<0.000000e+00> : vector<64x128xf32>
    %dot_general3A_665 = tpu.matmul %max3A_660, %get3A_663, %dot_general3A_664 {dimension_numbers = #tpu.dot_dimension_numbers<[1], [0], [0], [1], [0, 0, 1, 1], [], []>, transpose_lhs_hint = false} : vector<64x128xf32>, vector<128x128xf32>, vector<64x128xf32> -> vector<64x128xf32>
    %add3A_666 = arith.addf %dot_general3A_665, %slice3A_541 : vector<64x128xf32>
    %max3A_667 = arith.constant 0.000000e+00 : f32
    %max3A_668 = vector.broadcast %max3A_667 : f32 to vector<64x128xf32>
    %max3A_669 = arith.maximumf %add3A_666, %max3A_668 : vector<64x128xf32>
    %get3A_670 = arith.constant 0 : index
    %get3A_671 = arith.constant 0 : index
    %get3A_672 = vector.load %arg9[%get3A_670, %get3A_671] : memref<128x128xf32, #tpu.memory_space<vmem>>, vector<128x128xf32>
    %dot_general3A_673 = arith.constant dense<0.000000e+00> : vector<64x128xf32>
    %dot_general3A_674 = tpu.matmul %max3A_669, %get3A_672, %dot_general3A_673 {dimension_numbers = #tpu.dot_dimension_numbers<[1], [0], [0], [1], [0, 0, 1, 1], [], []>, transpose_lhs_hint = false} : vector<64x128xf32>, vector<128x128xf32>, vector<64x128xf32> -> vector<64x128xf32>
    %get3A_675 = arith.constant 0 : index
    %get3A_676 = arith.constant 0 : index
    %get3A_677 = vector.load %arg10[%get3A_675, %get3A_676] : memref<128x128xf32, #tpu.memory_space<vmem>>, vector<128x128xf32>
    %dot_general3A_678 = arith.constant dense<0.000000e+00> : vector<64x128xf32>
    %dot_general3A_679 = tpu.matmul %max3A_660, %get3A_677, %dot_general3A_678 {dimension_numbers = #tpu.dot_dimension_numbers<[1], [0], [0], [1], [0, 0, 1, 1], [], []>, transpose_lhs_hint = false} : vector<64x128xf32>, vector<128x128xf32>, vector<64x128xf32> -> vector<64x128xf32>
    %add3A_680 = arith.addf %dot_general3A_674, %dot_general3A_679 : vector<64x128xf32>
    %add3A_681 = arith.addf %add3A_680, %slice3A_542 : vector<64x128xf32>
    %max3A_682 = arith.maximumf %max3A_648, %max3A_660 : vector<64x128xf32>
    %max3A_683 = arith.maximumf %max3A_649, %max3A_669 : vector<64x128xf32>
    %max3A_684 = arith.maximumf %max3A_650, %add3A_681 : vector<64x128xf32>
    %slice3A_685 = vector.extract_strided_slice %max3A_684 {offsets = [0, 0], sizes = [64, 64], strides = [1, 1]} : vector<64x128xf32> to vector<64x64xf32>
    %slice3A_686 = vector.extract_strided_slice %max3A_684 {offsets = [0, 64], sizes = [64, 64], strides = [1, 1]} : vector<64x128xf32> to vector<64x64xf32>
    %max3A_687 = arith.maximumf %slice3A_685, %slice3A_686 : vector<64x64xf32>
    %slice3A_688 = vector.extract_strided_slice %max3A_687 {offsets = [0, 0], sizes = [64, 32], strides = [1, 1]} : vector<64x64xf32> to vector<64x32xf32>
    %slice3A_689 = vector.extract_strided_slice %max3A_687 {offsets = [0, 32], sizes = [64, 32], strides = [1, 1]} : vector<64x64xf32> to vector<64x32xf32>
    %max3A_690 = arith.maximumf %slice3A_688, %slice3A_689 : vector<64x32xf32>
    %slice3A_691 = vector.extract_strided_slice %max3A_683 {offsets = [0, 0], sizes = [64, 64], strides = [1, 1]} : vector<64x128xf32> to vector<64x64xf32>
    %slice3A_692 = vector.extract_strided_slice %max3A_683 {offsets = [0, 64], sizes = [64, 64], strides = [1, 1]} : vector<64x128xf32> to vector<64x64xf32>
    %max3A_693 = arith.maximumf %slice3A_691, %slice3A_692 : vector<64x64xf32>
    %slice3A_694 = vector.extract_strided_slice %max3A_693 {offsets = [0, 0], sizes = [64, 32], strides = [1, 1]} : vector<64x64xf32> to vector<64x32xf32>
    %slice3A_695 = vector.extract_strided_slice %max3A_693 {offsets = [0, 32], sizes = [64, 32], strides = [1, 1]} : vector<64x64xf32> to vector<64x32xf32>
    %max3A_696 = arith.maximumf %slice3A_694, %slice3A_695 : vector<64x32xf32>
    %slice3A_697 = vector.extract_strided_slice %max3A_682 {offsets = [0, 0], sizes = [64, 64], strides = [1, 1]} : vector<64x128xf32> to vector<64x64xf32>
    %slice3A_698 = vector.extract_strided_slice %max3A_682 {offsets = [0, 64], sizes = [64, 64], strides = [1, 1]} : vector<64x128xf32> to vector<64x64xf32>
    %max3A_699 = arith.maximumf %slice3A_697, %slice3A_698 : vector<64x64xf32>
    %slice3A_700 = vector.extract_strided_slice %max3A_699 {offsets = [0, 0], sizes = [64, 32], strides = [1, 1]} : vector<64x64xf32> to vector<64x32xf32>
    %slice3A_701 = vector.extract_strided_slice %max3A_699 {offsets = [0, 32], sizes = [64, 32], strides = [1, 1]} : vector<64x64xf32> to vector<64x32xf32>
    %max3A_702 = arith.maximumf %slice3A_700, %slice3A_701 : vector<64x32xf32>
    %slice3A_703 = vector.extract_strided_slice %get3A_3 {offsets = [192, 0], sizes = [64, 32], strides = [1, 1]} : vector<512x32xf32> to vector<64x32xf32>
    %concatenate3A_704 = tpu.concatenate %max3A_690, %max3A_696, %max3A_702, %slice3A_703 in 1 : vector<64x32xf32>, vector<64x32xf32>, vector<64x32xf32>, vector<64x32xf32> -> vector<64x128xf32>
    %swap3A_705 = arith.constant 0 : index
    %swap3A_706 = arith.constant 192 : index
    %swap3A_707 = arith.constant 0 : index
    %swap3A_708 = vector.load %arg13[%swap3A_705, %swap3A_706, %swap3A_707] : memref<1x512x128xf32, #tpu.memory_space<vmem>>, vector<1x64x128xf32>
    %swap3A_709 = vector.shape_cast %swap3A_708 : vector<1x64x128xf32> to vector<64x128xf32>
    %swap3A_710 = vector.shape_cast %concatenate3A_704 : vector<64x128xf32> to vector<1x64x128xf32>
    tpu.vector_store %arg13[%swap3A_705, %swap3A_706, %swap3A_707], %swap3A_710 {strides = array<i32>} : memref<1x512x128xf32, #tpu.memory_space<vmem>>, vector<1x64x128xf32>,
    %slice3A_711 = vector.extract_strided_slice %add3A_11 {offsets = [256, 0], sizes = [64, 128], strides = [1, 1]} : vector<512x128xf32> to vector<64x128xf32>
    %slice3A_712 = vector.extract_strided_slice %add3A_21 {offsets = [256, 0], sizes = [64, 128], strides = [1, 1]} : vector<512x128xf32> to vector<64x128xf32>
    %slice3A_713 = vector.extract_strided_slice %add3A_31 {offsets = [256, 0], sizes = [64, 128], strides = [1, 1]} : vector<512x128xf32> to vector<64x128xf32>
    %broadcast_in_dim3A_714 = arith.constant 0xFF800000 : f32
    %broadcast_in_dim3A_715 = vector.broadcast %broadcast_in_dim3A_714 : f32 to vector<64x128xf32>
    %broadcast_in_dim3A_716 = arith.constant 0xFF800000 : f32
    %broadcast_in_dim3A_717 = vector.broadcast %broadcast_in_dim3A_716 : f32 to vector<64x128xf32>
    %broadcast_in_dim3A_718 = arith.constant 0xFF800000 : f32
    %broadcast_in_dim3A_719 = vector.broadcast %broadcast_in_dim3A_718 : f32 to vector<64x128xf32>
    %get3A_720 = arith.constant 0 : index
    %get3A_721 = arith.constant 0 : index
    %get3A_722 = arith.constant 256 : index
    %get3A_723 = arith.constant 0 : index
    %get3A_724 = vector.load %arg3[%get3A_720, %get3A_721, %get3A_722, %get3A_723] : memref<1x4x512x128xf32, #tpu.memory_space<vmem>>, vector<1x1x64x128xf32>
    %get3A_725 = vector.shape_cast %get3A_724 : vector<1x1x64x128xf32> to vector<64x128xf32>
    %add3A_726 = arith.addf %get3A_725, %slice3A_711 : vector<64x128xf32>
    %max3A_727 = arith.constant 0.000000e+00 : f32
    %max3A_728 = vector.broadcast %max3A_727 : f32 to vector<64x128xf32>
    %max3A_729 = arith.maximumf %add3A_726, %max3A_728 : vector<64x128xf32>
    %get3A_730 = arith.constant 0 : index
    %get3A_731 = arith.constant 0 : index
    %get3A_732 = vector.load %arg6[%get3A_730, %get3A_731] : memref<128x128xf32, #tpu.memory_space<vmem>>, vector<128x128xf32>
    %dot_general3A_733 = arith.constant dense<0.000000e+00> : vector<64x128xf32>
    %dot_general3A_734 = tpu.matmul %max3A_729, %get3A_732, %dot_general3A_733 {dimension_numbers = #tpu.dot_dimension_numbers<[1], [0], [0], [1], [0, 0, 1, 1], [], []>, transpose_lhs_hint = false} : vector<64x128xf32>, vector<128x128xf32>, vector<64x128xf32> -> vector<64x128xf32>
    %add3A_735 = arith.addf %dot_general3A_734, %slice3A_712 : vector<64x128xf32>
    %max3A_736 = arith.constant 0.000000e+00 : f32
    %max3A_737 = vector.broadcast %max3A_736 : f32 to vector<64x128xf32>
    %max3A_738 = arith.maximumf %add3A_735, %max3A_737 : vector<64x128xf32>
    %get3A_739 = arith.constant 0 : index
    %get3A_740 = arith.constant 0 : index
    %get3A_741 = vector.load %arg9[%get3A_739, %get3A_740] : memref<128x128xf32, #tpu.memory_space<vmem>>, vector<128x128xf32>
    %dot_general3A_742 = arith.constant dense<0.000000e+00> : vector<64x128xf32>
    %dot_general3A_743 = tpu.matmul %max3A_738, %get3A_741, %dot_general3A_742 {dimension_numbers = #tpu.dot_dimension_numbers<[1], [0], [0], [1], [0, 0, 1, 1], [], []>, transpose_lhs_hint = false} : vector<64x128xf32>, vector<128x128xf32>, vector<64x128xf32> -> vector<64x128xf32>
    %get3A_744 = arith.constant 0 : index
    %get3A_745 = arith.constant 0 : index
    %get3A_746 = vector.load %arg10[%get3A_744, %get3A_745] : memref<128x128xf32, #tpu.memory_space<vmem>>, vector<128x128xf32>
    %dot_general3A_747 = arith.constant dense<0.000000e+00> : vector<64x128xf32>
    %dot_general3A_748 = tpu.matmul %max3A_729, %get3A_746, %dot_general3A_747 {dimension_numbers = #tpu.dot_dimension_numbers<[1], [0], [0], [1], [0, 0, 1, 1], [], []>, transpose_lhs_hint = false} : vector<64x128xf32>, vector<128x128xf32>, vector<64x128xf32> -> vector<64x128xf32>
    %add3A_749 = arith.addf %dot_general3A_743, %dot_general3A_748 : vector<64x128xf32>
    %add3A_750 = arith.addf %add3A_749, %slice3A_713 : vector<64x128xf32>
    %max3A_751 = arith.maximumf %broadcast_in_dim3A_715, %max3A_729 : vector<64x128xf32>
    %max3A_752 = arith.maximumf %broadcast_in_dim3A_717, %max3A_738 : vector<64x128xf32>
    %max3A_753 = arith.maximumf %broadcast_in_dim3A_719, %add3A_750 : vector<64x128xf32>
    %get3A_754 = arith.constant 0 : index
    %get3A_755 = arith.constant 1 : index
    %get3A_756 = arith.constant 256 : index
    %get3A_757 = arith.constant 0 : index
    %get3A_758 = vector.load %arg3[%get3A_754, %get3A_755, %get3A_756, %get3A_757] : memref<1x4x512x128xf32, #tpu.memory_space<vmem>>, vector<1x1x64x128xf32>
    %get3A_759 = vector.shape_cast %get3A_758 : vector<1x1x64x128xf32> to vector<64x128xf32>
    %add3A_760 = arith.addf %get3A_759, %slice3A_711 : vector<64x128xf32>
    %max3A_761 = arith.constant 0.000000e+00 : f32
    %max3A_762 = vector.broadcast %max3A_761 : f32 to vector<64x128xf32>
    %max3A_763 = arith.maximumf %add3A_760, %max3A_762 : vector<64x128xf32>
    %get3A_764 = arith.constant 0 : index
    %get3A_765 = arith.constant 0 : index
    %get3A_766 = vector.load %arg6[%get3A_764, %get3A_765] : memref<128x128xf32, #tpu.memory_space<vmem>>, vector<128x128xf32>
    %dot_general3A_767 = arith.constant dense<0.000000e+00> : vector<64x128xf32>
    %dot_general3A_768 = tpu.matmul %max3A_763, %get3A_766, %dot_general3A_767 {dimension_numbers = #tpu.dot_dimension_numbers<[1], [0], [0], [1], [0, 0, 1, 1], [], []>, transpose_lhs_hint = false} : vector<64x128xf32>, vector<128x128xf32>, vector<64x128xf32> -> vector<64x128xf32>
    %add3A_769 = arith.addf %dot_general3A_768, %slice3A_712 : vector<64x128xf32>
    %max3A_770 = arith.constant 0.000000e+00 : f32
    %max3A_771 = vector.broadcast %max3A_770 : f32 to vector<64x128xf32>
    %max3A_772 = arith.maximumf %add3A_769, %max3A_771 : vector<64x128xf32>
    %get3A_773 = arith.constant 0 : index
    %get3A_774 = arith.constant 0 : index
    %get3A_775 = vector.load %arg9[%get3A_773, %get3A_774] : memref<128x128xf32, #tpu.memory_space<vmem>>, vector<128x128xf32>
    %dot_general3A_776 = arith.constant dense<0.000000e+00> : vector<64x128xf32>
    %dot_general3A_777 = tpu.matmul %max3A_772, %get3A_775, %dot_general3A_776 {dimension_numbers = #tpu.dot_dimension_numbers<[1], [0], [0], [1], [0, 0, 1, 1], [], []>, transpose_lhs_hint = false} : vector<64x128xf32>, vector<128x128xf32>, vector<64x128xf32> -> vector<64x128xf32>
    %get3A_778 = arith.constant 0 : index
    %get3A_779 = arith.constant 0 : index
    %get3A_780 = vector.load %arg10[%get3A_778, %get3A_779] : memref<128x128xf32, #tpu.memory_space<vmem>>, vector<128x128xf32>
    %dot_general3A_781 = arith.constant dense<0.000000e+00> : vector<64x128xf32>
    %dot_general3A_782 = tpu.matmul %max3A_763, %get3A_780, %dot_general3A_781 {dimension_numbers = #tpu.dot_dimension_numbers<[1], [0], [0], [1], [0, 0, 1, 1], [], []>, transpose_lhs_hint = false} : vector<64x128xf32>, vector<128x128xf32>, vector<64x128xf32> -> vector<64x128xf32>
    %add3A_783 = arith.addf %dot_general3A_777, %dot_general3A_782 : vector<64x128xf32>
    %add3A_784 = arith.addf %add3A_783, %slice3A_713 : vector<64x128xf32>
    %max3A_785 = arith.maximumf %max3A_751, %max3A_763 : vector<64x128xf32>
    %max3A_786 = arith.maximumf %max3A_752, %max3A_772 : vector<64x128xf32>
    %max3A_787 = arith.maximumf %max3A_753, %add3A_784 : vector<64x128xf32>
    %get3A_788 = arith.constant 0 : index
    %get3A_789 = arith.constant 2 : index
    %get3A_790 = arith.constant 256 : index
    %get3A_791 = arith.constant 0 : index
    %get3A_792 = vector.load %arg3[%get3A_788, %get3A_789, %get3A_790, %get3A_791] : memref<1x4x512x128xf32, #tpu.memory_space<vmem>>, vector<1x1x64x128xf32>
    %get3A_793 = vector.shape_cast %get3A_792 : vector<1x1x64x128xf32> to vector<64x128xf32>
    %add3A_794 = arith.addf %get3A_793, %slice3A_711 : vector<64x128xf32>
    %max3A_795 = arith.constant 0.000000e+00 : f32
    %max3A_796 = vector.broadcast %max3A_795 : f32 to vector<64x128xf32>
    %max3A_797 = arith.maximumf %add3A_794, %max3A_796 : vector<64x128xf32>
    %get3A_798 = arith.constant 0 : index
    %get3A_799 = arith.constant 0 : index
    %get3A_800 = vector.load %arg6[%get3A_798, %get3A_799] : memref<128x128xf32, #tpu.memory_space<vmem>>, vector<128x128xf32>
    %dot_general3A_801 = arith.constant dense<0.000000e+00> : vector<64x128xf32>
    %dot_general3A_802 = tpu.matmul %max3A_797, %get3A_800, %dot_general3A_801 {dimension_numbers = #tpu.dot_dimension_numbers<[1], [0], [0], [1], [0, 0, 1, 1], [], []>, transpose_lhs_hint = false} : vector<64x128xf32>, vector<128x128xf32>, vector<64x128xf32> -> vector<64x128xf32>
    %add3A_803 = arith.addf %dot_general3A_802, %slice3A_712 : vector<64x128xf32>
    %max3A_804 = arith.constant 0.000000e+00 : f32
    %max3A_805 = vector.broadcast %max3A_804 : f32 to vector<64x128xf32>
    %max3A_806 = arith.maximumf %add3A_803, %max3A_805 : vector<64x128xf32>
    %get3A_807 = arith.constant 0 : index
    %get3A_808 = arith.constant 0 : index
    %get3A_809 = vector.load %arg9[%get3A_807, %get3A_808] : memref<128x128xf32, #tpu.memory_space<vmem>>, vector<128x128xf32>
    %dot_general3A_810 = arith.constant dense<0.000000e+00> : vector<64x128xf32>
    %dot_general3A_811 = tpu.matmul %max3A_806, %get3A_809, %dot_general3A_810 {dimension_numbers = #tpu.dot_dimension_numbers<[1], [0], [0], [1], [0, 0, 1, 1], [], []>, transpose_lhs_hint = false} : vector<64x128xf32>, vector<128x128xf32>, vector<64x128xf32> -> vector<64x128xf32>
    %get3A_812 = arith.constant 0 : index
    %get3A_813 = arith.constant 0 : index
    %get3A_814 = vector.load %arg10[%get3A_812, %get3A_813] : memref<128x128xf32, #tpu.memory_space<vmem>>, vector<128x128xf32>
    %dot_general3A_815 = arith.constant dense<0.000000e+00> : vector<64x128xf32>
    %dot_general3A_816 = tpu.matmul %max3A_797, %get3A_814, %dot_general3A_815 {dimension_numbers = #tpu.dot_dimension_numbers<[1], [0], [0], [1], [0, 0, 1, 1], [], []>, transpose_lhs_hint = false} : vector<64x128xf32>, vector<128x128xf32>, vector<64x128xf32> -> vector<64x128xf32>
    %add3A_817 = arith.addf %dot_general3A_811, %dot_general3A_816 : vector<64x128xf32>
    %add3A_818 = arith.addf %add3A_817, %slice3A_713 : vector<64x128xf32>
    %max3A_819 = arith.maximumf %max3A_785, %max3A_797 : vector<64x128xf32>
    %max3A_820 = arith.maximumf %max3A_786, %max3A_806 : vector<64x128xf32>
    %max3A_821 = arith.maximumf %max3A_787, %add3A_818 : vector<64x128xf32>
    %get3A_822 = arith.constant 0 : index
    %get3A_823 = arith.constant 3 : index
    %get3A_824 = arith.constant 256 : index
    %get3A_825 = arith.constant 0 : index
    %get3A_826 = vector.load %arg3[%get3A_822, %get3A_823, %get3A_824, %get3A_825] : memref<1x4x512x128xf32, #tpu.memory_space<vmem>>, vector<1x1x64x128xf32>
    %get3A_827 = vector.shape_cast %get3A_826 : vector<1x1x64x128xf32> to vector<64x128xf32>
    %add3A_828 = arith.addf %get3A_827, %slice3A_711 : vector<64x128xf32>
    %max3A_829 = arith.constant 0.000000e+00 : f32
    %max3A_830 = vector.broadcast %max3A_829 : f32 to vector<64x128xf32>
    %max3A_831 = arith.maximumf %add3A_828, %max3A_830 : vector<64x128xf32>
    %get3A_832 = arith.constant 0 : index
    %get3A_833 = arith.constant 0 : index
    %get3A_834 = vector.load %arg6[%get3A_832, %get3A_833] : memref<128x128xf32, #tpu.memory_space<vmem>>, vector<128x128xf32>
    %dot_general3A_835 = arith.constant dense<0.000000e+00> : vector<64x128xf32>
    %dot_general3A_836 = tpu.matmul %max3A_831, %get3A_834, %dot_general3A_835 {dimension_numbers = #tpu.dot_dimension_numbers<[1], [0], [0], [1], [0, 0, 1, 1], [], []>, transpose_lhs_hint = false} : vector<64x128xf32>, vector<128x128xf32>, vector<64x128xf32> -> vector<64x128xf32>
    %add3A_837 = arith.addf %dot_general3A_836, %slice3A_712 : vector<64x128xf32>
    %max3A_838 = arith.constant 0.000000e+00 : f32
    %max3A_839 = vector.broadcast %max3A_838 : f32 to vector<64x128xf32>
    %max3A_840 = arith.maximumf %add3A_837, %max3A_839 : vector<64x128xf32>
    %get3A_841 = arith.constant 0 : index
    %get3A_842 = arith.constant 0 : index
    %get3A_843 = vector.load %arg9[%get3A_841, %get3A_842] : memref<128x128xf32, #tpu.memory_space<vmem>>, vector<128x128xf32>
    %dot_general3A_844 = arith.constant dense<0.000000e+00> : vector<64x128xf32>
    %dot_general3A_845 = tpu.matmul %max3A_840, %get3A_843, %dot_general3A_844 {dimension_numbers = #tpu.dot_dimension_numbers<[1], [0], [0], [1], [0, 0, 1, 1], [], []>, transpose_lhs_hint = false} : vector<64x128xf32>, vector<128x128xf32>, vector<64x128xf32> -> vector<64x128xf32>
    %get3A_846 = arith.constant 0 : index
    %get3A_847 = arith.constant 0 : index
    %get3A_848 = vector.load %arg10[%get3A_846, %get3A_847] : memref<128x128xf32, #tpu.memory_space<vmem>>, vector<128x128xf32>
    %dot_general3A_849 = arith.constant dense<0.000000e+00> : vector<64x128xf32>
    %dot_general3A_850 = tpu.matmul %max3A_831, %get3A_848, %dot_general3A_849 {dimension_numbers = #tpu.dot_dimension_numbers<[1], [0], [0], [1], [0, 0, 1, 1], [], []>, transpose_lhs_hint = false} : vector<64x128xf32>, vector<128x128xf32>, vector<64x128xf32> -> vector<64x128xf32>
    %add3A_851 = arith.addf %dot_general3A_845, %dot_general3A_850 : vector<64x128xf32>
    %add3A_852 = arith.addf %add3A_851, %slice3A_713 : vector<64x128xf32>
    %max3A_853 = arith.maximumf %max3A_819, %max3A_831 : vector<64x128xf32>
    %max3A_854 = arith.maximumf %max3A_820, %max3A_840 : vector<64x128xf32>
    %max3A_855 = arith.maximumf %max3A_821, %add3A_852 : vector<64x128xf32>
    %slice3A_856 = vector.extract_strided_slice %max3A_855 {offsets = [0, 0], sizes = [64, 64], strides = [1, 1]} : vector<64x128xf32> to vector<64x64xf32>
    %slice3A_857 = vector.extract_strided_slice %max3A_855 {offsets = [0, 64], sizes = [64, 64], strides = [1, 1]} : vector<64x128xf32> to vector<64x64xf32>
    %max3A_858 = arith.maximumf %slice3A_856, %slice3A_857 : vector<64x64xf32>
    %slice3A_859 = vector.extract_strided_slice %max3A_858 {offsets = [0, 0], sizes = [64, 32], strides = [1, 1]} : vector<64x64xf32> to vector<64x32xf32>
    %slice3A_860 = vector.extract_strided_slice %max3A_858 {offsets = [0, 32], sizes = [64, 32], strides = [1, 1]} : vector<64x64xf32> to vector<64x32xf32>
    %max3A_861 = arith.maximumf %slice3A_859, %slice3A_860 : vector<64x32xf32>
    %slice3A_862 = vector.extract_strided_slice %max3A_854 {offsets = [0, 0], sizes = [64, 64], strides = [1, 1]} : vector<64x128xf32> to vector<64x64xf32>
    %slice3A_863 = vector.extract_strided_slice %max3A_854 {offsets = [0, 64], sizes = [64, 64], strides = [1, 1]} : vector<64x128xf32> to vector<64x64xf32>
    %max3A_864 = arith.maximumf %slice3A_862, %slice3A_863 : vector<64x64xf32>
    %slice3A_865 = vector.extract_strided_slice %max3A_864 {offsets = [0, 0], sizes = [64, 32], strides = [1, 1]} : vector<64x64xf32> to vector<64x32xf32>
    %slice3A_866 = vector.extract_strided_slice %max3A_864 {offsets = [0, 32], sizes = [64, 32], strides = [1, 1]} : vector<64x64xf32> to vector<64x32xf32>
    %max3A_867 = arith.maximumf %slice3A_865, %slice3A_866 : vector<64x32xf32>
    %slice3A_868 = vector.extract_strided_slice %max3A_853 {offsets = [0, 0], sizes = [64, 64], strides = [1, 1]} : vector<64x128xf32> to vector<64x64xf32>
    %slice3A_869 = vector.extract_strided_slice %max3A_853 {offsets = [0, 64], sizes = [64, 64], strides = [1, 1]} : vector<64x128xf32> to vector<64x64xf32>
    %max3A_870 = arith.maximumf %slice3A_868, %slice3A_869 : vector<64x64xf32>
    %slice3A_871 = vector.extract_strided_slice %max3A_870 {offsets = [0, 0], sizes = [64, 32], strides = [1, 1]} : vector<64x64xf32> to vector<64x32xf32>
    %slice3A_872 = vector.extract_strided_slice %max3A_870 {offsets = [0, 32], sizes = [64, 32], strides = [1, 1]} : vector<64x64xf32> to vector<64x32xf32>
    %max3A_873 = arith.maximumf %slice3A_871, %slice3A_872 : vector<64x32xf32>
    %slice3A_874 = vector.extract_strided_slice %get3A_3 {offsets = [256, 0], sizes = [64, 32], strides = [1, 1]} : vector<512x32xf32> to vector<64x32xf32>
    %concatenate3A_875 = tpu.concatenate %max3A_861, %max3A_867, %max3A_873, %slice3A_874 in 1 : vector<64x32xf32>, vector<64x32xf32>, vector<64x32xf32>, vector<64x32xf32> -> vector<64x128xf32>
    %swap3A_876 = arith.constant 0 : index
    %swap3A_877 = arith.constant 256 : index
    %swap3A_878 = arith.constant 0 : index
    %swap3A_879 = vector.load %arg13[%swap3A_876, %swap3A_877, %swap3A_878] : memref<1x512x128xf32, #tpu.memory_space<vmem>>, vector<1x64x128xf32>
    %swap3A_880 = vector.shape_cast %swap3A_879 : vector<1x64x128xf32> to vector<64x128xf32>
    %swap3A_881 = vector.shape_cast %concatenate3A_875 : vector<64x128xf32> to vector<1x64x128xf32>
    tpu.vector_store %arg13[%swap3A_876, %swap3A_877, %swap3A_878], %swap3A_881 {strides = array<i32>} : memref<1x512x128xf32, #tpu.memory_space<vmem>>, vector<1x64x128xf32>,
    %slice3A_882 = vector.extract_strided_slice %add3A_11 {offsets = [320, 0], sizes = [64, 128], strides = [1, 1]} : vector<512x128xf32> to vector<64x128xf32>
    %slice3A_883 = vector.extract_strided_slice %add3A_21 {offsets = [320, 0], sizes = [64, 128], strides = [1, 1]} : vector<512x128xf32> to vector<64x128xf32>
    %slice3A_884 = vector.extract_strided_slice %add3A_31 {offsets = [320, 0], sizes = [64, 128], strides = [1, 1]} : vector<512x128xf32> to vector<64x128xf32>
    %broadcast_in_dim3A_885 = arith.constant 0xFF800000 : f32
    %broadcast_in_dim3A_886 = vector.broadcast %broadcast_in_dim3A_885 : f32 to vector<64x128xf32>
    %broadcast_in_dim3A_887 = arith.constant 0xFF800000 : f32
    %broadcast_in_dim3A_888 = vector.broadcast %broadcast_in_dim3A_887 : f32 to vector<64x128xf32>
    %broadcast_in_dim3A_889 = arith.constant 0xFF800000 : f32
    %broadcast_in_dim3A_890 = vector.broadcast %broadcast_in_dim3A_889 : f32 to vector<64x128xf32>
    %get3A_891 = arith.constant 0 : index
    %get3A_892 = arith.constant 0 : index
    %get3A_893 = arith.constant 320 : index
    %get3A_894 = arith.constant 0 : index
    %get3A_895 = vector.load %arg3[%get3A_891, %get3A_892, %get3A_893, %get3A_894] : memref<1x4x512x128xf32, #tpu.memory_space<vmem>>, vector<1x1x64x128xf32>
    %get3A_896 = vector.shape_cast %get3A_895 : vector<1x1x64x128xf32> to vector<64x128xf32>
    %add3A_897 = arith.addf %get3A_896, %slice3A_882 : vector<64x128xf32>
    %max3A_898 = arith.constant 0.000000e+00 : f32
    %max3A_899 = vector.broadcast %max3A_898 : f32 to vector<64x128xf32>
    %max3A_900 = arith.maximumf %add3A_897, %max3A_899 : vector<64x128xf32>
    %get3A_901 = arith.constant 0 : index
    %get3A_902 = arith.constant 0 : index
    %get3A_903 = vector.load %arg6[%get3A_901, %get3A_902] : memref<128x128xf32, #tpu.memory_space<vmem>>, vector<128x128xf32>
    %dot_general3A_904 = arith.constant dense<0.000000e+00> : vector<64x128xf32>
    %dot_general3A_905 = tpu.matmul %max3A_900, %get3A_903, %dot_general3A_904 {dimension_numbers = #tpu.dot_dimension_numbers<[1], [0], [0], [1], [0, 0, 1, 1], [], []>, transpose_lhs_hint = false} : vector<64x128xf32>, vector<128x128xf32>, vector<64x128xf32> -> vector<64x128xf32>
    %add3A_906 = arith.addf %dot_general3A_905, %slice3A_883 : vector<64x128xf32>
    %max3A_907 = arith.constant 0.000000e+00 : f32
    %max3A_908 = vector.broadcast %max3A_907 : f32 to vector<64x128xf32>
    %max3A_909 = arith.maximumf %add3A_906, %max3A_908 : vector<64x128xf32>
    %get3A_910 = arith.constant 0 : index
    %get3A_911 = arith.constant 0 : index
    %get3A_912 = vector.load %arg9[%get3A_910, %get3A_911] : memref<128x128xf32, #tpu.memory_space<vmem>>, vector<128x128xf32>
    %dot_general3A_913 = arith.constant dense<0.000000e+00> : vector<64x128xf32>
    %dot_general3A_914 = tpu.matmul %max3A_909, %get3A_912, %dot_general3A_913 {dimension_numbers = #tpu.dot_dimension_numbers<[1], [0], [0], [1], [0, 0, 1, 1], [], []>, transpose_lhs_hint = false} : vector<64x128xf32>, vector<128x128xf32>, vector<64x128xf32> -> vector<64x128xf32>
    %get3A_915 = arith.constant 0 : index
    %get3A_916 = arith.constant 0 : index
    %get3A_917 = vector.load %arg10[%get3A_915, %get3A_916] : memref<128x128xf32, #tpu.memory_space<vmem>>, vector<128x128xf32>
    %dot_general3A_918 = arith.constant dense<0.000000e+00> : vector<64x128xf32>
    %dot_general3A_919 = tpu.matmul %max3A_900, %get3A_917, %dot_general3A_918 {dimension_numbers = #tpu.dot_dimension_numbers<[1], [0], [0], [1], [0, 0, 1, 1], [], []>, transpose_lhs_hint = false} : vector<64x128xf32>, vector<128x128xf32>, vector<64x128xf32> -> vector<64x128xf32>
    %add3A_920 = arith.addf %dot_general3A_914, %dot_general3A_919 : vector<64x128xf32>
    %add3A_921 = arith.addf %add3A_920, %slice3A_884 : vector<64x128xf32>
    %max3A_922 = arith.maximumf %broadcast_in_dim3A_886, %max3A_900 : vector<64x128xf32>
    %max3A_923 = arith.maximumf %broadcast_in_dim3A_888, %max3A_909 : vector<64x128xf32>
    %max3A_924 = arith.maximumf %broadcast_in_dim3A_890, %add3A_921 : vector<64x128xf32>
    %get3A_925 = arith.constant 0 : index
    %get3A_926 = arith.constant 1 : index
    %get3A_927 = arith.constant 320 : index
    %get3A_928 = arith.constant 0 : index
    %get3A_929 = vector.load %arg3[%get3A_925, %get3A_926, %get3A_927, %get3A_928] : memref<1x4x512x128xf32, #tpu.memory_space<vmem>>, vector<1x1x64x128xf32>
    %get3A_930 = vector.shape_cast %get3A_929 : vector<1x1x64x128xf32> to vector<64x128xf32>
    %add3A_931 = arith.addf %get3A_930, %slice3A_882 : vector<64x128xf32>
    %max3A_932 = arith.constant 0.000000e+00 : f32
    %max3A_933 = vector.broadcast %max3A_932 : f32 to vector<64x128xf32>
    %max3A_934 = arith.maximumf %add3A_931, %max3A_933 : vector<64x128xf32>
    %get3A_935 = arith.constant 0 : index
    %get3A_936 = arith.constant 0 : index
    %get3A_937 = vector.load %arg6[%get3A_935, %get3A_936] : memref<128x128xf32, #tpu.memory_space<vmem>>, vector<128x128xf32>
    %dot_general3A_938 = arith.constant dense<0.000000e+00> : vector<64x128xf32>
    %dot_general3A_939 = tpu.matmul %max3A_934, %get3A_937, %dot_general3A_938 {dimension_numbers = #tpu.dot_dimension_numbers<[1], [0], [0], [1], [0, 0, 1, 1], [], []>, transpose_lhs_hint = false} : vector<64x128xf32>, vector<128x128xf32>, vector<64x128xf32> -> vector<64x128xf32>
    %add3A_940 = arith.addf %dot_general3A_939, %slice3A_883 : vector<64x128xf32>
    %max3A_941 = arith.constant 0.000000e+00 : f32
    %max3A_942 = vector.broadcast %max3A_941 : f32 to vector<64x128xf32>
    %max3A_943 = arith.maximumf %add3A_940, %max3A_942 : vector<64x128xf32>
    %get3A_944 = arith.constant 0 : index
    %get3A_945 = arith.constant 0 : index
    %get3A_946 = vector.load %arg9[%get3A_944, %get3A_945] : memref<128x128xf32, #tpu.memory_space<vmem>>, vector<128x128xf32>
    %dot_general3A_947 = arith.constant dense<0.000000e+00> : vector<64x128xf32>
    %dot_general3A_948 = tpu.matmul %max3A_943, %get3A_946, %dot_general3A_947 {dimension_numbers = #tpu.dot_dimension_numbers<[1], [0], [0], [1], [0, 0, 1, 1], [], []>, transpose_lhs_hint = false} : vector<64x128xf32>, vector<128x128xf32>, vector<64x128xf32> -> vector<64x128xf32>
    %get3A_949 = arith.constant 0 : index
    %get3A_950 = arith.constant 0 : index
    %get3A_951 = vector.load %arg10[%get3A_949, %get3A_950] : memref<128x128xf32, #tpu.memory_space<vmem>>, vector<128x128xf32>
    %dot_general3A_952 = arith.constant dense<0.000000e+00> : vector<64x128xf32>
    %dot_general3A_953 = tpu.matmul %max3A_934, %get3A_951, %dot_general3A_952 {dimension_numbers = #tpu.dot_dimension_numbers<[1], [0], [0], [1], [0, 0, 1, 1], [], []>, transpose_lhs_hint = false} : vector<64x128xf32>, vector<128x128xf32>, vector<64x128xf32> -> vector<64x128xf32>
    %add3A_954 = arith.addf %dot_general3A_948, %dot_general3A_953 : vector<64x128xf32>
    %add3A_955 = arith.addf %add3A_954, %slice3A_884 : vector<64x128xf32>
    %max3A_956 = arith.maximumf %max3A_922, %max3A_934 : vector<64x128xf32>
    %max3A_957 = arith.maximumf %max3A_923, %max3A_943 : vector<64x128xf32>
    %max3A_958 = arith.maximumf %max3A_924, %add3A_955 : vector<64x128xf32>
    %get3A_959 = arith.constant 0 : index
    %get3A_960 = arith.constant 2 : index
    %get3A_961 = arith.constant 320 : index
    %get3A_962 = arith.constant 0 : index
    %get3A_963 = vector.load %arg3[%get3A_959, %get3A_960, %get3A_961, %get3A_962] : memref<1x4x512x128xf32, #tpu.memory_space<vmem>>, vector<1x1x64x128xf32>
    %get3A_964 = vector.shape_cast %get3A_963 : vector<1x1x64x128xf32> to vector<64x128xf32>
    %add3A_965 = arith.addf %get3A_964, %slice3A_882 : vector<64x128xf32>
    %max3A_966 = arith.constant 0.000000e+00 : f32
    %max3A_967 = vector.broadcast %max3A_966 : f32 to vector<64x128xf32>
    %max3A_968 = arith.maximumf %add3A_965, %max3A_967 : vector<64x128xf32>
    %get3A_969 = arith.constant 0 : index
    %get3A_970 = arith.constant 0 : index
    %get3A_971 = vector.load %arg6[%get3A_969, %get3A_970] : memref<128x128xf32, #tpu.memory_space<vmem>>, vector<128x128xf32>
    %dot_general3A_972 = arith.constant dense<0.000000e+00> : vector<64x128xf32>
    %dot_general3A_973 = tpu.matmul %max3A_968, %get3A_971, %dot_general3A_972 {dimension_numbers = #tpu.dot_dimension_numbers<[1], [0], [0], [1], [0, 0, 1, 1], [], []>, transpose_lhs_hint = false} : vector<64x128xf32>, vector<128x128xf32>, vector<64x128xf32> -> vector<64x128xf32>
    %add3A_974 = arith.addf %dot_general3A_973, %slice3A_883 : vector<64x128xf32>
    %max3A_975 = arith.constant 0.000000e+00 : f32
    %max3A_976 = vector.broadcast %max3A_975 : f32 to vector<64x128xf32>
    %max3A_977 = arith.maximumf %add3A_974, %max3A_976 : vector<64x128xf32>
    %get3A_978 = arith.constant 0 : index
    %get3A_979 = arith.constant 0 : index
    %get3A_980 = vector.load %arg9[%get3A_978, %get3A_979] : memref<128x128xf32, #tpu.memory_space<vmem>>, vector<128x128xf32>
    %dot_general3A_981 = arith.constant dense<0.000000e+00> : vector<64x128xf32>
    %dot_general3A_982 = tpu.matmul %max3A_977, %get3A_980, %dot_general3A_981 {dimension_numbers = #tpu.dot_dimension_numbers<[1], [0], [0], [1], [0, 0, 1, 1], [], []>, transpose_lhs_hint = false} : vector<64x128xf32>, vector<128x128xf32>, vector<64x128xf32> -> vector<64x128xf32>
    %get3A_983 = arith.constant 0 : index
    %get3A_984 = arith.constant 0 : index
    %get3A_985 = vector.load %arg10[%get3A_983, %get3A_984] : memref<128x128xf32, #tpu.memory_space<vmem>>, vector<128x128xf32>
    %dot_general3A_986 = arith.constant dense<0.000000e+00> : vector<64x128xf32>
    %dot_general3A_987 = tpu.matmul %max3A_968, %get3A_985, %dot_general3A_986 {dimension_numbers = #tpu.dot_dimension_numbers<[1], [0], [0], [1], [0, 0, 1, 1], [], []>, transpose_lhs_hint = false} : vector<64x128xf32>, vector<128x128xf32>, vector<64x128xf32> -> vector<64x128xf32>
    %add3A_988 = arith.addf %dot_general3A_982, %dot_general3A_987 : vector<64x128xf32>
    %add3A_989 = arith.addf %add3A_988, %slice3A_884 : vector<64x128xf32>
    %max3A_990 = arith.maximumf %max3A_956, %max3A_968 : vector<64x128xf32>
    %max3A_991 = arith.maximumf %max3A_957, %max3A_977 : vector<64x128xf32>
    %max3A_992 = arith.maximumf %max3A_958, %add3A_989 : vector<64x128xf32>
    %get3A_993 = arith.constant 0 : index
    %get3A_994 = arith.constant 3 : index
    %get3A_995 = arith.constant 320 : index
    %get3A_996 = arith.constant 0 : index
    %get3A_997 = vector.load %arg3[%get3A_993, %get3A_994, %get3A_995, %get3A_996] : memref<1x4x512x128xf32, #tpu.memory_space<vmem>>, vector<1x1x64x128xf32>
    %get3A_998 = vector.shape_cast %get3A_997 : vector<1x1x64x128xf32> to vector<64x128xf32>
    %add3A_999 = arith.addf %get3A_998, %slice3A_882 : vector<64x128xf32>
    %max3A_1000 = arith.constant 0.000000e+00 : f32
    %max3A_1001 = vector.broadcast %max3A_1000 : f32 to vector<64x128xf32>
    %max3A_1002 = arith.maximumf %add3A_999, %max3A_1001 : vector<64x128xf32>
    %get3A_1003 = arith.constant 0 : index
    %get3A_1004 = arith.constant 0 : index
    %get3A_1005 = vector.load %arg6[%get3A_1003, %get3A_1004] : memref<128x128xf32, #tpu.memory_space<vmem>>, vector<128x128xf32>
    %dot_general3A_1006 = arith.constant dense<0.000000e+00> : vector<64x128xf32>
    %dot_general3A_1007 = tpu.matmul %max3A_1002, %get3A_1005, %dot_general3A_1006 {dimension_numbers = #tpu.dot_dimension_numbers<[1], [0], [0], [1], [0, 0, 1, 1], [], []>, transpose_lhs_hint = false} : vector<64x128xf32>, vector<128x128xf32>, vector<64x128xf32> -> vector<64x128xf32>
    %add3A_1008 = arith.addf %dot_general3A_1007, %slice3A_883 : vector<64x128xf32>
    %max3A_1009 = arith.constant 0.000000e+00 : f32
    %max3A_1010 = vector.broadcast %max3A_1009 : f32 to vector<64x128xf32>
    %max3A_1011 = arith.maximumf %add3A_1008, %max3A_1010 : vector<64x128xf32>
    %get3A_1012 = arith.constant 0 : index
    %get3A_1013 = arith.constant 0 : index
    %get3A_1014 = vector.load %arg9[%get3A_1012, %get3A_1013] : memref<128x128xf32, #tpu.memory_space<vmem>>, vector<128x128xf32>
    %dot_general3A_1015 = arith.constant dense<0.000000e+00> : vector<64x128xf32>
    %dot_general3A_1016 = tpu.matmul %max3A_1011, %get3A_1014, %dot_general3A_1015 {dimension_numbers = #tpu.dot_dimension_numbers<[1], [0], [0], [1], [0, 0, 1, 1], [], []>, transpose_lhs_hint = false} : vector<64x128xf32>, vector<128x128xf32>, vector<64x128xf32> -> vector<64x128xf32>
    %get3A_1017 = arith.constant 0 : index
    %get3A_1018 = arith.constant 0 : index
    %get3A_1019 = vector.load %arg10[%get3A_1017, %get3A_1018] : memref<128x128xf32, #tpu.memory_space<vmem>>, vector<128x128xf32>
    %dot_general3A_1020 = arith.constant dense<0.000000e+00> : vector<64x128xf32>
    %dot_general3A_1021 = tpu.matmul %max3A_1002, %get3A_1019, %dot_general3A_1020 {dimension_numbers = #tpu.dot_dimension_numbers<[1], [0], [0], [1], [0, 0, 1, 1], [], []>, transpose_lhs_hint = false} : vector<64x128xf32>, vector<128x128xf32>, vector<64x128xf32> -> vector<64x128xf32>
    %add3A_1022 = arith.addf %dot_general3A_1016, %dot_general3A_1021 : vector<64x128xf32>
    %add3A_1023 = arith.addf %add3A_1022, %slice3A_884 : vector<64x128xf32>
    %max3A_1024 = arith.maximumf %max3A_990, %max3A_1002 : vector<64x128xf32>
    %max3A_1025 = arith.maximumf %max3A_991, %max3A_1011 : vector<64x128xf32>
    %max3A_1026 = arith.maximumf %max3A_992, %add3A_1023 : vector<64x128xf32>
    %slice3A_1027 = vector.extract_strided_slice %max3A_1026 {offsets = [0, 0], sizes = [64, 64], strides = [1, 1]} : vector<64x128xf32> to vector<64x64xf32>
    %slice3A_1028 = vector.extract_strided_slice %max3A_1026 {offsets = [0, 64], sizes = [64, 64], strides = [1, 1]} : vector<64x128xf32> to vector<64x64xf32>
    %max3A_1029 = arith.maximumf %slice3A_1027, %slice3A_1028 : vector<64x64xf32>
    %slice3A_1030 = vector.extract_strided_slice %max3A_1029 {offsets = [0, 0], sizes = [64, 32], strides = [1, 1]} : vector<64x64xf32> to vector<64x32xf32>
    %slice3A_1031 = vector.extract_strided_slice %max3A_1029 {offsets = [0, 32], sizes = [64, 32], strides = [1, 1]} : vector<64x64xf32> to vector<64x32xf32>
    %max3A_1032 = arith.maximumf %slice3A_1030, %slice3A_1031 : vector<64x32xf32>
    %slice3A_1033 = vector.extract_strided_slice %max3A_1025 {offsets = [0, 0], sizes = [64, 64], strides = [1, 1]} : vector<64x128xf32> to vector<64x64xf32>
    %slice3A_1034 = vector.extract_strided_slice %max3A_1025 {offsets = [0, 64], sizes = [64, 64], strides = [1, 1]} : vector<64x128xf32> to vector<64x64xf32>
    %max3A_1035 = arith.maximumf %slice3A_1033, %slice3A_1034 : vector<64x64xf32>
    %slice3A_1036 = vector.extract_strided_slice %max3A_1035 {offsets = [0, 0], sizes = [64, 32], strides = [1, 1]} : vector<64x64xf32> to vector<64x32xf32>
    %slice3A_1037 = vector.extract_strided_slice %max3A_1035 {offsets = [0, 32], sizes = [64, 32], strides = [1, 1]} : vector<64x64xf32> to vector<64x32xf32>
    %max3A_1038 = arith.maximumf %slice3A_1036, %slice3A_1037 : vector<64x32xf32>
    %slice3A_1039 = vector.extract_strided_slice %max3A_1024 {offsets = [0, 0], sizes = [64, 64], strides = [1, 1]} : vector<64x128xf32> to vector<64x64xf32>
    %slice3A_1040 = vector.extract_strided_slice %max3A_1024 {offsets = [0, 64], sizes = [64, 64], strides = [1, 1]} : vector<64x128xf32> to vector<64x64xf32>
    %max3A_1041 = arith.maximumf %slice3A_1039, %slice3A_1040 : vector<64x64xf32>
    %slice3A_1042 = vector.extract_strided_slice %max3A_1041 {offsets = [0, 0], sizes = [64, 32], strides = [1, 1]} : vector<64x64xf32> to vector<64x32xf32>
    %slice3A_1043 = vector.extract_strided_slice %max3A_1041 {offsets = [0, 32], sizes = [64, 32], strides = [1, 1]} : vector<64x64xf32> to vector<64x32xf32>
    %max3A_1044 = arith.maximumf %slice3A_1042, %slice3A_1043 : vector<64x32xf32>
    %slice3A_1045 = vector.extract_strided_slice %get3A_3 {offsets = [320, 0], sizes = [64, 32], strides = [1, 1]} : vector<512x32xf32> to vector<64x32xf32>
    %concatenate3A_1046 = tpu.concatenate %max3A_1032, %max3A_1038, %max3A_1044, %slice3A_1045 in 1 : vector<64x32xf32>, vector<64x32xf32>, vector<64x32xf32>, vector<64x32xf32> -> vector<64x128xf32>
    %swap3A_1047 = arith.constant 0 : index
    %swap3A_1048 = arith.constant 320 : index
    %swap3A_1049 = arith.constant 0 : index
    %swap3A_1050 = vector.load %arg13[%swap3A_1047, %swap3A_1048, %swap3A_1049] : memref<1x512x128xf32, #tpu.memory_space<vmem>>, vector<1x64x128xf32>
    %swap3A_1051 = vector.shape_cast %swap3A_1050 : vector<1x64x128xf32> to vector<64x128xf32>
    %swap3A_1052 = vector.shape_cast %concatenate3A_1046 : vector<64x128xf32> to vector<1x64x128xf32>
    tpu.vector_store %arg13[%swap3A_1047, %swap3A_1048, %swap3A_1049], %swap3A_1052 {strides = array<i32>} : memref<1x512x128xf32, #tpu.memory_space<vmem>>, vector<1x64x128xf32>,
    %slice3A_1053 = vector.extract_strided_slice %add3A_11 {offsets = [384, 0], sizes = [64, 128], strides = [1, 1]} : vector<512x128xf32> to vector<64x128xf32>
    %slice3A_1054 = vector.extract_strided_slice %add3A_21 {offsets = [384, 0], sizes = [64, 128], strides = [1, 1]} : vector<512x128xf32> to vector<64x128xf32>
    %slice3A_1055 = vector.extract_strided_slice %add3A_31 {offsets = [384, 0], sizes = [64, 128], strides = [1, 1]} : vector<512x128xf32> to vector<64x128xf32>
    %broadcast_in_dim3A_1056 = arith.constant 0xFF800000 : f32
    %broadcast_in_dim3A_1057 = vector.broadcast %broadcast_in_dim3A_1056 : f32 to vector<64x128xf32>
    %broadcast_in_dim3A_1058 = arith.constant 0xFF800000 : f32
    %broadcast_in_dim3A_1059 = vector.broadcast %broadcast_in_dim3A_1058 : f32 to vector<64x128xf32>
    %broadcast_in_dim3A_1060 = arith.constant 0xFF800000 : f32
    %broadcast_in_dim3A_1061 = vector.broadcast %broadcast_in_dim3A_1060 : f32 to vector<64x128xf32>
    %get3A_1062 = arith.constant 0 : index
    %get3A_1063 = arith.constant 0 : index
    %get3A_1064 = arith.constant 384 : index
    %get3A_1065 = arith.constant 0 : index
    %get3A_1066 = vector.load %arg3[%get3A_1062, %get3A_1063, %get3A_1064, %get3A_1065] : memref<1x4x512x128xf32, #tpu.memory_space<vmem>>, vector<1x1x64x128xf32>
    %get3A_1067 = vector.shape_cast %get3A_1066 : vector<1x1x64x128xf32> to vector<64x128xf32>
    %add3A_1068 = arith.addf %get3A_1067, %slice3A_1053 : vector<64x128xf32>
    %max3A_1069 = arith.constant 0.000000e+00 : f32
    %max3A_1070 = vector.broadcast %max3A_1069 : f32 to vector<64x128xf32>
    %max3A_1071 = arith.maximumf %add3A_1068, %max3A_1070 : vector<64x128xf32>
    %get3A_1072 = arith.constant 0 : index
    %get3A_1073 = arith.constant 0 : index
    %get3A_1074 = vector.load %arg6[%get3A_1072, %get3A_1073] : memref<128x128xf32, #tpu.memory_space<vmem>>, vector<128x128xf32>
    %dot_general3A_1075 = arith.constant dense<0.000000e+00> : vector<64x128xf32>
    %dot_general3A_1076 = tpu.matmul %max3A_1071, %get3A_1074, %dot_general3A_1075 {dimension_numbers = #tpu.dot_dimension_numbers<[1], [0], [0], [1], [0, 0, 1, 1], [], []>, transpose_lhs_hint = false} : vector<64x128xf32>, vector<128x128xf32>, vector<64x128xf32> -> vector<64x128xf32>
    %add3A_1077 = arith.addf %dot_general3A_1076, %slice3A_1054 : vector<64x128xf32>
    %max3A_1078 = arith.constant 0.000000e+00 : f32
    %max3A_1079 = vector.broadcast %max3A_1078 : f32 to vector<64x128xf32>
    %max3A_1080 = arith.maximumf %add3A_1077, %max3A_1079 : vector<64x128xf32>
    %get3A_1081 = arith.constant 0 : index
    %get3A_1082 = arith.constant 0 : index
    %get3A_1083 = vector.load %arg9[%get3A_1081, %get3A_1082] : memref<128x128xf32, #tpu.memory_space<vmem>>, vector<128x128xf32>
    %dot_general3A_1084 = arith.constant dense<0.000000e+00> : vector<64x128xf32>
    %dot_general3A_1085 = tpu.matmul %max3A_1080, %get3A_1083, %dot_general3A_1084 {dimension_numbers = #tpu.dot_dimension_numbers<[1], [0], [0], [1], [0, 0, 1, 1], [], []>, transpose_lhs_hint = false} : vector<64x128xf32>, vector<128x128xf32>, vector<64x128xf32> -> vector<64x128xf32>
    %get3A_1086 = arith.constant 0 : index
    %get3A_1087 = arith.constant 0 : index
    %get3A_1088 = vector.load %arg10[%get3A_1086, %get3A_1087] : memref<128x128xf32, #tpu.memory_space<vmem>>, vector<128x128xf32>
    %dot_general3A_1089 = arith.constant dense<0.000000e+00> : vector<64x128xf32>
    %dot_general3A_1090 = tpu.matmul %max3A_1071, %get3A_1088, %dot_general3A_1089 {dimension_numbers = #tpu.dot_dimension_numbers<[1], [0], [0], [1], [0, 0, 1, 1], [], []>, transpose_lhs_hint = false} : vector<64x128xf32>, vector<128x128xf32>, vector<64x128xf32> -> vector<64x128xf32>
    %add3A_1091 = arith.addf %dot_general3A_1085, %dot_general3A_1090 : vector<64x128xf32>
    %add3A_1092 = arith.addf %add3A_1091, %slice3A_1055 : vector<64x128xf32>
    %max3A_1093 = arith.maximumf %broadcast_in_dim3A_1057, %max3A_1071 : vector<64x128xf32>
    %max3A_1094 = arith.maximumf %broadcast_in_dim3A_1059, %max3A_1080 : vector<64x128xf32>
    %max3A_1095 = arith.maximumf %broadcast_in_dim3A_1061, %add3A_1092 : vector<64x128xf32>
    %get3A_1096 = arith.constant 0 : index
    %get3A_1097 = arith.constant 1 : index
    %get3A_1098 = arith.constant 384 : index
    %get3A_1099 = arith.constant 0 : index
    %get3A_1100 = vector.load %arg3[%get3A_1096, %get3A_1097, %get3A_1098, %get3A_1099] : memref<1x4x512x128xf32, #tpu.memory_space<vmem>>, vector<1x1x64x128xf32>
    %get3A_1101 = vector.shape_cast %get3A_1100 : vector<1x1x64x128xf32> to vector<64x128xf32>
    %add3A_1102 = arith.addf %get3A_1101, %slice3A_1053 : vector<64x128xf32>
    %max3A_1103 = arith.constant 0.000000e+00 : f32
    %max3A_1104 = vector.broadcast %max3A_1103 : f32 to vector<64x128xf32>
    %max3A_1105 = arith.maximumf %add3A_1102, %max3A_1104 : vector<64x128xf32>
    %get3A_1106 = arith.constant 0 : index
    %get3A_1107 = arith.constant 0 : index
    %get3A_1108 = vector.load %arg6[%get3A_1106, %get3A_1107] : memref<128x128xf32, #tpu.memory_space<vmem>>, vector<128x128xf32>
    %dot_general3A_1109 = arith.constant dense<0.000000e+00> : vector<64x128xf32>
    %dot_general3A_1110 = tpu.matmul %max3A_1105, %get3A_1108, %dot_general3A_1109 {dimension_numbers = #tpu.dot_dimension_numbers<[1], [0], [0], [1], [0, 0, 1, 1], [], []>, transpose_lhs_hint = false} : vector<64x128xf32>, vector<128x128xf32>, vector<64x128xf32> -> vector<64x128xf32>
    %add3A_1111 = arith.addf %dot_general3A_1110, %slice3A_1054 : vector<64x128xf32>
    %max3A_1112 = arith.constant 0.000000e+00 : f32
    %max3A_1113 = vector.broadcast %max3A_1112 : f32 to vector<64x128xf32>
    %max3A_1114 = arith.maximumf %add3A_1111, %max3A_1113 : vector<64x128xf32>
    %get3A_1115 = arith.constant 0 : index
    %get3A_1116 = arith.constant 0 : index
    %get3A_1117 = vector.load %arg9[%get3A_1115, %get3A_1116] : memref<128x128xf32, #tpu.memory_space<vmem>>, vector<128x128xf32>
    %dot_general3A_1118 = arith.constant dense<0.000000e+00> : vector<64x128xf32>
    %dot_general3A_1119 = tpu.matmul %max3A_1114, %get3A_1117, %dot_general3A_1118 {dimension_numbers = #tpu.dot_dimension_numbers<[1], [0], [0], [1], [0, 0, 1, 1], [], []>, transpose_lhs_hint = false} : vector<64x128xf32>, vector<128x128xf32>, vector<64x128xf32> -> vector<64x128xf32>
    %get3A_1120 = arith.constant 0 : index
    %get3A_1121 = arith.constant 0 : index
    %get3A_1122 = vector.load %arg10[%get3A_1120, %get3A_1121] : memref<128x128xf32, #tpu.memory_space<vmem>>, vector<128x128xf32>
    %dot_general3A_1123 = arith.constant dense<0.000000e+00> : vector<64x128xf32>
    %dot_general3A_1124 = tpu.matmul %max3A_1105, %get3A_1122, %dot_general3A_1123 {dimension_numbers = #tpu.dot_dimension_numbers<[1], [0], [0], [1], [0, 0, 1, 1], [], []>, transpose_lhs_hint = false} : vector<64x128xf32>, vector<128x128xf32>, vector<64x128xf32> -> vector<64x128xf32>
    %add3A_1125 = arith.addf %dot_general3A_1119, %dot_general3A_1124 : vector<64x128xf32>
    %add3A_1126 = arith.addf %add3A_1125, %slice3A_1055 : vector<64x128xf32>
    %max3A_1127 = arith.maximumf %max3A_1093, %max3A_1105 : vector<64x128xf32>
    %max3A_1128 = arith.maximumf %max3A_1094, %max3A_1114 : vector<64x128xf32>
    %max3A_1129 = arith.maximumf %max3A_1095, %add3A_1126 : vector<64x128xf32>
    %get3A_1130 = arith.constant 0 : index
    %get3A_1131 = arith.constant 2 : index
    %get3A_1132 = arith.constant 384 : index
    %get3A_1133 = arith.constant 0 : index
    %get3A_1134 = vector.load %arg3[%get3A_1130, %get3A_1131, %get3A_1132, %get3A_1133] : memref<1x4x512x128xf32, #tpu.memory_space<vmem>>, vector<1x1x64x128xf32>
    %get3A_1135 = vector.shape_cast %get3A_1134 : vector<1x1x64x128xf32> to vector<64x128xf32>
    %add3A_1136 = arith.addf %get3A_1135, %slice3A_1053 : vector<64x128xf32>
    %max3A_1137 = arith.constant 0.000000e+00 : f32
    %max3A_1138 = vector.broadcast %max3A_1137 : f32 to vector<64x128xf32>
    %max3A_1139 = arith.maximumf %add3A_1136, %max3A_1138 : vector<64x128xf32>
    %get3A_1140 = arith.constant 0 : index
    %get3A_1141 = arith.constant 0 : index
    %get3A_1142 = vector.load %arg6[%get3A_1140, %get3A_1141] : memref<128x128xf32, #tpu.memory_space<vmem>>, vector<128x128xf32>
    %dot_general3A_1143 = arith.constant dense<0.000000e+00> : vector<64x128xf32>
    %dot_general3A_1144 = tpu.matmul %max3A_1139, %get3A_1142, %dot_general3A_1143 {dimension_numbers = #tpu.dot_dimension_numbers<[1], [0], [0], [1], [0, 0, 1, 1], [], []>, transpose_lhs_hint = false} : vector<64x128xf32>, vector<128x128xf32>, vector<64x128xf32> -> vector<64x128xf32>
    %add3A_1145 = arith.addf %dot_general3A_1144, %slice3A_1054 : vector<64x128xf32>
    %max3A_1146 = arith.constant 0.000000e+00 : f32
    %max3A_1147 = vector.broadcast %max3A_1146 : f32 to vector<64x128xf32>
    %max3A_1148 = arith.maximumf %add3A_1145, %max3A_1147 : vector<64x128xf32>
    %get3A_1149 = arith.constant 0 : index
    %get3A_1150 = arith.constant 0 : index
    %get3A_1151 = vector.load %arg9[%get3A_1149, %get3A_1150] : memref<128x128xf32, #tpu.memory_space<vmem>>, vector<128x128xf32>
    %dot_general3A_1152 = arith.constant dense<0.000000e+00> : vector<64x128xf32>
    %dot_general3A_1153 = tpu.matmul %max3A_1148, %get3A_1151, %dot_general3A_1152 {dimension_numbers = #tpu.dot_dimension_numbers<[1], [0], [0], [1], [0, 0, 1, 1], [], []>, transpose_lhs_hint = false} : vector<64x128xf32>, vector<128x128xf32>, vector<64x128xf32> -> vector<64x128xf32>
    %get3A_1154 = arith.constant 0 : index
    %get3A_1155 = arith.constant 0 : index
    %get3A_1156 = vector.load %arg10[%get3A_1154, %get3A_1155] : memref<128x128xf32, #tpu.memory_space<vmem>>, vector<128x128xf32>
    %dot_general3A_1157 = arith.constant dense<0.000000e+00> : vector<64x128xf32>
    %dot_general3A_1158 = tpu.matmul %max3A_1139, %get3A_1156, %dot_general3A_1157 {dimension_numbers = #tpu.dot_dimension_numbers<[1], [0], [0], [1], [0, 0, 1, 1], [], []>, transpose_lhs_hint = false} : vector<64x128xf32>, vector<128x128xf32>, vector<64x128xf32> -> vector<64x128xf32>
    %add3A_1159 = arith.addf %dot_general3A_1153, %dot_general3A_1158 : vector<64x128xf32>
    %add3A_1160 = arith.addf %add3A_1159, %slice3A_1055 : vector<64x128xf32>
    %max3A_1161 = arith.maximumf %max3A_1127, %max3A_1139 : vector<64x128xf32>
    %max3A_1162 = arith.maximumf %max3A_1128, %max3A_1148 : vector<64x128xf32>
    %max3A_1163 = arith.maximumf %max3A_1129, %add3A_1160 : vector<64x128xf32>
    %get3A_1164 = arith.constant 0 : index
    %get3A_1165 = arith.constant 3 : index
    %get3A_1166 = arith.constant 384 : index
    %get3A_1167 = arith.constant 0 : index
    %get3A_1168 = vector.load %arg3[%get3A_1164, %get3A_1165, %get3A_1166, %get3A_1167] : memref<1x4x512x128xf32, #tpu.memory_space<vmem>>, vector<1x1x64x128xf32>
    %get3A_1169 = vector.shape_cast %get3A_1168 : vector<1x1x64x128xf32> to vector<64x128xf32>
    %add3A_1170 = arith.addf %get3A_1169, %slice3A_1053 : vector<64x128xf32>
    %max3A_1171 = arith.constant 0.000000e+00 : f32
    %max3A_1172 = vector.broadcast %max3A_1171 : f32 to vector<64x128xf32>
    %max3A_1173 = arith.maximumf %add3A_1170, %max3A_1172 : vector<64x128xf32>
    %get3A_1174 = arith.constant 0 : index
    %get3A_1175 = arith.constant 0 : index
    %get3A_1176 = vector.load %arg6[%get3A_1174, %get3A_1175] : memref<128x128xf32, #tpu.memory_space<vmem>>, vector<128x128xf32>
    %dot_general3A_1177 = arith.constant dense<0.000000e+00> : vector<64x128xf32>
    %dot_general3A_1178 = tpu.matmul %max3A_1173, %get3A_1176, %dot_general3A_1177 {dimension_numbers = #tpu.dot_dimension_numbers<[1], [0], [0], [1], [0, 0, 1, 1], [], []>, transpose_lhs_hint = false} : vector<64x128xf32>, vector<128x128xf32>, vector<64x128xf32> -> vector<64x128xf32>
    %add3A_1179 = arith.addf %dot_general3A_1178, %slice3A_1054 : vector<64x128xf32>
    %max3A_1180 = arith.constant 0.000000e+00 : f32
    %max3A_1181 = vector.broadcast %max3A_1180 : f32 to vector<64x128xf32>
    %max3A_1182 = arith.maximumf %add3A_1179, %max3A_1181 : vector<64x128xf32>
    %get3A_1183 = arith.constant 0 : index
    %get3A_1184 = arith.constant 0 : index
    %get3A_1185 = vector.load %arg9[%get3A_1183, %get3A_1184] : memref<128x128xf32, #tpu.memory_space<vmem>>, vector<128x128xf32>
    %dot_general3A_1186 = arith.constant dense<0.000000e+00> : vector<64x128xf32>
    %dot_general3A_1187 = tpu.matmul %max3A_1182, %get3A_1185, %dot_general3A_1186 {dimension_numbers = #tpu.dot_dimension_numbers<[1], [0], [0], [1], [0, 0, 1, 1], [], []>, transpose_lhs_hint = false} : vector<64x128xf32>, vector<128x128xf32>, vector<64x128xf32> -> vector<64x128xf32>
    %get3A_1188 = arith.constant 0 : index
    %get3A_1189 = arith.constant 0 : index
    %get3A_1190 = vector.load %arg10[%get3A_1188, %get3A_1189] : memref<128x128xf32, #tpu.memory_space<vmem>>, vector<128x128xf32>
    %dot_general3A_1191 = arith.constant dense<0.000000e+00> : vector<64x128xf32>
    %dot_general3A_1192 = tpu.matmul %max3A_1173, %get3A_1190, %dot_general3A_1191 {dimension_numbers = #tpu.dot_dimension_numbers<[1], [0], [0], [1], [0, 0, 1, 1], [], []>, transpose_lhs_hint = false} : vector<64x128xf32>, vector<128x128xf32>, vector<64x128xf32> -> vector<64x128xf32>
    %add3A_1193 = arith.addf %dot_general3A_1187, %dot_general3A_1192 : vector<64x128xf32>
    %add3A_1194 = arith.addf %add3A_1193, %slice3A_1055 : vector<64x128xf32>
    %max3A_1195 = arith.maximumf %max3A_1161, %max3A_1173 : vector<64x128xf32>
    %max3A_1196 = arith.maximumf %max3A_1162, %max3A_1182 : vector<64x128xf32>
    %max3A_1197 = arith.maximumf %max3A_1163, %add3A_1194 : vector<64x128xf32>
    %slice3A_1198 = vector.extract_strided_slice %max3A_1197 {offsets = [0, 0], sizes = [64, 64], strides = [1, 1]} : vector<64x128xf32> to vector<64x64xf32>
    %slice3A_1199 = vector.extract_strided_slice %max3A_1197 {offsets = [0, 64], sizes = [64, 64], strides = [1, 1]} : vector<64x128xf32> to vector<64x64xf32>
    %max3A_1200 = arith.maximumf %slice3A_1198, %slice3A_1199 : vector<64x64xf32>
    %slice3A_1201 = vector.extract_strided_slice %max3A_1200 {offsets = [0, 0], sizes = [64, 32], strides = [1, 1]} : vector<64x64xf32> to vector<64x32xf32>
    %slice3A_1202 = vector.extract_strided_slice %max3A_1200 {offsets = [0, 32], sizes = [64, 32], strides = [1, 1]} : vector<64x64xf32> to vector<64x32xf32>
    %max3A_1203 = arith.maximumf %slice3A_1201, %slice3A_1202 : vector<64x32xf32>
    %slice3A_1204 = vector.extract_strided_slice %max3A_1196 {offsets = [0, 0], sizes = [64, 64], strides = [1, 1]} : vector<64x128xf32> to vector<64x64xf32>
    %slice3A_1205 = vector.extract_strided_slice %max3A_1196 {offsets = [0, 64], sizes = [64, 64], strides = [1, 1]} : vector<64x128xf32> to vector<64x64xf32>
    %max3A_1206 = arith.maximumf %slice3A_1204, %slice3A_1205 : vector<64x64xf32>
    %slice3A_1207 = vector.extract_strided_slice %max3A_1206 {offsets = [0, 0], sizes = [64, 32], strides = [1, 1]} : vector<64x64xf32> to vector<64x32xf32>
    %slice3A_1208 = vector.extract_strided_slice %max3A_1206 {offsets = [0, 32], sizes = [64, 32], strides = [1, 1]} : vector<64x64xf32> to vector<64x32xf32>
    %max3A_1209 = arith.maximumf %slice3A_1207, %slice3A_1208 : vector<64x32xf32>
    %slice3A_1210 = vector.extract_strided_slice %max3A_1195 {offsets = [0, 0], sizes = [64, 64], strides = [1, 1]} : vector<64x128xf32> to vector<64x64xf32>
    %slice3A_1211 = vector.extract_strided_slice %max3A_1195 {offsets = [0, 64], sizes = [64, 64], strides = [1, 1]} : vector<64x128xf32> to vector<64x64xf32>
    %max3A_1212 = arith.maximumf %slice3A_1210, %slice3A_1211 : vector<64x64xf32>
    %slice3A_1213 = vector.extract_strided_slice %max3A_1212 {offsets = [0, 0], sizes = [64, 32], strides = [1, 1]} : vector<64x64xf32> to vector<64x32xf32>
    %slice3A_1214 = vector.extract_strided_slice %max3A_1212 {offsets = [0, 32], sizes = [64, 32], strides = [1, 1]} : vector<64x64xf32> to vector<64x32xf32>
    %max3A_1215 = arith.maximumf %slice3A_1213, %slice3A_1214 : vector<64x32xf32>
    %slice3A_1216 = vector.extract_strided_slice %get3A_3 {offsets = [384, 0], sizes = [64, 32], strides = [1, 1]} : vector<512x32xf32> to vector<64x32xf32>
    %concatenate3A_1217 = tpu.concatenate %max3A_1203, %max3A_1209, %max3A_1215, %slice3A_1216 in 1 : vector<64x32xf32>, vector<64x32xf32>, vector<64x32xf32>, vector<64x32xf32> -> vector<64x128xf32>
    %swap3A_1218 = arith.constant 0 : index
    %swap3A_1219 = arith.constant 384 : index
    %swap3A_1220 = arith.constant 0 : index
    %swap3A_1221 = vector.load %arg13[%swap3A_1218, %swap3A_1219, %swap3A_1220] : memref<1x512x128xf32, #tpu.memory_space<vmem>>, vector<1x64x128xf32>
    %swap3A_1222 = vector.shape_cast %swap3A_1221 : vector<1x64x128xf32> to vector<64x128xf32>
    %swap3A_1223 = vector.shape_cast %concatenate3A_1217 : vector<64x128xf32> to vector<1x64x128xf32>
    tpu.vector_store %arg13[%swap3A_1218, %swap3A_1219, %swap3A_1220], %swap3A_1223 {strides = array<i32>} : memref<1x512x128xf32, #tpu.memory_space<vmem>>, vector<1x64x128xf32>,
    %slice3A_1224 = vector.extract_strided_slice %add3A_11 {offsets = [448, 0], sizes = [64, 128], strides = [1, 1]} : vector<512x128xf32> to vector<64x128xf32>
    %slice3A_1225 = vector.extract_strided_slice %add3A_21 {offsets = [448, 0], sizes = [64, 128], strides = [1, 1]} : vector<512x128xf32> to vector<64x128xf32>
    %slice3A_1226 = vector.extract_strided_slice %add3A_31 {offsets = [448, 0], sizes = [64, 128], strides = [1, 1]} : vector<512x128xf32> to vector<64x128xf32>
    %broadcast_in_dim3A_1227 = arith.constant 0xFF800000 : f32
    %broadcast_in_dim3A_1228 = vector.broadcast %broadcast_in_dim3A_1227 : f32 to vector<64x128xf32>
    %broadcast_in_dim3A_1229 = arith.constant 0xFF800000 : f32
    %broadcast_in_dim3A_1230 = vector.broadcast %broadcast_in_dim3A_1229 : f32 to vector<64x128xf32>
    %broadcast_in_dim3A_1231 = arith.constant 0xFF800000 : f32
    %broadcast_in_dim3A_1232 = vector.broadcast %broadcast_in_dim3A_1231 : f32 to vector<64x128xf32>
    %get3A_1233 = arith.constant 0 : index
    %get3A_1234 = arith.constant 0 : index
    %get3A_1235 = arith.constant 448 : index
    %get3A_1236 = arith.constant 0 : index
    %get3A_1237 = vector.load %arg3[%get3A_1233, %get3A_1234, %get3A_1235, %get3A_1236] : memref<1x4x512x128xf32, #tpu.memory_space<vmem>>, vector<1x1x64x128xf32>
    %get3A_1238 = vector.shape_cast %get3A_1237 : vector<1x1x64x128xf32> to vector<64x128xf32>
    %add3A_1239 = arith.addf %get3A_1238, %slice3A_1224 : vector<64x128xf32>
    %max3A_1240 = arith.constant 0.000000e+00 : f32
    %max3A_1241 = vector.broadcast %max3A_1240 : f32 to vector<64x128xf32>
    %max3A_1242 = arith.maximumf %add3A_1239, %max3A_1241 : vector<64x128xf32>
    %get3A_1243 = arith.constant 0 : index
    %get3A_1244 = arith.constant 0 : index
    %get3A_1245 = vector.load %arg6[%get3A_1243, %get3A_1244] : memref<128x128xf32, #tpu.memory_space<vmem>>, vector<128x128xf32>
    %dot_general3A_1246 = arith.constant dense<0.000000e+00> : vector<64x128xf32>
    %dot_general3A_1247 = tpu.matmul %max3A_1242, %get3A_1245, %dot_general3A_1246 {dimension_numbers = #tpu.dot_dimension_numbers<[1], [0], [0], [1], [0, 0, 1, 1], [], []>, transpose_lhs_hint = false} : vector<64x128xf32>, vector<128x128xf32>, vector<64x128xf32> -> vector<64x128xf32>
    %add3A_1248 = arith.addf %dot_general3A_1247, %slice3A_1225 : vector<64x128xf32>
    %max3A_1249 = arith.constant 0.000000e+00 : f32
    %max3A_1250 = vector.broadcast %max3A_1249 : f32 to vector<64x128xf32>
    %max3A_1251 = arith.maximumf %add3A_1248, %max3A_1250 : vector<64x128xf32>
    %get3A_1252 = arith.constant 0 : index
    %get3A_1253 = arith.constant 0 : index
    %get3A_1254 = vector.load %arg9[%get3A_1252, %get3A_1253] : memref<128x128xf32, #tpu.memory_space<vmem>>, vector<128x128xf32>
    %dot_general3A_1255 = arith.constant dense<0.000000e+00> : vector<64x128xf32>
    %dot_general3A_1256 = tpu.matmul %max3A_1251, %get3A_1254, %dot_general3A_1255 {dimension_numbers = #tpu.dot_dimension_numbers<[1], [0], [0], [1], [0, 0, 1, 1], [], []>, transpose_lhs_hint = false} : vector<64x128xf32>, vector<128x128xf32>, vector<64x128xf32> -> vector<64x128xf32>
    %get3A_1257 = arith.constant 0 : index
    %get3A_1258 = arith.constant 0 : index
    %get3A_1259 = vector.load %arg10[%get3A_1257, %get3A_1258] : memref<128x128xf32, #tpu.memory_space<vmem>>, vector<128x128xf32>
    %dot_general3A_1260 = arith.constant dense<0.000000e+00> : vector<64x128xf32>
    %dot_general3A_1261 = tpu.matmul %max3A_1242, %get3A_1259, %dot_general3A_1260 {dimension_numbers = #tpu.dot_dimension_numbers<[1], [0], [0], [1], [0, 0, 1, 1], [], []>, transpose_lhs_hint = false} : vector<64x128xf32>, vector<128x128xf32>, vector<64x128xf32> -> vector<64x128xf32>
    %add3A_1262 = arith.addf %dot_general3A_1256, %dot_general3A_1261 : vector<64x128xf32>
    %add3A_1263 = arith.addf %add3A_1262, %slice3A_1226 : vector<64x128xf32>
    %max3A_1264 = arith.maximumf %broadcast_in_dim3A_1228, %max3A_1242 : vector<64x128xf32>
    %max3A_1265 = arith.maximumf %broadcast_in_dim3A_1230, %max3A_1251 : vector<64x128xf32>
    %max3A_1266 = arith.maximumf %broadcast_in_dim3A_1232, %add3A_1263 : vector<64x128xf32>
    %get3A_1267 = arith.constant 0 : index
    %get3A_1268 = arith.constant 1 : index
    %get3A_1269 = arith.constant 448 : index
    %get3A_1270 = arith.constant 0 : index
    %get3A_1271 = vector.load %arg3[%get3A_1267, %get3A_1268, %get3A_1269, %get3A_1270] : memref<1x4x512x128xf32, #tpu.memory_space<vmem>>, vector<1x1x64x128xf32>
    %get3A_1272 = vector.shape_cast %get3A_1271 : vector<1x1x64x128xf32> to vector<64x128xf32>
    %add3A_1273 = arith.addf %get3A_1272, %slice3A_1224 : vector<64x128xf32>
    %max3A_1274 = arith.constant 0.000000e+00 : f32
    %max3A_1275 = vector.broadcast %max3A_1274 : f32 to vector<64x128xf32>
    %max3A_1276 = arith.maximumf %add3A_1273, %max3A_1275 : vector<64x128xf32>
    %get3A_1277 = arith.constant 0 : index
    %get3A_1278 = arith.constant 0 : index
    %get3A_1279 = vector.load %arg6[%get3A_1277, %get3A_1278] : memref<128x128xf32, #tpu.memory_space<vmem>>, vector<128x128xf32>
    %dot_general3A_1280 = arith.constant dense<0.000000e+00> : vector<64x128xf32>
    %dot_general3A_1281 = tpu.matmul %max3A_1276, %get3A_1279, %dot_general3A_1280 {dimension_numbers = #tpu.dot_dimension_numbers<[1], [0], [0], [1], [0, 0, 1, 1], [], []>, transpose_lhs_hint = false} : vector<64x128xf32>, vector<128x128xf32>, vector<64x128xf32> -> vector<64x128xf32>
    %add3A_1282 = arith.addf %dot_general3A_1281, %slice3A_1225 : vector<64x128xf32>
    %max3A_1283 = arith.constant 0.000000e+00 : f32
    %max3A_1284 = vector.broadcast %max3A_1283 : f32 to vector<64x128xf32>
    %max3A_1285 = arith.maximumf %add3A_1282, %max3A_1284 : vector<64x128xf32>
    %get3A_1286 = arith.constant 0 : index
    %get3A_1287 = arith.constant 0 : index
    %get3A_1288 = vector.load %arg9[%get3A_1286, %get3A_1287] : memref<128x128xf32, #tpu.memory_space<vmem>>, vector<128x128xf32>
    %dot_general3A_1289 = arith.constant dense<0.000000e+00> : vector<64x128xf32>
    %dot_general3A_1290 = tpu.matmul %max3A_1285, %get3A_1288, %dot_general3A_1289 {dimension_numbers = #tpu.dot_dimension_numbers<[1], [0], [0], [1], [0, 0, 1, 1], [], []>, transpose_lhs_hint = false} : vector<64x128xf32>, vector<128x128xf32>, vector<64x128xf32> -> vector<64x128xf32>
    %get3A_1291 = arith.constant 0 : index
    %get3A_1292 = arith.constant 0 : index
    %get3A_1293 = vector.load %arg10[%get3A_1291, %get3A_1292] : memref<128x128xf32, #tpu.memory_space<vmem>>, vector<128x128xf32>
    %dot_general3A_1294 = arith.constant dense<0.000000e+00> : vector<64x128xf32>
    %dot_general3A_1295 = tpu.matmul %max3A_1276, %get3A_1293, %dot_general3A_1294 {dimension_numbers = #tpu.dot_dimension_numbers<[1], [0], [0], [1], [0, 0, 1, 1], [], []>, transpose_lhs_hint = false} : vector<64x128xf32>, vector<128x128xf32>, vector<64x128xf32> -> vector<64x128xf32>
    %add3A_1296 = arith.addf %dot_general3A_1290, %dot_general3A_1295 : vector<64x128xf32>
    %add3A_1297 = arith.addf %add3A_1296, %slice3A_1226 : vector<64x128xf32>
    %max3A_1298 = arith.maximumf %max3A_1264, %max3A_1276 : vector<64x128xf32>
    %max3A_1299 = arith.maximumf %max3A_1265, %max3A_1285 : vector<64x128xf32>
    %max3A_1300 = arith.maximumf %max3A_1266, %add3A_1297 : vector<64x128xf32>
    %get3A_1301 = arith.constant 0 : index
    %get3A_1302 = arith.constant 2 : index
    %get3A_1303 = arith.constant 448 : index
    %get3A_1304 = arith.constant 0 : index
    %get3A_1305 = vector.load %arg3[%get3A_1301, %get3A_1302, %get3A_1303, %get3A_1304] : memref<1x4x512x128xf32, #tpu.memory_space<vmem>>, vector<1x1x64x128xf32>
    %get3A_1306 = vector.shape_cast %get3A_1305 : vector<1x1x64x128xf32> to vector<64x128xf32>
    %add3A_1307 = arith.addf %get3A_1306, %slice3A_1224 : vector<64x128xf32>
    %max3A_1308 = arith.constant 0.000000e+00 : f32
    %max3A_1309 = vector.broadcast %max3A_1308 : f32 to vector<64x128xf32>
    %max3A_1310 = arith.maximumf %add3A_1307, %max3A_1309 : vector<64x128xf32>
    %get3A_1311 = arith.constant 0 : index
    %get3A_1312 = arith.constant 0 : index
    %get3A_1313 = vector.load %arg6[%get3A_1311, %get3A_1312] : memref<128x128xf32, #tpu.memory_space<vmem>>, vector<128x128xf32>
    %dot_general3A_1314 = arith.constant dense<0.000000e+00> : vector<64x128xf32>
    %dot_general3A_1315 = tpu.matmul %max3A_1310, %get3A_1313, %dot_general3A_1314 {dimension_numbers = #tpu.dot_dimension_numbers<[1], [0], [0], [1], [0, 0, 1, 1], [], []>, transpose_lhs_hint = false} : vector<64x128xf32>, vector<128x128xf32>, vector<64x128xf32> -> vector<64x128xf32>
    %add3A_1316 = arith.addf %dot_general3A_1315, %slice3A_1225 : vector<64x128xf32>
    %max3A_1317 = arith.constant 0.000000e+00 : f32
    %max3A_1318 = vector.broadcast %max3A_1317 : f32 to vector<64x128xf32>
    %max3A_1319 = arith.maximumf %add3A_1316, %max3A_1318 : vector<64x128xf32>
    %get3A_1320 = arith.constant 0 : index
    %get3A_1321 = arith.constant 0 : index
    %get3A_1322 = vector.load %arg9[%get3A_1320, %get3A_1321] : memref<128x128xf32, #tpu.memory_space<vmem>>, vector<128x128xf32>
    %dot_general3A_1323 = arith.constant dense<0.000000e+00> : vector<64x128xf32>
    %dot_general3A_1324 = tpu.matmul %max3A_1319, %get3A_1322, %dot_general3A_1323 {dimension_numbers = #tpu.dot_dimension_numbers<[1], [0], [0], [1], [0, 0, 1, 1], [], []>, transpose_lhs_hint = false} : vector<64x128xf32>, vector<128x128xf32>, vector<64x128xf32> -> vector<64x128xf32>
    %get3A_1325 = arith.constant 0 : index
    %get3A_1326 = arith.constant 0 : index
    %get3A_1327 = vector.load %arg10[%get3A_1325, %get3A_1326] : memref<128x128xf32, #tpu.memory_space<vmem>>, vector<128x128xf32>
    %dot_general3A_1328 = arith.constant dense<0.000000e+00> : vector<64x128xf32>
    %dot_general3A_1329 = tpu.matmul %max3A_1310, %get3A_1327, %dot_general3A_1328 {dimension_numbers = #tpu.dot_dimension_numbers<[1], [0], [0], [1], [0, 0, 1, 1], [], []>, transpose_lhs_hint = false} : vector<64x128xf32>, vector<128x128xf32>, vector<64x128xf32> -> vector<64x128xf32>
    %add3A_1330 = arith.addf %dot_general3A_1324, %dot_general3A_1329 : vector<64x128xf32>
    %add3A_1331 = arith.addf %add3A_1330, %slice3A_1226 : vector<64x128xf32>
    %max3A_1332 = arith.maximumf %max3A_1298, %max3A_1310 : vector<64x128xf32>
    %max3A_1333 = arith.maximumf %max3A_1299, %max3A_1319 : vector<64x128xf32>
    %max3A_1334 = arith.maximumf %max3A_1300, %add3A_1331 : vector<64x128xf32>
    %get3A_1335 = arith.constant 0 : index
    %get3A_1336 = arith.constant 3 : index
    %get3A_1337 = arith.constant 448 : index
    %get3A_1338 = arith.constant 0 : index
    %get3A_1339 = vector.load %arg3[%get3A_1335, %get3A_1336, %get3A_1337, %get3A_1338] : memref<1x4x512x128xf32, #tpu.memory_space<vmem>>, vector<1x1x64x128xf32>
    %get3A_1340 = vector.shape_cast %get3A_1339 : vector<1x1x64x128xf32> to vector<64x128xf32>
    %add3A_1341 = arith.addf %get3A_1340, %slice3A_1224 : vector<64x128xf32>
    %max3A_1342 = arith.constant 0.000000e+00 : f32
    %max3A_1343 = vector.broadcast %max3A_1342 : f32 to vector<64x128xf32>
    %max3A_1344 = arith.maximumf %add3A_1341, %max3A_1343 : vector<64x128xf32>
    %get3A_1345 = arith.constant 0 : index
    %get3A_1346 = arith.constant 0 : index
    %get3A_1347 = vector.load %arg6[%get3A_1345, %get3A_1346] : memref<128x128xf32, #tpu.memory_space<vmem>>, vector<128x128xf32>
    %dot_general3A_1348 = arith.constant dense<0.000000e+00> : vector<64x128xf32>
    %dot_general3A_1349 = tpu.matmul %max3A_1344, %get3A_1347, %dot_general3A_1348 {dimension_numbers = #tpu.dot_dimension_numbers<[1], [0], [0], [1], [0, 0, 1, 1], [], []>, transpose_lhs_hint = false} : vector<64x128xf32>, vector<128x128xf32>, vector<64x128xf32> -> vector<64x128xf32>
    %add3A_1350 = arith.addf %dot_general3A_1349, %slice3A_1225 : vector<64x128xf32>
    %max3A_1351 = arith.constant 0.000000e+00 : f32
    %max3A_1352 = vector.broadcast %max3A_1351 : f32 to vector<64x128xf32>
    %max3A_1353 = arith.maximumf %add3A_1350, %max3A_1352 : vector<64x128xf32>
    %get3A_1354 = arith.constant 0 : index
    %get3A_1355 = arith.constant 0 : index
    %get3A_1356 = vector.load %arg9[%get3A_1354, %get3A_1355] : memref<128x128xf32, #tpu.memory_space<vmem>>, vector<128x128xf32>
    %dot_general3A_1357 = arith.constant dense<0.000000e+00> : vector<64x128xf32>
    %dot_general3A_1358 = tpu.matmul %max3A_1353, %get3A_1356, %dot_general3A_1357 {dimension_numbers = #tpu.dot_dimension_numbers<[1], [0], [0], [1], [0, 0, 1, 1], [], []>, transpose_lhs_hint = false} : vector<64x128xf32>, vector<128x128xf32>, vector<64x128xf32> -> vector<64x128xf32>
    %get3A_1359 = arith.constant 0 : index
    %get3A_1360 = arith.constant 0 : index
    %get3A_1361 = vector.load %arg10[%get3A_1359, %get3A_1360] : memref<128x128xf32, #tpu.memory_space<vmem>>, vector<128x128xf32>
    %dot_general3A_1362 = arith.constant dense<0.000000e+00> : vector<64x128xf32>
    %dot_general3A_1363 = tpu.matmul %max3A_1344, %get3A_1361, %dot_general3A_1362 {dimension_numbers = #tpu.dot_dimension_numbers<[1], [0], [0], [1], [0, 0, 1, 1], [], []>, transpose_lhs_hint = false} : vector<64x128xf32>, vector<128x128xf32>, vector<64x128xf32> -> vector<64x128xf32>
    %add3A_1364 = arith.addf %dot_general3A_1358, %dot_general3A_1363 : vector<64x128xf32>
    %add3A_1365 = arith.addf %add3A_1364, %slice3A_1226 : vector<64x128xf32>
    %max3A_1366 = arith.maximumf %max3A_1332, %max3A_1344 : vector<64x128xf32>
    %max3A_1367 = arith.maximumf %max3A_1333, %max3A_1353 : vector<64x128xf32>
    %max3A_1368 = arith.maximumf %max3A_1334, %add3A_1365 : vector<64x128xf32>
    %slice3A_1369 = vector.extract_strided_slice %max3A_1368 {offsets = [0, 0], sizes = [64, 64], strides = [1, 1]} : vector<64x128xf32> to vector<64x64xf32>
    %slice3A_1370 = vector.extract_strided_slice %max3A_1368 {offsets = [0, 64], sizes = [64, 64], strides = [1, 1]} : vector<64x128xf32> to vector<64x64xf32>
    %max3A_1371 = arith.maximumf %slice3A_1369, %slice3A_1370 : vector<64x64xf32>
    %slice3A_1372 = vector.extract_strided_slice %max3A_1371 {offsets = [0, 0], sizes = [64, 32], strides = [1, 1]} : vector<64x64xf32> to vector<64x32xf32>
    %slice3A_1373 = vector.extract_strided_slice %max3A_1371 {offsets = [0, 32], sizes = [64, 32], strides = [1, 1]} : vector<64x64xf32> to vector<64x32xf32>
    %max3A_1374 = arith.maximumf %slice3A_1372, %slice3A_1373 : vector<64x32xf32>
    %slice3A_1375 = vector.extract_strided_slice %max3A_1367 {offsets = [0, 0], sizes = [64, 64], strides = [1, 1]} : vector<64x128xf32> to vector<64x64xf32>
    %slice3A_1376 = vector.extract_strided_slice %max3A_1367 {offsets = [0, 64], sizes = [64, 64], strides = [1, 1]} : vector<64x128xf32> to vector<64x64xf32>
    %max3A_1377 = arith.maximumf %slice3A_1375, %slice3A_1376 : vector<64x64xf32>
    %slice3A_1378 = vector.extract_strided_slice %max3A_1377 {offsets = [0, 0], sizes = [64, 32], strides = [1, 1]} : vector<64x64xf32> to vector<64x32xf32>
    %slice3A_1379 = vector.extract_strided_slice %max3A_1377 {offsets = [0, 32], sizes = [64, 32], strides = [1, 1]} : vector<64x64xf32> to vector<64x32xf32>
    %max3A_1380 = arith.maximumf %slice3A_1378, %slice3A_1379 : vector<64x32xf32>
    %slice3A_1381 = vector.extract_strided_slice %max3A_1366 {offsets = [0, 0], sizes = [64, 64], strides = [1, 1]} : vector<64x128xf32> to vector<64x64xf32>
    %slice3A_1382 = vector.extract_strided_slice %max3A_1366 {offsets = [0, 64], sizes = [64, 64], strides = [1, 1]} : vector<64x128xf32> to vector<64x64xf32>
    %max3A_1383 = arith.maximumf %slice3A_1381, %slice3A_1382 : vector<64x64xf32>
    %slice3A_1384 = vector.extract_strided_slice %max3A_1383 {offsets = [0, 0], sizes = [64, 32], strides = [1, 1]} : vector<64x64xf32> to vector<64x32xf32>
    %slice3A_1385 = vector.extract_strided_slice %max3A_1383 {offsets = [0, 32], sizes = [64, 32], strides = [1, 1]} : vector<64x64xf32> to vector<64x32xf32>
    %max3A_1386 = arith.maximumf %slice3A_1384, %slice3A_1385 : vector<64x32xf32>
    %slice3A_1387 = vector.extract_strided_slice %get3A_3 {offsets = [448, 0], sizes = [64, 32], strides = [1, 1]} : vector<512x32xf32> to vector<64x32xf32>
    %concatenate3A_1388 = tpu.concatenate %max3A_1374, %max3A_1380, %max3A_1386, %slice3A_1387 in 1 : vector<64x32xf32>, vector<64x32xf32>, vector<64x32xf32>, vector<64x32xf32> -> vector<64x128xf32>
    %swap3A_1389 = arith.constant 0 : index
    %swap3A_1390 = arith.constant 448 : index
    %swap3A_1391 = arith.constant 0 : index
    %swap3A_1392 = vector.load %arg13[%swap3A_1389, %swap3A_1390, %swap3A_1391] : memref<1x512x128xf32, #tpu.memory_space<vmem>>, vector<1x64x128xf32>
    %swap3A_1393 = vector.shape_cast %swap3A_1392 : vector<1x64x128xf32> to vector<64x128xf32>
    %swap3A_1394 = vector.shape_cast %concatenate3A_1388 : vector<64x128xf32> to vector<1x64x128xf32>
    tpu.vector_store %arg13[%swap3A_1389, %swap3A_1390, %swap3A_1391], %swap3A_1394 {strides = array<i32>} : memref<1x512x128xf32, #tpu.memory_space<vmem>>, vector<1x64x128xf32>,
    return
  }
  func.func @transform_0(%arg0: i32, %arg1: i32) -> (i32, i32, i32) {
    %c0_i32 = arith.constant 0 : i32
    %c0_i32_0 = arith.constant 0 : i32
    return %arg0, %arg1, %c0_i32 : i32, i32, i32
  }
  func.func @transform_1(%arg0: i32, %arg1: i32) -> (i32, i32, i32, i32) {
    %c0_i32 = arith.constant 0 : i32
    %c0_i32_0 = arith.constant 0 : i32
    %c0_i32_1 = arith.constant 0 : i32
    return %arg0, %c0_i32, %arg1, %c0_i32_0 : i32, i32, i32, i32
  }
  func.func @transform_2(%arg0: i32, %arg1: i32) -> (i32, i32) {
    %c0_i32 = arith.constant 0 : i32
    %c0_i32_0 = arith.constant 0 : i32
    %c0_i32_1 = arith.constant 0 : i32
    return %c0_i32, %c0_i32_0 : i32, i32
  }
  func.func @transform_3(%arg0: i32, %arg1: i32) -> (i32, i32) {
    %c0_i32 = arith.constant 0 : i32
    %c0_i32_0 = arith.constant 0 : i32
    %c0_i32_1 = arith.constant 0 : i32
    return %c0_i32, %c0_i32_0 : i32, i32
  }
  func.func @transform_4(%arg0: i32, %arg1: i32) -> (i32, i32) {
    %c0_i32 = arith.constant 0 : i32
    %c0_i32_0 = arith.constant 0 : i32
    %c0_i32_1 = arith.constant 0 : i32
    return %c0_i32, %c0_i32_0 : i32, i32
  }
  func.func @transform_5(%arg0: i32, %arg1: i32) -> (i32, i32) {
    %c0_i32 = arith.constant 0 : i32
    %c0_i32_0 = arith.constant 0 : i32
    %c0_i32_1 = arith.constant 0 : i32
    return %c0_i32, %c0_i32_0 : i32, i32
  }
  func.func @transform_6(%arg0: i32, %arg1: i32) -> (i32, i32) {
    %c0_i32 = arith.constant 0 : i32
    %c0_i32_0 = arith.constant 0 : i32
    %c0_i32_1 = arith.constant 0 : i32
    return %c0_i32, %c0_i32_0 : i32, i32
  }
  func.func @transform_7(%arg0: i32, %arg1: i32) -> (i32, i32) {
    %c0_i32 = arith.constant 0 : i32
    %c0_i32_0 = arith.constant 0 : i32
    %c0_i32_1 = arith.constant 0 : i32
    return %c0_i32, %c0_i32_0 : i32, i32
  }
  func.func @transform_8(%arg0: i32, %arg1: i32) -> (i32, i32) {
    %c0_i32 = arith.constant 0 : i32
    %c0_i32_0 = arith.constant 0 : i32
    %c0_i32_1 = arith.constant 0 : i32
    return %c0_i32, %c0_i32_0 : i32, i32
  }
  func.func @transform_9(%arg0: i32, %arg1: i32) -> (i32, i32) {
    %c0_i32 = arith.constant 0 : i32
    %c0_i32_0 = arith.constant 0 : i32
    %c0_i32_1 = arith.constant 0 : i32
    return %c0_i32, %c0_i32_0 : i32, i32
  }
  func.func @transform_10(%arg0: i32, %arg1: i32) -> (i32, i32) {
    %c0_i32 = arith.constant 0 : i32
    %c0_i32_0 = arith.constant 0 : i32
    %c0_i32_1 = arith.constant 0 : i32
    return %c0_i32, %c0_i32_0 : i32, i32
  }
  func.func @transform_11(%arg0: i32, %arg1: i32) -> (i32, i32, i32) {
    %c0_i32 = arith.constant 0 : i32
    %c0_i32_0 = arith.constant 0 : i32
    return %arg0, %arg1, %c0_i32 : i32, i32, i32
  }
}

</mosaic_0001>

<sc_bundles>
// kernel: kernel.11.cloned.1.call-start
scs
__scs_entry_jumppad:
0x0: {  	(pc) =	sbr.rel $0x88, $3  }
0x1: {  	(tag) =	ssettag $0x0;
	lr =	simm.s32 $0x1  }
0x2: {  	[smem:$0x3F9A] =	sst lr;
	_ =	strace $0xD0000000  }
0x3: {  	_ = 	snop  }
0x4: {  	_ = 	snop  }
0x5: {  	_ = 	snop  }
0x6: {  	_ = 	snop  }
0x7: {  	_ = 	snop  }
__scs_overlays_trampoline_lowered:
0x8: {  	[smem:$0x3FA9] =	sst s0  }
0x9: {  	[smem:$0x3FAA] =	sst s1  }
0xa: {  	[smem:$0x3FAB] =	sst s2  }
0xb: {  	[smem:$0x3FAC] =	sst s3  }
0xc: {  	[smem:$0x3FAD] =	sst s4  }
0xd: {  	[smem:$0x3FAE] =	sst s5  }
0xe: {  	[smem:$0x3FAF] =	sst s6  }
0xf: {  	[smem:$0x3FB0] =	sst s7  }
0x10: {  	[smem:$0x3FB1] =	sst s8  }
0x11: {  	[smem:$0x3FB2] =	sst s9;
	s0 =	simm.s32 @!p0 $0x0  }
0x12: {  	s1 =	sld [smem:$0x3F98];
	s0 =	simm.s32 @p0 $0x1  }
0x13: {  	[smem:$0x3FB3] =	sst s0;
	s0 =	simm.s32 @!p1 $0x0  }
0x14: {  	s2 =	sld [smem:$0x3F97];
	s0 =	simm.s32 @p1 $0x1  }
0x15: {  	[smem:$0x3FB4] =	sst s0;
	s0 =	simm.s32 @!p2 $0x0  }
0x16: {  	s3 =	sld [smem:$0x3FDB];
	s0 =	simm.s32 @p2 $0x1  }
0x17: {  	s4 =	simm.s32 $0x1BF5;
	[smem:$0x3FB6] =	sst s0  }
0x18: {  	s0 =	sld [smem:$0x3F99];
	_ =	swait.ge [sflag:s4], $0x0  }
0x19: {  	s7 =	sld [smem:$0x3F9A]  }
0x1a: {  	s8 =	sadd.s32 $0xFFFFE003, lr  }
0x1b: {  	s9 =	sadd.s32 $0xFFFFFEF7, lr;
	s5 =	simm.s32 $0xFFFFFFFF;
	p2 =	slt.u32 s8, $0xFFFFF086  }
0x1c: {  	p1 =	slt.u32 s9, $0xF7A;
	s5 =	simm.s32 @!p2 $0x0  }
0x1d: {  	s5 =	simm.s32 @p1 $0x1;
	p0 =	seq.s32 s7, s2  }
0x1e: {  	s7 =	smul.u32 @!p0 $0xF7A, s2;
	p2 =	seq.s32 @!p0 s5, $0x0  }
0x1f: {  	s9 =	smul.u32 $0xF7A, s1;
	s8 =	simm.s32 @!p0 $0x1BF5;
	p2 =	por !p2, p0  }
0x20: {  	[sflag:s8] =	ssyncset.s32 @!p0 $0xFFFFF086;
	s6 =	sadd.s32 @!p0 s3, s7;
	s7 =	simm.s32 @!p0 $0x108  }
0x21: {  	s3 =	sadd.s32 s3, s9;
	s6 =	sadd.s32 @!p0 $0x88, s6;
	s7 =	simm.s32 @p2 $0x1082  }
0x22: {  	[simem:s7], [sflag:s8] =	dma.local @!p0 [hbm:s6], $0xF7A  }
0x23: {  	s9 =	sor.u32 $0xD0000000, s2;
	s6 =	simm.s32 $0x108;
	_ =	swait.ge @!p0 [sflag:s8], $0x0  }
0x24: {  	s3 =	sadd.s32 $0x88, s3;
	s6 =	simm.s32 @!p1 $0x1082;
	[sflag:s4] =	ssyncset.s32 $0xFFFFF086  }
0x25: {  	[simem:s6], [sflag:s4] =	dma.local [hbm:s3], $0xF7A  }
0x26: {  	[smem:$0x3F9A] =	sst s1;
	(tag) =	ssettag s2;
	_ =	strace s9  }
0x27: {  	s1 =	sld [smem:$0x3FAA]  }
0x28: {  	s2 =	sld [smem:$0x3FAB]  }
0x29: {  	s4 =	sld [smem:$0x3FAD]  }
0x2a: {  	p0 =	seq.s32 s5, $0x0;
	s5 =	sld [smem:$0x3FAE]  }
0x2b: {  	s6 =	sld [smem:$0x3FAF]  }
0x2c: {  	s7 =	sld [smem:$0x3FB0]  }
0x2d: {  	s3 =	simm.s32 $0x108;
	s8 =	sld [smem:$0x3FB1]  }
0x2e: {  	s3 =	simm.s32 @!p0 $0x1082;
	s9 =	sld [smem:$0x3FB2]  }
0x2f: {  	lr =	sadd.s32 s0, s3;
	s0 =	sld [smem:$0x3FA9]  }
0x30: {  	s3 =	sld [smem:$0x3FAC]  }
0x31: {  	[smem:$0x3FB5] =	sst s10  }
0x32: {  	s10 =	sld [smem:$0x3FB3];
	_ =	sdelay $0x3  }
0x33: {  	p0 =	seq.s32 s10, $0x1;
	s10 =	sld [smem:$0x3FB5];
	_ =	sdelay $0x3  }
0x34: {  	[smem:$0x3FB5] =	sst s10  }
0x35: {  	s10 =	sld [smem:$0x3FB4];
	_ =	sdelay $0x3  }
0x36: {  	p1 =	seq.s32 s10, $0x1;
	s10 =	sld [smem:$0x3FB5];
	_ =	sdelay $0x3  }
0x37: {  	[smem:$0x3FB5] =	sst s10  }
0x38: {  	s10 =	sld [smem:$0x3FB6]  }
0x39: {  	_ = 	snop;
	(pc) =	sbr.ind lr, $3  }
0x3a: {  	_ = 	snop  }
0x3b: {  	_ = 	snop  }
0x3c: {  	p2 =	seq.s32 s10, $0x1;
	s10 =	sld [smem:$0x3FB5]  }
0x3d: {  	_ =	shalt  }
0x3e: {  	_ =	shalt  }
0x3f: {  	_ =	shalt  }
0x40: {  	_ =	shalt  }
0x41: {  	_ =	shalt  }
0x42: {  	_ =	shalt  }
0x43: {  	_ =	shalt  }
0x44: {  	_ =	shalt  }
0x45: {  	_ =	shalt  }
0x46: {  	_ =	shalt  }
0x47: {  	_ =	shalt  }
0x48: {  	_ =	shalt  }
0x49: {  	_ =	shalt  }
0x4a: {  	_ =	shalt  }
0x4b: {  	_ =	shalt  }
0x4c: {  	_ =	shalt  }
0x4d: {  	_ =	shalt  }
0x4e: {  	_ =	shalt  }
0x4f: {  	_ =	shalt  }
0x50: {  	_ =	shalt  }
0x51: {  	_ =	shalt  }
0x52: {  	_ =	shalt  }
0x53: {  	_ =	shalt  }
0x54: {  	_ =	shalt  }
0x55: {  	_ =	shalt  }
0x56: {  	_ =	shalt  }
0x57: {  	_ =	shalt  }
0x58: {  	_ =	shalt  }
0x59: {  	_ =	shalt  }
0x5a: {  	_ =	shalt  }
0x5b: {  	_ =	shalt  }
0x5c: {  	_ =	shalt  }
0x5d: {  	_ =	shalt  }
0x5e: {  	_ =	shalt  }
0x5f: {  	_ =	shalt  }
0x60: {  	_ =	shalt  }
0x61: {  	_ =	shalt  }
0x62: {  	_ =	shalt  }
0x63: {  	_ =	shalt  }
0x64: {  	_ =	shalt  }
0x65: {  	_ =	shalt  }
0x66: {  	_ =	shalt  }
0x67: {  	_ =	shalt  }
0x68: {  	_ =	shalt  }
0x69: {  	_ =	shalt  }
0x6a: {  	_ =	shalt  }
0x6b: {  	_ =	shalt  }
0x6c: {  	_ =	shalt  }
0x6d: {  	_ =	shalt  }
0x6e: {  	_ =	shalt  }
0x6f: {  	_ =	shalt  }
0x70: {  	_ =	shalt  }
0x71: {  	_ =	shalt  }
0x72: {  	_ =	shalt  }
0x73: {  	_ =	shalt  }
0x74: {  	_ =	shalt  }
0x75: {  	_ =	shalt  }
0x76: {  	_ =	shalt  }
0x77: {  	_ =	shalt  }
0x78: {  	_ =	shalt  }
0x79: {  	_ =	shalt  }
0x7a: {  	_ =	shalt  }
0x7b: {  	_ =	shalt  }
0x7c: {  	_ =	shalt  }
0x7d: {  	_ =	shalt  }
0x7e: {  	_ =	shalt  }
0x7f: {  	_ =	shalt  }
0x80: {  	_ =	shalt  }
0x81: {  	_ =	shalt  }
0x82: {  	_ =	shalt  }
0x83: {  	_ =	shalt  }
0x84: {  	_ =	shalt  }
0x85: {  	_ =	shalt  }
0x86: {  	_ =	shalt  }
0x87: {  	_ =	shalt  }
.Lfunc_end0:
.L_simem_size_0:
called_computation.1_lowered:
.L_overlay_start_0:
0x88: {  	s2 =	sld [smem:$0x3FD9]  }
0x89: {  	s3 =	sld [smem:$0x3FFE];
	_ =	sdelay $0x1  }
0x8a: {  	s1 =	srdreg.scid  }
0x8b: {  	s0 =	sand.u32 $0x1, s1  }
0x8c: {  	s14 =	sshll.u32 s0, $0xA;
	s2 =	sadd.s32 s3, s2  }
0x8d: {  	s2 =	sadd.s32 s2, s14  }
0x8e: {  	[smem:$0x3FC1] =	sst s2  }
0x8f: {  	_ = 	snop  }
0x90: {  	s2 =	sld [smem:$0x3FD0];
	_ =	sdelay $0x2  }
0x91: {  	s15 =	simm.s32 $0xB;
	s4 =	simm.s32 $0x10  }
0x92: {  	[smem:s4], [sflag:s15] =	dma.local [hbm:s2], $0x1  }
0x93: {  	_ =	swait.eq [sflag:s15], $0x1  }
0x94: {  	[sflag:s15] =	ssyncset.done $0x0  }
0x95: {  	[sflag:s15] =	ssyncadd.s32 $0xFFFFFFFF  }
0x96: {  	s16 =	sld [smem:$0x10];
	(tm) =	ssettm $0x1  }
0x97: {  	s17 =	sld [smem:$0x3FFB];
	_ =	sdelay $0x3  }
0x98: {  	_ =	strace s17  }
0x99: {  	s3 =	sld [smem:$0x3FFC];
	_ =	sdelay $0x3  }
0x9a: {  	_ =	strace s3  }
0x9b: {  	s3 =	sld [smem:$0x3FFD];
	_ =	sdelay $0x3  }
0x9c: {  	_ =	strace s3  }
0x9d: {  	_ =	strace $0x8FFFFFFF  }
0x9e: {  	s18 =	sld [smem:$0x3FDB];
	_ =	sdelay $0x1  }
0x9f: {  	s19 =	simm.s32 $_scs_section_size  }
0xa0: {  	s5 =	simm.s32 $_size__tile_overlayer_lowered;
	s6 =	simm.s32 $_tile_overlayer_lowered  }
0xa1: {  	s22 =	simm.s32 $0x1BFF;
	s21 =	sshll.u32 s6, $0x1;
	s3 =	sadd.s32 s19, s18  }
0xa2: {  	s7 =	simm.s32 $0x0;
	s20 =	sshll.u32 s5, $0x1;
	s5 =	sadd.s32 s21, s3  }
0xa3: {  	[timem:s7], [sflag:s22] =	dma.local [hbm:s5], s20  }
0xa4: {  	_ =	swait.ge [sflag:s22], s20  }
0xa5: {  	s4 =	ssub.s32 $0x0, s20;
	[sflag:s22] =	ssyncset.done $0x0  }
0xa6: {  	[sflag:s22] =	ssyncadd.s32 s4;
	_ =	sdelay $0x1  }
0xa7: {  	s23 =	simm.s32 $0x1B8B  }
0xa8: {  	_ =	swait.ge [sflag:s23], $0x1  }
0xa9: {  	[sflag:s23] =	ssyncset.done $0x0  }
0xaa: {  	s25 =	simm.s32 $0x1B8E;
	s24 =	sld [smem:$0x3FFE];
	[sflag:s23] =	ssyncadd.s32 $0xFFFFFFFF  }
0xab: {  	s26 =	simm.s32 $execute0_lowered;
	[smem:$0x3FD2] =	sst s25  }
0xac: {  	s5 =	sshll.u32 s26, $0x1;
	_ =	strace $0x80000046;
	[dreg:$0x1] =	wrdreg $0xFFFFFFFF  }
0xad: {  	s28 =	simm.s32 $_size_execute0_lowered;
	s3 =	sadd.s32 s3, s5;
	[dreg:$0x0] =	wrdreg $0x0  }
0xae: {  	s5 =	sshll.u32 s28, $0x1;
	[dreg:$0x2] =	wrdreg s3  }
0xaf: {  	[dreg:$0x3] =	wrdreg s5  }
0xb0: {  	[dreg:$0x4] =	wrdreg $0xC0  }
0xb1: {  	_ =	task [dreg:s7], $0x5FFFF  }
0xb2: {  	[dreg:$0x1] =	wrdreg $0xFFFFFFFF  }
0xb3: {  	[dreg:$0x0] =	wrdreg $0x60  }
0xb4: {  	[dreg:$0x2] =	wrdreg s16  }
0xb5: {  	[dreg:$0x3] =	wrdreg s24  }
0xb6: {  	[dreg:$0x4] =	wrdreg $0xA  }
0xb7: {  	_ =	task.clear_ibuf [dreg:s7], $0x5FFFF;
	_ =	strace $0x90000046  }
0xb8: {  	s29 =	simm.s32 $0xA;
	_ =	strace $0x80000048  }
0xb9: {  	_ =	swait.ge [sflag:s29], $0x1  }
0xba: {  	[sflag:s29] =	ssyncadd.s32 $0xFFFFFFFF  }
0xbb: {  	_ =	strace $0x90000048  }
0xbc: {  	_ =	sfence  }
0xbd: {  	s30 =	sld [smem:$0x0];
	_ =	sdelay $0x2  }
0xbe: {  	s31 =	sshll.u32 s1, $0xD;
	s1 =	sshrl.u32 s1, $0x2  }
0xbf: {  	s3 =	sand.u32 $0x4000, s31;
	s1 =	sadd.s32 s1, s30  }
0xc0: {  	s0 =	sor.u32 s3, s0;
	s1 =	sshll.u32 s1, $0x11  }
0xc1: {  	s0 =	sor.u32 s1, s0  }
0xc2: {  	s0 =	sadd.s32 $0x8F2B, s0  }
0xc3: {  	[sflag:s0] =	ssyncadd.remote.s32 $0x1  }
0xc4: {  	_ =	sfence.sel $0xFFFF  }
0xc5: {  	[dreg:$0x0] =	wrdreg $0xFFFFFFFF;
	(pc) =	sbr.abs _section_cstart, $3  }
0xc6: {  	[dreg:$0x1] =	wrdreg $0xFFFFFFFF  }
0xc7: {  	_ =	task.clear_ibuf [dreg:s7], $0x2FFFF;
	_ =	strace $0x9FFFFFFF  }
0xc8: {  	(tm) =	ssettm $0x7FFFFFFF  }
0xc9: {  	_ =	shalt  }
tec
execute0_lowered:
.L_overlay_start_1:
0x0: {  	(tag) =	ssettag $0x1  }
0x1: {  	s0 =	srdreg.scid  }
0x2: {  	s1 =	stileid.u32;
	s5 =	rddreg [dreg:$0x0]  }
0x3: {  	s3 =	rddreg [dreg:$0x1];
	s2 =	simm.s32 $0x0;
	s7 =	simm.s32 $0x200  }
0x4: {  	s8 =	simm.s32 $0x280;
	s9 =	simm.s32 $0x300;
	s10 =	simm.s32 $0x380  }
0x5: {  	s11 =	simm.s32 $0x400;
	s12 =	simm.s32 $0x480;
	[smem:$0x7FF] =	sst s2  }
0x6: {  	s13 =	simm.s32 $0x500;
	_ =	strace $0x80000047;
	[dreg:$0x8] =	wrdreg s7  }
0x7: {  	s14 =	simm.s32 $0x580;
	s15 =	simm.s32 $0x600;
	[dreg:$0x9] =	wrdreg s8  }
0x8: {  	s16 =	simm.s32 $0x680;
	s17 =	simm.s32 $0x700;
	[dreg:$0xa] =	wrdreg s9  }
0x9: {  	s18 =	simm.s32 $0x780;
	s19 =	simm.s32 $0x800;
	[dreg:$0xb] =	wrdreg s10  }
0xa: {  	s20 =	simm.s32 $0x880;
	s21 =	simm.s32 $0x900;
	[dreg:$0xc] =	wrdreg s11  }
0xb: {  	s22 =	simm.s32 $0x980;
	s23 =	simm.s32 $0xA00;
	[dreg:$0xd] =	wrdreg s12  }
0xc: {  	s24 =	simm.s32 $0xA80;
	p0 =	por $0x0, $0x0;
	[dreg:$0xe] =	wrdreg s13  }
0xd: {  	s28 =	simm.s32 $0xD80;
	s29 =	simm.s32 $0xE00;
	[dreg:$0xf] =	wrdreg s14  }
0xe: {  	s30 =	simm.s32 $0xE80;
	s31 =	simm.s32 $0xF00;
	[dreg:$0x10] =	wrdreg s15  }
0xf: {  	s0 =	sand.u32 $0x1, s0;
	s1 =	sshll.u32 s1, $0x1;
	[dreg:$0x11] =	wrdreg s16  }
0x10: {  	s1 =	sor.u32 s0, s1;
	s0 =	ssub.s32 $0x2, s0;
	[dreg:$0x12] =	wrdreg s17  }
0x11: {  	s8 =	simm.s32 $0x2000;
	s9 =	simm.s32 $0x3000;
	[dreg:$0x13] =	wrdreg s18  }
0x12: {  	s10 =	simm.s32 $0x4000;
	s11 =	simm.s32 $0x5000;
	[dreg:$0x14] =	wrdreg s19  }
0x13: {  	s12 =	simm.s32 $0x6000;
	s13 =	simm.s32 $0x7000;
	[dreg:$0x15] =	wrdreg s20  }
0x14: {  	s14 =	simm.s32 $0x8000;
	s15 =	simm.s32 $0x9000;
	[dreg:$0x16] =	wrdreg s21  }
0x15: {  	s16 =	simm.s32 $0xA000;
	s17 =	simm.s32 $0xB000;
	[dreg:$0x17] =	wrdreg s22  }
0x16: {  	s18 =	simm.s32 $0xC000;
	s19 =	simm.s32 $0xD000;
	[dreg:$0x18] =	wrdreg s23  }
0x17: {  	s20 =	simm.s32 $0xE000;
	[dreg:$0x19] =	wrdreg s24;
	s21 =	simm.s32 $0xF000  }
0x18: {  	s22 =	simm.s32 $0x10000;
	s7 =	simm.s32 $0x1;
	s24 =	simm.s32 $0xF80  }
0x19: {  	s4 =	sshll.u32 s1, $0x9;
	s1 =	sshll.u32 s1, $0xE;
	s6 =	sshrl.u32 s0, $0x1  }
0x1a: {  	s4 =	sadd.s32 s4, s3;
	s1 =	sadd.s32 s1, s3;
	s3 =	simm.s32 $0x100  }
0x1b: {  	s0 =	ssub.s32 s0, s6;
	s25 =	sadd.s32 $0x82000, s4;
	[dreg:$0x6] =	wrdreg s3  }
0x1c: {  	s26 =	sadd.s32 $0x2000, s1;
	s0 =	smax.u32 s0, $0x1;
	[dreg:$0x3] =	wrdreg s25  }
0x1d: {  	s1 =	sadd.s32 $0x4000, s1;
	[dreg:$0x4] =	wrdreg s26;
	p1 =	sne.s32 s0, $0x1  }
.Ltmp0:
0x1e: {  	s4 =	simm.s32 $0x180;
	[dreg:$0x5] =	wrdreg s1;
	(pc) =	sbr.rel @!p1 .LBB2_1-.Ltmp0, $4  }
0x1f: {  	s6 =	simm.s32 $0x80;
	[dreg:$0x7] =	wrdreg s4;
	s25 =	simm.s32 $0xB00  }
0x20: {  	s3 =	simm.s32 $0x2;
	s26 =	simm.s32 $0xB80;
	[dreg:$0x1a] =	wrdreg s25  }
0x21: {  	s4 =	simm.s32 $0x1000;
	s23 =	sadd.s32 $0xFFFFFFFF, s0;
	[dreg:$0x1b] =	wrdreg s26  }
0x22: {  	s25 =	simm.s32 $0xC80;
	s26 =	simm.s32 $0xD00;
	s0 =	rddreg [dreg:$0x3]  }
0x23: {  	[tilespmem:s2], [sflag:$0x2] =	stream.linear.gather [hbm4b:s0+s2], $0x1000, $0x38;
	[tilespmem:$0x11000] =	vst v63  }
0x24: {  	_ =	swait.ge [sflag:s3], $0x1000  }
0x25: {  	[sflag:s3] =	ssyncset.done $0x0  }
0x26: {  	[sflag:s3] =	ssyncadd.s32 $0xFFFFF000  }
0x27: {  	[tilespmem:s4], [sflag:$0x1] =	stream.indirect.gather [hbm4b:s5+s6], $0x20, s2, s6, $0xb8;
	[tilespmem:$0x11000] =	vst v63  }
0x28: {  	_ = 	snop  }
0x29: {  	[tilespmem:s8], [sflag:$0x1] =	stream.indirect.gather [hbm4b:s5+s6], $0x20, s6, s6, $0xb8;
	[tilespmem:$0x11000] =	vst v63  }
0x2a: {  	s0 =	rddreg [dreg:$0x6]  }
0x2b: {  	[tilespmem:s9], [sflag:$0x1] =	stream.indirect.gather [hbm4b:s5+s6], $0x20, s0, s6, $0xb8;
	[tilespmem:$0x11000] =	vst v63  }
0x2c: {  	s1 =	rddreg [dreg:$0x7]  }
0x2d: {  	[tilespmem:s10], [sflag:$0x1] =	stream.indirect.gather [hbm4b:s5+s6], $0x20, s1, s6, $0xb8;
	[tilespmem:$0x11000] =	vst v63  }
0x2e: {  	s0 =	rddreg [dreg:$0x8]  }
0x2f: {  	[tilespmem:s11], [sflag:$0x1] =	stream.indirect.gather [hbm4b:s5+s6], $0x20, s0, s6, $0xb8;
	[tilespmem:$0x11000] =	vst v63  }
0x30: {  	s1 =	rddreg [dreg:$0x9]  }
0x31: {  	[tilespmem:s12], [sflag:$0x1] =	stream.indirect.gather [hbm4b:s5+s6], $0x20, s1, s6, $0xb8;
	[tilespmem:$0x11000] =	vst v63  }
0x32: {  	s0 =	rddreg [dreg:$0xa]  }
0x33: {  	[tilespmem:s13], [sflag:$0x1] =	stream.indirect.gather [hbm4b:s5+s6], $0x20, s0, s6, $0xb8;
	[tilespmem:$0x11000] =	vst v63  }
0x34: {  	s1 =	rddreg [dreg:$0xb]  }
0x35: {  	[tilespmem:s14], [sflag:$0x1] =	stream.indirect.gather [hbm4b:s5+s6], $0x20, s1, s6, $0xb8;
	[tilespmem:$0x11000] =	vst v63  }
0x36: {  	s0 =	rddreg [dreg:$0xc]  }
0x37: {  	[tilespmem:s15], [sflag:$0x1] =	stream.indirect.gather [hbm4b:s5+s6], $0x20, s0, s6, $0xb8;
	[tilespmem:$0x11000] =	vst v63  }
0x38: {  	s1 =	rddreg [dreg:$0xd]  }
0x39: {  	[tilespmem:s16], [sflag:$0x1] =	stream.indirect.gather [hbm4b:s5+s6], $0x20, s1, s6, $0xb8;
	[tilespmem:$0x11000] =	vst v63  }
0x3a: {  	s0 =	rddreg [dreg:$0xe]  }
0x3b: {  	[tilespmem:s17], [sflag:$0x1] =	stream.indirect.gather [hbm4b:s5+s6], $0x20, s0, s6, $0xb8;
	[tilespmem:$0x11000] =	vst v63  }
0x3c: {  	s1 =	rddreg [dreg:$0xf]  }
0x3d: {  	[tilespmem:s18], [sflag:$0x1] =	stream.indirect.gather [hbm4b:s5+s6], $0x20, s1, s6, $0xb8;
	[tilespmem:$0x11000] =	vst v63  }
0x3e: {  	s0 =	rddreg [dreg:$0x10]  }
0x3f: {  	[tilespmem:s19], [sflag:$0x1] =	stream.indirect.gather [hbm4b:s5+s6], $0x20, s0, s6, $0xb8;
	[tilespmem:$0x11000] =	vst v63  }
0x40: {  	s1 =	rddreg [dreg:$0x11]  }
0x41: {  	[tilespmem:s20], [sflag:$0x1] =	stream.indirect.gather [hbm4b:s5+s6], $0x20, s1, s6, $0xb8;
	[tilespmem:$0x11000] =	vst v63  }
0x42: {  	s0 =	rddreg [dreg:$0x12]  }
0x43: {  	[tilespmem:s21], [sflag:$0x1] =	stream.indirect.gather [hbm4b:s5+s6], $0x20, s0, s6, $0xb8;
	[tilespmem:$0x11000] =	vst v63  }
0x44: {  	s1 =	rddreg [dreg:$0x13]  }
0x45: {  	[tilespmem:s22], [sflag:$0x1] =	stream.indirect.gather [hbm4b:s5+s6], $0x20, s1, s6, $0xb8;
	[tilespmem:$0x11000] =	vst v63  }
0x46: {  	_ =	swait.ge [sflag:s7], $0x1000  }
0x47: {  	[sflag:s7] =	ssyncset.done $0x0  }
0x48: {  	[sflag:s7] =	ssyncadd.s32 $0xFFFFF000  }
0x49: {  	_ =	swait.ge [sflag:s7], $0x1000  }
0x4a: {  	[sflag:s7] =	ssyncset.done $0x0  }
0x4b: {  	[sflag:s7] =	ssyncadd.s32 $0xFFFFF000  }
0x4c: {  	_ =	swait.ge [sflag:s7], $0x1000  }
0x4d: {  	[sflag:s7] =	ssyncset.done $0x0  }
0x4e: {  	[sflag:s7] =	ssyncadd.s32 $0xFFFFF000  }
0x4f: {  	_ =	swait.ge [sflag:s7], $0x1000  }
0x50: {  	[sflag:s7] =	ssyncset.done $0x0  }
0x51: {  	[sflag:s7] =	ssyncadd.s32 $0xFFFFF000  }
0x52: {  	_ =	swait.ge [sflag:s7], $0x1000  }
0x53: {  	[sflag:s7] =	ssyncset.done $0x0  }
0x54: {  	[sflag:s7] =	ssyncadd.s32 $0xFFFFF000  }
0x55: {  	_ =	swait.ge [sflag:s7], $0x1000  }
0x56: {  	[sflag:s7] =	ssyncset.done $0x0  }
0x57: {  	[sflag:s7] =	ssyncadd.s32 $0xFFFFF000  }
0x58: {  	_ =	swait.ge [sflag:s7], $0x1000  }
0x59: {  	[sflag:s7] =	ssyncset.done $0x0  }
0x5a: {  	[sflag:s7] =	ssyncadd.s32 $0xFFFFF000  }
0x5b: {  	_ =	swait.ge [sflag:s7], $0x1000  }
0x5c: {  	[sflag:s7] =	ssyncset.done $0x0  }
0x5d: {  	[sflag:s7] =	ssyncadd.s32 $0xFFFFF000  }
0x5e: {  	_ =	swait.ge [sflag:s7], $0x1000  }
0x5f: {  	[sflag:s7] =	ssyncset.done $0x0  }
0x60: {  	[sflag:s7] =	ssyncadd.s32 $0xFFFFF000  }
0x61: {  	_ =	swait.ge [sflag:s7], $0x1000  }
0x62: {  	[sflag:s7] =	ssyncset.done $0x0  }
0x63: {  	[sflag:s7] =	ssyncadd.s32 $0xFFFFF000  }
0x64: {  	_ =	swait.ge [sflag:s7], $0x1000  }
0x65: {  	[sflag:s7] =	ssyncset.done $0x0  }
0x66: {  	[sflag:s7] =	ssyncadd.s32 $0xFFFFF000  }
0x67: {  	_ =	swait.ge [sflag:s7], $0x1000  }
0x68: {  	[sflag:s7] =	ssyncset.done $0x0  }
0x69: {  	[sflag:s7] =	ssyncadd.s32 $0xFFFFF000  }
0x6a: {  	_ =	swait.ge [sflag:s7], $0x1000  }
0x6b: {  	[sflag:s7] =	ssyncset.done $0x0  }
0x6c: {  	[sflag:s7] =	ssyncadd.s32 $0xFFFFF000  }
0x6d: {  	_ =	swait.ge [sflag:s7], $0x1000  }
0x6e: {  	[sflag:s7] =	ssyncset.done $0x0  }
0x6f: {  	[sflag:s7] =	ssyncadd.s32 $0xFFFFF000  }
0x70: {  	_ =	swait.ge [sflag:s7], $0x1000  }
0x71: {  	[sflag:s7] =	ssyncset.done $0x0  }
0x72: {  	[sflag:s7] =	ssyncadd.s32 $0xFFFFF000  }
0x73: {  	_ =	swait.ge [sflag:s7], $0x1000  }
0x74: {  	[sflag:s7] =	ssyncset.done $0x0  }
0x75: {  	s1 =	rddreg [dreg:$0x4];
	[sflag:s7] =	ssyncadd.s32 $0xFFFFF000  }
0x76: {  	[hbm4b:s1+s2] =	stream.linear.scatter [tilespmem:s4], [sflag:$0x2], $0x10000, $0x38;
	[tilespmem:$0x11000] =	vst v63  }
0x77: {  	_ =	swait.ge [sflag:s3], $0x10000  }
0x78: {  	[sflag:s3] =	ssyncset.done $0x0  }
0x79: {  	s0 =	rddreg [dreg:$0x14];
	[sflag:s3] =	ssyncadd.s32 $0xFFFF0000  }
0x7a: {  	[tilespmem:s4], [sflag:$0x1] =	stream.indirect.gather [hbm4b:s5+s6], $0x20, s0, s6, $0xb8;
	[tilespmem:$0x11000] =	vst v63  }
0x7b: {  	s1 =	rddreg [dreg:$0x15]  }
0x7c: {  	[tilespmem:s8], [sflag:$0x1] =	stream.indirect.gather [hbm4b:s5+s6], $0x20, s1, s6, $0xb8;
	[tilespmem:$0x11000] =	vst v63  }
0x7d: {  	s0 =	rddreg [dreg:$0x16]  }
0x7e: {  	[tilespmem:s9], [sflag:$0x1] =	stream.indirect.gather [hbm4b:s5+s6], $0x20, s0, s6, $0xb8;
	[tilespmem:$0x11000] =	vst v63  }
0x7f: {  	s1 =	rddreg [dreg:$0x17]  }
0x80: {  	[tilespmem:s10], [sflag:$0x1] =	stream.indirect.gather [hbm4b:s5+s6], $0x20, s1, s6, $0xb8;
	[tilespmem:$0x11000] =	vst v63  }
0x81: {  	s0 =	rddreg [dreg:$0x18]  }
0x82: {  	[tilespmem:s11], [sflag:$0x1] =	stream.indirect.gather [hbm4b:s5+s6], $0x20, s0, s6, $0xb8;
	[tilespmem:$0x11000] =	vst v63  }
0x83: {  	s1 =	rddreg [dreg:$0x19]  }
0x84: {  	[tilespmem:s12], [sflag:$0x1] =	stream.indirect.gather [hbm4b:s5+s6], $0x20, s1, s6, $0xb8;
	[tilespmem:$0x11000] =	vst v63  }
0x85: {  	s0 =	rddreg [dreg:$0x1a]  }
0x86: {  	[tilespmem:s13], [sflag:$0x1] =	stream.indirect.gather [hbm4b:s5+s6], $0x20, s0, s6, $0xb8;
	[tilespmem:$0x11000] =	vst v63  }
0x87: {  	s1 =	rddreg [dreg:$0x1b]  }
0x88: {  	[tilespmem:s14], [sflag:$0x1] =	stream.indirect.gather [hbm4b:s5+s6], $0x20, s1, s6, $0xb8;
	[tilespmem:$0x11000] =	vst v63  }
0x89: {  	s1 =	simm.s32 $0xC00  }
0x8a: {  	[tilespmem:s15], [sflag:$0x1] =	stream.indirect.gather [hbm4b:s5+s6], $0x20, s1, s6, $0xb8;
	[tilespmem:$0x11000] =	vst v63  }
0x8b: {  	_ = 	snop  }
0x8c: {  	[tilespmem:s16], [sflag:$0x1] =	stream.indirect.gather [hbm4b:s5+s6], $0x20, s25, s6, $0xb8;
	[tilespmem:$0x11000] =	vst v63  }
0x8d: {  	_ = 	snop  }
0x8e: {  	[tilespmem:s17], [sflag:$0x1] =	stream.indirect.gather [hbm4b:s5+s6], $0x20, s26, s6, $0xb8;
	[tilespmem:$0x11000] =	vst v63  }
0x8f: {  	_ = 	snop  }
0x90: {  	[tilespmem:s18], [sflag:$0x1] =	stream.indirect.gather [hbm4b:s5+s6], $0x20, s28, s6, $0xb8;
	[tilespmem:$0x11000] =	vst v63  }
0x91: {  	_ = 	snop  }
0x92: {  	[tilespmem:s19], [sflag:$0x1] =	stream.indirect.gather [hbm4b:s5+s6], $0x20, s29, s6, $0xb8;
	[tilespmem:$0x11000] =	vst v63  }
0x93: {  	_ = 	snop  }
0x94: {  	[tilespmem:s20], [sflag:$0x1] =	stream.indirect.gather [hbm4b:s5+s6], $0x20, s30, s6, $0xb8;
	[tilespmem:$0x11000] =	vst v63  }
0x95: {  	_ = 	snop  }
0x96: {  	[tilespmem:s21], [sflag:$0x1] =	stream.indirect.gather [hbm4b:s5+s6], $0x20, s31, s6, $0xb8;
	[tilespmem:$0x11000] =	vst v63  }
0x97: {  	_ = 	snop  }
0x98: {  	[tilespmem:s22], [sflag:$0x1] =	stream.indirect.gather [hbm4b:s5+s6], $0x20, s24, s6, $0xb8;
	[tilespmem:$0x11000] =	vst v63  }
0x99: {  	_ =	swait.ge [sflag:s7], $0x1000  }
0x9a: {  	[sflag:s7] =	ssyncset.done $0x0  }
0x9b: {  	[sflag:s7] =	ssyncadd.s32 $0xFFFFF000  }
0x9c: {  	_ =	swait.ge [sflag:s7], $0x1000  }
0x9d: {  	[sflag:s7] =	ssyncset.done $0x0  }
0x9e: {  	[sflag:s7] =	ssyncadd.s32 $0xFFFFF000  }
0x9f: {  	_ =	swait.ge [sflag:s7], $0x1000  }
0xa0: {  	[sflag:s7] =	ssyncset.done $0x0  }
0xa1: {  	[sflag:s7] =	ssyncadd.s32 $0xFFFFF000  }
0xa2: {  	_ =	swait.ge [sflag:s7], $0x1000  }
0xa3: {  	[sflag:s7] =	ssyncset.done $0x0  }
0xa4: {  	[sflag:s7] =	ssyncadd.s32 $0xFFFFF000  }
0xa5: {  	_ =	swait.ge [sflag:s7], $0x1000  }
0xa6: {  	[sflag:s7] =	ssyncset.done $0x0  }
0xa7: {  	[sflag:s7] =	ssyncadd.s32 $0xFFFFF000  }
0xa8: {  	_ =	swait.ge [sflag:s7], $0x1000  }
0xa9: {  	[sflag:s7] =	ssyncset.done $0x0  }
0xaa: {  	[sflag:s7] =	ssyncadd.s32 $0xFFFFF000  }
0xab: {  	_ =	swait.ge [sflag:s7], $0x1000  }
0xac: {  	[sflag:s7] =	ssyncset.done $0x0  }
0xad: {  	[sflag:s7] =	ssyncadd.s32 $0xFFFFF000  }
0xae: {  	_ =	swait.ge [sflag:s7], $0x1000  }
0xaf: {  	[sflag:s7] =	ssyncset.done $0x0  }
0xb0: {  	[sflag:s7] =	ssyncadd.s32 $0xFFFFF000  }
0xb1: {  	_ =	swait.ge [sflag:s7], $0x1000  }
0xb2: {  	[sflag:s7] =	ssyncset.done $0x0  }
0xb3: {  	[sflag:s7] =	ssyncadd.s32 $0xFFFFF000  }
0xb4: {  	_ =	swait.ge [sflag:s7], $0x1000  }
0xb5: {  	[sflag:s7] =	ssyncset.done $0x0  }
0xb6: {  	[sflag:s7] =	ssyncadd.s32 $0xFFFFF000  }
0xb7: {  	_ =	swait.ge [sflag:s7], $0x1000  }
0xb8: {  	[sflag:s7] =	ssyncset.done $0x0  }
0xb9: {  	[sflag:s7] =	ssyncadd.s32 $0xFFFFF000  }
0xba: {  	_ =	swait.ge [sflag:s7], $0x1000  }
0xbb: {  	[sflag:s7] =	ssyncset.done $0x0  }
0xbc: {  	[sflag:s7] =	ssyncadd.s32 $0xFFFFF000  }
0xbd: {  	_ =	swait.ge [sflag:s7], $0x1000  }
0xbe: {  	[sflag:s7] =	ssyncset.done $0x0  }
0xbf: {  	[sflag:s7] =	ssyncadd.s32 $0xFFFFF000  }
0xc0: {  	_ =	swait.ge [sflag:s7], $0x1000  }
0xc1: {  	[sflag:s7] =	ssyncset.done $0x0  }
0xc2: {  	[sflag:s7] =	ssyncadd.s32 $0xFFFFF000  }
0xc3: {  	_ =	swait.ge [sflag:s7], $0x1000  }
0xc4: {  	[sflag:s7] =	ssyncset.done $0x0  }
0xc5: {  	[sflag:s7] =	ssyncadd.s32 $0xFFFFF000  }
0xc6: {  	p1 =	sne.s32 s23, $0x1;
	_ =	swait.ge [sflag:s7], $0x1000  }
.Ltmp1:
0xc7: {  	[sflag:s7] =	ssyncset.done $0x0;
	(pc) =	sbr.rel @!p1 .LBB2_3-.Ltmp1, $4  }
0xc8: {  	s1 =	rddreg [dreg:$0x5];
	[sflag:s7] =	ssyncadd.s32 $0xFFFFF000  }
0xc9: {  	[hbm4b:s1+s2] =	stream.linear.scatter [tilespmem:s4], [sflag:$0x2], $0x10000, $0x38;
	[tilespmem:$0x11000] =	vst v63  }
0xca: {  	p0 =	por $0x1, $0x1;
	_ =	swait.ge [sflag:s3], $0x10000  }
0xcb: {  	s1 =	sadd.s32 $0xFFFFFFFF, s23;
	s0 =	rddreg [dreg:$0x3];
	[sflag:s3] =	ssyncset.done $0x0  }
.LBB2_4:
0xcc: {  	[sflag:s3] =	ssyncadd.s32 $0xFFFF0000  }
0xcd: {  	[tilespmem:s2], [sflag:$0x2] =	stream.linear.gather [hbm4b:s0+s2], $0x1000, $0x38;
	[tilespmem:$0x11000] =	vst v63  }
0xce: {  	_ =	swait.ge [sflag:s3], $0x1000  }
0xcf: {  	[sflag:s3] =	ssyncset.done $0x0  }
0xd0: {  	[sflag:s3] =	ssyncadd.s32 $0xFFFFF000  }
0xd1: {  	[tilespmem:s4], [sflag:$0x1] =	stream.indirect.gather [hbm4b:s5+s6], $0x20, s2, s6, $0xb8;
	[tilespmem:$0x11000] =	vst v63  }
0xd2: {  	_ = 	snop  }
0xd3: {  	[tilespmem:s8], [sflag:$0x1] =	stream.indirect.gather [hbm4b:s5+s6], $0x20, s6, s6, $0xb8;
	[tilespmem:$0x11000] =	vst v63  }
0xd4: {  	s0 =	rddreg [dreg:$0x6]  }
0xd5: {  	[tilespmem:s9], [sflag:$0x1] =	stream.indirect.gather [hbm4b:s5+s6], $0x20, s0, s6, $0xb8;
	[tilespmem:$0x11000] =	vst v63  }
0xd6: {  	s23 =	rddreg [dreg:$0x7]  }
0xd7: {  	[tilespmem:s10], [sflag:$0x1] =	stream.indirect.gather [hbm4b:s5+s6], $0x20, s23, s6, $0xb8;
	[tilespmem:$0x11000] =	vst v63  }
0xd8: {  	s0 =	rddreg [dreg:$0x8]  }
0xd9: {  	[tilespmem:s11], [sflag:$0x1] =	stream.indirect.gather [hbm4b:s5+s6], $0x20, s0, s6, $0xb8;
	[tilespmem:$0x11000] =	vst v63  }
0xda: {  	s23 =	rddreg [dreg:$0x9]  }
0xdb: {  	[tilespmem:s12], [sflag:$0x1] =	stream.indirect.gather [hbm4b:s5+s6], $0x20, s23, s6, $0xb8;
	[tilespmem:$0x11000] =	vst v63  }
0xdc: {  	s0 =	rddreg [dreg:$0xa]  }
0xdd: {  	[tilespmem:s13], [sflag:$0x1] =	stream.indirect.gather [hbm4b:s5+s6], $0x20, s0, s6, $0xb8;
	[tilespmem:$0x11000] =	vst v63  }
0xde: {  	s23 =	rddreg [dreg:$0xb]  }
0xdf: {  	[tilespmem:s14], [sflag:$0x1] =	stream.indirect.gather [hbm4b:s5+s6], $0x20, s23, s6, $0xb8;
	[tilespmem:$0x11000] =	vst v63  }
0xe0: {  	s0 =	rddreg [dreg:$0xc]  }
0xe1: {  	[tilespmem:s15], [sflag:$0x1] =	stream.indirect.gather [hbm4b:s5+s6], $0x20, s0, s6, $0xb8;
	[tilespmem:$0x11000] =	vst v63  }
0xe2: {  	s23 =	rddreg [dreg:$0xd]  }
0xe3: {  	[tilespmem:s16], [sflag:$0x1] =	stream.indirect.gather [hbm4b:s5+s6], $0x20, s23, s6, $0xb8;
	[tilespmem:$0x11000] =	vst v63  }
0xe4: {  	s0 =	rddreg [dreg:$0xe]  }
0xe5: {  	[tilespmem:s17], [sflag:$0x1] =	stream.indirect.gather [hbm4b:s5+s6], $0x20, s0, s6, $0xb8;
	[tilespmem:$0x11000] =	vst v63  }
0xe6: {  	s23 =	rddreg [dreg:$0xf]  }
0xe7: {  	[tilespmem:s18], [sflag:$0x1] =	stream.indirect.gather [hbm4b:s5+s6], $0x20, s23, s6, $0xb8;
	[tilespmem:$0x11000] =	vst v63  }
0xe8: {  	s0 =	rddreg [dreg:$0x10]  }
0xe9: {  	[tilespmem:s19], [sflag:$0x1] =	stream.indirect.gather [hbm4b:s5+s6], $0x20, s0, s6, $0xb8;
	[tilespmem:$0x11000] =	vst v63  }
0xea: {  	s23 =	rddreg [dreg:$0x11]  }
0xeb: {  	[tilespmem:s20], [sflag:$0x1] =	stream.indirect.gather [hbm4b:s5+s6], $0x20, s23, s6, $0xb8;
	[tilespmem:$0x11000] =	vst v63  }
0xec: {  	s0 =	rddreg [dreg:$0x12]  }
0xed: {  	[tilespmem:s21], [sflag:$0x1] =	stream.indirect.gather [hbm4b:s5+s6], $0x20, s0, s6, $0xb8;
	[tilespmem:$0x11000] =	vst v63  }
0xee: {  	s23 =	rddreg [dreg:$0x13]  }
0xef: {  	[tilespmem:s22], [sflag:$0x1] =	stream.indirect.gather [hbm4b:s5+s6], $0x20, s23, s6, $0xb8;
	[tilespmem:$0x11000] =	vst v63  }
0xf0: {  	_ =	swait.ge [sflag:s7], $0x1000  }
0xf1: {  	[sflag:s7] =	ssyncset.done $0x0  }
0xf2: {  	[sflag:s7] =	ssyncadd.s32 $0xFFFFF000  }
0xf3: {  	_ =	swait.ge [sflag:s7], $0x1000  }
0xf4: {  	[sflag:s7] =	ssyncset.done $0x0  }
0xf5: {  	[sflag:s7] =	ssyncadd.s32 $0xFFFFF000  }
0xf6: {  	_ =	swait.ge [sflag:s7], $0x1000  }
0xf7: {  	[sflag:s7] =	ssyncset.done $0x0  }
0xf8: {  	[sflag:s7] =	ssyncadd.s32 $0xFFFFF000  }
0xf9: {  	_ =	swait.ge [sflag:s7], $0x1000  }
0xfa: {  	[sflag:s7] =	ssyncset.done $0x0  }
0xfb: {  	[sflag:s7] =	ssyncadd.s32 $0xFFFFF000  }
0xfc: {  	_ =	swait.ge [sflag:s7], $0x1000  }
0xfd: {  	[sflag:s7] =	ssyncset.done $0x0  }
0xfe: {  	[sflag:s7] =	ssyncadd.s32 $0xFFFFF000  }
0xff: {  	_ =	swait.ge [sflag:s7], $0x1000  }
0x100: {  	[sflag:s7] =	ssyncset.done $0x0  }
0x101: {  	[sflag:s7] =	ssyncadd.s32 $0xFFFFF000  }
0x102: {  	_ =	swait.ge [sflag:s7], $0x1000  }
0x103: {  	[sflag:s7] =	ssyncset.done $0x0  }
0x104: {  	[sflag:s7] =	ssyncadd.s32 $0xFFFFF000  }
0x105: {  	_ =	swait.ge [sflag:s7], $0x1000  }
0x106: {  	[sflag:s7] =	ssyncset.done $0x0  }
0x107: {  	[sflag:s7] =	ssyncadd.s32 $0xFFFFF000  }
0x108: {  	_ =	swait.ge [sflag:s7], $0x1000  }
0x109: {  	[sflag:s7] =	ssyncset.done $0x0  }
0x10a: {  	[sflag:s7] =	ssyncadd.s32 $0xFFFFF000  }
0x10b: {  	_ =	swait.ge [sflag:s7], $0x1000  }
0x10c: {  	[sflag:s7] =	ssyncset.done $0x0  }
0x10d: {  	[sflag:s7] =	ssyncadd.s32 $0xFFFFF000  }
0x10e: {  	_ =	swait.ge [sflag:s7], $0x1000  }
0x10f: {  	[sflag:s7] =	ssyncset.done $0x0  }
0x110: {  	[sflag:s7] =	ssyncadd.s32 $0xFFFFF000  }
0x111: {  	_ =	swait.ge [sflag:s7], $0x1000  }
0x112: {  	[sflag:s7] =	ssyncset.done $0x0  }
0x113: {  	[sflag:s7] =	ssyncadd.s32 $0xFFFFF000  }
0x114: {  	_ =	swait.ge [sflag:s7], $0x1000  }
0x115: {  	[sflag:s7] =	ssyncset.done $0x0  }
0x116: {  	[sflag:s7] =	ssyncadd.s32 $0xFFFFF000  }
0x117: {  	_ =	swait.ge [sflag:s7], $0x1000  }
0x118: {  	[sflag:s7] =	ssyncset.done $0x0  }
0x119: {  	[sflag:s7] =	ssyncadd.s32 $0xFFFFF000  }
0x11a: {  	_ =	swait.ge [sflag:s7], $0x1000  }
0x11b: {  	[sflag:s7] =	ssyncset.done $0x0  }
0x11c: {  	[sflag:s7] =	ssyncadd.s32 $0xFFFFF000  }
0x11d: {  	_ =	swait.ge [sflag:s7], $0x1000  }
0x11e: {  	[sflag:s7] =	ssyncset.done $0x0  }
0x11f: {  	s23 =	rddreg [dreg:$0x4];
	[sflag:s7] =	ssyncadd.s32 $0xFFFFF000  }
0x120: {  	[hbm4b:s23+s2] =	stream.linear.scatter [tilespmem:s4], [sflag:$0x2], $0x10000, $0x38;
	[tilespmem:$0x11000] =	vst v63  }
0x121: {  	_ =	swait.ge [sflag:s3], $0x10000  }
0x122: {  	[sflag:s3] =	ssyncset.done $0x0  }
0x123: {  	s0 =	rddreg [dreg:$0x14];
	[sflag:s3] =	ssyncadd.s32 $0xFFFF0000  }
0x124: {  	[tilespmem:s4], [sflag:$0x1] =	stream.indirect.gather [hbm4b:s5+s6], $0x20, s0, s6, $0xb8;
	[tilespmem:$0x11000] =	vst v63  }
0x125: {  	s23 =	rddreg [dreg:$0x15]  }
0x126: {  	[tilespmem:s8], [sflag:$0x1] =	stream.indirect.gather [hbm4b:s5+s6], $0x20, s23, s6, $0xb8;
	[tilespmem:$0x11000] =	vst v63  }
0x127: {  	s0 =	rddreg [dreg:$0x16]  }
0x128: {  	[tilespmem:s9], [sflag:$0x1] =	stream.indirect.gather [hbm4b:s5+s6], $0x20, s0, s6, $0xb8;
	[tilespmem:$0x11000] =	vst v63  }
0x129: {  	s23 =	rddreg [dreg:$0x17]  }
0x12a: {  	[tilespmem:s10], [sflag:$0x1] =	stream.indirect.gather [hbm4b:s5+s6], $0x20, s23, s6, $0xb8;
	[tilespmem:$0x11000] =	vst v63  }
0x12b: {  	s0 =	rddreg [dreg:$0x18]  }
0x12c: {  	[tilespmem:s11], [sflag:$0x1] =	stream.indirect.gather [hbm4b:s5+s6], $0x20, s0, s6, $0xb8;
	[tilespmem:$0x11000] =	vst v63  }
0x12d: {  	s23 =	rddreg [dreg:$0x19]  }
0x12e: {  	[tilespmem:s12], [sflag:$0x1] =	stream.indirect.gather [hbm4b:s5+s6], $0x20, s23, s6, $0xb8;
	[tilespmem:$0x11000] =	vst v63  }
0x12f: {  	s0 =	rddreg [dreg:$0x1a]  }
0x130: {  	[tilespmem:s13], [sflag:$0x1] =	stream.indirect.gather [hbm4b:s5+s6], $0x20, s0, s6, $0xb8;
	[tilespmem:$0x11000] =	vst v63  }
0x131: {  	s23 =	rddreg [dreg:$0x1b]  }
0x132: {  	[tilespmem:s14], [sflag:$0x1] =	stream.indirect.gather [hbm4b:s5+s6], $0x20, s23, s6, $0xb8;
	[tilespmem:$0x11000] =	vst v63  }
0x133: {  	s23 =	simm.s32 $0xC00  }
0x134: {  	[tilespmem:s15], [sflag:$0x1] =	stream.indirect.gather [hbm4b:s5+s6], $0x20, s23, s6, $0xb8;
	[tilespmem:$0x11000] =	vst v63  }
0x135: {  	_ = 	snop  }
0x136: {  	[tilespmem:s16], [sflag:$0x1] =	stream.indirect.gather [hbm4b:s5+s6], $0x20, s25, s6, $0xb8;
	[tilespmem:$0x11000] =	vst v63  }
0x137: {  	_ = 	snop  }
0x138: {  	[tilespmem:s17], [sflag:$0x1] =	stream.indirect.gather [hbm4b:s5+s6], $0x20, s26, s6, $0xb8;
	[tilespmem:$0x11000] =	vst v63  }
0x139: {  	_ = 	snop  }
0x13a: {  	[tilespmem:s18], [sflag:$0x1] =	stream.indirect.gather [hbm4b:s5+s6], $0x20, s28, s6, $0xb8;
	[tilespmem:$0x11000] =	vst v63  }
0x13b: {  	_ = 	snop  }
0x13c: {  	[tilespmem:s19], [sflag:$0x1] =	stream.indirect.gather [hbm4b:s5+s6], $0x20, s29, s6, $0xb8;
	[tilespmem:$0x11000] =	vst v63  }
0x13d: {  	_ = 	snop  }
0x13e: {  	[tilespmem:s20], [sflag:$0x1] =	stream.indirect.gather [hbm4b:s5+s6], $0x20, s30, s6, $0xb8;
	[tilespmem:$0x11000] =	vst v63  }
0x13f: {  	_ = 	snop  }
0x140: {  	[tilespmem:s21], [sflag:$0x1] =	stream.indirect.gather [hbm4b:s5+s6], $0x20, s31, s6, $0xb8;
	[tilespmem:$0x11000] =	vst v63  }
0x141: {  	_ = 	snop  }
0x142: {  	[tilespmem:s22], [sflag:$0x1] =	stream.indirect.gather [hbm4b:s5+s6], $0x20, s24, s6, $0xb8;
	[tilespmem:$0x11000] =	vst v63  }
0x143: {  	_ =	swait.ge [sflag:s7], $0x1000  }
0x144: {  	[sflag:s7] =	ssyncset.done $0x0  }
0x145: {  	[sflag:s7] =	ssyncadd.s32 $0xFFFFF000  }
0x146: {  	_ =	swait.ge [sflag:s7], $0x1000  }
0x147: {  	[sflag:s7] =	ssyncset.done $0x0  }
0x148: {  	[sflag:s7] =	ssyncadd.s32 $0xFFFFF000  }
0x149: {  	_ =	swait.ge [sflag:s7], $0x1000  }
0x14a: {  	[sflag:s7] =	ssyncset.done $0x0  }
0x14b: {  	[sflag:s7] =	ssyncadd.s32 $0xFFFFF000  }
0x14c: {  	_ =	swait.ge [sflag:s7], $0x1000  }
0x14d: {  	[sflag:s7] =	ssyncset.done $0x0  }
0x14e: {  	[sflag:s7] =	ssyncadd.s32 $0xFFFFF000  }
0x14f: {  	_ =	swait.ge [sflag:s7], $0x1000  }
0x150: {  	[sflag:s7] =	ssyncset.done $0x0  }
0x151: {  	[sflag:s7] =	ssyncadd.s32 $0xFFFFF000  }
0x152: {  	_ =	swait.ge [sflag:s7], $0x1000  }
0x153: {  	[sflag:s7] =	ssyncset.done $0x0  }
0x154: {  	[sflag:s7] =	ssyncadd.s32 $0xFFFFF000  }
0x155: {  	_ =	swait.ge [sflag:s7], $0x1000  }
0x156: {  	[sflag:s7] =	ssyncset.done $0x0  }
0x157: {  	[sflag:s7] =	ssyncadd.s32 $0xFFFFF000  }
0x158: {  	_ =	swait.ge [sflag:s7], $0x1000  }
0x159: {  	[sflag:s7] =	ssyncset.done $0x0  }
0x15a: {  	[sflag:s7] =	ssyncadd.s32 $0xFFFFF000  }
0x15b: {  	_ =	swait.ge [sflag:s7], $0x1000  }
0x15c: {  	[sflag:s7] =	ssyncset.done $0x0  }
0x15d: {  	[sflag:s7] =	ssyncadd.s32 $0xFFFFF000  }
0x15e: {  	_ =	swait.ge [sflag:s7], $0x1000  }
0x15f: {  	[sflag:s7] =	ssyncset.done $0x0  }
0x160: {  	[sflag:s7] =	ssyncadd.s32 $0xFFFFF000  }
0x161: {  	_ =	swait.ge [sflag:s7], $0x1000  }
0x162: {  	[sflag:s7] =	ssyncset.done $0x0  }
0x163: {  	[sflag:s7] =	ssyncadd.s32 $0xFFFFF000  }
0x164: {  	_ =	swait.ge [sflag:s7], $0x1000  }
0x165: {  	[sflag:s7] =	ssyncset.done $0x0  }
0x166: {  	[sflag:s7] =	ssyncadd.s32 $0xFFFFF000  }
0x167: {  	_ =	swait.ge [sflag:s7], $0x1000  }
0x168: {  	[sflag:s7] =	ssyncset.done $0x0  }
0x169: {  	[sflag:s7] =	ssyncadd.s32 $0xFFFFF000  }
0x16a: {  	_ =	swait.ge [sflag:s7], $0x1000  }
0x16b: {  	[sflag:s7] =	ssyncset.done $0x0  }
0x16c: {  	[sflag:s7] =	ssyncadd.s32 $0xFFFFF000  }
0x16d: {  	_ =	swait.ge [sflag:s7], $0x1000  }
0x16e: {  	[sflag:s7] =	ssyncset.done $0x0  }
0x16f: {  	[sflag:s7] =	ssyncadd.s32 $0xFFFFF000  }
0x170: {  	p1 =	sne.s32 s1, $0x1;
	_ =	swait.ge [sflag:s7], $0x1000  }
.Ltmp2:
0x171: {  	[sflag:s7] =	ssyncset.done $0x0;
	(pc) =	sbr.rel @p1 .LBB2_4-.Ltmp2, $4  }
0x172: {  	s23 =	rddreg [dreg:$0x5];
	[sflag:s7] =	ssyncadd.s32 $0xFFFFF000  }
0x173: {  	[hbm4b:s23+s2] =	stream.linear.scatter [tilespmem:s4], [sflag:$0x2], $0x10000, $0x38;
	[tilespmem:$0x11000] =	vst v63  }
0x174: {  	_ =	swait.ge [sflag:s3], $0x10000  }
0x175: {  	s1 =	sadd.s32 $0xFFFFFFFF, s1;
	s0 =	rddreg [dreg:$0x3];
	[sflag:s3] =	ssyncset.done $0x0  }
0x176: {  	s23 =	simm.s32 $0xF80;
	s31 =	simm.s32 $0xF00  }
0x177: {  	s30 =	simm.s32 $0xE80;
	s29 =	simm.s32 $0xE00;
	s28 =	simm.s32 $0xD80  }
0x178: {  	s26 =	simm.s32 $0xD00;
	s25 =	simm.s32 $0xC80;
	s24 =	simm.s32 $0xC00  }
.LBB2_6:
0x179: {  	[sflag:s3] =	ssyncadd.s32 @p0 $0xFFFF0000  }
0x17a: {  	[tilespmem:s2], [sflag:$0x2] =	stream.linear.gather [hbm4b:s0+s2], $0x1000, $0x38;
	[tilespmem:$0x11000] =	vst v63  }
0x17b: {  	_ =	swait.ge [sflag:s3], $0x1000  }
0x17c: {  	[sflag:s3] =	ssyncset.done $0x0  }
0x17d: {  	[sflag:s3] =	ssyncadd.s32 $0xFFFFF000  }
0x17e: {  	[tilespmem:s4], [sflag:$0x1] =	stream.indirect.gather [hbm4b:s5+s6], $0x20, s2, s6, $0xb8;
	[tilespmem:$0x11000] =	vst v63  }
0x17f: {  	_ = 	snop  }
0x180: {  	[tilespmem:s8], [sflag:$0x1] =	stream.indirect.gather [hbm4b:s5+s6], $0x20, s6, s6, $0xb8;
	[tilespmem:$0x11000] =	vst v63  }
0x181: {  	s0 =	rddreg [dreg:$0x6]  }
0x182: {  	[tilespmem:s9], [sflag:$0x1] =	stream.indirect.gather [hbm4b:s5+s6], $0x20, s0, s6, $0xb8;
	[tilespmem:$0x11000] =	vst v63  }
0x183: {  	s1 =	rddreg [dreg:$0x7]  }
0x184: {  	[tilespmem:s10], [sflag:$0x1] =	stream.indirect.gather [hbm4b:s5+s6], $0x20, s1, s6, $0xb8;
	[tilespmem:$0x11000] =	vst v63  }
0x185: {  	s0 =	rddreg [dreg:$0x8]  }
0x186: {  	[tilespmem:s11], [sflag:$0x1] =	stream.indirect.gather [hbm4b:s5+s6], $0x20, s0, s6, $0xb8;
	[tilespmem:$0x11000] =	vst v63  }
0x187: {  	s1 =	rddreg [dreg:$0x9]  }
0x188: {  	[tilespmem:s12], [sflag:$0x1] =	stream.indirect.gather [hbm4b:s5+s6], $0x20, s1, s6, $0xb8;
	[tilespmem:$0x11000] =	vst v63  }
0x189: {  	s0 =	rddreg [dreg:$0xa]  }
0x18a: {  	[tilespmem:s13], [sflag:$0x1] =	stream.indirect.gather [hbm4b:s5+s6], $0x20, s0, s6, $0xb8;
	[tilespmem:$0x11000] =	vst v63  }
0x18b: {  	s1 =	rddreg [dreg:$0xb]  }
0x18c: {  	[tilespmem:s14], [sflag:$0x1] =	stream.indirect.gather [hbm4b:s5+s6], $0x20, s1, s6, $0xb8;
	[tilespmem:$0x11000] =	vst v63  }
0x18d: {  	s0 =	rddreg [dreg:$0xc]  }
0x18e: {  	[tilespmem:s15], [sflag:$0x1] =	stream.indirect.gather [hbm4b:s5+s6], $0x20, s0, s6, $0xb8;
	[tilespmem:$0x11000] =	vst v63  }
0x18f: {  	s1 =	rddreg [dreg:$0xd]  }
0x190: {  	[tilespmem:s16], [sflag:$0x1] =	stream.indirect.gather [hbm4b:s5+s6], $0x20, s1, s6, $0xb8;
	[tilespmem:$0x11000] =	vst v63  }
0x191: {  	s0 =	rddreg [dreg:$0xe]  }
0x192: {  	[tilespmem:s17], [sflag:$0x1] =	stream.indirect.gather [hbm4b:s5+s6], $0x20, s0, s6, $0xb8;
	[tilespmem:$0x11000] =	vst v63  }
0x193: {  	s1 =	rddreg [dreg:$0xf]  }
0x194: {  	[tilespmem:s18], [sflag:$0x1] =	stream.indirect.gather [hbm4b:s5+s6], $0x20, s1, s6, $0xb8;
	[tilespmem:$0x11000] =	vst v63  }
0x195: {  	s0 =	rddreg [dreg:$0x10]  }
0x196: {  	[tilespmem:s19], [sflag:$0x1] =	stream.indirect.gather [hbm4b:s5+s6], $0x20, s0, s6, $0xb8;
	[tilespmem:$0x11000] =	vst v63  }
0x197: {  	s1 =	rddreg [dreg:$0x11]  }
0x198: {  	[tilespmem:s20], [sflag:$0x1] =	stream.indirect.gather [hbm4b:s5+s6], $0x20, s1, s6, $0xb8;
	[tilespmem:$0x11000] =	vst v63  }
0x199: {  	s0 =	rddreg [dreg:$0x12]  }
0x19a: {  	[tilespmem:s21], [sflag:$0x1] =	stream.indirect.gather [hbm4b:s5+s6], $0x20, s0, s6, $0xb8;
	[tilespmem:$0x11000] =	vst v63  }
0x19b: {  	s1 =	rddreg [dreg:$0x13]  }
0x19c: {  	[tilespmem:s22], [sflag:$0x1] =	stream.indirect.gather [hbm4b:s5+s6], $0x20, s1, s6, $0xb8;
	[tilespmem:$0x11000] =	vst v63  }
0x19d: {  	_ =	swait.ge [sflag:s7], $0x1000  }
0x19e: {  	[sflag:s7] =	ssyncset.done $0x0  }
0x19f: {  	[sflag:s7] =	ssyncadd.s32 $0xFFFFF000  }
0x1a0: {  	_ =	swait.ge [sflag:s7], $0x1000  }
0x1a1: {  	[sflag:s7] =	ssyncset.done $0x0  }
0x1a2: {  	[sflag:s7] =	ssyncadd.s32 $0xFFFFF000  }
0x1a3: {  	_ =	swait.ge [sflag:s7], $0x1000  }
0x1a4: {  	[sflag:s7] =	ssyncset.done $0x0  }
0x1a5: {  	[sflag:s7] =	ssyncadd.s32 $0xFFFFF000  }
0x1a6: {  	_ =	swait.ge [sflag:s7], $0x1000  }
0x1a7: {  	[sflag:s7] =	ssyncset.done $0x0  }
0x1a8: {  	[sflag:s7] =	ssyncadd.s32 $0xFFFFF000  }
0x1a9: {  	_ =	swait.ge [sflag:s7], $0x1000  }
0x1aa: {  	[sflag:s7] =	ssyncset.done $0x0  }
0x1ab: {  	[sflag:s7] =	ssyncadd.s32 $0xFFFFF000  }
0x1ac: {  	_ =	swait.ge [sflag:s7], $0x1000  }
0x1ad: {  	[sflag:s7] =	ssyncset.done $0x0  }
0x1ae: {  	[sflag:s7] =	ssyncadd.s32 $0xFFFFF000  }
0x1af: {  	_ =	swait.ge [sflag:s7], $0x1000  }
0x1b0: {  	[sflag:s7] =	ssyncset.done $0x0  }
0x1b1: {  	[sflag:s7] =	ssyncadd.s32 $0xFFFFF000  }
0x1b2: {  	_ =	swait.ge [sflag:s7], $0x1000  }
0x1b3: {  	[sflag:s7] =	ssyncset.done $0x0  }
0x1b4: {  	[sflag:s7] =	ssyncadd.s32 $0xFFFFF000  }
0x1b5: {  	_ =	swait.ge [sflag:s7], $0x1000  }
0x1b6: {  	[sflag:s7] =	ssyncset.done $0x0  }
0x1b7: {  	[sflag:s7] =	ssyncadd.s32 $0xFFFFF000  }
0x1b8: {  	_ =	swait.ge [sflag:s7], $0x1000  }
0x1b9: {  	[sflag:s7] =	ssyncset.done $0x0  }
0x1ba: {  	[sflag:s7] =	ssyncadd.s32 $0xFFFFF000  }
0x1bb: {  	_ =	swait.ge [sflag:s7], $0x1000  }
0x1bc: {  	[sflag:s7] =	ssyncset.done $0x0  }
0x1bd: {  	[sflag:s7] =	ssyncadd.s32 $0xFFFFF000  }
0x1be: {  	_ =	swait.ge [sflag:s7], $0x1000  }
0x1bf: {  	[sflag:s7] =	ssyncset.done $0x0  }
0x1c0: {  	[sflag:s7] =	ssyncadd.s32 $0xFFFFF000  }
0x1c1: {  	_ =	swait.ge [sflag:s7], $0x1000  }
0x1c2: {  	[sflag:s7] =	ssyncset.done $0x0  }
0x1c3: {  	[sflag:s7] =	ssyncadd.s32 $0xFFFFF000  }
0x1c4: {  	_ =	swait.ge [sflag:s7], $0x1000  }
0x1c5: {  	[sflag:s7] =	ssyncset.done $0x0  }
0x1c6: {  	[sflag:s7] =	ssyncadd.s32 $0xFFFFF000  }
0x1c7: {  	_ =	swait.ge [sflag:s7], $0x1000  }
0x1c8: {  	[sflag:s7] =	ssyncset.done $0x0  }
0x1c9: {  	[sflag:s7] =	ssyncadd.s32 $0xFFFFF000  }
0x1ca: {  	_ =	swait.ge [sflag:s7], $0x1000  }
0x1cb: {  	[sflag:s7] =	ssyncset.done $0x0  }
0x1cc: {  	s1 =	rddreg [dreg:$0x4];
	[sflag:s7] =	ssyncadd.s32 $0xFFFFF000  }
0x1cd: {  	[hbm4b:s1+s2] =	stream.linear.scatter [tilespmem:s4], [sflag:$0x2], $0x10000, $0x38;
	[tilespmem:$0x11000] =	vst v63  }
0x1ce: {  	_ =	swait.ge [sflag:s3], $0x10000  }
0x1cf: {  	[sflag:s3] =	ssyncset.done $0x0  }
0x1d0: {  	s0 =	rddreg [dreg:$0x14];
	[sflag:s3] =	ssyncadd.s32 $0xFFFF0000  }
0x1d1: {  	[tilespmem:s4], [sflag:$0x1] =	stream.indirect.gather [hbm4b:s5+s6], $0x20, s0, s6, $0xb8;
	[tilespmem:$0x11000] =	vst v63  }
0x1d2: {  	s1 =	rddreg [dreg:$0x15]  }
0x1d3: {  	[tilespmem:s8], [sflag:$0x1] =	stream.indirect.gather [hbm4b:s5+s6], $0x20, s1, s6, $0xb8;
	[tilespmem:$0x11000] =	vst v63  }
0x1d4: {  	s0 =	rddreg [dreg:$0x16]  }
0x1d5: {  	[tilespmem:s9], [sflag:$0x1] =	stream.indirect.gather [hbm4b:s5+s6], $0x20, s0, s6, $0xb8;
	[tilespmem:$0x11000] =	vst v63  }
0x1d6: {  	s8 =	rddreg [dreg:$0x17]  }
0x1d7: {  	[tilespmem:s10], [sflag:$0x1] =	stream.indirect.gather [hbm4b:s5+s6], $0x20, s8, s6, $0xb8;
	[tilespmem:$0x11000] =	vst v63  }
0x1d8: {  	s9 =	rddreg [dreg:$0x18]  }
0x1d9: {  	[tilespmem:s11], [sflag:$0x1] =	stream.indirect.gather [hbm4b:s5+s6], $0x20, s9, s6, $0xb8;
	[tilespmem:$0x11000] =	vst v63  }
0x1da: {  	s10 =	rddreg [dreg:$0x19]  }
0x1db: {  	[tilespmem:s12], [sflag:$0x1] =	stream.indirect.gather [hbm4b:s5+s6], $0x20, s10, s6, $0xb8;
	[tilespmem:$0x11000] =	vst v63  }
0x1dc: {  	s11 =	rddreg [dreg:$0x1a]  }
0x1dd: {  	[tilespmem:s13], [sflag:$0x1] =	stream.indirect.gather [hbm4b:s5+s6], $0x20, s11, s6, $0xb8;
	[tilespmem:$0x11000] =	vst v63  }
0x1de: {  	s12 =	rddreg [dreg:$0x1b]  }
0x1df: {  	[tilespmem:s14], [sflag:$0x1] =	stream.indirect.gather [hbm4b:s5+s6], $0x20, s12, s6, $0xb8;
	[tilespmem:$0x11000] =	vst v63  }
0x1e0: {  	_ = 	snop  }
0x1e1: {  	[tilespmem:s15], [sflag:$0x1] =	stream.indirect.gather [hbm4b:s5+s6], $0x20, s24, s6, $0xb8;
	[tilespmem:$0x11000] =	vst v63  }
0x1e2: {  	_ = 	snop  }
0x1e3: {  	[tilespmem:s16], [sflag:$0x1] =	stream.indirect.gather [hbm4b:s5+s6], $0x20, s25, s6, $0xb8;
	[tilespmem:$0x11000] =	vst v63  }
0x1e4: {  	_ = 	snop  }
0x1e5: {  	[tilespmem:s17], [sflag:$0x1] =	stream.indirect.gather [hbm4b:s5+s6], $0x20, s26, s6, $0xb8;
	[tilespmem:$0x11000] =	vst v63  }
0x1e6: {  	_ = 	snop  }
0x1e7: {  	[tilespmem:s18], [sflag:$0x1] =	stream.indirect.gather [hbm4b:s5+s6], $0x20, s28, s6, $0xb8;
	[tilespmem:$0x11000] =	vst v63  }
0x1e8: {  	_ = 	snop  }
0x1e9: {  	[tilespmem:s19], [sflag:$0x1] =	stream.indirect.gather [hbm4b:s5+s6], $0x20, s29, s6, $0xb8;
	[tilespmem:$0x11000] =	vst v63  }
0x1ea: {  	_ = 	snop  }
0x1eb: {  	[tilespmem:s20], [sflag:$0x1] =	stream.indirect.gather [hbm4b:s5+s6], $0x20, s30, s6, $0xb8;
	[tilespmem:$0x11000] =	vst v63  }
0x1ec: {  	_ = 	snop  }
0x1ed: {  	[tilespmem:s21], [sflag:$0x1] =	stream.indirect.gather [hbm4b:s5+s6], $0x20, s31, s6, $0xb8;
	[tilespmem:$0x11000] =	vst v63  }
0x1ee: {  	_ = 	snop  }
0x1ef: {  	[tilespmem:s22], [sflag:$0x1] =	stream.indirect.gather [hbm4b:s5+s6], $0x20, s23, s6, $0xb8;
	[tilespmem:$0x11000] =	vst v63  }
0x1f0: {  	_ =	swait.ge [sflag:s7], $0x1000  }
0x1f1: {  	[sflag:s7] =	ssyncset.done $0x0  }
0x1f2: {  	[sflag:s7] =	ssyncadd.s32 $0xFFFFF000  }
0x1f3: {  	_ =	swait.ge [sflag:s7], $0x1000  }
0x1f4: {  	[sflag:s7] =	ssyncset.done $0x0  }
0x1f5: {  	[sflag:s7] =	ssyncadd.s32 $0xFFFFF000  }
0x1f6: {  	_ =	swait.ge [sflag:s7], $0x1000  }
0x1f7: {  	[sflag:s7] =	ssyncset.done $0x0  }
0x1f8: {  	[sflag:s7] =	ssyncadd.s32 $0xFFFFF000  }
0x1f9: {  	_ =	swait.ge [sflag:s7], $0x1000  }
0x1fa: {  	[sflag:s7] =	ssyncset.done $0x0  }
0x1fb: {  	[sflag:s7] =	ssyncadd.s32 $0xFFFFF000  }
0x1fc: {  	_ =	swait.ge [sflag:s7], $0x1000  }
0x1fd: {  	[sflag:s7] =	ssyncset.done $0x0  }
0x1fe: {  	[sflag:s7] =	ssyncadd.s32 $0xFFFFF000  }
0x1ff: {  	_ =	swait.ge [sflag:s7], $0x1000  }
0x200: {  	[sflag:s7] =	ssyncset.done $0x0  }
0x201: {  	[sflag:s7] =	ssyncadd.s32 $0xFFFFF000  }
0x202: {  	_ =	swait.ge [sflag:s7], $0x1000  }
0x203: {  	[sflag:s7] =	ssyncset.done $0x0  }
0x204: {  	[sflag:s7] =	ssyncadd.s32 $0xFFFFF000  }
0x205: {  	_ =	swait.ge [sflag:s7], $0x1000  }
0x206: {  	[sflag:s7] =	ssyncset.done $0x0  }
0x207: {  	[sflag:s7] =	ssyncadd.s32 $0xFFFFF000  }
0x208: {  	_ =	swait.ge [sflag:s7], $0x1000  }
0x209: {  	[sflag:s7] =	ssyncset.done $0x0  }
0x20a: {  	[sflag:s7] =	ssyncadd.s32 $0xFFFFF000  }
0x20b: {  	_ =	swait.ge [sflag:s7], $0x1000  }
0x20c: {  	[sflag:s7] =	ssyncset.done $0x0  }
0x20d: {  	[sflag:s7] =	ssyncadd.s32 $0xFFFFF000  }
0x20e: {  	_ =	swait.ge [sflag:s7], $0x1000  }
0x20f: {  	[sflag:s7] =	ssyncset.done $0x0  }
0x210: {  	[sflag:s7] =	ssyncadd.s32 $0xFFFFF000  }
0x211: {  	_ =	swait.ge [sflag:s7], $0x1000  }
0x212: {  	[sflag:s7] =	ssyncset.done $0x0  }
0x213: {  	[sflag:s7] =	ssyncadd.s32 $0xFFFFF000  }
0x214: {  	_ =	swait.ge [sflag:s7], $0x1000  }
0x215: {  	[sflag:s7] =	ssyncset.done $0x0  }
0x216: {  	[sflag:s7] =	ssyncadd.s32 $0xFFFFF000  }
0x217: {  	_ =	swait.ge [sflag:s7], $0x1000  }
0x218: {  	[sflag:s7] =	ssyncset.done $0x0  }
0x219: {  	[sflag:s7] =	ssyncadd.s32 $0xFFFFF000  }
0x21a: {  	_ =	swait.ge [sflag:s7], $0x1000  }
0x21b: {  	[sflag:s7] =	ssyncset.done $0x0  }
0x21c: {  	[sflag:s7] =	ssyncadd.s32 $0xFFFFF000  }
0x21d: {  	_ =	swait.ge [sflag:s7], $0x1000  }
0x21e: {  	[sflag:s7] =	ssyncset.done $0x0  }
0x21f: {  	s30 =	rddreg [dreg:$0x5];
	[sflag:s7] =	ssyncadd.s32 $0xFFFFF000  }
0x220: {  	[hbm4b:s30+s2] =	stream.linear.scatter [tilespmem:s4], [sflag:$0x2], $0x10000, $0x38;
	[tilespmem:$0x11000] =	vst v63  }
0x221: {  	_ =	swait.ge [sflag:s3], $0x10000  }
0x222: {  	[sflag:s3] =	ssyncset.done $0x0  }
0x223: {  	[sflag:s3] =	ssyncadd.s32 $0xFFFF0000  }
0x224: {  	_ =	sfence.sel $0x180000  }
0x225: {  	[bflag:$0x0] =	sbarrier.arrive $0xFFFF  }
0x226: {  	_ =	strace $0x90000047  }
0x227: {  	s31 =	stileid.u32;
	[bflag:$0x2] =	sbarrier.arrive $0xFFFF  }
0x228: {  	p0 =	sne.s32 s31, $0x0;
	s0 =	rddreg [dreg:$0x2]  }
0x229: {  	s0 =	sadd.s32 @!p0 $0x100000, s0  }
0x22a: {  	[sflag:s0] =	ssyncadd.tile.s32 @!p0 $0x1;
	_ =	shalt  }
.LBB2_1:
.Ltmp3:
0x22b: {  	(pc) =	sbr.rel .LBB2_6-.Ltmp3, $4  }
0x22c: {  	_ = 	snop  }
0x22d: {  	s23 =	simm.s32 $0xF80;
	s31 =	simm.s32 $0xF00  }
0x22e: {  	s30 =	simm.s32 $0xE80;
	s29 =	simm.s32 $0xE00;
	s28 =	simm.s32 $0xD80  }
0x22f: {  	s26 =	simm.s32 $0xD00;
	s25 =	simm.s32 $0xC80;
	s24 =	simm.s32 $0xC00  }
.LBB2_3:
.Ltmp4:
0x230: {  	(pc) =	sbr.rel .LBB2_6-.Ltmp4, $4  }
0x231: {  	_ = 	snop  }
0x232: {  	s23 =	simm.s32 $0xF80;
	s31 =	simm.s32 $0xF00  }
0x233: {  	s30 =	simm.s32 $0xE80;
	s29 =	simm.s32 $0xE00;
	s28 =	simm.s32 $0xD80  }
0x234: {  	s26 =	simm.s32 $0xD00;
	s25 =	simm.s32 $0xC80;
	s24 =	simm.s32 $0xC00  }
.Lfunc_end2:
_tile_overlayer_lowered:
.L_overlay_start_2:
0x235: {  	(tag) =	ssettag $0x2  }
0x236: {  	s0 =	rddreg [dreg:$0x0];
	s2 =	stileid.u32  }
0x237: {  	s1 =	rddreg [dreg:$0x1];
	p0 =	sne.s32 s2, $0x0  }
0x238: {  	s3 =	rddreg [dreg:$0x2];
	[bflag:$0x3] =	sbarrier.arrive $0xFFFF;
	s2 =	simm.s32 @!p0 $0x1C02  }
0x239: {  	[timem:s3], [sflag:s2] =	dma.local @!p0 [hbm:s0], s1  }
0x23a: {  	s0 =	simm.s32 @!p0 $0x2  }
0x23b: {  	_ =	swait.ge @!p0 [sflag:s0], s1  }
0x23c: {  	s1 =	ssub.s32 @!p0 $0x0, s1;
	[sflag:s0] =	ssyncset.done @!p0 $0x0  }
0x23d: {  	[sflag:s0] =	ssyncadd.s32 @!p0 s1  }
0x23e: {  	[bflag:$0x3] =	sbarrier.arrive $0xFFFF  }
0x23f: {  	_ =	shalt  }

// kernel: kernel.8.cloned.1.call-start
scs
__scs_entry_jumppad:
0x0: {  	(pc) =	sbr.rel $0x88, $3  }
0x1: {  	(tag) =	ssettag $0x0;
	lr =	simm.s32 $0x1  }
0x2: {  	[smem:$0x3F9A] =	sst lr;
	_ =	strace $0xD0000000  }
0x3: {  	_ = 	snop  }
0x4: {  	_ = 	snop  }
0x5: {  	_ = 	snop  }
0x6: {  	_ = 	snop  }
0x7: {  	_ = 	snop  }
__scs_overlays_trampoline_lowered:
0x8: {  	[smem:$0x3FA9] =	sst s0  }
0x9: {  	[smem:$0x3FAA] =	sst s1  }
0xa: {  	[smem:$0x3FAB] =	sst s2  }
0xb: {  	[smem:$0x3FAC] =	sst s3  }
0xc: {  	[smem:$0x3FAD] =	sst s4  }
0xd: {  	[smem:$0x3FAE] =	sst s5  }
0xe: {  	[smem:$0x3FAF] =	sst s6  }
0xf: {  	[smem:$0x3FB0] =	sst s7  }
0x10: {  	[smem:$0x3FB1] =	sst s8  }
0x11: {  	[smem:$0x3FB2] =	sst s9;
	s0 =	simm.s32 @!p0 $0x0  }
0x12: {  	s1 =	sld [smem:$0x3F98];
	s0 =	simm.s32 @p0 $0x1  }
0x13: {  	[smem:$0x3FB3] =	sst s0;
	s0 =	simm.s32 @!p1 $0x0  }
0x14: {  	s2 =	sld [smem:$0x3F97];
	s0 =	simm.s32 @p1 $0x1  }
0x15: {  	[smem:$0x3FB4] =	sst s0;
	s0 =	simm.s32 @!p2 $0x0  }
0x16: {  	s3 =	sld [smem:$0x3FDB];
	s0 =	simm.s32 @p2 $0x1  }
0x17: {  	s4 =	simm.s32 $0x1BF5;
	[smem:$0x3FB6] =	sst s0  }
0x18: {  	s0 =	sld [smem:$0x3F99];
	_ =	swait.ge [sflag:s4], $0x0  }
0x19: {  	s7 =	sld [smem:$0x3F9A]  }
0x1a: {  	s8 =	sadd.s32 $0xFFFFE003, lr  }
0x1b: {  	s9 =	sadd.s32 $0xFFFFFEF7, lr;
	s5 =	simm.s32 $0xFFFFFFFF;
	p2 =	slt.u32 s8, $0xFFFFF086  }
0x1c: {  	p1 =	slt.u32 s9, $0xF7A;
	s5 =	simm.s32 @!p2 $0x0  }
0x1d: {  	s5 =	simm.s32 @p1 $0x1;
	p0 =	seq.s32 s7, s2  }
0x1e: {  	s7 =	smul.u32 @!p0 $0xF7A, s2;
	p2 =	seq.s32 @!p0 s5, $0x0  }
0x1f: {  	s9 =	smul.u32 $0xF7A, s1;
	s8 =	simm.s32 @!p0 $0x1BF5;
	p2 =	por !p2, p0  }
0x20: {  	[sflag:s8] =	ssyncset.s32 @!p0 $0xFFFFF086;
	s6 =	sadd.s32 @!p0 s3, s7;
	s7 =	simm.s32 @!p0 $0x108  }
0x21: {  	s3 =	sadd.s32 s3, s9;
	s6 =	sadd.s32 @!p0 $0x88, s6;
	s7 =	simm.s32 @p2 $0x1082  }
0x22: {  	[simem:s7], [sflag:s8] =	dma.local @!p0 [hbm:s6], $0xF7A  }
0x23: {  	s9 =	sor.u32 $0xD0000000, s2;
	s6 =	simm.s32 $0x108;
	_ =	swait.ge @!p0 [sflag:s8], $0x0  }
0x24: {  	s3 =	sadd.s32 $0x88, s3;
	s6 =	simm.s32 @!p1 $0x1082;
	[sflag:s4] =	ssyncset.s32 $0xFFFFF086  }
0x25: {  	[simem:s6], [sflag:s4] =	dma.local [hbm:s3], $0xF7A  }
0x26: {  	[smem:$0x3F9A] =	sst s1;
	(tag) =	ssettag s2;
	_ =	strace s9  }
0x27: {  	s1 =	sld [smem:$0x3FAA]  }
0x28: {  	s2 =	sld [smem:$0x3FAB]  }
0x29: {  	s4 =	sld [smem:$0x3FAD]  }
0x2a: {  	p0 =	seq.s32 s5, $0x0;
	s5 =	sld [smem:$0x3FAE]  }
0x2b: {  	s6 =	sld [smem:$0x3FAF]  }
0x2c: {  	s7 =	sld [smem:$0x3FB0]  }
0x2d: {  	s3 =	simm.s32 $0x108;
	s8 =	sld [smem:$0x3FB1]  }
0x2e: {  	s3 =	simm.s32 @!p0 $0x1082;
	s9 =	sld [smem:$0x3FB2]  }
0x2f: {  	lr =	sadd.s32 s0, s3;
	s0 =	sld [smem:$0x3FA9]  }
0x30: {  	s3 =	sld [smem:$0x3FAC]  }
0x31: {  	[smem:$0x3FB5] =	sst s10  }
0x32: {  	s10 =	sld [smem:$0x3FB3];
	_ =	sdelay $0x3  }
0x33: {  	p0 =	seq.s32 s10, $0x1;
	s10 =	sld [smem:$0x3FB5];
	_ =	sdelay $0x3  }
0x34: {  	[smem:$0x3FB5] =	sst s10  }
0x35: {  	s10 =	sld [smem:$0x3FB4];
	_ =	sdelay $0x3  }
0x36: {  	p1 =	seq.s32 s10, $0x1;
	s10 =	sld [smem:$0x3FB5];
	_ =	sdelay $0x3  }
0x37: {  	[smem:$0x3FB5] =	sst s10  }
0x38: {  	s10 =	sld [smem:$0x3FB6]  }
0x39: {  	_ = 	snop;
	(pc) =	sbr.ind lr, $3  }
0x3a: {  	_ = 	snop  }
0x3b: {  	_ = 	snop  }
0x3c: {  	p2 =	seq.s32 s10, $0x1;
	s10 =	sld [smem:$0x3FB5]  }
0x3d: {  	_ =	shalt  }
0x3e: {  	_ =	shalt  }
0x3f: {  	_ =	shalt  }
0x40: {  	_ =	shalt  }
0x41: {  	_ =	shalt  }
0x42: {  	_ =	shalt  }
0x43: {  	_ =	shalt  }
0x44: {  	_ =	shalt  }
0x45: {  	_ =	shalt  }
0x46: {  	_ =	shalt  }
0x47: {  	_ =	shalt  }
0x48: {  	_ =	shalt  }
0x49: {  	_ =	shalt  }
0x4a: {  	_ =	shalt  }
0x4b: {  	_ =	shalt  }
0x4c: {  	_ =	shalt  }
0x4d: {  	_ =	shalt  }
0x4e: {  	_ =	shalt  }
0x4f: {  	_ =	shalt  }
0x50: {  	_ =	shalt  }
0x51: {  	_ =	shalt  }
0x52: {  	_ =	shalt  }
0x53: {  	_ =	shalt  }
0x54: {  	_ =	shalt  }
0x55: {  	_ =	shalt  }
0x56: {  	_ =	shalt  }
0x57: {  	_ =	shalt  }
0x58: {  	_ =	shalt  }
0x59: {  	_ =	shalt  }
0x5a: {  	_ =	shalt  }
0x5b: {  	_ =	shalt  }
0x5c: {  	_ =	shalt  }
0x5d: {  	_ =	shalt  }
0x5e: {  	_ =	shalt  }
0x5f: {  	_ =	shalt  }
0x60: {  	_ =	shalt  }
0x61: {  	_ =	shalt  }
0x62: {  	_ =	shalt  }
0x63: {  	_ =	shalt  }
0x64: {  	_ =	shalt  }
0x65: {  	_ =	shalt  }
0x66: {  	_ =	shalt  }
0x67: {  	_ =	shalt  }
0x68: {  	_ =	shalt  }
0x69: {  	_ =	shalt  }
0x6a: {  	_ =	shalt  }
0x6b: {  	_ =	shalt  }
0x6c: {  	_ =	shalt  }
0x6d: {  	_ =	shalt  }
0x6e: {  	_ =	shalt  }
0x6f: {  	_ =	shalt  }
0x70: {  	_ =	shalt  }
0x71: {  	_ =	shalt  }
0x72: {  	_ =	shalt  }
0x73: {  	_ =	shalt  }
0x74: {  	_ =	shalt  }
0x75: {  	_ =	shalt  }
0x76: {  	_ =	shalt  }
0x77: {  	_ =	shalt  }
0x78: {  	_ =	shalt  }
0x79: {  	_ =	shalt  }
0x7a: {  	_ =	shalt  }
0x7b: {  	_ =	shalt  }
0x7c: {  	_ =	shalt  }
0x7d: {  	_ =	shalt  }
0x7e: {  	_ =	shalt  }
0x7f: {  	_ =	shalt  }
0x80: {  	_ =	shalt  }
0x81: {  	_ =	shalt  }
0x82: {  	_ =	shalt  }
0x83: {  	_ =	shalt  }
0x84: {  	_ =	shalt  }
0x85: {  	_ =	shalt  }
0x86: {  	_ =	shalt  }
0x87: {  	_ =	shalt  }
.Lfunc_end0:
.L_simem_size_0:
called_computation_lowered:
.L_overlay_start_0:
0x88: {  	s2 =	sld [smem:$0x3FD9]  }
0x89: {  	s3 =	sld [smem:$0x3FFE];
	_ =	sdelay $0x1  }
0x8a: {  	s1 =	srdreg.scid  }
0x8b: {  	s0 =	sand.u32 $0x1, s1  }
0x8c: {  	s17 =	sshll.u32 s0, $0xA;
	s2 =	sadd.s32 s3, s2  }
0x8d: {  	s2 =	sadd.s32 s2, s17  }
0x8e: {  	[smem:$0x3FC1] =	sst s2  }
0x8f: {  	_ = 	snop  }
0x90: {  	(tm) =	ssettm $0x1  }
0x91: {  	s18 =	sld [smem:$0x3FFB];
	_ =	sdelay $0x3  }
0x92: {  	_ =	strace s18  }
0x93: {  	s2 =	sld [smem:$0x3FFC];
	_ =	sdelay $0x3  }
0x94: {  	_ =	strace s2  }
0x95: {  	s2 =	sld [smem:$0x3FFD];
	_ =	sdelay $0x3  }
0x96: {  	_ =	strace s2  }
0x97: {  	_ =	strace $0x8FFFFFFF  }
0x98: {  	s19 =	sld [smem:$0x3FDB];
	_ =	sdelay $0x1  }
0x99: {  	s20 =	simm.s32 $_scs_section_size  }
0x9a: {  	s4 =	simm.s32 $_size__tile_overlayer_lowered;
	s5 =	simm.s32 $_tile_overlayer_lowered  }
0x9b: {  	s6 =	simm.s32 $0x1BFF;
	s21 =	sshll.u32 s5, $0x1;
	s3 =	sadd.s32 s20, s19  }
0x9c: {  	s22 =	simm.s32 $0x0;
	s4 =	sshll.u32 s4, $0x1;
	s5 =	sadd.s32 s21, s3  }
0x9d: {  	[timem:s22], [sflag:s6] =	dma.local [hbm:s5], s4  }
0x9e: {  	_ =	swait.ge [sflag:s6], s4  }
0x9f: {  	s4 =	ssub.s32 $0x0, s4;
	[sflag:s6] =	ssyncset.done $0x0  }
0xa0: {  	[sflag:s6] =	ssyncadd.s32 s4;
	_ =	sdelay $0x1  }
0xa1: {  	s23 =	simm.s32 $0x1B8B  }
0xa2: {  	_ =	swait.ge [sflag:s23], $0x1  }
0xa3: {  	[sflag:s23] =	ssyncset.done $0x0  }
0xa4: {  	[sflag:s23] =	ssyncadd.s32 $0xFFFFFFFF  }
0xa5: {  	s4 =	sld [smem:$0x0]  }
0xa6: {  	s5 =	sand.u32 $0xFFFFFFFE, s1  }
0xa7: {  	p0 =	sne.s32 s1, s5  }
0xa8: {  	s5 =	sshll.u32 @p0 s5, $0xE  }
0xa9: {  	s5 =	sadd.s32 @p0 $0x11B8D, s5;
	s6 =	sshll.u32 @p0 s4, $0x11  }
0xaa: {  	s5 =	sor.u32 @p0 s6, s5  }
0xab: {  	[sflag:s5] =	ssyncadd.remote.s32 @p0 $0x1;
	_ =	sdelay $0x1  }
0xac: {  	s5 =	simm.s32 @p0 $0x1B8D  }
0xad: {  	_ =	swait.eq @p0 [sflag:s5], $0x1  }
0xae: {  	[sflag:s5] =	ssyncadd.s32 @p0 $0xFFFFFFFF  }
0xaf: {  	s6 =	sshll.u32 @!p0 s1, $0xE  }
0xb0: {  	s6 =	sor.u32 @!p0 $0x4000, s6;
	s5 =	simm.s32 @!p0 $0x1B8D  }
0xb1: {  	s4 =	sshll.u32 @!p0 s4, $0x11;
	s6 =	sadd.s32 @!p0 $0x11B8D, s6;
	_ =	swait.eq @!p0 [sflag:s5], $0x1  }
0xb2: {  	s4 =	sor.u32 @!p0 s4, s6;
	[sflag:s5] =	ssyncadd.s32 @!p0 $0xFFFFFFFF  }
0xb3: {  	s25 =	simm.s32 $0x1B8E;
	s24 =	sld [smem:$0x3FFE];
	[sflag:s4] =	ssyncadd.remote.s32 @!p0 $0x1  }
0xb4: {  	s26 =	simm.s32 $execute0_lowered;
	[smem:$0x3FD2] =	sst s25  }
0xb5: {  	s5 =	sshll.u32 s26, $0x1;
	_ =	strace $0x80000049;
	[dreg:$0x1] =	wrdreg $0xFFFFFFFF  }
0xb6: {  	s28 =	simm.s32 $_size_execute0_lowered;
	s3 =	sadd.s32 s3, s5;
	[dreg:$0x0] =	wrdreg $0x0  }
0xb7: {  	s5 =	sshll.u32 s28, $0x1;
	[dreg:$0x2] =	wrdreg s3  }
0xb8: {  	[dreg:$0x3] =	wrdreg s5  }
0xb9: {  	[dreg:$0x4] =	wrdreg $0xC0  }
0xba: {  	_ =	task [dreg:s22], $0x5FFFF  }
0xbb: {  	[dreg:$0x1] =	wrdreg $0xFFFFFFFF  }
0xbc: {  	[dreg:$0x0] =	wrdreg $0x60  }
0xbd: {  	[dreg:$0x2] =	wrdreg s24  }
0xbe: {  	[dreg:$0x3] =	wrdreg $0x9  }
0xbf: {  	_ =	task.clear_ibuf [dreg:s22], $0x4FFFF;
	_ =	strace $0x90000049  }
0xc0: {  	s29 =	simm.s32 $0x9;
	_ =	strace $0x8000004B  }
0xc1: {  	_ =	swait.ge [sflag:s29], $0x1  }
0xc2: {  	[sflag:s29] =	ssyncadd.s32 $0xFFFFFFFF  }
0xc3: {  	_ =	strace $0x9000004B  }
0xc4: {  	_ =	sfence  }
0xc5: {  	s30 =	sld [smem:$0x0];
	_ =	sdelay $0x2  }
0xc6: {  	s31 =	sshll.u32 s1, $0xD;
	s1 =	sshrl.u32 s1, $0x2  }
0xc7: {  	s4 =	sand.u32 $0x4000, s31;
	s1 =	sadd.s32 s1, s30  }
0xc8: {  	s0 =	sor.u32 s4, s0;
	s1 =	sshll.u32 s1, $0x11  }
0xc9: {  	s0 =	sor.u32 s1, s0  }
0xca: {  	s0 =	sadd.s32 $0x8F2B, s0  }
0xcb: {  	[sflag:s0] =	ssyncadd.remote.s32 $0x1  }
0xcc: {  	_ =	sfence.sel $0xFFFF  }
0xcd: {  	[dreg:$0x0] =	wrdreg $0xFFFFFFFF;
	(pc) =	sbr.abs _section_cstart, $3  }
0xce: {  	[dreg:$0x1] =	wrdreg $0xFFFFFFFF  }
0xcf: {  	_ =	task.clear_ibuf [dreg:s22], $0x2FFFF;
	_ =	strace $0x9FFFFFFF  }
0xd0: {  	(tm) =	ssettm $0x7FFFFFFF  }
0xd1: {  	_ =	shalt  }
tec
execute0_lowered:
.L_overlay_start_1:
0x0: {  	(tag) =	ssettag $0x1  }
0x1: {  	s0 =	srdreg.scid  }
0x2: {  	s1 =	stileid.u32;
	s3 =	rddreg [dreg:$0x0]  }
0x3: {  	s2 =	simm.s32 $0x0;
	s7 =	simm.s32 $0x200;
	s8 =	simm.s32 $0x280  }
0x4: {  	s9 =	simm.s32 $0x300;
	s10 =	simm.s32 $0x380;
	s11 =	simm.s32 $0x400  }
0x5: {  	s12 =	simm.s32 $0x480;
	s13 =	simm.s32 $0x500;
	[smem:$0x7FF] =	sst s2  }
0x6: {  	s14 =	simm.s32 $0x580;
	_ =	strace $0x8000004A;
	[dreg:$0x7] =	wrdreg s7  }
0x7: {  	s15 =	simm.s32 $0x600;
	s16 =	simm.s32 $0x680;
	[dreg:$0x8] =	wrdreg s8  }
0x8: {  	s17 =	simm.s32 $0x700;
	s18 =	simm.s32 $0x780;
	[dreg:$0x9] =	wrdreg s9  }
0x9: {  	s19 =	simm.s32 $0x800;
	s20 =	simm.s32 $0x880;
	[dreg:$0xa] =	wrdreg s10  }
0xa: {  	s21 =	simm.s32 $0x900;
	s22 =	simm.s32 $0x980;
	[dreg:$0xb] =	wrdreg s11  }
0xb: {  	s23 =	simm.s32 $0xA00;
	s24 =	simm.s32 $0xA80;
	[dreg:$0xc] =	wrdreg s12  }
0xc: {  	s25 =	simm.s32 $0xB00;
	p0 =	por $0x0, $0x0;
	[dreg:$0xd] =	wrdreg s13  }
0xd: {  	s28 =	simm.s32 $0xD80;
	s29 =	simm.s32 $0xE00;
	[dreg:$0xe] =	wrdreg s14  }
0xe: {  	s30 =	simm.s32 $0xE80;
	s31 =	simm.s32 $0xF00;
	[dreg:$0xf] =	wrdreg s15  }
0xf: {  	s0 =	sand.u32 $0x1, s0;
	s1 =	sshll.u32 s1, $0x1;
	[dreg:$0x10] =	wrdreg s16  }
0x10: {  	s5 =	sadd.s32 $0x86000, s3;
	s1 =	sor.u32 s0, s1;
	[dreg:$0x11] =	wrdreg s17  }
0x11: {  	s0 =	ssub.s32 $0x2, s0;
	s8 =	simm.s32 $0x2000;
	[dreg:$0x12] =	wrdreg s18  }
0x12: {  	s9 =	simm.s32 $0x3000;
	s10 =	simm.s32 $0x4000;
	[dreg:$0x13] =	wrdreg s19  }
0x13: {  	s11 =	simm.s32 $0x5000;
	s12 =	simm.s32 $0x6000;
	[dreg:$0x14] =	wrdreg s20  }
0x14: {  	s13 =	simm.s32 $0x7000;
	s14 =	simm.s32 $0x8000;
	[dreg:$0x15] =	wrdreg s21  }
0x15: {  	s15 =	simm.s32 $0x9000;
	s16 =	simm.s32 $0xA000;
	[dreg:$0x16] =	wrdreg s22  }
0x16: {  	s17 =	simm.s32 $0xB000;
	s18 =	simm.s32 $0xC000;
	[dreg:$0x17] =	wrdreg s23  }
0x17: {  	s19 =	simm.s32 $0xD000;
	s20 =	simm.s32 $0xE000;
	[dreg:$0x18] =	wrdreg s24  }
0x18: {  	s21 =	simm.s32 $0xF000;
	[dreg:$0x19] =	wrdreg s25;
	s22 =	simm.s32 $0x10000  }
0x19: {  	s7 =	simm.s32 $0x1;
	s25 =	simm.s32 $0xC80;
	s4 =	sshll.u32 s1, $0x9  }
0x1a: {  	s1 =	sshll.u32 s1, $0xE;
	s6 =	sshrl.u32 s0, $0x1;
	s4 =	sadd.s32 s4, s3  }
0x1b: {  	s1 =	sadd.s32 s1, s3;
	s3 =	simm.s32 $0x100;
	s0 =	ssub.s32 s0, s6  }
0x1c: {  	s4 =	sadd.s32 $0x10E000, s4;
	[dreg:$0x5] =	wrdreg s3;
	s0 =	smax.u32 s0, $0x1  }
0x1d: {  	s26 =	sadd.s32 $0x8E000, s1;
	[dreg:$0x2] =	wrdreg s4;
	p1 =	sne.s32 s0, $0x1  }
.Ltmp0:
0x1e: {  	s1 =	sadd.s32 $0x90000, s1;
	[dreg:$0x3] =	wrdreg s26;
	(pc) =	sbr.rel @!p1 .LBB2_1-.Ltmp0, $4  }
0x1f: {  	s24 =	simm.s32 $0xF80;
	[dreg:$0x4] =	wrdreg s1;
	s4 =	simm.s32 $0x180  }
0x20: {  	s6 =	simm.s32 $0x80;
	s26 =	simm.s32 $0xB80;
	[dreg:$0x6] =	wrdreg s4  }
0x21: {  	s3 =	simm.s32 $0x2;
	s23 =	sadd.s32 $0xFFFFFFFF, s0;
	[dreg:$0x1a] =	wrdreg s26  }
0x22: {  	s4 =	simm.s32 $0x1000;
	s26 =	simm.s32 $0xD00;
	s0 =	rddreg [dreg:$0x2]  }
0x23: {  	[tilespmem:s2], [sflag:$0x2] =	stream.linear.gather [hbm4b:s0+s2], $0x1000, $0x38;
	[tilespmem:$0x11000] =	vst v63  }
0x24: {  	_ =	swait.ge [sflag:s3], $0x1000  }
0x25: {  	[sflag:s3] =	ssyncset.done $0x0  }
0x26: {  	[sflag:s3] =	ssyncadd.s32 $0xFFFFF000  }
0x27: {  	[tilespmem:s4], [sflag:$0x1] =	stream.indirect.gather [hbm4b:s5+s6], $0x20, s2, s6, $0xb8;
	[tilespmem:$0x11000] =	vst v63  }
0x28: {  	_ = 	snop  }
0x29: {  	[tilespmem:s8], [sflag:$0x1] =	stream.indirect.gather [hbm4b:s5+s6], $0x20, s6, s6, $0xb8;
	[tilespmem:$0x11000] =	vst v63  }
0x2a: {  	s0 =	rddreg [dreg:$0x5]  }
0x2b: {  	[tilespmem:s9], [sflag:$0x1] =	stream.indirect.gather [hbm4b:s5+s6], $0x20, s0, s6, $0xb8;
	[tilespmem:$0x11000] =	vst v63  }
0x2c: {  	s1 =	rddreg [dreg:$0x6]  }
0x2d: {  	[tilespmem:s10], [sflag:$0x1] =	stream.indirect.gather [hbm4b:s5+s6], $0x20, s1, s6, $0xb8;
	[tilespmem:$0x11000] =	vst v63  }
0x2e: {  	s0 =	rddreg [dreg:$0x7]  }
0x2f: {  	[tilespmem:s11], [sflag:$0x1] =	stream.indirect.gather [hbm4b:s5+s6], $0x20, s0, s6, $0xb8;
	[tilespmem:$0x11000] =	vst v63  }
0x30: {  	s1 =	rddreg [dreg:$0x8]  }
0x31: {  	[tilespmem:s12], [sflag:$0x1] =	stream.indirect.gather [hbm4b:s5+s6], $0x20, s1, s6, $0xb8;
	[tilespmem:$0x11000] =	vst v63  }
0x32: {  	s0 =	rddreg [dreg:$0x9]  }
0x33: {  	[tilespmem:s13], [sflag:$0x1] =	stream.indirect.gather [hbm4b:s5+s6], $0x20, s0, s6, $0xb8;
	[tilespmem:$0x11000] =	vst v63  }
0x34: {  	s1 =	rddreg [dreg:$0xa]  }
0x35: {  	[tilespmem:s14], [sflag:$0x1] =	stream.indirect.gather [hbm4b:s5+s6], $0x20, s1, s6, $0xb8;
	[tilespmem:$0x11000] =	vst v63  }
0x36: {  	s0 =	rddreg [dreg:$0xb]  }
0x37: {  	[tilespmem:s15], [sflag:$0x1] =	stream.indirect.gather [hbm4b:s5+s6], $0x20, s0, s6, $0xb8;
	[tilespmem:$0x11000] =	vst v63  }
0x38: {  	s1 =	rddreg [dreg:$0xc]  }
0x39: {  	[tilespmem:s16], [sflag:$0x1] =	stream.indirect.gather [hbm4b:s5+s6], $0x20, s1, s6, $0xb8;
	[tilespmem:$0x11000] =	vst v63  }
0x3a: {  	s0 =	rddreg [dreg:$0xd]  }
0x3b: {  	[tilespmem:s17], [sflag:$0x1] =	stream.indirect.gather [hbm4b:s5+s6], $0x20, s0, s6, $0xb8;
	[tilespmem:$0x11000] =	vst v63  }
0x3c: {  	s1 =	rddreg [dreg:$0xe]  }
0x3d: {  	[tilespmem:s18], [sflag:$0x1] =	stream.indirect.gather [hbm4b:s5+s6], $0x20, s1, s6, $0xb8;
	[tilespmem:$0x11000] =	vst v63  }
0x3e: {  	s0 =	rddreg [dreg:$0xf]  }
0x3f: {  	[tilespmem:s19], [sflag:$0x1] =	stream.indirect.gather [hbm4b:s5+s6], $0x20, s0, s6, $0xb8;
	[tilespmem:$0x11000] =	vst v63  }
0x40: {  	s1 =	rddreg [dreg:$0x10]  }
0x41: {  	[tilespmem:s20], [sflag:$0x1] =	stream.indirect.gather [hbm4b:s5+s6], $0x20, s1, s6, $0xb8;
	[tilespmem:$0x11000] =	vst v63  }
0x42: {  	s0 =	rddreg [dreg:$0x11]  }
0x43: {  	[tilespmem:s21], [sflag:$0x1] =	stream.indirect.gather [hbm4b:s5+s6], $0x20, s0, s6, $0xb8;
	[tilespmem:$0x11000] =	vst v63  }
0x44: {  	s1 =	rddreg [dreg:$0x12]  }
0x45: {  	[tilespmem:s22], [sflag:$0x1] =	stream.indirect.gather [hbm4b:s5+s6], $0x20, s1, s6, $0xb8;
	[tilespmem:$0x11000] =	vst v63  }
0x46: {  	_ =	swait.ge [sflag:s7], $0x1000  }
0x47: {  	[sflag:s7] =	ssyncset.done $0x0  }
0x48: {  	[sflag:s7] =	ssyncadd.s32 $0xFFFFF000  }
0x49: {  	_ =	swait.ge [sflag:s7], $0x1000  }
0x4a: {  	[sflag:s7] =	ssyncset.done $0x0  }
0x4b: {  	[sflag:s7] =	ssyncadd.s32 $0xFFFFF000  }
0x4c: {  	_ =	swait.ge [sflag:s7], $0x1000  }
0x4d: {  	[sflag:s7] =	ssyncset.done $0x0  }
0x4e: {  	[sflag:s7] =	ssyncadd.s32 $0xFFFFF000  }
0x4f: {  	_ =	swait.ge [sflag:s7], $0x1000  }
0x50: {  	[sflag:s7] =	ssyncset.done $0x0  }
0x51: {  	[sflag:s7] =	ssyncadd.s32 $0xFFFFF000  }
0x52: {  	_ =	swait.ge [sflag:s7], $0x1000  }
0x53: {  	[sflag:s7] =	ssyncset.done $0x0  }
0x54: {  	[sflag:s7] =	ssyncadd.s32 $0xFFFFF000  }
0x55: {  	_ =	swait.ge [sflag:s7], $0x1000  }
0x56: {  	[sflag:s7] =	ssyncset.done $0x0  }
0x57: {  	[sflag:s7] =	ssyncadd.s32 $0xFFFFF000  }
0x58: {  	_ =	swait.ge [sflag:s7], $0x1000  }
0x59: {  	[sflag:s7] =	ssyncset.done $0x0  }
0x5a: {  	[sflag:s7] =	ssyncadd.s32 $0xFFFFF000  }
0x5b: {  	_ =	swait.ge [sflag:s7], $0x1000  }
0x5c: {  	[sflag:s7] =	ssyncset.done $0x0  }
0x5d: {  	[sflag:s7] =	ssyncadd.s32 $0xFFFFF000  }
0x5e: {  	_ =	swait.ge [sflag:s7], $0x1000  }
0x5f: {  	[sflag:s7] =	ssyncset.done $0x0  }
0x60: {  	[sflag:s7] =	ssyncadd.s32 $0xFFFFF000  }
0x61: {  	_ =	swait.ge [sflag:s7], $0x1000  }
0x62: {  	[sflag:s7] =	ssyncset.done $0x0  }
0x63: {  	[sflag:s7] =	ssyncadd.s32 $0xFFFFF000  }
0x64: {  	_ =	swait.ge [sflag:s7], $0x1000  }
0x65: {  	[sflag:s7] =	ssyncset.done $0x0  }
0x66: {  	[sflag:s7] =	ssyncadd.s32 $0xFFFFF000  }
0x67: {  	_ =	swait.ge [sflag:s7], $0x1000  }
0x68: {  	[sflag:s7] =	ssyncset.done $0x0  }
0x69: {  	[sflag:s7] =	ssyncadd.s32 $0xFFFFF000  }
0x6a: {  	_ =	swait.ge [sflag:s7], $0x1000  }
0x6b: {  	[sflag:s7] =	ssyncset.done $0x0  }
0x6c: {  	[sflag:s7] =	ssyncadd.s32 $0xFFFFF000  }
0x6d: {  	_ =	swait.ge [sflag:s7], $0x1000  }
0x6e: {  	[sflag:s7] =	ssyncset.done $0x0  }
0x6f: {  	[sflag:s7] =	ssyncadd.s32 $0xFFFFF000  }
0x70: {  	_ =	swait.ge [sflag:s7], $0x1000  }
0x71: {  	[sflag:s7] =	ssyncset.done $0x0  }
0x72: {  	[sflag:s7] =	ssyncadd.s32 $0xFFFFF000  }
0x73: {  	_ =	swait.ge [sflag:s7], $0x1000  }
0x74: {  	[sflag:s7] =	ssyncset.done $0x0  }
0x75: {  	s1 =	rddreg [dreg:$0x3];
	[sflag:s7] =	ssyncadd.s32 $0xFFFFF000  }
0x76: {  	[hbm4b:s1+s2] =	stream.linear.scatter [tilespmem:s4], [sflag:$0x2], $0x10000, $0x38;
	[tilespmem:$0x11000] =	vst v63  }
0x77: {  	_ =	swait.ge [sflag:s3], $0x10000  }
0x78: {  	[sflag:s3] =	ssyncset.done $0x0  }
0x79: {  	s0 =	rddreg [dreg:$0x13];
	[sflag:s3] =	ssyncadd.s32 $0xFFFF0000  }
0x7a: {  	[tilespmem:s4], [sflag:$0x1] =	stream.indirect.gather [hbm4b:s5+s6], $0x20, s0, s6, $0xb8;
	[tilespmem:$0x11000] =	vst v63  }
0x7b: {  	s1 =	rddreg [dreg:$0x14]  }
0x7c: {  	[tilespmem:s8], [sflag:$0x1] =	stream.indirect.gather [hbm4b:s5+s6], $0x20, s1, s6, $0xb8;
	[tilespmem:$0x11000] =	vst v63  }
0x7d: {  	s0 =	rddreg [dreg:$0x15]  }
0x7e: {  	[tilespmem:s9], [sflag:$0x1] =	stream.indirect.gather [hbm4b:s5+s6], $0x20, s0, s6, $0xb8;
	[tilespmem:$0x11000] =	vst v63  }
0x7f: {  	s1 =	rddreg [dreg:$0x16]  }
0x80: {  	[tilespmem:s10], [sflag:$0x1] =	stream.indirect.gather [hbm4b:s5+s6], $0x20, s1, s6, $0xb8;
	[tilespmem:$0x11000] =	vst v63  }
0x81: {  	s0 =	rddreg [dreg:$0x17]  }
0x82: {  	[tilespmem:s11], [sflag:$0x1] =	stream.indirect.gather [hbm4b:s5+s6], $0x20, s0, s6, $0xb8;
	[tilespmem:$0x11000] =	vst v63  }
0x83: {  	s1 =	rddreg [dreg:$0x18]  }
0x84: {  	[tilespmem:s12], [sflag:$0x1] =	stream.indirect.gather [hbm4b:s5+s6], $0x20, s1, s6, $0xb8;
	[tilespmem:$0x11000] =	vst v63  }
0x85: {  	s0 =	rddreg [dreg:$0x19]  }
0x86: {  	[tilespmem:s13], [sflag:$0x1] =	stream.indirect.gather [hbm4b:s5+s6], $0x20, s0, s6, $0xb8;
	[tilespmem:$0x11000] =	vst v63  }
0x87: {  	s1 =	rddreg [dreg:$0x1a]  }
0x88: {  	[tilespmem:s14], [sflag:$0x1] =	stream.indirect.gather [hbm4b:s5+s6], $0x20, s1, s6, $0xb8;
	[tilespmem:$0x11000] =	vst v63  }
0x89: {  	s1 =	simm.s32 $0xC00  }
0x8a: {  	[tilespmem:s15], [sflag:$0x1] =	stream.indirect.gather [hbm4b:s5+s6], $0x20, s1, s6, $0xb8;
	[tilespmem:$0x11000] =	vst v63  }
0x8b: {  	_ = 	snop  }
0x8c: {  	[tilespmem:s16], [sflag:$0x1] =	stream.indirect.gather [hbm4b:s5+s6], $0x20, s25, s6, $0xb8;
	[tilespmem:$0x11000] =	vst v63  }
0x8d: {  	_ = 	snop  }
0x8e: {  	[tilespmem:s17], [sflag:$0x1] =	stream.indirect.gather [hbm4b:s5+s6], $0x20, s26, s6, $0xb8;
	[tilespmem:$0x11000] =	vst v63  }
0x8f: {  	_ = 	snop  }
0x90: {  	[tilespmem:s18], [sflag:$0x1] =	stream.indirect.gather [hbm4b:s5+s6], $0x20, s28, s6, $0xb8;
	[tilespmem:$0x11000] =	vst v63  }
0x91: {  	_ = 	snop  }
0x92: {  	[tilespmem:s19], [sflag:$0x1] =	stream.indirect.gather [hbm4b:s5+s6], $0x20, s29, s6, $0xb8;
	[tilespmem:$0x11000] =	vst v63  }
0x93: {  	_ = 	snop  }
0x94: {  	[tilespmem:s20], [sflag:$0x1] =	stream.indirect.gather [hbm4b:s5+s6], $0x20, s30, s6, $0xb8;
	[tilespmem:$0x11000] =	vst v63  }
0x95: {  	_ = 	snop  }
0x96: {  	[tilespmem:s21], [sflag:$0x1] =	stream.indirect.gather [hbm4b:s5+s6], $0x20, s31, s6, $0xb8;
	[tilespmem:$0x11000] =	vst v63  }
0x97: {  	_ = 	snop  }
0x98: {  	[tilespmem:s22], [sflag:$0x1] =	stream.indirect.gather [hbm4b:s5+s6], $0x20, s24, s6, $0xb8;
	[tilespmem:$0x11000] =	vst v63  }
0x99: {  	_ =	swait.ge [sflag:s7], $0x1000  }
0x9a: {  	[sflag:s7] =	ssyncset.done $0x0  }
0x9b: {  	[sflag:s7] =	ssyncadd.s32 $0xFFFFF000  }
0x9c: {  	_ =	swait.ge [sflag:s7], $0x1000  }
0x9d: {  	[sflag:s7] =	ssyncset.done $0x0  }
0x9e: {  	[sflag:s7] =	ssyncadd.s32 $0xFFFFF000  }
0x9f: {  	_ =	swait.ge [sflag:s7], $0x1000  }
0xa0: {  	[sflag:s7] =	ssyncset.done $0x0  }
0xa1: {  	[sflag:s7] =	ssyncadd.s32 $0xFFFFF000  }
0xa2: {  	_ =	swait.ge [sflag:s7], $0x1000  }
0xa3: {  	[sflag:s7] =	ssyncset.done $0x0  }
0xa4: {  	[sflag:s7] =	ssyncadd.s32 $0xFFFFF000  }
0xa5: {  	_ =	swait.ge [sflag:s7], $0x1000  }
0xa6: {  	[sflag:s7] =	ssyncset.done $0x0  }
0xa7: {  	[sflag:s7] =	ssyncadd.s32 $0xFFFFF000  }
0xa8: {  	_ =	swait.ge [sflag:s7], $0x1000  }
0xa9: {  	[sflag:s7] =	ssyncset.done $0x0  }
0xaa: {  	[sflag:s7] =	ssyncadd.s32 $0xFFFFF000  }
0xab: {  	_ =	swait.ge [sflag:s7], $0x1000  }
0xac: {  	[sflag:s7] =	ssyncset.done $0x0  }
0xad: {  	[sflag:s7] =	ssyncadd.s32 $0xFFFFF000  }
0xae: {  	_ =	swait.ge [sflag:s7], $0x1000  }
0xaf: {  	[sflag:s7] =	ssyncset.done $0x0  }
0xb0: {  	[sflag:s7] =	ssyncadd.s32 $0xFFFFF000  }
0xb1: {  	_ =	swait.ge [sflag:s7], $0x1000  }
0xb2: {  	[sflag:s7] =	ssyncset.done $0x0  }
0xb3: {  	[sflag:s7] =	ssyncadd.s32 $0xFFFFF000  }
0xb4: {  	_ =	swait.ge [sflag:s7], $0x1000  }
0xb5: {  	[sflag:s7] =	ssyncset.done $0x0  }
0xb6: {  	[sflag:s7] =	ssyncadd.s32 $0xFFFFF000  }
0xb7: {  	_ =	swait.ge [sflag:s7], $0x1000  }
0xb8: {  	[sflag:s7] =	ssyncset.done $0x0  }
0xb9: {  	[sflag:s7] =	ssyncadd.s32 $0xFFFFF000  }
0xba: {  	_ =	swait.ge [sflag:s7], $0x1000  }
0xbb: {  	[sflag:s7] =	ssyncset.done $0x0  }
0xbc: {  	[sflag:s7] =	ssyncadd.s32 $0xFFFFF000  }
0xbd: {  	_ =	swait.ge [sflag:s7], $0x1000  }
0xbe: {  	[sflag:s7] =	ssyncset.done $0x0  }
0xbf: {  	[sflag:s7] =	ssyncadd.s32 $0xFFFFF000  }
0xc0: {  	_ =	swait.ge [sflag:s7], $0x1000  }
0xc1: {  	[sflag:s7] =	ssyncset.done $0x0  }
0xc2: {  	[sflag:s7] =	ssyncadd.s32 $0xFFFFF000  }
0xc3: {  	_ =	swait.ge [sflag:s7], $0x1000  }
0xc4: {  	[sflag:s7] =	ssyncset.done $0x0  }
0xc5: {  	[sflag:s7] =	ssyncadd.s32 $0xFFFFF000  }
0xc6: {  	p1 =	sne.s32 s23, $0x1;
	_ =	swait.ge [sflag:s7], $0x1000  }
.Ltmp1:
0xc7: {  	[sflag:s7] =	ssyncset.done $0x0;
	(pc) =	sbr.rel @!p1 .LBB2_3-.Ltmp1, $4  }
0xc8: {  	s1 =	rddreg [dreg:$0x4];
	[sflag:s7] =	ssyncadd.s32 $0xFFFFF000  }
0xc9: {  	[hbm4b:s1+s2] =	stream.linear.scatter [tilespmem:s4], [sflag:$0x2], $0x10000, $0x38;
	[tilespmem:$0x11000] =	vst v63  }
0xca: {  	p0 =	por $0x1, $0x1;
	_ =	swait.ge [sflag:s3], $0x10000  }
0xcb: {  	s1 =	sadd.s32 $0xFFFFFFFF, s23;
	s0 =	rddreg [dreg:$0x2];
	[sflag:s3] =	ssyncset.done $0x0  }
.LBB2_4:
0xcc: {  	[sflag:s3] =	ssyncadd.s32 $0xFFFF0000  }
0xcd: {  	[tilespmem:s2], [sflag:$0x2] =	stream.linear.gather [hbm4b:s0+s2], $0x1000, $0x38;
	[tilespmem:$0x11000] =	vst v63  }
0xce: {  	_ =	swait.ge [sflag:s3], $0x1000  }
0xcf: {  	[sflag:s3] =	ssyncset.done $0x0  }
0xd0: {  	[sflag:s3] =	ssyncadd.s32 $0xFFFFF000  }
0xd1: {  	[tilespmem:s4], [sflag:$0x1] =	stream.indirect.gather [hbm4b:s5+s6], $0x20, s2, s6, $0xb8;
	[tilespmem:$0x11000] =	vst v63  }
0xd2: {  	_ = 	snop  }
0xd3: {  	[tilespmem:s8], [sflag:$0x1] =	stream.indirect.gather [hbm4b:s5+s6], $0x20, s6, s6, $0xb8;
	[tilespmem:$0x11000] =	vst v63  }
0xd4: {  	s0 =	rddreg [dreg:$0x5]  }
0xd5: {  	[tilespmem:s9], [sflag:$0x1] =	stream.indirect.gather [hbm4b:s5+s6], $0x20, s0, s6, $0xb8;
	[tilespmem:$0x11000] =	vst v63  }
0xd6: {  	s23 =	rddreg [dreg:$0x6]  }
0xd7: {  	[tilespmem:s10], [sflag:$0x1] =	stream.indirect.gather [hbm4b:s5+s6], $0x20, s23, s6, $0xb8;
	[tilespmem:$0x11000] =	vst v63  }
0xd8: {  	s0 =	rddreg [dreg:$0x7]  }
0xd9: {  	[tilespmem:s11], [sflag:$0x1] =	stream.indirect.gather [hbm4b:s5+s6], $0x20, s0, s6, $0xb8;
	[tilespmem:$0x11000] =	vst v63  }
0xda: {  	s23 =	rddreg [dreg:$0x8]  }
0xdb: {  	[tilespmem:s12], [sflag:$0x1] =	stream.indirect.gather [hbm4b:s5+s6], $0x20, s23, s6, $0xb8;
	[tilespmem:$0x11000] =	vst v63  }
0xdc: {  	s0 =	rddreg [dreg:$0x9]  }
0xdd: {  	[tilespmem:s13], [sflag:$0x1] =	stream.indirect.gather [hbm4b:s5+s6], $0x20, s0, s6, $0xb8;
	[tilespmem:$0x11000] =	vst v63  }
0xde: {  	s23 =	rddreg [dreg:$0xa]  }
0xdf: {  	[tilespmem:s14], [sflag:$0x1] =	stream.indirect.gather [hbm4b:s5+s6], $0x20, s23, s6, $0xb8;
	[tilespmem:$0x11000] =	vst v63  }
0xe0: {  	s0 =	rddreg [dreg:$0xb]  }
0xe1: {  	[tilespmem:s15], [sflag:$0x1] =	stream.indirect.gather [hbm4b:s5+s6], $0x20, s0, s6, $0xb8;
	[tilespmem:$0x11000] =	vst v63  }
0xe2: {  	s23 =	rddreg [dreg:$0xc]  }
0xe3: {  	[tilespmem:s16], [sflag:$0x1] =	stream.indirect.gather [hbm4b:s5+s6], $0x20, s23, s6, $0xb8;
	[tilespmem:$0x11000] =	vst v63  }
0xe4: {  	s0 =	rddreg [dreg:$0xd]  }
0xe5: {  	[tilespmem:s17], [sflag:$0x1] =	stream.indirect.gather [hbm4b:s5+s6], $0x20, s0, s6, $0xb8;
	[tilespmem:$0x11000] =	vst v63  }
0xe6: {  	s23 =	rddreg [dreg:$0xe]  }
0xe7: {  	[tilespmem:s18], [sflag:$0x1] =	stream.indirect.gather [hbm4b:s5+s6], $0x20, s23, s6, $0xb8;
	[tilespmem:$0x11000] =	vst v63  }
0xe8: {  	s0 =	rddreg [dreg:$0xf]  }
0xe9: {  	[tilespmem:s19], [sflag:$0x1] =	stream.indirect.gather [hbm4b:s5+s6], $0x20, s0, s6, $0xb8;
	[tilespmem:$0x11000] =	vst v63  }
0xea: {  	s23 =	rddreg [dreg:$0x10]  }
0xeb: {  	[tilespmem:s20], [sflag:$0x1] =	stream.indirect.gather [hbm4b:s5+s6], $0x20, s23, s6, $0xb8;
	[tilespmem:$0x11000] =	vst v63  }
0xec: {  	s0 =	rddreg [dreg:$0x11]  }
0xed: {  	[tilespmem:s21], [sflag:$0x1] =	stream.indirect.gather [hbm4b:s5+s6], $0x20, s0, s6, $0xb8;
	[tilespmem:$0x11000] =	vst v63  }
0xee: {  	s23 =	rddreg [dreg:$0x12]  }
0xef: {  	[tilespmem:s22], [sflag:$0x1] =	stream.indirect.gather [hbm4b:s5+s6], $0x20, s23, s6, $0xb8;
	[tilespmem:$0x11000] =	vst v63  }
0xf0: {  	_ =	swait.ge [sflag:s7], $0x1000  }
0xf1: {  	[sflag:s7] =	ssyncset.done $0x0  }
0xf2: {  	[sflag:s7] =	ssyncadd.s32 $0xFFFFF000  }
0xf3: {  	_ =	swait.ge [sflag:s7], $0x1000  }
0xf4: {  	[sflag:s7] =	ssyncset.done $0x0  }
0xf5: {  	[sflag:s7] =	ssyncadd.s32 $0xFFFFF000  }
0xf6: {  	_ =	swait.ge [sflag:s7], $0x1000  }
0xf7: {  	[sflag:s7] =	ssyncset.done $0x0  }
0xf8: {  	[sflag:s7] =	ssyncadd.s32 $0xFFFFF000  }
0xf9: {  	_ =	swait.ge [sflag:s7], $0x1000  }
0xfa: {  	[sflag:s7] =	ssyncset.done $0x0  }
0xfb: {  	[sflag:s7] =	ssyncadd.s32 $0xFFFFF000  }
0xfc: {  	_ =	swait.ge [sflag:s7], $0x1000  }
0xfd: {  	[sflag:s7] =	ssyncset.done $0x0  }
0xfe: {  	[sflag:s7] =	ssyncadd.s32 $0xFFFFF000  }
0xff: {  	_ =	swait.ge [sflag:s7], $0x1000  }
0x100: {  	[sflag:s7] =	ssyncset.done $0x0  }
0x101: {  	[sflag:s7] =	ssyncadd.s32 $0xFFFFF000  }
0x102: {  	_ =	swait.ge [sflag:s7], $0x1000  }
0x103: {  	[sflag:s7] =	ssyncset.done $0x0  }
0x104: {  	[sflag:s7] =	ssyncadd.s32 $0xFFFFF000  }
0x105: {  	_ =	swait.ge [sflag:s7], $0x1000  }
0x106: {  	[sflag:s7] =	ssyncset.done $0x0  }
0x107: {  	[sflag:s7] =	ssyncadd.s32 $0xFFFFF000  }
0x108: {  	_ =	swait.ge [sflag:s7], $0x1000  }
0x109: {  	[sflag:s7] =	ssyncset.done $0x0  }
0x10a: {  	[sflag:s7] =	ssyncadd.s32 $0xFFFFF000  }
0x10b: {  	_ =	swait.ge [sflag:s7], $0x1000  }
0x10c: {  	[sflag:s7] =	ssyncset.done $0x0  }
0x10d: {  	[sflag:s7] =	ssyncadd.s32 $0xFFFFF000  }
0x10e: {  	_ =	swait.ge [sflag:s7], $0x1000  }
0x10f: {  	[sflag:s7] =	ssyncset.done $0x0  }
0x110: {  	[sflag:s7] =	ssyncadd.s32 $0xFFFFF000  }
0x111: {  	_ =	swait.ge [sflag:s7], $0x1000  }
0x112: {  	[sflag:s7] =	ssyncset.done $0x0  }
0x113: {  	[sflag:s7] =	ssyncadd.s32 $0xFFFFF000  }
0x114: {  	_ =	swait.ge [sflag:s7], $0x1000  }
0x115: {  	[sflag:s7] =	ssyncset.done $0x0  }
0x116: {  	[sflag:s7] =	ssyncadd.s32 $0xFFFFF000  }
0x117: {  	_ =	swait.ge [sflag:s7], $0x1000  }
0x118: {  	[sflag:s7] =	ssyncset.done $0x0  }
0x119: {  	[sflag:s7] =	ssyncadd.s32 $0xFFFFF000  }
0x11a: {  	_ =	swait.ge [sflag:s7], $0x1000  }
0x11b: {  	[sflag:s7] =	ssyncset.done $0x0  }
0x11c: {  	[sflag:s7] =	ssyncadd.s32 $0xFFFFF000  }
0x11d: {  	_ =	swait.ge [sflag:s7], $0x1000  }
0x11e: {  	[sflag:s7] =	ssyncset.done $0x0  }
0x11f: {  	s23 =	rddreg [dreg:$0x3];
	[sflag:s7] =	ssyncadd.s32 $0xFFFFF000  }
0x120: {  	[hbm4b:s23+s2] =	stream.linear.scatter [tilespmem:s4], [sflag:$0x2], $0x10000, $0x38;
	[tilespmem:$0x11000] =	vst v63  }
0x121: {  	_ =	swait.ge [sflag:s3], $0x10000  }
0x122: {  	[sflag:s3] =	ssyncset.done $0x0  }
0x123: {  	s0 =	rddreg [dreg:$0x13];
	[sflag:s3] =	ssyncadd.s32 $0xFFFF0000  }
0x124: {  	[tilespmem:s4], [sflag:$0x1] =	stream.indirect.gather [hbm4b:s5+s6], $0x20, s0, s6, $0xb8;
	[tilespmem:$0x11000] =	vst v63  }
0x125: {  	s23 =	rddreg [dreg:$0x14]  }
0x126: {  	[tilespmem:s8], [sflag:$0x1] =	stream.indirect.gather [hbm4b:s5+s6], $0x20, s23, s6, $0xb8;
	[tilespmem:$0x11000] =	vst v63  }
0x127: {  	s0 =	rddreg [dreg:$0x15]  }
0x128: {  	[tilespmem:s9], [sflag:$0x1] =	stream.indirect.gather [hbm4b:s5+s6], $0x20, s0, s6, $0xb8;
	[tilespmem:$0x11000] =	vst v63  }
0x129: {  	s23 =	rddreg [dreg:$0x16]  }
0x12a: {  	[tilespmem:s10], [sflag:$0x1] =	stream.indirect.gather [hbm4b:s5+s6], $0x20, s23, s6, $0xb8;
	[tilespmem:$0x11000] =	vst v63  }
0x12b: {  	s0 =	rddreg [dreg:$0x17]  }
0x12c: {  	[tilespmem:s11], [sflag:$0x1] =	stream.indirect.gather [hbm4b:s5+s6], $0x20, s0, s6, $0xb8;
	[tilespmem:$0x11000] =	vst v63  }
0x12d: {  	s23 =	rddreg [dreg:$0x18]  }
0x12e: {  	[tilespmem:s12], [sflag:$0x1] =	stream.indirect.gather [hbm4b:s5+s6], $0x20, s23, s6, $0xb8;
	[tilespmem:$0x11000] =	vst v63  }
0x12f: {  	s0 =	rddreg [dreg:$0x19]  }
0x130: {  	[tilespmem:s13], [sflag:$0x1] =	stream.indirect.gather [hbm4b:s5+s6], $0x20, s0, s6, $0xb8;
	[tilespmem:$0x11000] =	vst v63  }
0x131: {  	s23 =	rddreg [dreg:$0x1a]  }
0x132: {  	[tilespmem:s14], [sflag:$0x1] =	stream.indirect.gather [hbm4b:s5+s6], $0x20, s23, s6, $0xb8;
	[tilespmem:$0x11000] =	vst v63  }
0x133: {  	s23 =	simm.s32 $0xC00  }
0x134: {  	[tilespmem:s15], [sflag:$0x1] =	stream.indirect.gather [hbm4b:s5+s6], $0x20, s23, s6, $0xb8;
	[tilespmem:$0x11000] =	vst v63  }
0x135: {  	_ = 	snop  }
0x136: {  	[tilespmem:s16], [sflag:$0x1] =	stream.indirect.gather [hbm4b:s5+s6], $0x20, s25, s6, $0xb8;
	[tilespmem:$0x11000] =	vst v63  }
0x137: {  	_ = 	snop  }
0x138: {  	[tilespmem:s17], [sflag:$0x1] =	stream.indirect.gather [hbm4b:s5+s6], $0x20, s26, s6, $0xb8;
	[tilespmem:$0x11000] =	vst v63  }
0x139: {  	_ = 	snop  }
0x13a: {  	[tilespmem:s18], [sflag:$0x1] =	stream.indirect.gather [hbm4b:s5+s6], $0x20, s28, s6, $0xb8;
	[tilespmem:$0x11000] =	vst v63  }
0x13b: {  	_ = 	snop  }
0x13c: {  	[tilespmem:s19], [sflag:$0x1] =	stream.indirect.gather [hbm4b:s5+s6], $0x20, s29, s6, $0xb8;
	[tilespmem:$0x11000] =	vst v63  }
0x13d: {  	_ = 	snop  }
0x13e: {  	[tilespmem:s20], [sflag:$0x1] =	stream.indirect.gather [hbm4b:s5+s6], $0x20, s30, s6, $0xb8;
	[tilespmem:$0x11000] =	vst v63  }
0x13f: {  	_ = 	snop  }
0x140: {  	[tilespmem:s21], [sflag:$0x1] =	stream.indirect.gather [hbm4b:s5+s6], $0x20, s31, s6, $0xb8;
	[tilespmem:$0x11000] =	vst v63  }
0x141: {  	_ = 	snop  }
0x142: {  	[tilespmem:s22], [sflag:$0x1] =	stream.indirect.gather [hbm4b:s5+s6], $0x20, s24, s6, $0xb8;
	[tilespmem:$0x11000] =	vst v63  }
0x143: {  	_ =	swait.ge [sflag:s7], $0x1000  }
0x144: {  	[sflag:s7] =	ssyncset.done $0x0  }
0x145: {  	[sflag:s7] =	ssyncadd.s32 $0xFFFFF000  }
0x146: {  	_ =	swait.ge [sflag:s7], $0x1000  }
0x147: {  	[sflag:s7] =	ssyncset.done $0x0  }
0x148: {  	[sflag:s7] =	ssyncadd.s32 $0xFFFFF000  }
0x149: {  	_ =	swait.ge [sflag:s7], $0x1000  }
0x14a: {  	[sflag:s7] =	ssyncset.done $0x0  }
0x14b: {  	[sflag:s7] =	ssyncadd.s32 $0xFFFFF000  }
0x14c: {  	_ =	swait.ge [sflag:s7], $0x1000  }
0x14d: {  	[sflag:s7] =	ssyncset.done $0x0  }
0x14e: {  	[sflag:s7] =	ssyncadd.s32 $0xFFFFF000  }
0x14f: {  	_ =	swait.ge [sflag:s7], $0x1000  }
0x150: {  	[sflag:s7] =	ssyncset.done $0x0  }
0x151: {  	[sflag:s7] =	ssyncadd.s32 $0xFFFFF000  }
0x152: {  	_ =	swait.ge [sflag:s7], $0x1000  }
0x153: {  	[sflag:s7] =	ssyncset.done $0x0  }
0x154: {  	[sflag:s7] =	ssyncadd.s32 $0xFFFFF000  }
0x155: {  	_ =	swait.ge [sflag:s7], $0x1000  }
0x156: {  	[sflag:s7] =	ssyncset.done $0x0  }
0x157: {  	[sflag:s7] =	ssyncadd.s32 $0xFFFFF000  }
0x158: {  	_ =	swait.ge [sflag:s7], $0x1000  }
0x159: {  	[sflag:s7] =	ssyncset.done $0x0  }
0x15a: {  	[sflag:s7] =	ssyncadd.s32 $0xFFFFF000  }
0x15b: {  	_ =	swait.ge [sflag:s7], $0x1000  }
0x15c: {  	[sflag:s7] =	ssyncset.done $0x0  }
0x15d: {  	[sflag:s7] =	ssyncadd.s32 $0xFFFFF000  }
0x15e: {  	_ =	swait.ge [sflag:s7], $0x1000  }
0x15f: {  	[sflag:s7] =	ssyncset.done $0x0  }
0x160: {  	[sflag:s7] =	ssyncadd.s32 $0xFFFFF000  }
0x161: {  	_ =	swait.ge [sflag:s7], $0x1000  }
0x162: {  	[sflag:s7] =	ssyncset.done $0x0  }
0x163: {  	[sflag:s7] =	ssyncadd.s32 $0xFFFFF000  }
0x164: {  	_ =	swait.ge [sflag:s7], $0x1000  }
0x165: {  	[sflag:s7] =	ssyncset.done $0x0  }
0x166: {  	[sflag:s7] =	ssyncadd.s32 $0xFFFFF000  }
0x167: {  	_ =	swait.ge [sflag:s7], $0x1000  }
0x168: {  	[sflag:s7] =	ssyncset.done $0x0  }
0x169: {  	[sflag:s7] =	ssyncadd.s32 $0xFFFFF000  }
0x16a: {  	_ =	swait.ge [sflag:s7], $0x1000  }
0x16b: {  	[sflag:s7] =	ssyncset.done $0x0  }
0x16c: {  	[sflag:s7] =	ssyncadd.s32 $0xFFFFF000  }
0x16d: {  	_ =	swait.ge [sflag:s7], $0x1000  }
0x16e: {  	[sflag:s7] =	ssyncset.done $0x0  }
0x16f: {  	[sflag:s7] =	ssyncadd.s32 $0xFFFFF000  }
0x170: {  	p1 =	sne.s32 s1, $0x1;
	_ =	swait.ge [sflag:s7], $0x1000  }
.Ltmp2:
0x171: {  	[sflag:s7] =	ssyncset.done $0x0;
	(pc) =	sbr.rel @p1 .LBB2_4-.Ltmp2, $4  }
0x172: {  	s23 =	rddreg [dreg:$0x4];
	[sflag:s7] =	ssyncadd.s32 $0xFFFFF000  }
0x173: {  	[hbm4b:s23+s2] =	stream.linear.scatter [tilespmem:s4], [sflag:$0x2], $0x10000, $0x38;
	[tilespmem:$0x11000] =	vst v63  }
0x174: {  	_ =	swait.ge [sflag:s3], $0x10000  }
0x175: {  	s1 =	sadd.s32 $0xFFFFFFFF, s1;
	s0 =	rddreg [dreg:$0x2];
	[sflag:s3] =	ssyncset.done $0x0  }
0x176: {  	s23 =	simm.s32 $0xF80;
	s31 =	simm.s32 $0xF00  }
0x177: {  	s30 =	simm.s32 $0xE80;
	s29 =	simm.s32 $0xE00;
	s28 =	simm.s32 $0xD80  }
0x178: {  	s26 =	simm.s32 $0xD00;
	s25 =	simm.s32 $0xC80;
	s24 =	simm.s32 $0xC00  }
.LBB2_6:
0x179: {  	[sflag:s3] =	ssyncadd.s32 @p0 $0xFFFF0000  }
0x17a: {  	[tilespmem:s2], [sflag:$0x2] =	stream.linear.gather [hbm4b:s0+s2], $0x1000, $0x38;
	[tilespmem:$0x11000] =	vst v63  }
0x17b: {  	_ =	swait.ge [sflag:s3], $0x1000  }
0x17c: {  	[sflag:s3] =	ssyncset.done $0x0  }
0x17d: {  	[sflag:s3] =	ssyncadd.s32 $0xFFFFF000  }
0x17e: {  	[tilespmem:s4], [sflag:$0x1] =	stream.indirect.gather [hbm4b:s5+s6], $0x20, s2, s6, $0xb8;
	[tilespmem:$0x11000] =	vst v63  }
0x17f: {  	_ = 	snop  }
0x180: {  	[tilespmem:s8], [sflag:$0x1] =	stream.indirect.gather [hbm4b:s5+s6], $0x20, s6, s6, $0xb8;
	[tilespmem:$0x11000] =	vst v63  }
0x181: {  	s0 =	rddreg [dreg:$0x5]  }
0x182: {  	[tilespmem:s9], [sflag:$0x1] =	stream.indirect.gather [hbm4b:s5+s6], $0x20, s0, s6, $0xb8;
	[tilespmem:$0x11000] =	vst v63  }
0x183: {  	s1 =	rddreg [dreg:$0x6]  }
0x184: {  	[tilespmem:s10], [sflag:$0x1] =	stream.indirect.gather [hbm4b:s5+s6], $0x20, s1, s6, $0xb8;
	[tilespmem:$0x11000] =	vst v63  }
0x185: {  	s0 =	rddreg [dreg:$0x7]  }
0x186: {  	[tilespmem:s11], [sflag:$0x1] =	stream.indirect.gather [hbm4b:s5+s6], $0x20, s0, s6, $0xb8;
	[tilespmem:$0x11000] =	vst v63  }
0x187: {  	s1 =	rddreg [dreg:$0x8]  }
0x188: {  	[tilespmem:s12], [sflag:$0x1] =	stream.indirect.gather [hbm4b:s5+s6], $0x20, s1, s6, $0xb8;
	[tilespmem:$0x11000] =	vst v63  }
0x189: {  	s0 =	rddreg [dreg:$0x9]  }
0x18a: {  	[tilespmem:s13], [sflag:$0x1] =	stream.indirect.gather [hbm4b:s5+s6], $0x20, s0, s6, $0xb8;
	[tilespmem:$0x11000] =	vst v63  }
0x18b: {  	s1 =	rddreg [dreg:$0xa]  }
0x18c: {  	[tilespmem:s14], [sflag:$0x1] =	stream.indirect.gather [hbm4b:s5+s6], $0x20, s1, s6, $0xb8;
	[tilespmem:$0x11000] =	vst v63  }
0x18d: {  	s0 =	rddreg [dreg:$0xb]  }
0x18e: {  	[tilespmem:s15], [sflag:$0x1] =	stream.indirect.gather [hbm4b:s5+s6], $0x20, s0, s6, $0xb8;
	[tilespmem:$0x11000] =	vst v63  }
0x18f: {  	s1 =	rddreg [dreg:$0xc]  }
0x190: {  	[tilespmem:s16], [sflag:$0x1] =	stream.indirect.gather [hbm4b:s5+s6], $0x20, s1, s6, $0xb8;
	[tilespmem:$0x11000] =	vst v63  }
0x191: {  	s0 =	rddreg [dreg:$0xd]  }
0x192: {  	[tilespmem:s17], [sflag:$0x1] =	stream.indirect.gather [hbm4b:s5+s6], $0x20, s0, s6, $0xb8;
	[tilespmem:$0x11000] =	vst v63  }
0x193: {  	s1 =	rddreg [dreg:$0xe]  }
0x194: {  	[tilespmem:s18], [sflag:$0x1] =	stream.indirect.gather [hbm4b:s5+s6], $0x20, s1, s6, $0xb8;
	[tilespmem:$0x11000] =	vst v63  }
0x195: {  	s0 =	rddreg [dreg:$0xf]  }
0x196: {  	[tilespmem:s19], [sflag:$0x1] =	stream.indirect.gather [hbm4b:s5+s6], $0x20, s0, s6, $0xb8;
	[tilespmem:$0x11000] =	vst v63  }
0x197: {  	s1 =	rddreg [dreg:$0x10]  }
0x198: {  	[tilespmem:s20], [sflag:$0x1] =	stream.indirect.gather [hbm4b:s5+s6], $0x20, s1, s6, $0xb8;
	[tilespmem:$0x11000] =	vst v63  }
0x199: {  	s0 =	rddreg [dreg:$0x11]  }
0x19a: {  	[tilespmem:s21], [sflag:$0x1] =	stream.indirect.gather [hbm4b:s5+s6], $0x20, s0, s6, $0xb8;
	[tilespmem:$0x11000] =	vst v63  }
0x19b: {  	s1 =	rddreg [dreg:$0x12]  }
0x19c: {  	[tilespmem:s22], [sflag:$0x1] =	stream.indirect.gather [hbm4b:s5+s6], $0x20, s1, s6, $0xb8;
	[tilespmem:$0x11000] =	vst v63  }
0x19d: {  	_ =	swait.ge [sflag:s7], $0x1000  }
0x19e: {  	[sflag:s7] =	ssyncset.done $0x0  }
0x19f: {  	[sflag:s7] =	ssyncadd.s32 $0xFFFFF000  }
0x1a0: {  	_ =	swait.ge [sflag:s7], $0x1000  }
0x1a1: {  	[sflag:s7] =	ssyncset.done $0x0  }
0x1a2: {  	[sflag:s7] =	ssyncadd.s32 $0xFFFFF000  }
0x1a3: {  	_ =	swait.ge [sflag:s7], $0x1000  }
0x1a4: {  	[sflag:s7] =	ssyncset.done $0x0  }
0x1a5: {  	[sflag:s7] =	ssyncadd.s32 $0xFFFFF000  }
0x1a6: {  	_ =	swait.ge [sflag:s7], $0x1000  }
0x1a7: {  	[sflag:s7] =	ssyncset.done $0x0  }
0x1a8: {  	[sflag:s7] =	ssyncadd.s32 $0xFFFFF000  }
0x1a9: {  	_ =	swait.ge [sflag:s7], $0x1000  }
0x1aa: {  	[sflag:s7] =	ssyncset.done $0x0  }
0x1ab: {  	[sflag:s7] =	ssyncadd.s32 $0xFFFFF000  }
0x1ac: {  	_ =	swait.ge [sflag:s7], $0x1000  }
0x1ad: {  	[sflag:s7] =	ssyncset.done $0x0  }
0x1ae: {  	[sflag:s7] =	ssyncadd.s32 $0xFFFFF000  }
0x1af: {  	_ =	swait.ge [sflag:s7], $0x1000  }
0x1b0: {  	[sflag:s7] =	ssyncset.done $0x0  }
0x1b1: {  	[sflag:s7] =	ssyncadd.s32 $0xFFFFF000  }
0x1b2: {  	_ =	swait.ge [sflag:s7], $0x1000  }
0x1b3: {  	[sflag:s7] =	ssyncset.done $0x0  }
0x1b4: {  	[sflag:s7] =	ssyncadd.s32 $0xFFFFF000  }
0x1b5: {  	_ =	swait.ge [sflag:s7], $0x1000  }
0x1b6: {  	[sflag:s7] =	ssyncset.done $0x0  }
0x1b7: {  	[sflag:s7] =	ssyncadd.s32 $0xFFFFF000  }
0x1b8: {  	_ =	swait.ge [sflag:s7], $0x1000  }
0x1b9: {  	[sflag:s7] =	ssyncset.done $0x0  }
0x1ba: {  	[sflag:s7] =	ssyncadd.s32 $0xFFFFF000  }
0x1bb: {  	_ =	swait.ge [sflag:s7], $0x1000  }
0x1bc: {  	[sflag:s7] =	ssyncset.done $0x0  }
0x1bd: {  	[sflag:s7] =	ssyncadd.s32 $0xFFFFF000  }
0x1be: {  	_ =	swait.ge [sflag:s7], $0x1000  }
0x1bf: {  	[sflag:s7] =	ssyncset.done $0x0  }
0x1c0: {  	[sflag:s7] =	ssyncadd.s32 $0xFFFFF000  }
0x1c1: {  	_ =	swait.ge [sflag:s7], $0x1000  }
0x1c2: {  	[sflag:s7] =	ssyncset.done $0x0  }
0x1c3: {  	[sflag:s7] =	ssyncadd.s32 $0xFFFFF000  }
0x1c4: {  	_ =	swait.ge [sflag:s7], $0x1000  }
0x1c5: {  	[sflag:s7] =	ssyncset.done $0x0  }
0x1c6: {  	[sflag:s7] =	ssyncadd.s32 $0xFFFFF000  }
0x1c7: {  	_ =	swait.ge [sflag:s7], $0x1000  }
0x1c8: {  	[sflag:s7] =	ssyncset.done $0x0  }
0x1c9: {  	[sflag:s7] =	ssyncadd.s32 $0xFFFFF000  }
0x1ca: {  	_ =	swait.ge [sflag:s7], $0x1000  }
0x1cb: {  	[sflag:s7] =	ssyncset.done $0x0  }
0x1cc: {  	s1 =	rddreg [dreg:$0x3];
	[sflag:s7] =	ssyncadd.s32 $0xFFFFF000  }
0x1cd: {  	[hbm4b:s1+s2] =	stream.linear.scatter [tilespmem:s4], [sflag:$0x2], $0x10000, $0x38;
	[tilespmem:$0x11000] =	vst v63  }
0x1ce: {  	_ =	swait.ge [sflag:s3], $0x10000  }
0x1cf: {  	[sflag:s3] =	ssyncset.done $0x0  }
0x1d0: {  	s0 =	rddreg [dreg:$0x13];
	[sflag:s3] =	ssyncadd.s32 $0xFFFF0000  }
0x1d1: {  	[tilespmem:s4], [sflag:$0x1] =	stream.indirect.gather [hbm4b:s5+s6], $0x20, s0, s6, $0xb8;
	[tilespmem:$0x11000] =	vst v63  }
0x1d2: {  	s1 =	rddreg [dreg:$0x14]  }
0x1d3: {  	[tilespmem:s8], [sflag:$0x1] =	stream.indirect.gather [hbm4b:s5+s6], $0x20, s1, s6, $0xb8;
	[tilespmem:$0x11000] =	vst v63  }
0x1d4: {  	s0 =	rddreg [dreg:$0x15]  }
0x1d5: {  	[tilespmem:s9], [sflag:$0x1] =	stream.indirect.gather [hbm4b:s5+s6], $0x20, s0, s6, $0xb8;
	[tilespmem:$0x11000] =	vst v63  }
0x1d6: {  	s8 =	rddreg [dreg:$0x16]  }
0x1d7: {  	[tilespmem:s10], [sflag:$0x1] =	stream.indirect.gather [hbm4b:s5+s6], $0x20, s8, s6, $0xb8;
	[tilespmem:$0x11000] =	vst v63  }
0x1d8: {  	s9 =	rddreg [dreg:$0x17]  }
0x1d9: {  	[tilespmem:s11], [sflag:$0x1] =	stream.indirect.gather [hbm4b:s5+s6], $0x20, s9, s6, $0xb8;
	[tilespmem:$0x11000] =	vst v63  }
0x1da: {  	s10 =	rddreg [dreg:$0x18]  }
0x1db: {  	[tilespmem:s12], [sflag:$0x1] =	stream.indirect.gather [hbm4b:s5+s6], $0x20, s10, s6, $0xb8;
	[tilespmem:$0x11000] =	vst v63  }
0x1dc: {  	s11 =	rddreg [dreg:$0x19]  }
0x1dd: {  	[tilespmem:s13], [sflag:$0x1] =	stream.indirect.gather [hbm4b:s5+s6], $0x20, s11, s6, $0xb8;
	[tilespmem:$0x11000] =	vst v63  }
0x1de: {  	s12 =	rddreg [dreg:$0x1a]  }
0x1df: {  	[tilespmem:s14], [sflag:$0x1] =	stream.indirect.gather [hbm4b:s5+s6], $0x20, s12, s6, $0xb8;
	[tilespmem:$0x11000] =	vst v63  }
0x1e0: {  	_ = 	snop  }
0x1e1: {  	[tilespmem:s15], [sflag:$0x1] =	stream.indirect.gather [hbm4b:s5+s6], $0x20, s24, s6, $0xb8;
	[tilespmem:$0x11000] =	vst v63  }
0x1e2: {  	_ = 	snop  }
0x1e3: {  	[tilespmem:s16], [sflag:$0x1] =	stream.indirect.gather [hbm4b:s5+s6], $0x20, s25, s6, $0xb8;
	[tilespmem:$0x11000] =	vst v63  }
0x1e4: {  	_ = 	snop  }
0x1e5: {  	[tilespmem:s17], [sflag:$0x1] =	stream.indirect.gather [hbm4b:s5+s6], $0x20, s26, s6, $0xb8;
	[tilespmem:$0x11000] =	vst v63  }
0x1e6: {  	_ = 	snop  }
0x1e7: {  	[tilespmem:s18], [sflag:$0x1] =	stream.indirect.gather [hbm4b:s5+s6], $0x20, s28, s6, $0xb8;
	[tilespmem:$0x11000] =	vst v63  }
0x1e8: {  	_ = 	snop  }
0x1e9: {  	[tilespmem:s19], [sflag:$0x1] =	stream.indirect.gather [hbm4b:s5+s6], $0x20, s29, s6, $0xb8;
	[tilespmem:$0x11000] =	vst v63  }
0x1ea: {  	_ = 	snop  }
0x1eb: {  	[tilespmem:s20], [sflag:$0x1] =	stream.indirect.gather [hbm4b:s5+s6], $0x20, s30, s6, $0xb8;
	[tilespmem:$0x11000] =	vst v63  }
0x1ec: {  	_ = 	snop  }
0x1ed: {  	[tilespmem:s21], [sflag:$0x1] =	stream.indirect.gather [hbm4b:s5+s6], $0x20, s31, s6, $0xb8;
	[tilespmem:$0x11000] =	vst v63  }
0x1ee: {  	_ = 	snop  }
0x1ef: {  	[tilespmem:s22], [sflag:$0x1] =	stream.indirect.gather [hbm4b:s5+s6], $0x20, s23, s6, $0xb8;
	[tilespmem:$0x11000] =	vst v63  }
0x1f0: {  	_ =	swait.ge [sflag:s7], $0x1000  }
0x1f1: {  	[sflag:s7] =	ssyncset.done $0x0  }
0x1f2: {  	[sflag:s7] =	ssyncadd.s32 $0xFFFFF000  }
0x1f3: {  	_ =	swait.ge [sflag:s7], $0x1000  }
0x1f4: {  	[sflag:s7] =	ssyncset.done $0x0  }
0x1f5: {  	[sflag:s7] =	ssyncadd.s32 $0xFFFFF000  }
0x1f6: {  	_ =	swait.ge [sflag:s7], $0x1000  }
0x1f7: {  	[sflag:s7] =	ssyncset.done $0x0  }
0x1f8: {  	[sflag:s7] =	ssyncadd.s32 $0xFFFFF000  }
0x1f9: {  	_ =	swait.ge [sflag:s7], $0x1000  }
0x1fa: {  	[sflag:s7] =	ssyncset.done $0x0  }
0x1fb: {  	[sflag:s7] =	ssyncadd.s32 $0xFFFFF000  }
0x1fc: {  	_ =	swait.ge [sflag:s7], $0x1000  }
0x1fd: {  	[sflag:s7] =	ssyncset.done $0x0  }
0x1fe: {  	[sflag:s7] =	ssyncadd.s32 $0xFFFFF000  }
0x1ff: {  	_ =	swait.ge [sflag:s7], $0x1000  }
0x200: {  	[sflag:s7] =	ssyncset.done $0x0  }
0x201: {  	[sflag:s7] =	ssyncadd.s32 $0xFFFFF000  }
0x202: {  	_ =	swait.ge [sflag:s7], $0x1000  }
0x203: {  	[sflag:s7] =	ssyncset.done $0x0  }
0x204: {  	[sflag:s7] =	ssyncadd.s32 $0xFFFFF000  }
0x205: {  	_ =	swait.ge [sflag:s7], $0x1000  }
0x206: {  	[sflag:s7] =	ssyncset.done $0x0  }
0x207: {  	[sflag:s7] =	ssyncadd.s32 $0xFFFFF000  }
0x208: {  	_ =	swait.ge [sflag:s7], $0x1000  }
0x209: {  	[sflag:s7] =	ssyncset.done $0x0  }
0x20a: {  	[sflag:s7] =	ssyncadd.s32 $0xFFFFF000  }
0x20b: {  	_ =	swait.ge [sflag:s7], $0x1000  }
0x20c: {  	[sflag:s7] =	ssyncset.done $0x0  }
0x20d: {  	[sflag:s7] =	ssyncadd.s32 $0xFFFFF000  }
0x20e: {  	_ =	swait.ge [sflag:s7], $0x1000  }
0x20f: {  	[sflag:s7] =	ssyncset.done $0x0  }
0x210: {  	[sflag:s7] =	ssyncadd.s32 $0xFFFFF000  }
0x211: {  	_ =	swait.ge [sflag:s7], $0x1000  }
0x212: {  	[sflag:s7] =	ssyncset.done $0x0  }
0x213: {  	[sflag:s7] =	ssyncadd.s32 $0xFFFFF000  }
0x214: {  	_ =	swait.ge [sflag:s7], $0x1000  }
0x215: {  	[sflag:s7] =	ssyncset.done $0x0  }
0x216: {  	[sflag:s7] =	ssyncadd.s32 $0xFFFFF000  }
0x217: {  	_ =	swait.ge [sflag:s7], $0x1000  }
0x218: {  	[sflag:s7] =	ssyncset.done $0x0  }
0x219: {  	[sflag:s7] =	ssyncadd.s32 $0xFFFFF000  }
0x21a: {  	_ =	swait.ge [sflag:s7], $0x1000  }
0x21b: {  	[sflag:s7] =	ssyncset.done $0x0  }
0x21c: {  	[sflag:s7] =	ssyncadd.s32 $0xFFFFF000  }
0x21d: {  	_ =	swait.ge [sflag:s7], $0x1000  }
0x21e: {  	[sflag:s7] =	ssyncset.done $0x0  }
0x21f: {  	s30 =	rddreg [dreg:$0x4];
	[sflag:s7] =	ssyncadd.s32 $0xFFFFF000  }
0x220: {  	[hbm4b:s30+s2] =	stream.linear.scatter [tilespmem:s4], [sflag:$0x2], $0x10000, $0x38;
	[tilespmem:$0x11000] =	vst v63  }
0x221: {  	_ =	swait.ge [sflag:s3], $0x10000  }
0x222: {  	[sflag:s3] =	ssyncset.done $0x0  }
0x223: {  	[sflag:s3] =	ssyncadd.s32 $0xFFFF0000  }
0x224: {  	_ =	sfence.sel $0x180000  }
0x225: {  	[bflag:$0x0] =	sbarrier.arrive $0xFFFF  }
0x226: {  	_ =	strace $0x9000004A  }
0x227: {  	s31 =	stileid.u32;
	[bflag:$0x2] =	sbarrier.arrive $0xFFFF  }
0x228: {  	p0 =	sne.s32 s31, $0x0;
	s0 =	rddreg [dreg:$0x1]  }
0x229: {  	s0 =	sadd.s32 @!p0 $0x100000, s0  }
0x22a: {  	[sflag:s0] =	ssyncadd.tile.s32 @!p0 $0x1;
	_ =	shalt  }
.LBB2_1:
.Ltmp3:
0x22b: {  	(pc) =	sbr.rel .LBB2_6-.Ltmp3, $4  }
0x22c: {  	_ = 	snop  }
0x22d: {  	s23 =	simm.s32 $0xF80;
	s31 =	simm.s32 $0xF00  }
0x22e: {  	s30 =	simm.s32 $0xE80;
	s29 =	simm.s32 $0xE00;
	s28 =	simm.s32 $0xD80  }
0x22f: {  	s26 =	simm.s32 $0xD00;
	s25 =	simm.s32 $0xC80;
	s24 =	simm.s32 $0xC00  }
.LBB2_3:
.Ltmp4:
0x230: {  	(pc) =	sbr.rel .LBB2_6-.Ltmp4, $4  }
0x231: {  	_ = 	snop  }
0x232: {  	s23 =	simm.s32 $0xF80;
	s31 =	simm.s32 $0xF00  }
0x233: {  	s30 =	simm.s32 $0xE80;
	s29 =	simm.s32 $0xE00;
	s28 =	simm.s32 $0xD80  }
0x234: {  	s26 =	simm.s32 $0xD00;
	s25 =	simm.s32 $0xC80;
	s24 =	simm.s32 $0xC00  }
.Lfunc_end2:
_tile_overlayer_lowered:
.L_overlay_start_2:
0x235: {  	(tag) =	ssettag $0x2  }
0x236: {  	s0 =	rddreg [dreg:$0x0];
	s2 =	stileid.u32  }
0x237: {  	s1 =	rddreg [dreg:$0x1];
	p0 =	sne.s32 s2, $0x0  }
0x238: {  	s3 =	rddreg [dreg:$0x2];
	[bflag:$0x3] =	sbarrier.arrive $0xFFFF;
	s2 =	simm.s32 @!p0 $0x1C02  }
0x239: {  	[timem:s3], [sflag:s2] =	dma.local @!p0 [hbm:s0], s1  }
0x23a: {  	s0 =	simm.s32 @!p0 $0x2  }
0x23b: {  	_ =	swait.ge @!p0 [sflag:s0], s1  }
0x23c: {  	s1 =	ssub.s32 @!p0 $0x0, s1;
	[sflag:s0] =	ssyncset.done @!p0 $0x0  }
0x23d: {  	[sflag:s0] =	ssyncadd.s32 @!p0 s1  }
0x23e: {  	[bflag:$0x3] =	sbarrier.arrive $0xFFFF  }
0x23f: {  	_ =	shalt  }

</sc_bundles>
